<compile_context>
chip_gen: v7x
topology: tpu7x:2x2x1
jax: 0.10.2.dev20260603
libtpu: 0.0.44.dev20260713+nightly
codegen_flags: <defaults>
</compile_context>

<pallas_src>
import functools

import jax
import jax.numpy as jnp
from jax import lax
from jax.experimental import pallas as pl
from jax.experimental.pallas import tpu as pltpu
from jax.experimental.pallas import tpu_sc as plsc

N, C, H, W = 64, 384, 28, 28
R = H * W * N
LANES = 16
C_CHUNKS = C // LANES
NW = 32
ROWS_PER_WORKER = R // NW
BIG = 112
NBIG = ROWS_PER_WORKER // BIG
SMALL = 56
PAIRS = ROWS_PER_WORKER // (2 * SMALL)


def _body(x_hbm, mask_hbm, out_hbm, mask_v, sel_v, bufs_v,
          gsem0, gsem1, gsem2, ssem0, ssem1, ssem2):
    info = plsc.get_sparse_core_info()
    wid = lax.axis_index("s") * info.num_cores + lax.axis_index("c")
    base = wid * ROWS_PER_WORKER

    gsems = (gsem0, gsem1, gsem2)
    ssems = (ssem0, ssem1, ssem2)
    inb = (bufs_v.at[0, pl.ds(0, SMALL)], bufs_v.at[0, pl.ds(SMALL, SMALL)])
    outb = (bufs_v.at[1, pl.ds(0, SMALL)], bufs_v.at[1, pl.ds(SMALL, SMALL)])

    def small_src(c):
        return x_hbm.at[pl.ds(base + c * SMALL, SMALL)]

    def small_dst(c):
        return out_hbm.at[pl.ds(base + c * SMALL, SMALL)]

    def big_src(c):
        return x_hbm.at[pl.ds(base + c * BIG, BIG)]

    def big_dst(c):
        return out_hbm.at[pl.ds(base + c * BIG, BIG)]

    pltpu.async_copy(small_src(0), inb[0], gsem0)
    pltpu.async_copy(small_src(1), inb[1], gsem0)

    pltpu.sync_copy(mask_hbm, mask_v)

    zero16 = jnp.zeros((LANES,), jnp.int32)
    zero16f = jnp.zeros((LANES,), jnp.float32)
    one16 = jnp.ones((LANES,), jnp.int32)
    iota16 = lax.iota(jnp.int32, LANES)
    for t in range(C_CHUNKS):
        sel_v[pl.ds(t * LANES, LANES)] = zero16
    offset = jnp.int32(0)
    for t in range(C_CHUNKS):
        xv = mask_v[pl.ds(t * LANES, LANES)]
        m = xv != zero16f
        mi = m.astype(jnp.int32)
        pos = plsc.cumsum(mi)
        ids = iota16 + jnp.full((LANES,), t * LANES, jnp.int32)
        offv = lax.broadcast_in_dim(offset, (LANES,), ())
        plsc.store_scatter(sel_v, [pos + offv - one16], ids, mask=m)
        offset = offset + jnp.sum(mi)

    ident = jnp.bool_(True)
    for t in range(C_CHUNKS):
        sv = sel_v[pl.ds(t * LANES, LANES)]
        ids = iota16 + jnp.full((LANES,), t * LANES, jnp.int32)
        ident = jnp.logical_and(ident, jnp.all(sv == ids))

    @pl.when(ident)
    def _copy_mode():
        pltpu.async_copy(big_src(1), bufs_v.at[1], gsems[1])
        pltpu.async_copy(big_src(2), bufs_v.at[2], gsems[2])
        for c in range(NBIG):
            k = c % 3
            pltpu.make_async_copy(big_src(0), bufs_v.at[k], gsems[k]).wait()
            pltpu.async_copy(bufs_v.at[k], big_dst(c), ssems[k])
            if c >= 2 and c + 1 < NBIG:
                kn = (c + 1) % 3
                pltpu.make_async_copy(
                    bufs_v.at[kn], big_dst(0), ssems[kn]).wait()
                pltpu.async_copy(big_src(c + 1), bufs_v.at[kn], gsems[kn])
        for c in range(NBIG - 2, NBIG):
            pltpu.make_async_copy(
                bufs_v.at[c % 3], big_dst(0), ssems[c % 3]).wait()

    @pl.when(jnp.logical_not(ident))
    def _gather_mode():
        sel_regs = tuple(
            sel_v[pl.ds(t * LANES, LANES)] for t in range(C_CHUNKS))

        def compute(slot, sels):
            src = inb[slot]
            dst = outb[slot]

            def row(r, sels):
                rv = lax.broadcast_in_dim(r, (LANES,), ())
                for t in range(C_CHUNKS):
                    v = plsc.load_gather(src, [rv, sels[t]])
                    dst[r, pl.ds(t * LANES, LANES)] = v
                return sels

            return lax.fori_loop(0, SMALL, row, sels)

        def pair(j, sels):
            for slot in range(2):
                c = 2 * j + slot
                if slot == 0:
                    @pl.when(j == 0)
                    def _():
                        pltpu.make_async_copy(
                            big_src(0), bufs_v.at[0], gsem0).wait()

                    @pl.when(j > 0)
                    def _():
                        pltpu.make_async_copy(
                            small_src(0), inb[0], gsem0).wait()
                else:
                    @pl.when(j > 0)
                    def _():
                        pltpu.make_async_copy(
                            small_src(0), inb[1], gsems[1]).wait()

                @pl.when(j > 0)
                def _():
                    pltpu.make_async_copy(
                        outb[slot], small_dst(0), ssems[slot]).wait()
                sels = compute(slot, sels)
                pltpu.async_copy(outb[slot], small_dst(c), ssems[slot])

                @pl.when(j < PAIRS - 1)
                def _():
                    pltpu.async_copy(small_src(c + 2), inb[slot],
                                     gsems[slot])
            return sels

        lax.fori_loop(0, PAIRS, pair, sel_regs)
        for slot in range(2):
            pltpu.make_async_copy(
                outb[slot], small_dst(0), ssems[slot]).wait()


def kernel(input_tensor, indexes):
    x = input_tensor.transpose(2, 3, 0, 1).reshape(R, C)
    mesh = plsc.VectorSubcoreMesh(core_axis_name="c", subcore_axis_name="s")
    run = functools.partial(
        pl.kernel,
        mesh=mesh,
        compiler_params=pltpu.CompilerParams(
            use_tc_tiling_on_sc=True, needs_layout_passes=False,
            disable_bounds_checks=True, disable_semaphore_checks=True),
        out_type=jax.ShapeDtypeStruct((R, C), jnp.float32),
        scratch_types=[
            pltpu.VMEM((C,), jnp.float32),
            pltpu.VMEM((C,), jnp.int32),
            pltpu.VMEM((3, BIG, C), jnp.float32),
            pltpu.SemaphoreType.DMA,
            pltpu.SemaphoreType.DMA,
            pltpu.SemaphoreType.DMA,
            pltpu.SemaphoreType.DMA,
            pltpu.SemaphoreType.DMA,
            pltpu.SemaphoreType.DMA,
        ],
    )(_body)
    out = run(x, indexes)
    return out.reshape(H, W, N, C).transpose(2, 3, 0, 1)

# --- scband reference (transcript-rebuilt; emitter-appended) ---
"""Pipeline reference for scband-channel-selection-58712202936826 (READ-ONLY COPY).

The authoritative reference and input builder live on the scoring server;
editing this copy changes nothing except your own understanding.
"""

import jax, jax.numpy as jnp
import numpy as np


def setup_inputs(seed: int = 0) -> dict:
    key = jax.random.key(seed)
    k1, k2 = jax.random.split(key)
    input_tensor = jax.random.normal(k1, (64, 384, 28, 28), dtype=jnp.float32)
    # Learned parameter: channel-selection mask, initialized to all ones
    # (matches nn.Parameter(torch.ones(num_channels)) with num_channels=384)
    indexes = jnp.ones((384,), dtype=jnp.float32)
    return {"input_tensor": input_tensor, "indexes": indexes}


def reference(input_tensor, indexes):
    # Faithful translation: torch code does
    #   selected_index = np.squeeze(np.argwhere(self.indexes.data.cpu().numpy()))
    # i.e. the mask is read out concretely (non-differentiable) and used to
    # gather channels along axis 1 of the (N, C, H, W) input. The mask is
    # always all-ones here, so the selection has a static size equal to the
    # channel count, allowing a fixed-size nonzero under tracing.
    num_channels = indexes.shape[0]
    (sel,) = jnp.nonzero(indexes, size=num_channels, fill_value=0)
    sel = sel.astype(jnp.int32)
    output = jnp.take(input_tensor, sel, axis=1)
    return output

if __name__ == "__main__":
    import jax
    _d = setup_inputs()
    print(jax.jit(kernel)(*tuple(_d.values())))

</pallas_src>

<mosaic_0001>
#map = affine_map<(d0, d1) -> (0, 0)>
#map1 = affine_map<(d0, d1) -> (0)>
module attributes {stable_mosaic.version = 14 : i64} {
  func.func @_body(%arg0: i32, %arg1: i32, %arg2: memref<50176x384xf32, #tpu.memory_space<hbm>>, %arg3: memref<384xf32, #tpu.memory_space<hbm>>, %arg4: memref<50176x384xf32, #tpu.memory_space<hbm>>, %arg5: memref<384xf32, #tpu.memory_space<vmem>>, %arg6: memref<384xi32, #tpu.memory_space<vmem>>, %arg7: memref<3x112x384xf32, #tpu.memory_space<vmem>>, %arg8: memref<!tpu.dma_semaphore, #tpu.memory_space<semaphore_mem>>, %arg9: memref<!tpu.dma_semaphore, #tpu.memory_space<semaphore_mem>>, %arg10: memref<!tpu.dma_semaphore, #tpu.memory_space<semaphore_mem>>, %arg11: memref<!tpu.dma_semaphore, #tpu.memory_space<semaphore_mem>>, %arg12: memref<!tpu.dma_semaphore, #tpu.memory_space<semaphore_mem>>, %arg13: memref<!tpu.dma_semaphore, #tpu.memory_space<semaphore_mem>>) attributes {dimension_semantics = [#tpu.dimension_semantics<core_parallel>, #tpu.dimension_semantics<subcore_parallel>], iteration_bounds = array<i64: 2, 16>, scalar_prefetch = 0 : i64, scratch_operands = 9 : i64, tpu.core_type = #tpu.core_type<sc_vector_subcore>, window_params = [{transform_indices = #map}, {transform_indices = #map1}, {transform_indices = #map}]} {
    %mul3A = arith.constant 2 : i32
    %mul3A_0 = arith.muli %arg1, %mul3A : i32
    %add3A = arith.addi %mul3A_0, %arg0 : i32
    %mul3A_1 = arith.constant 1568 : i32
    %mul3A_2 = arith.muli %add3A, %mul3A_1 : i32
    %add3A_3 = arith.constant 0 : i32
    %add3A_4 = arith.addi %mul3A_2, %add3A_3 : i32
    %dma_start3A = arith.constant 0 : i32
    %dma_start3A_5 = arith.constant 0 : i32
    %dma_start3A_6 = arith.constant 0 : i32
    %dma_start3A_7 = tpu.memref_slice %arg7[%dma_start3A, %dma_start3A_5, %dma_start3A_6] : memref<3x112x384xf32, #tpu.memory_space<vmem>> -> memref<1x56x384xf32, #tpu.memory_space<vmem>>
    %dma_start3A_8 = tpu.memref_squeeze %dma_start3A_7 : memref<1x56x384xf32, #tpu.memory_space<vmem>> -> memref<56x384xf32, #tpu.memory_space<vmem>>
    %dma_start3A_9 = arith.constant 0 : i32
    %dma_start3A_10 = tpu.memref_slice %arg2[%add3A_4, %dma_start3A_9] : memref<50176x384xf32, #tpu.memory_space<hbm>> -> memref<56x384xf32, #tpu.memory_space<hbm>>
    %dma_start3A_11 = arith.constant 0 : i32
    %dma_start3A_12 = arith.constant 0 : i32
    %dma_start3A_13 = tpu.memref_slice %arg7[%dma_start3A, %dma_start3A_11, %dma_start3A_12] : memref<3x112x384xf32, #tpu.memory_space<vmem>> -> memref<1x56x384xf32, #tpu.memory_space<vmem>>
    %dma_start3A_14 = tpu.memref_squeeze %dma_start3A_13 : memref<1x56x384xf32, #tpu.memory_space<vmem>> -> memref<56x384xf32, #tpu.memory_space<vmem>>
    %dma_start3A_15 = arith.constant 0 : i32
    %dma_start3A_16 = tpu.memref_slice %arg2[%add3A_4, %dma_start3A_15] : memref<50176x384xf32, #tpu.memory_space<hbm>> -> memref<56x384xf32, #tpu.memory_space<hbm>>
    tpu.enqueue_dma source(%dma_start3A_16 : memref<56x384xf32, #tpu.memory_space<hbm>>) target(%dma_start3A_14 : memref<56x384xf32, #tpu.memory_space<vmem>>) target_semaphore(%arg8 : memref<!tpu.dma_semaphore, #tpu.memory_space<semaphore_mem>>)
    %add3A_17 = arith.constant 56 : i32
    %add3A_18 = arith.addi %mul3A_2, %add3A_17 : i32
    %dma_start3A_19 = arith.constant 0 : i32
    %dma_start3A_20 = arith.constant 56 : i32
    %dma_start3A_21 = arith.constant 0 : i32
    %dma_start3A_22 = tpu.memref_slice %arg7[%dma_start3A_19, %dma_start3A_20, %dma_start3A_21] : memref<3x112x384xf32, #tpu.memory_space<vmem>> -> memref<1x56x384xf32, #tpu.memory_space<vmem>>
    %dma_start3A_23 = tpu.memref_squeeze %dma_start3A_22 : memref<1x56x384xf32, #tpu.memory_space<vmem>> -> memref<56x384xf32, #tpu.memory_space<vmem>>
    %dma_start3A_24 = arith.constant 0 : i32
    %dma_start3A_25 = tpu.memref_slice %arg2[%add3A_18, %dma_start3A_24] : memref<50176x384xf32, #tpu.memory_space<hbm>> -> memref<56x384xf32, #tpu.memory_space<hbm>>
    %dma_start3A_26 = arith.constant 56 : i32
    %dma_start3A_27 = arith.constant 0 : i32
    %dma_start3A_28 = tpu.memref_slice %arg7[%dma_start3A_19, %dma_start3A_26, %dma_start3A_27] : memref<3x112x384xf32, #tpu.memory_space<vmem>> -> memref<1x56x384xf32, #tpu.memory_space<vmem>>
    %dma_start3A_29 = tpu.memref_squeeze %dma_start3A_28 : memref<1x56x384xf32, #tpu.memory_space<vmem>> -> memref<56x384xf32, #tpu.memory_space<vmem>>
    %dma_start3A_30 = arith.constant 0 : i32
    %dma_start3A_31 = tpu.memref_slice %arg2[%add3A_18, %dma_start3A_30] : memref<50176x384xf32, #tpu.memory_space<hbm>> -> memref<56x384xf32, #tpu.memory_space<hbm>>
    tpu.enqueue_dma source(%dma_start3A_31 : memref<56x384xf32, #tpu.memory_space<hbm>>) target(%dma_start3A_29 : memref<56x384xf32, #tpu.memory_space<vmem>>) target_semaphore(%arg8 : memref<!tpu.dma_semaphore, #tpu.memory_space<semaphore_mem>>)
    "tpu.region"() ({
      %run_scoped3A = tpu.sem_alloc : memref<!tpu.dma_semaphore, #tpu.memory_space<semaphore_mem>>
      tpu.enqueue_dma source(%arg3 : memref<384xf32, #tpu.memory_space<hbm>>) target(%arg5 : memref<384xf32, #tpu.memory_space<vmem>>) target_semaphore(%run_scoped3A : memref<!tpu.dma_semaphore, #tpu.memory_space<semaphore_mem>>)
      tpu.wait_dma2 semaphore(%run_scoped3A : memref<!tpu.dma_semaphore, #tpu.memory_space<semaphore_mem>>) src(%arg3 : memref<384xf32, #tpu.memory_space<hbm>>) dst(%arg5 : memref<384xf32, #tpu.memory_space<vmem>>)
      tpu.yield
    }) : () -> ()
    %broadcast_in_dim3A = arith.constant 0 : i32
    %broadcast_in_dim3A_32 = vector.broadcast %broadcast_in_dim3A : i32 to vector<16xi32>
    %broadcast_in_dim3A_33 = arith.constant 0.000000e+00 : f32
    %broadcast_in_dim3A_34 = vector.broadcast %broadcast_in_dim3A_33 : f32 to vector<16xf32>
    %broadcast_in_dim3A_35 = arith.constant 1 : i32
    %broadcast_in_dim3A_36 = vector.broadcast %broadcast_in_dim3A_35 : i32 to vector<16xi32>
    %iota3A = tpu.iota {dimensions = array<i32: 0>} : vector<16xi32>
    %swap3A = arith.constant 0 : index
    %swap3A_37 = tpu.vector_load %arg6[%swap3A] {strides = array<i32>} : memref<384xi32, #tpu.memory_space<vmem>>, vector<16xi32>,
    tpu.vector_store %arg6[%swap3A], %broadcast_in_dim3A_32 {strides = array<i32>} : memref<384xi32, #tpu.memory_space<vmem>>, vector<16xi32>,
    %swap3A_38 = arith.constant 16 : index
    %swap3A_39 = tpu.vector_load %arg6[%swap3A_38] {strides = array<i32>} : memref<384xi32, #tpu.memory_space<vmem>>, vector<16xi32>,
    tpu.vector_store %arg6[%swap3A_38], %broadcast_in_dim3A_32 {strides = array<i32>} : memref<384xi32, #tpu.memory_space<vmem>>, vector<16xi32>,
    %swap3A_40 = arith.constant 32 : index
    %swap3A_41 = tpu.vector_load %arg6[%swap3A_40] {strides = array<i32>} : memref<384xi32, #tpu.memory_space<vmem>>, vector<16xi32>,
    tpu.vector_store %arg6[%swap3A_40], %broadcast_in_dim3A_32 {strides = array<i32>} : memref<384xi32, #tpu.memory_space<vmem>>, vector<16xi32>,
    %swap3A_42 = arith.constant 48 : index
    %swap3A_43 = tpu.vector_load %arg6[%swap3A_42] {strides = array<i32>} : memref<384xi32, #tpu.memory_space<vmem>>, vector<16xi32>,
    tpu.vector_store %arg6[%swap3A_42], %broadcast_in_dim3A_32 {strides = array<i32>} : memref<384xi32, #tpu.memory_space<vmem>>, vector<16xi32>,
    %swap3A_44 = arith.constant 64 : index
    %swap3A_45 = tpu.vector_load %arg6[%swap3A_44] {strides = array<i32>} : memref<384xi32, #tpu.memory_space<vmem>>, vector<16xi32>,
    tpu.vector_store %arg6[%swap3A_44], %broadcast_in_dim3A_32 {strides = array<i32>} : memref<384xi32, #tpu.memory_space<vmem>>, vector<16xi32>,
    %swap3A_46 = arith.constant 80 : index
    %swap3A_47 = tpu.vector_load %arg6[%swap3A_46] {strides = array<i32>} : memref<384xi32, #tpu.memory_space<vmem>>, vector<16xi32>,
    tpu.vector_store %arg6[%swap3A_46], %broadcast_in_dim3A_32 {strides = array<i32>} : memref<384xi32, #tpu.memory_space<vmem>>, vector<16xi32>,
    %swap3A_48 = arith.constant 96 : index
    %swap3A_49 = tpu.vector_load %arg6[%swap3A_48] {strides = array<i32>} : memref<384xi32, #tpu.memory_space<vmem>>, vector<16xi32>,
    tpu.vector_store %arg6[%swap3A_48], %broadcast_in_dim3A_32 {strides = array<i32>} : memref<384xi32, #tpu.memory_space<vmem>>, vector<16xi32>,
    %swap3A_50 = arith.constant 112 : index
    %swap3A_51 = tpu.vector_load %arg6[%swap3A_50] {strides = array<i32>} : memref<384xi32, #tpu.memory_space<vmem>>, vector<16xi32>,
    tpu.vector_store %arg6[%swap3A_50], %broadcast_in_dim3A_32 {strides = array<i32>} : memref<384xi32, #tpu.memory_space<vmem>>, vector<16xi32>,
    %swap3A_52 = arith.constant 128 : index
    %swap3A_53 = tpu.vector_load %arg6[%swap3A_52] {strides = array<i32>} : memref<384xi32, #tpu.memory_space<vmem>>, vector<16xi32>,
    tpu.vector_store %arg6[%swap3A_52], %broadcast_in_dim3A_32 {strides = array<i32>} : memref<384xi32, #tpu.memory_space<vmem>>, vector<16xi32>,
    %swap3A_54 = arith.constant 144 : index
    %swap3A_55 = tpu.vector_load %arg6[%swap3A_54] {strides = array<i32>} : memref<384xi32, #tpu.memory_space<vmem>>, vector<16xi32>,
    tpu.vector_store %arg6[%swap3A_54], %broadcast_in_dim3A_32 {strides = array<i32>} : memref<384xi32, #tpu.memory_space<vmem>>, vector<16xi32>,
    %swap3A_56 = arith.constant 160 : index
    %swap3A_57 = tpu.vector_load %arg6[%swap3A_56] {strides = array<i32>} : memref<384xi32, #tpu.memory_space<vmem>>, vector<16xi32>,
    tpu.vector_store %arg6[%swap3A_56], %broadcast_in_dim3A_32 {strides = array<i32>} : memref<384xi32, #tpu.memory_space<vmem>>, vector<16xi32>,
    %swap3A_58 = arith.constant 176 : index
    %swap3A_59 = tpu.vector_load %arg6[%swap3A_58] {strides = array<i32>} : memref<384xi32, #tpu.memory_space<vmem>>, vector<16xi32>,
    tpu.vector_store %arg6[%swap3A_58], %broadcast_in_dim3A_32 {strides = array<i32>} : memref<384xi32, #tpu.memory_space<vmem>>, vector<16xi32>,
    %swap3A_60 = arith.constant 192 : index
    %swap3A_61 = tpu.vector_load %arg6[%swap3A_60] {strides = array<i32>} : memref<384xi32, #tpu.memory_space<vmem>>, vector<16xi32>,
    tpu.vector_store %arg6[%swap3A_60], %broadcast_in_dim3A_32 {strides = array<i32>} : memref<384xi32, #tpu.memory_space<vmem>>, vector<16xi32>,
    %swap3A_62 = arith.constant 208 : index
    %swap3A_63 = tpu.vector_load %arg6[%swap3A_62] {strides = array<i32>} : memref<384xi32, #tpu.memory_space<vmem>>, vector<16xi32>,
    tpu.vector_store %arg6[%swap3A_62], %broadcast_in_dim3A_32 {strides = array<i32>} : memref<384xi32, #tpu.memory_space<vmem>>, vector<16xi32>,
    %swap3A_64 = arith.constant 224 : index
    %swap3A_65 = tpu.vector_load %arg6[%swap3A_64] {strides = array<i32>} : memref<384xi32, #tpu.memory_space<vmem>>, vector<16xi32>,
    tpu.vector_store %arg6[%swap3A_64], %broadcast_in_dim3A_32 {strides = array<i32>} : memref<384xi32, #tpu.memory_space<vmem>>, vector<16xi32>,
    %swap3A_66 = arith.constant 240 : index
    %swap3A_67 = tpu.vector_load %arg6[%swap3A_66] {strides = array<i32>} : memref<384xi32, #tpu.memory_space<vmem>>, vector<16xi32>,
    tpu.vector_store %arg6[%swap3A_66], %broadcast_in_dim3A_32 {strides = array<i32>} : memref<384xi32, #tpu.memory_space<vmem>>, vector<16xi32>,
    %swap3A_68 = arith.constant 256 : index
    %swap3A_69 = tpu.vector_load %arg6[%swap3A_68] {strides = array<i32>} : memref<384xi32, #tpu.memory_space<vmem>>, vector<16xi32>,
    tpu.vector_store %arg6[%swap3A_68], %broadcast_in_dim3A_32 {strides = array<i32>} : memref<384xi32, #tpu.memory_space<vmem>>, vector<16xi32>,
    %swap3A_70 = arith.constant 272 : index
    %swap3A_71 = tpu.vector_load %arg6[%swap3A_70] {strides = array<i32>} : memref<384xi32, #tpu.memory_space<vmem>>, vector<16xi32>,
    tpu.vector_store %arg6[%swap3A_70], %broadcast_in_dim3A_32 {strides = array<i32>} : memref<384xi32, #tpu.memory_space<vmem>>, vector<16xi32>,
    %swap3A_72 = arith.constant 288 : index
    %swap3A_73 = tpu.vector_load %arg6[%swap3A_72] {strides = array<i32>} : memref<384xi32, #tpu.memory_space<vmem>>, vector<16xi32>,
    tpu.vector_store %arg6[%swap3A_72], %broadcast_in_dim3A_32 {strides = array<i32>} : memref<384xi32, #tpu.memory_space<vmem>>, vector<16xi32>,
    %swap3A_74 = arith.constant 304 : index
    %swap3A_75 = tpu.vector_load %arg6[%swap3A_74] {strides = array<i32>} : memref<384xi32, #tpu.memory_space<vmem>>, vector<16xi32>,
    tpu.vector_store %arg6[%swap3A_74], %broadcast_in_dim3A_32 {strides = array<i32>} : memref<384xi32, #tpu.memory_space<vmem>>, vector<16xi32>,
    %swap3A_76 = arith.constant 320 : index
    %swap3A_77 = tpu.vector_load %arg6[%swap3A_76] {strides = array<i32>} : memref<384xi32, #tpu.memory_space<vmem>>, vector<16xi32>,
    tpu.vector_store %arg6[%swap3A_76], %broadcast_in_dim3A_32 {strides = array<i32>} : memref<384xi32, #tpu.memory_space<vmem>>, vector<16xi32>,
    %swap3A_78 = arith.constant 336 : index
    %swap3A_79 = tpu.vector_load %arg6[%swap3A_78] {strides = array<i32>} : memref<384xi32, #tpu.memory_space<vmem>>, vector<16xi32>,
    tpu.vector_store %arg6[%swap3A_78], %broadcast_in_dim3A_32 {strides = array<i32>} : memref<384xi32, #tpu.memory_space<vmem>>, vector<16xi32>,
    %swap3A_80 = arith.constant 352 : index
    %swap3A_81 = tpu.vector_load %arg6[%swap3A_80] {strides = array<i32>} : memref<384xi32, #tpu.memory_space<vmem>>, vector<16xi32>,
    tpu.vector_store %arg6[%swap3A_80], %broadcast_in_dim3A_32 {strides = array<i32>} : memref<384xi32, #tpu.memory_space<vmem>>, vector<16xi32>,
    %swap3A_82 = arith.constant 368 : index
    %swap3A_83 = tpu.vector_load %arg6[%swap3A_82] {strides = array<i32>} : memref<384xi32, #tpu.memory_space<vmem>>, vector<16xi32>,
    tpu.vector_store %arg6[%swap3A_82], %broadcast_in_dim3A_32 {strides = array<i32>} : memref<384xi32, #tpu.memory_space<vmem>>, vector<16xi32>,
    %get3A = arith.constant 0 : index
    %get3A_84 = tpu.vector_load %arg5[%get3A] {strides = array<i32>} : memref<384xf32, #tpu.memory_space<vmem>>, vector<16xf32>,
    %ne3A = arith.cmpf one, %get3A_84, %broadcast_in_dim3A_34 : vector<16xf32>
    %convert_element_type3A = arith.extui %ne3A : vector<16xi1> to vector<16xi32>
    %broadcast_in_dim3A_85 = arith.constant true
    %broadcast_in_dim3A_86 = vector.broadcast %broadcast_in_dim3A_85 : i1 to vector<16xi1>
    %masked_cumsum3A = tpu.scan <sum>, %convert_element_type3A masked %broadcast_in_dim3A_86 : vector<16xi32>, vector<16xi1> -> vector<16xi32>
    %broadcast_in_dim3A_87 = arith.constant 0 : i32
    %broadcast_in_dim3A_88 = vector.broadcast %broadcast_in_dim3A_87 : i32 to vector<16xi32>
    %add3A_89 = arith.addi %iota3A, %broadcast_in_dim3A_88 : vector<16xi32>
    %broadcast_in_dim3A_90 = arith.constant 0 : i32
    %broadcast_in_dim3A_91 = vector.broadcast %broadcast_in_dim3A_90 : i32 to vector<16xi32>
    %add3A_92 = arith.addi %masked_cumsum3A, %broadcast_in_dim3A_91 : vector<16xi32>
    %sub3A = arith.subi %add3A_92, %broadcast_in_dim3A_36 : vector<16xi32>
    tpu.vector_store_idx %arg6[%sub3A], %add3A_89 masked %ne3A : memref<384xi32, #tpu.memory_space<vmem>>[vector<16xi32>], vector<16xi32>, vector<16xi1>
    %reduce_sum3A = arith.constant true
    %reduce_sum3A_93 = vector.broadcast %reduce_sum3A : i1 to vector<16xi1>
    %reduce_sum3A_94 = tpu.scan <sum>, %convert_element_type3A masked %reduce_sum3A_93 : vector<16xi32>, vector<16xi1> -> vector<16xi32>
    %reduce_sum3A_95 = vector.extract %reduce_sum3A_94[15] : i32 from vector<16xi32>
    %add3A_96 = arith.constant 0 : i32
    %add3A_97 = arith.addi %add3A_96, %reduce_sum3A_95 : i32
    %get3A_98 = arith.constant 16 : index
    %get3A_99 = tpu.vector_load %arg5[%get3A_98] {strides = array<i32>} : memref<384xf32, #tpu.memory_space<vmem>>, vector<16xf32>,
    %ne3A_100 = arith.cmpf one, %get3A_99, %broadcast_in_dim3A_34 : vector<16xf32>
    %convert_element_type3A_101 = arith.extui %ne3A_100 : vector<16xi1> to vector<16xi32>
    %broadcast_in_dim3A_102 = arith.constant true
    %broadcast_in_dim3A_103 = vector.broadcast %broadcast_in_dim3A_102 : i1 to vector<16xi1>
    %masked_cumsum3A_104 = tpu.scan <sum>, %convert_element_type3A_101 masked %broadcast_in_dim3A_103 : vector<16xi32>, vector<16xi1> -> vector<16xi32>
    %broadcast_in_dim3A_105 = arith.constant 16 : i32
    %broadcast_in_dim3A_106 = vector.broadcast %broadcast_in_dim3A_105 : i32 to vector<16xi32>
    %add3A_107 = arith.addi %iota3A, %broadcast_in_dim3A_106 : vector<16xi32>
    %broadcast_in_dim3A_108 = vector.broadcast %add3A_97 : i32 to vector<16xi32>
    %add3A_109 = arith.addi %masked_cumsum3A_104, %broadcast_in_dim3A_108 : vector<16xi32>
    %sub3A_110 = arith.subi %add3A_109, %broadcast_in_dim3A_36 : vector<16xi32>
    tpu.vector_store_idx %arg6[%sub3A_110], %add3A_107 masked %ne3A_100 : memref<384xi32, #tpu.memory_space<vmem>>[vector<16xi32>], vector<16xi32>, vector<16xi1>
    %reduce_sum3A_111 = arith.constant true
    %reduce_sum3A_112 = vector.broadcast %reduce_sum3A_111 : i1 to vector<16xi1>
    %reduce_sum3A_113 = tpu.scan <sum>, %convert_element_type3A_101 masked %reduce_sum3A_112 : vector<16xi32>, vector<16xi1> -> vector<16xi32>
    %reduce_sum3A_114 = vector.extract %reduce_sum3A_113[15] : i32 from vector<16xi32>
    %add3A_115 = arith.addi %add3A_97, %reduce_sum3A_114 : i32
    %get3A_116 = arith.constant 32 : index
    %get3A_117 = tpu.vector_load %arg5[%get3A_116] {strides = array<i32>} : memref<384xf32, #tpu.memory_space<vmem>>, vector<16xf32>,
    %ne3A_118 = arith.cmpf one, %get3A_117, %broadcast_in_dim3A_34 : vector<16xf32>
    %convert_element_type3A_119 = arith.extui %ne3A_118 : vector<16xi1> to vector<16xi32>
    %broadcast_in_dim3A_120 = arith.constant true
    %broadcast_in_dim3A_121 = vector.broadcast %broadcast_in_dim3A_120 : i1 to vector<16xi1>
    %masked_cumsum3A_122 = tpu.scan <sum>, %convert_element_type3A_119 masked %broadcast_in_dim3A_121 : vector<16xi32>, vector<16xi1> -> vector<16xi32>
    %broadcast_in_dim3A_123 = arith.constant 32 : i32
    %broadcast_in_dim3A_124 = vector.broadcast %broadcast_in_dim3A_123 : i32 to vector<16xi32>
    %add3A_125 = arith.addi %iota3A, %broadcast_in_dim3A_124 : vector<16xi32>
    %broadcast_in_dim3A_126 = vector.broadcast %add3A_115 : i32 to vector<16xi32>
    %add3A_127 = arith.addi %masked_cumsum3A_122, %broadcast_in_dim3A_126 : vector<16xi32>
    %sub3A_128 = arith.subi %add3A_127, %broadcast_in_dim3A_36 : vector<16xi32>
    tpu.vector_store_idx %arg6[%sub3A_128], %add3A_125 masked %ne3A_118 : memref<384xi32, #tpu.memory_space<vmem>>[vector<16xi32>], vector<16xi32>, vector<16xi1>
    %reduce_sum3A_129 = arith.constant true
    %reduce_sum3A_130 = vector.broadcast %reduce_sum3A_129 : i1 to vector<16xi1>
    %reduce_sum3A_131 = tpu.scan <sum>, %convert_element_type3A_119 masked %reduce_sum3A_130 : vector<16xi32>, vector<16xi1> -> vector<16xi32>
    %reduce_sum3A_132 = vector.extract %reduce_sum3A_131[15] : i32 from vector<16xi32>
    %add3A_133 = arith.addi %add3A_115, %reduce_sum3A_132 : i32
    %get3A_134 = arith.constant 48 : index
    %get3A_135 = tpu.vector_load %arg5[%get3A_134] {strides = array<i32>} : memref<384xf32, #tpu.memory_space<vmem>>, vector<16xf32>,
    %ne3A_136 = arith.cmpf one, %get3A_135, %broadcast_in_dim3A_34 : vector<16xf32>
    %convert_element_type3A_137 = arith.extui %ne3A_136 : vector<16xi1> to vector<16xi32>
    %broadcast_in_dim3A_138 = arith.constant true
    %broadcast_in_dim3A_139 = vector.broadcast %broadcast_in_dim3A_138 : i1 to vector<16xi1>
    %masked_cumsum3A_140 = tpu.scan <sum>, %convert_element_type3A_137 masked %broadcast_in_dim3A_139 : vector<16xi32>, vector<16xi1> -> vector<16xi32>
    %broadcast_in_dim3A_141 = arith.constant 48 : i32
    %broadcast_in_dim3A_142 = vector.broadcast %broadcast_in_dim3A_141 : i32 to vector<16xi32>
    %add3A_143 = arith.addi %iota3A, %broadcast_in_dim3A_142 : vector<16xi32>
    %broadcast_in_dim3A_144 = vector.broadcast %add3A_133 : i32 to vector<16xi32>
    %add3A_145 = arith.addi %masked_cumsum3A_140, %broadcast_in_dim3A_144 : vector<16xi32>
    %sub3A_146 = arith.subi %add3A_145, %broadcast_in_dim3A_36 : vector<16xi32>
    tpu.vector_store_idx %arg6[%sub3A_146], %add3A_143 masked %ne3A_136 : memref<384xi32, #tpu.memory_space<vmem>>[vector<16xi32>], vector<16xi32>, vector<16xi1>
    %reduce_sum3A_147 = arith.constant true
    %reduce_sum3A_148 = vector.broadcast %reduce_sum3A_147 : i1 to vector<16xi1>
    %reduce_sum3A_149 = tpu.scan <sum>, %convert_element_type3A_137 masked %reduce_sum3A_148 : vector<16xi32>, vector<16xi1> -> vector<16xi32>
    %reduce_sum3A_150 = vector.extract %reduce_sum3A_149[15] : i32 from vector<16xi32>
    %add3A_151 = arith.addi %add3A_133, %reduce_sum3A_150 : i32
    %get3A_152 = arith.constant 64 : index
    %get3A_153 = tpu.vector_load %arg5[%get3A_152] {strides = array<i32>} : memref<384xf32, #tpu.memory_space<vmem>>, vector<16xf32>,
    %ne3A_154 = arith.cmpf one, %get3A_153, %broadcast_in_dim3A_34 : vector<16xf32>
    %convert_element_type3A_155 = arith.extui %ne3A_154 : vector<16xi1> to vector<16xi32>
    %broadcast_in_dim3A_156 = arith.constant true
    %broadcast_in_dim3A_157 = vector.broadcast %broadcast_in_dim3A_156 : i1 to vector<16xi1>
    %masked_cumsum3A_158 = tpu.scan <sum>, %convert_element_type3A_155 masked %broadcast_in_dim3A_157 : vector<16xi32>, vector<16xi1> -> vector<16xi32>
    %broadcast_in_dim3A_159 = arith.constant 64 : i32
    %broadcast_in_dim3A_160 = vector.broadcast %broadcast_in_dim3A_159 : i32 to vector<16xi32>
    %add3A_161 = arith.addi %iota3A, %broadcast_in_dim3A_160 : vector<16xi32>
    %broadcast_in_dim3A_162 = vector.broadcast %add3A_151 : i32 to vector<16xi32>
    %add3A_163 = arith.addi %masked_cumsum3A_158, %broadcast_in_dim3A_162 : vector<16xi32>
    %sub3A_164 = arith.subi %add3A_163, %broadcast_in_dim3A_36 : vector<16xi32>
    tpu.vector_store_idx %arg6[%sub3A_164], %add3A_161 masked %ne3A_154 : memref<384xi32, #tpu.memory_space<vmem>>[vector<16xi32>], vector<16xi32>, vector<16xi1>
    %reduce_sum3A_165 = arith.constant true
    %reduce_sum3A_166 = vector.broadcast %reduce_sum3A_165 : i1 to vector<16xi1>
    %reduce_sum3A_167 = tpu.scan <sum>, %convert_element_type3A_155 masked %reduce_sum3A_166 : vector<16xi32>, vector<16xi1> -> vector<16xi32>
    %reduce_sum3A_168 = vector.extract %reduce_sum3A_167[15] : i32 from vector<16xi32>
    %add3A_169 = arith.addi %add3A_151, %reduce_sum3A_168 : i32
    %get3A_170 = arith.constant 80 : index
    %get3A_171 = tpu.vector_load %arg5[%get3A_170] {strides = array<i32>} : memref<384xf32, #tpu.memory_space<vmem>>, vector<16xf32>,
    %ne3A_172 = arith.cmpf one, %get3A_171, %broadcast_in_dim3A_34 : vector<16xf32>
    %convert_element_type3A_173 = arith.extui %ne3A_172 : vector<16xi1> to vector<16xi32>
    %broadcast_in_dim3A_174 = arith.constant true
    %broadcast_in_dim3A_175 = vector.broadcast %broadcast_in_dim3A_174 : i1 to vector<16xi1>
    %masked_cumsum3A_176 = tpu.scan <sum>, %convert_element_type3A_173 masked %broadcast_in_dim3A_175 : vector<16xi32>, vector<16xi1> -> vector<16xi32>
    %broadcast_in_dim3A_177 = arith.constant 80 : i32
    %broadcast_in_dim3A_178 = vector.broadcast %broadcast_in_dim3A_177 : i32 to vector<16xi32>
    %add3A_179 = arith.addi %iota3A, %broadcast_in_dim3A_178 : vector<16xi32>
    %broadcast_in_dim3A_180 = vector.broadcast %add3A_169 : i32 to vector<16xi32>
    %add3A_181 = arith.addi %masked_cumsum3A_176, %broadcast_in_dim3A_180 : vector<16xi32>
    %sub3A_182 = arith.subi %add3A_181, %broadcast_in_dim3A_36 : vector<16xi32>
    tpu.vector_store_idx %arg6[%sub3A_182], %add3A_179 masked %ne3A_172 : memref<384xi32, #tpu.memory_space<vmem>>[vector<16xi32>], vector<16xi32>, vector<16xi1>
    %reduce_sum3A_183 = arith.constant true
    %reduce_sum3A_184 = vector.broadcast %reduce_sum3A_183 : i1 to vector<16xi1>
    %reduce_sum3A_185 = tpu.scan <sum>, %convert_element_type3A_173 masked %reduce_sum3A_184 : vector<16xi32>, vector<16xi1> -> vector<16xi32>
    %reduce_sum3A_186 = vector.extract %reduce_sum3A_185[15] : i32 from vector<16xi32>
    %add3A_187 = arith.addi %add3A_169, %reduce_sum3A_186 : i32
    %get3A_188 = arith.constant 96 : index
    %get3A_189 = tpu.vector_load %arg5[%get3A_188] {strides = array<i32>} : memref<384xf32, #tpu.memory_space<vmem>>, vector<16xf32>,
    %ne3A_190 = arith.cmpf one, %get3A_189, %broadcast_in_dim3A_34 : vector<16xf32>
    %convert_element_type3A_191 = arith.extui %ne3A_190 : vector<16xi1> to vector<16xi32>
    %broadcast_in_dim3A_192 = arith.constant true
    %broadcast_in_dim3A_193 = vector.broadcast %broadcast_in_dim3A_192 : i1 to vector<16xi1>
    %masked_cumsum3A_194 = tpu.scan <sum>, %convert_element_type3A_191 masked %broadcast_in_dim3A_193 : vector<16xi32>, vector<16xi1> -> vector<16xi32>
    %broadcast_in_dim3A_195 = arith.constant 96 : i32
    %broadcast_in_dim3A_196 = vector.broadcast %broadcast_in_dim3A_195 : i32 to vector<16xi32>
    %add3A_197 = arith.addi %iota3A, %broadcast_in_dim3A_196 : vector<16xi32>
    %broadcast_in_dim3A_198 = vector.broadcast %add3A_187 : i32 to vector<16xi32>
    %add3A_199 = arith.addi %masked_cumsum3A_194, %broadcast_in_dim3A_198 : vector<16xi32>
    %sub3A_200 = arith.subi %add3A_199, %broadcast_in_dim3A_36 : vector<16xi32>
    tpu.vector_store_idx %arg6[%sub3A_200], %add3A_197 masked %ne3A_190 : memref<384xi32, #tpu.memory_space<vmem>>[vector<16xi32>], vector<16xi32>, vector<16xi1>
    %reduce_sum3A_201 = arith.constant true
    %reduce_sum3A_202 = vector.broadcast %reduce_sum3A_201 : i1 to vector<16xi1>
    %reduce_sum3A_203 = tpu.scan <sum>, %convert_element_type3A_191 masked %reduce_sum3A_202 : vector<16xi32>, vector<16xi1> -> vector<16xi32>
    %reduce_sum3A_204 = vector.extract %reduce_sum3A_203[15] : i32 from vector<16xi32>
    %add3A_205 = arith.addi %add3A_187, %reduce_sum3A_204 : i32
    %get3A_206 = arith.constant 112 : index
    %get3A_207 = tpu.vector_load %arg5[%get3A_206] {strides = array<i32>} : memref<384xf32, #tpu.memory_space<vmem>>, vector<16xf32>,
    %ne3A_208 = arith.cmpf one, %get3A_207, %broadcast_in_dim3A_34 : vector<16xf32>
    %convert_element_type3A_209 = arith.extui %ne3A_208 : vector<16xi1> to vector<16xi32>
    %broadcast_in_dim3A_210 = arith.constant true
    %broadcast_in_dim3A_211 = vector.broadcast %broadcast_in_dim3A_210 : i1 to vector<16xi1>
    %masked_cumsum3A_212 = tpu.scan <sum>, %convert_element_type3A_209 masked %broadcast_in_dim3A_211 : vector<16xi32>, vector<16xi1> -> vector<16xi32>
    %broadcast_in_dim3A_213 = arith.constant 112 : i32
    %broadcast_in_dim3A_214 = vector.broadcast %broadcast_in_dim3A_213 : i32 to vector<16xi32>
    %add3A_215 = arith.addi %iota3A, %broadcast_in_dim3A_214 : vector<16xi32>
    %broadcast_in_dim3A_216 = vector.broadcast %add3A_205 : i32 to vector<16xi32>
    %add3A_217 = arith.addi %masked_cumsum3A_212, %broadcast_in_dim3A_216 : vector<16xi32>
    %sub3A_218 = arith.subi %add3A_217, %broadcast_in_dim3A_36 : vector<16xi32>
    tpu.vector_store_idx %arg6[%sub3A_218], %add3A_215 masked %ne3A_208 : memref<384xi32, #tpu.memory_space<vmem>>[vector<16xi32>], vector<16xi32>, vector<16xi1>
    %reduce_sum3A_219 = arith.constant true
    %reduce_sum3A_220 = vector.broadcast %reduce_sum3A_219 : i1 to vector<16xi1>
    %reduce_sum3A_221 = tpu.scan <sum>, %convert_element_type3A_209 masked %reduce_sum3A_220 : vector<16xi32>, vector<16xi1> -> vector<16xi32>
    %reduce_sum3A_222 = vector.extract %reduce_sum3A_221[15] : i32 from vector<16xi32>
    %add3A_223 = arith.addi %add3A_205, %reduce_sum3A_222 : i32
    %get3A_224 = arith.constant 128 : index
    %get3A_225 = tpu.vector_load %arg5[%get3A_224] {strides = array<i32>} : memref<384xf32, #tpu.memory_space<vmem>>, vector<16xf32>,
    %ne3A_226 = arith.cmpf one, %get3A_225, %broadcast_in_dim3A_34 : vector<16xf32>
    %convert_element_type3A_227 = arith.extui %ne3A_226 : vector<16xi1> to vector<16xi32>
    %broadcast_in_dim3A_228 = arith.constant true
    %broadcast_in_dim3A_229 = vector.broadcast %broadcast_in_dim3A_228 : i1 to vector<16xi1>
    %masked_cumsum3A_230 = tpu.scan <sum>, %convert_element_type3A_227 masked %broadcast_in_dim3A_229 : vector<16xi32>, vector<16xi1> -> vector<16xi32>
    %broadcast_in_dim3A_231 = arith.constant 128 : i32
    %broadcast_in_dim3A_232 = vector.broadcast %broadcast_in_dim3A_231 : i32 to vector<16xi32>
    %add3A_233 = arith.addi %iota3A, %broadcast_in_dim3A_232 : vector<16xi32>
    %broadcast_in_dim3A_234 = vector.broadcast %add3A_223 : i32 to vector<16xi32>
    %add3A_235 = arith.addi %masked_cumsum3A_230, %broadcast_in_dim3A_234 : vector<16xi32>
    %sub3A_236 = arith.subi %add3A_235, %broadcast_in_dim3A_36 : vector<16xi32>
    tpu.vector_store_idx %arg6[%sub3A_236], %add3A_233 masked %ne3A_226 : memref<384xi32, #tpu.memory_space<vmem>>[vector<16xi32>], vector<16xi32>, vector<16xi1>
    %reduce_sum3A_237 = arith.constant true
    %reduce_sum3A_238 = vector.broadcast %reduce_sum3A_237 : i1 to vector<16xi1>
    %reduce_sum3A_239 = tpu.scan <sum>, %convert_element_type3A_227 masked %reduce_sum3A_238 : vector<16xi32>, vector<16xi1> -> vector<16xi32>
    %reduce_sum3A_240 = vector.extract %reduce_sum3A_239[15] : i32 from vector<16xi32>
    %add3A_241 = arith.addi %add3A_223, %reduce_sum3A_240 : i32
    %get3A_242 = arith.constant 144 : index
    %get3A_243 = tpu.vector_load %arg5[%get3A_242] {strides = array<i32>} : memref<384xf32, #tpu.memory_space<vmem>>, vector<16xf32>,
    %ne3A_244 = arith.cmpf one, %get3A_243, %broadcast_in_dim3A_34 : vector<16xf32>
    %convert_element_type3A_245 = arith.extui %ne3A_244 : vector<16xi1> to vector<16xi32>
    %broadcast_in_dim3A_246 = arith.constant true
    %broadcast_in_dim3A_247 = vector.broadcast %broadcast_in_dim3A_246 : i1 to vector<16xi1>
    %masked_cumsum3A_248 = tpu.scan <sum>, %convert_element_type3A_245 masked %broadcast_in_dim3A_247 : vector<16xi32>, vector<16xi1> -> vector<16xi32>
    %broadcast_in_dim3A_249 = arith.constant 144 : i32
    %broadcast_in_dim3A_250 = vector.broadcast %broadcast_in_dim3A_249 : i32 to vector<16xi32>
    %add3A_251 = arith.addi %iota3A, %broadcast_in_dim3A_250 : vector<16xi32>
    %broadcast_in_dim3A_252 = vector.broadcast %add3A_241 : i32 to vector<16xi32>
    %add3A_253 = arith.addi %masked_cumsum3A_248, %broadcast_in_dim3A_252 : vector<16xi32>
    %sub3A_254 = arith.subi %add3A_253, %broadcast_in_dim3A_36 : vector<16xi32>
    tpu.vector_store_idx %arg6[%sub3A_254], %add3A_251 masked %ne3A_244 : memref<384xi32, #tpu.memory_space<vmem>>[vector<16xi32>], vector<16xi32>, vector<16xi1>
    %reduce_sum3A_255 = arith.constant true
    %reduce_sum3A_256 = vector.broadcast %reduce_sum3A_255 : i1 to vector<16xi1>
    %reduce_sum3A_257 = tpu.scan <sum>, %convert_element_type3A_245 masked %reduce_sum3A_256 : vector<16xi32>, vector<16xi1> -> vector<16xi32>
    %reduce_sum3A_258 = vector.extract %reduce_sum3A_257[15] : i32 from vector<16xi32>
    %add3A_259 = arith.addi %add3A_241, %reduce_sum3A_258 : i32
    %get3A_260 = arith.constant 160 : index
    %get3A_261 = tpu.vector_load %arg5[%get3A_260] {strides = array<i32>} : memref<384xf32, #tpu.memory_space<vmem>>, vector<16xf32>,
    %ne3A_262 = arith.cmpf one, %get3A_261, %broadcast_in_dim3A_34 : vector<16xf32>
    %convert_element_type3A_263 = arith.extui %ne3A_262 : vector<16xi1> to vector<16xi32>
    %broadcast_in_dim3A_264 = arith.constant true
    %broadcast_in_dim3A_265 = vector.broadcast %broadcast_in_dim3A_264 : i1 to vector<16xi1>
    %masked_cumsum3A_266 = tpu.scan <sum>, %convert_element_type3A_263 masked %broadcast_in_dim3A_265 : vector<16xi32>, vector<16xi1> -> vector<16xi32>
    %broadcast_in_dim3A_267 = arith.constant 160 : i32
    %broadcast_in_dim3A_268 = vector.broadcast %broadcast_in_dim3A_267 : i32 to vector<16xi32>
    %add3A_269 = arith.addi %iota3A, %broadcast_in_dim3A_268 : vector<16xi32>
    %broadcast_in_dim3A_270 = vector.broadcast %add3A_259 : i32 to vector<16xi32>
    %add3A_271 = arith.addi %masked_cumsum3A_266, %broadcast_in_dim3A_270 : vector<16xi32>
    %sub3A_272 = arith.subi %add3A_271, %broadcast_in_dim3A_36 : vector<16xi32>
    tpu.vector_store_idx %arg6[%sub3A_272], %add3A_269 masked %ne3A_262 : memref<384xi32, #tpu.memory_space<vmem>>[vector<16xi32>], vector<16xi32>, vector<16xi1>
    %reduce_sum3A_273 = arith.constant true
    %reduce_sum3A_274 = vector.broadcast %reduce_sum3A_273 : i1 to vector<16xi1>
    %reduce_sum3A_275 = tpu.scan <sum>, %convert_element_type3A_263 masked %reduce_sum3A_274 : vector<16xi32>, vector<16xi1> -> vector<16xi32>
    %reduce_sum3A_276 = vector.extract %reduce_sum3A_275[15] : i32 from vector<16xi32>
    %add3A_277 = arith.addi %add3A_259, %reduce_sum3A_276 : i32
    %get3A_278 = arith.constant 176 : index
    %get3A_279 = tpu.vector_load %arg5[%get3A_278] {strides = array<i32>} : memref<384xf32, #tpu.memory_space<vmem>>, vector<16xf32>,
    %ne3A_280 = arith.cmpf one, %get3A_279, %broadcast_in_dim3A_34 : vector<16xf32>
    %convert_element_type3A_281 = arith.extui %ne3A_280 : vector<16xi1> to vector<16xi32>
    %broadcast_in_dim3A_282 = arith.constant true
    %broadcast_in_dim3A_283 = vector.broadcast %broadcast_in_dim3A_282 : i1 to vector<16xi1>
    %masked_cumsum3A_284 = tpu.scan <sum>, %convert_element_type3A_281 masked %broadcast_in_dim3A_283 : vector<16xi32>, vector<16xi1> -> vector<16xi32>
    %broadcast_in_dim3A_285 = arith.constant 176 : i32
    %broadcast_in_dim3A_286 = vector.broadcast %broadcast_in_dim3A_285 : i32 to vector<16xi32>
    %add3A_287 = arith.addi %iota3A, %broadcast_in_dim3A_286 : vector<16xi32>
    %broadcast_in_dim3A_288 = vector.broadcast %add3A_277 : i32 to vector<16xi32>
    %add3A_289 = arith.addi %masked_cumsum3A_284, %broadcast_in_dim3A_288 : vector<16xi32>
    %sub3A_290 = arith.subi %add3A_289, %broadcast_in_dim3A_36 : vector<16xi32>
    tpu.vector_store_idx %arg6[%sub3A_290], %add3A_287 masked %ne3A_280 : memref<384xi32, #tpu.memory_space<vmem>>[vector<16xi32>], vector<16xi32>, vector<16xi1>
    %reduce_sum3A_291 = arith.constant true
    %reduce_sum3A_292 = vector.broadcast %reduce_sum3A_291 : i1 to vector<16xi1>
    %reduce_sum3A_293 = tpu.scan <sum>, %convert_element_type3A_281 masked %reduce_sum3A_292 : vector<16xi32>, vector<16xi1> -> vector<16xi32>
    %reduce_sum3A_294 = vector.extract %reduce_sum3A_293[15] : i32 from vector<16xi32>
    %add3A_295 = arith.addi %add3A_277, %reduce_sum3A_294 : i32
    %get3A_296 = arith.constant 192 : index
    %get3A_297 = tpu.vector_load %arg5[%get3A_296] {strides = array<i32>} : memref<384xf32, #tpu.memory_space<vmem>>, vector<16xf32>,
    %ne3A_298 = arith.cmpf one, %get3A_297, %broadcast_in_dim3A_34 : vector<16xf32>
    %convert_element_type3A_299 = arith.extui %ne3A_298 : vector<16xi1> to vector<16xi32>
    %broadcast_in_dim3A_300 = arith.constant true
    %broadcast_in_dim3A_301 = vector.broadcast %broadcast_in_dim3A_300 : i1 to vector<16xi1>
    %masked_cumsum3A_302 = tpu.scan <sum>, %convert_element_type3A_299 masked %broadcast_in_dim3A_301 : vector<16xi32>, vector<16xi1> -> vector<16xi32>
    %broadcast_in_dim3A_303 = arith.constant 192 : i32
    %broadcast_in_dim3A_304 = vector.broadcast %broadcast_in_dim3A_303 : i32 to vector<16xi32>
    %add3A_305 = arith.addi %iota3A, %broadcast_in_dim3A_304 : vector<16xi32>
    %broadcast_in_dim3A_306 = vector.broadcast %add3A_295 : i32 to vector<16xi32>
    %add3A_307 = arith.addi %masked_cumsum3A_302, %broadcast_in_dim3A_306 : vector<16xi32>
    %sub3A_308 = arith.subi %add3A_307, %broadcast_in_dim3A_36 : vector<16xi32>
    tpu.vector_store_idx %arg6[%sub3A_308], %add3A_305 masked %ne3A_298 : memref<384xi32, #tpu.memory_space<vmem>>[vector<16xi32>], vector<16xi32>, vector<16xi1>
    %reduce_sum3A_309 = arith.constant true
    %reduce_sum3A_310 = vector.broadcast %reduce_sum3A_309 : i1 to vector<16xi1>
    %reduce_sum3A_311 = tpu.scan <sum>, %convert_element_type3A_299 masked %reduce_sum3A_310 : vector<16xi32>, vector<16xi1> -> vector<16xi32>
    %reduce_sum3A_312 = vector.extract %reduce_sum3A_311[15] : i32 from vector<16xi32>
    %add3A_313 = arith.addi %add3A_295, %reduce_sum3A_312 : i32
    %get3A_314 = arith.constant 208 : index
    %get3A_315 = tpu.vector_load %arg5[%get3A_314] {strides = array<i32>} : memref<384xf32, #tpu.memory_space<vmem>>, vector<16xf32>,
    %ne3A_316 = arith.cmpf one, %get3A_315, %broadcast_in_dim3A_34 : vector<16xf32>
    %convert_element_type3A_317 = arith.extui %ne3A_316 : vector<16xi1> to vector<16xi32>
    %broadcast_in_dim3A_318 = arith.constant true
    %broadcast_in_dim3A_319 = vector.broadcast %broadcast_in_dim3A_318 : i1 to vector<16xi1>
    %masked_cumsum3A_320 = tpu.scan <sum>, %convert_element_type3A_317 masked %broadcast_in_dim3A_319 : vector<16xi32>, vector<16xi1> -> vector<16xi32>
    %broadcast_in_dim3A_321 = arith.constant 208 : i32
    %broadcast_in_dim3A_322 = vector.broadcast %broadcast_in_dim3A_321 : i32 to vector<16xi32>
    %add3A_323 = arith.addi %iota3A, %broadcast_in_dim3A_322 : vector<16xi32>
    %broadcast_in_dim3A_324 = vector.broadcast %add3A_313 : i32 to vector<16xi32>
    %add3A_325 = arith.addi %masked_cumsum3A_320, %broadcast_in_dim3A_324 : vector<16xi32>
    %sub3A_326 = arith.subi %add3A_325, %broadcast_in_dim3A_36 : vector<16xi32>
    tpu.vector_store_idx %arg6[%sub3A_326], %add3A_323 masked %ne3A_316 : memref<384xi32, #tpu.memory_space<vmem>>[vector<16xi32>], vector<16xi32>, vector<16xi1>
    %reduce_sum3A_327 = arith.constant true
    %reduce_sum3A_328 = vector.broadcast %reduce_sum3A_327 : i1 to vector<16xi1>
    %reduce_sum3A_329 = tpu.scan <sum>, %convert_element_type3A_317 masked %reduce_sum3A_328 : vector<16xi32>, vector<16xi1> -> vector<16xi32>
    %reduce_sum3A_330 = vector.extract %reduce_sum3A_329[15] : i32 from vector<16xi32>
    %add3A_331 = arith.addi %add3A_313, %reduce_sum3A_330 : i32
    %get3A_332 = arith.constant 224 : index
    %get3A_333 = tpu.vector_load %arg5[%get3A_332] {strides = array<i32>} : memref<384xf32, #tpu.memory_space<vmem>>, vector<16xf32>,
    %ne3A_334 = arith.cmpf one, %get3A_333, %broadcast_in_dim3A_34 : vector<16xf32>
    %convert_element_type3A_335 = arith.extui %ne3A_334 : vector<16xi1> to vector<16xi32>
    %broadcast_in_dim3A_336 = arith.constant true
    %broadcast_in_dim3A_337 = vector.broadcast %broadcast_in_dim3A_336 : i1 to vector<16xi1>
    %masked_cumsum3A_338 = tpu.scan <sum>, %convert_element_type3A_335 masked %broadcast_in_dim3A_337 : vector<16xi32>, vector<16xi1> -> vector<16xi32>
    %broadcast_in_dim3A_339 = arith.constant 224 : i32
    %broadcast_in_dim3A_340 = vector.broadcast %broadcast_in_dim3A_339 : i32 to vector<16xi32>
    %add3A_341 = arith.addi %iota3A, %broadcast_in_dim3A_340 : vector<16xi32>
    %broadcast_in_dim3A_342 = vector.broadcast %add3A_331 : i32 to vector<16xi32>
    %add3A_343 = arith.addi %masked_cumsum3A_338, %broadcast_in_dim3A_342 : vector<16xi32>
    %sub3A_344 = arith.subi %add3A_343, %broadcast_in_dim3A_36 : vector<16xi32>
    tpu.vector_store_idx %arg6[%sub3A_344], %add3A_341 masked %ne3A_334 : memref<384xi32, #tpu.memory_space<vmem>>[vector<16xi32>], vector<16xi32>, vector<16xi1>
    %reduce_sum3A_345 = arith.constant true
    %reduce_sum3A_346 = vector.broadcast %reduce_sum3A_345 : i1 to vector<16xi1>
    %reduce_sum3A_347 = tpu.scan <sum>, %convert_element_type3A_335 masked %reduce_sum3A_346 : vector<16xi32>, vector<16xi1> -> vector<16xi32>
    %reduce_sum3A_348 = vector.extract %reduce_sum3A_347[15] : i32 from vector<16xi32>
    %add3A_349 = arith.addi %add3A_331, %reduce_sum3A_348 : i32
    %get3A_350 = arith.constant 240 : index
    %get3A_351 = tpu.vector_load %arg5[%get3A_350] {strides = array<i32>} : memref<384xf32, #tpu.memory_space<vmem>>, vector<16xf32>,
    %ne3A_352 = arith.cmpf one, %get3A_351, %broadcast_in_dim3A_34 : vector<16xf32>
    %convert_element_type3A_353 = arith.extui %ne3A_352 : vector<16xi1> to vector<16xi32>
    %broadcast_in_dim3A_354 = arith.constant true
    %broadcast_in_dim3A_355 = vector.broadcast %broadcast_in_dim3A_354 : i1 to vector<16xi1>
    %masked_cumsum3A_356 = tpu.scan <sum>, %convert_element_type3A_353 masked %broadcast_in_dim3A_355 : vector<16xi32>, vector<16xi1> -> vector<16xi32>
    %broadcast_in_dim3A_357 = arith.constant 240 : i32
    %broadcast_in_dim3A_358 = vector.broadcast %broadcast_in_dim3A_357 : i32 to vector<16xi32>
    %add3A_359 = arith.addi %iota3A, %broadcast_in_dim3A_358 : vector<16xi32>
    %broadcast_in_dim3A_360 = vector.broadcast %add3A_349 : i32 to vector<16xi32>
    %add3A_361 = arith.addi %masked_cumsum3A_356, %broadcast_in_dim3A_360 : vector<16xi32>
    %sub3A_362 = arith.subi %add3A_361, %broadcast_in_dim3A_36 : vector<16xi32>
    tpu.vector_store_idx %arg6[%sub3A_362], %add3A_359 masked %ne3A_352 : memref<384xi32, #tpu.memory_space<vmem>>[vector<16xi32>], vector<16xi32>, vector<16xi1>
    %reduce_sum3A_363 = arith.constant true
    %reduce_sum3A_364 = vector.broadcast %reduce_sum3A_363 : i1 to vector<16xi1>
    %reduce_sum3A_365 = tpu.scan <sum>, %convert_element_type3A_353 masked %reduce_sum3A_364 : vector<16xi32>, vector<16xi1> -> vector<16xi32>
    %reduce_sum3A_366 = vector.extract %reduce_sum3A_365[15] : i32 from vector<16xi32>
    %add3A_367 = arith.addi %add3A_349, %reduce_sum3A_366 : i32
    %get3A_368 = arith.constant 256 : index
    %get3A_369 = tpu.vector_load %arg5[%get3A_368] {strides = array<i32>} : memref<384xf32, #tpu.memory_space<vmem>>, vector<16xf32>,
    %ne3A_370 = arith.cmpf one, %get3A_369, %broadcast_in_dim3A_34 : vector<16xf32>
    %convert_element_type3A_371 = arith.extui %ne3A_370 : vector<16xi1> to vector<16xi32>
    %broadcast_in_dim3A_372 = arith.constant true
    %broadcast_in_dim3A_373 = vector.broadcast %broadcast_in_dim3A_372 : i1 to vector<16xi1>
    %masked_cumsum3A_374 = tpu.scan <sum>, %convert_element_type3A_371 masked %broadcast_in_dim3A_373 : vector<16xi32>, vector<16xi1> -> vector<16xi32>
    %broadcast_in_dim3A_375 = arith.constant 256 : i32
    %broadcast_in_dim3A_376 = vector.broadcast %broadcast_in_dim3A_375 : i32 to vector<16xi32>
    %add3A_377 = arith.addi %iota3A, %broadcast_in_dim3A_376 : vector<16xi32>
    %broadcast_in_dim3A_378 = vector.broadcast %add3A_367 : i32 to vector<16xi32>
    %add3A_379 = arith.addi %masked_cumsum3A_374, %broadcast_in_dim3A_378 : vector<16xi32>
    %sub3A_380 = arith.subi %add3A_379, %broadcast_in_dim3A_36 : vector<16xi32>
    tpu.vector_store_idx %arg6[%sub3A_380], %add3A_377 masked %ne3A_370 : memref<384xi32, #tpu.memory_space<vmem>>[vector<16xi32>], vector<16xi32>, vector<16xi1>
    %reduce_sum3A_381 = arith.constant true
    %reduce_sum3A_382 = vector.broadcast %reduce_sum3A_381 : i1 to vector<16xi1>
    %reduce_sum3A_383 = tpu.scan <sum>, %convert_element_type3A_371 masked %reduce_sum3A_382 : vector<16xi32>, vector<16xi1> -> vector<16xi32>
    %reduce_sum3A_384 = vector.extract %reduce_sum3A_383[15] : i32 from vector<16xi32>
    %add3A_385 = arith.addi %add3A_367, %reduce_sum3A_384 : i32
    %get3A_386 = arith.constant 272 : index
    %get3A_387 = tpu.vector_load %arg5[%get3A_386] {strides = array<i32>} : memref<384xf32, #tpu.memory_space<vmem>>, vector<16xf32>,
    %ne3A_388 = arith.cmpf one, %get3A_387, %broadcast_in_dim3A_34 : vector<16xf32>
    %convert_element_type3A_389 = arith.extui %ne3A_388 : vector<16xi1> to vector<16xi32>
    %broadcast_in_dim3A_390 = arith.constant true
    %broadcast_in_dim3A_391 = vector.broadcast %broadcast_in_dim3A_390 : i1 to vector<16xi1>
    %masked_cumsum3A_392 = tpu.scan <sum>, %convert_element_type3A_389 masked %broadcast_in_dim3A_391 : vector<16xi32>, vector<16xi1> -> vector<16xi32>
    %broadcast_in_dim3A_393 = arith.constant 272 : i32
    %broadcast_in_dim3A_394 = vector.broadcast %broadcast_in_dim3A_393 : i32 to vector<16xi32>
    %add3A_395 = arith.addi %iota3A, %broadcast_in_dim3A_394 : vector<16xi32>
    %broadcast_in_dim3A_396 = vector.broadcast %add3A_385 : i32 to vector<16xi32>
    %add3A_397 = arith.addi %masked_cumsum3A_392, %broadcast_in_dim3A_396 : vector<16xi32>
    %sub3A_398 = arith.subi %add3A_397, %broadcast_in_dim3A_36 : vector<16xi32>
    tpu.vector_store_idx %arg6[%sub3A_398], %add3A_395 masked %ne3A_388 : memref<384xi32, #tpu.memory_space<vmem>>[vector<16xi32>], vector<16xi32>, vector<16xi1>
    %reduce_sum3A_399 = arith.constant true
    %reduce_sum3A_400 = vector.broadcast %reduce_sum3A_399 : i1 to vector<16xi1>
    %reduce_sum3A_401 = tpu.scan <sum>, %convert_element_type3A_389 masked %reduce_sum3A_400 : vector<16xi32>, vector<16xi1> -> vector<16xi32>
    %reduce_sum3A_402 = vector.extract %reduce_sum3A_401[15] : i32 from vector<16xi32>
    %add3A_403 = arith.addi %add3A_385, %reduce_sum3A_402 : i32
    %get3A_404 = arith.constant 288 : index
    %get3A_405 = tpu.vector_load %arg5[%get3A_404] {strides = array<i32>} : memref<384xf32, #tpu.memory_space<vmem>>, vector<16xf32>,
    %ne3A_406 = arith.cmpf one, %get3A_405, %broadcast_in_dim3A_34 : vector<16xf32>
    %convert_element_type3A_407 = arith.extui %ne3A_406 : vector<16xi1> to vector<16xi32>
    %broadcast_in_dim3A_408 = arith.constant true
    %broadcast_in_dim3A_409 = vector.broadcast %broadcast_in_dim3A_408 : i1 to vector<16xi1>
    %masked_cumsum3A_410 = tpu.scan <sum>, %convert_element_type3A_407 masked %broadcast_in_dim3A_409 : vector<16xi32>, vector<16xi1> -> vector<16xi32>
    %broadcast_in_dim3A_411 = arith.constant 288 : i32
    %broadcast_in_dim3A_412 = vector.broadcast %broadcast_in_dim3A_411 : i32 to vector<16xi32>
    %add3A_413 = arith.addi %iota3A, %broadcast_in_dim3A_412 : vector<16xi32>
    %broadcast_in_dim3A_414 = vector.broadcast %add3A_403 : i32 to vector<16xi32>
    %add3A_415 = arith.addi %masked_cumsum3A_410, %broadcast_in_dim3A_414 : vector<16xi32>
    %sub3A_416 = arith.subi %add3A_415, %broadcast_in_dim3A_36 : vector<16xi32>
    tpu.vector_store_idx %arg6[%sub3A_416], %add3A_413 masked %ne3A_406 : memref<384xi32, #tpu.memory_space<vmem>>[vector<16xi32>], vector<16xi32>, vector<16xi1>
    %reduce_sum3A_417 = arith.constant true
    %reduce_sum3A_418 = vector.broadcast %reduce_sum3A_417 : i1 to vector<16xi1>
    %reduce_sum3A_419 = tpu.scan <sum>, %convert_element_type3A_407 masked %reduce_sum3A_418 : vector<16xi32>, vector<16xi1> -> vector<16xi32>
    %reduce_sum3A_420 = vector.extract %reduce_sum3A_419[15] : i32 from vector<16xi32>
    %add3A_421 = arith.addi %add3A_403, %reduce_sum3A_420 : i32
    %get3A_422 = arith.constant 304 : index
    %get3A_423 = tpu.vector_load %arg5[%get3A_422] {strides = array<i32>} : memref<384xf32, #tpu.memory_space<vmem>>, vector<16xf32>,
    %ne3A_424 = arith.cmpf one, %get3A_423, %broadcast_in_dim3A_34 : vector<16xf32>
    %convert_element_type3A_425 = arith.extui %ne3A_424 : vector<16xi1> to vector<16xi32>
    %broadcast_in_dim3A_426 = arith.constant true
    %broadcast_in_dim3A_427 = vector.broadcast %broadcast_in_dim3A_426 : i1 to vector<16xi1>
    %masked_cumsum3A_428 = tpu.scan <sum>, %convert_element_type3A_425 masked %broadcast_in_dim3A_427 : vector<16xi32>, vector<16xi1> -> vector<16xi32>
    %broadcast_in_dim3A_429 = arith.constant 304 : i32
    %broadcast_in_dim3A_430 = vector.broadcast %broadcast_in_dim3A_429 : i32 to vector<16xi32>
    %add3A_431 = arith.addi %iota3A, %broadcast_in_dim3A_430 : vector<16xi32>
    %broadcast_in_dim3A_432 = vector.broadcast %add3A_421 : i32 to vector<16xi32>
    %add3A_433 = arith.addi %masked_cumsum3A_428, %broadcast_in_dim3A_432 : vector<16xi32>
    %sub3A_434 = arith.subi %add3A_433, %broadcast_in_dim3A_36 : vector<16xi32>
    tpu.vector_store_idx %arg6[%sub3A_434], %add3A_431 masked %ne3A_424 : memref<384xi32, #tpu.memory_space<vmem>>[vector<16xi32>], vector<16xi32>, vector<16xi1>
    %reduce_sum3A_435 = arith.constant true
    %reduce_sum3A_436 = vector.broadcast %reduce_sum3A_435 : i1 to vector<16xi1>
    %reduce_sum3A_437 = tpu.scan <sum>, %convert_element_type3A_425 masked %reduce_sum3A_436 : vector<16xi32>, vector<16xi1> -> vector<16xi32>
    %reduce_sum3A_438 = vector.extract %reduce_sum3A_437[15] : i32 from vector<16xi32>
    %add3A_439 = arith.addi %add3A_421, %reduce_sum3A_438 : i32
    %get3A_440 = arith.constant 320 : index
    %get3A_441 = tpu.vector_load %arg5[%get3A_440] {strides = array<i32>} : memref<384xf32, #tpu.memory_space<vmem>>, vector<16xf32>,
    %ne3A_442 = arith.cmpf one, %get3A_441, %broadcast_in_dim3A_34 : vector<16xf32>
    %convert_element_type3A_443 = arith.extui %ne3A_442 : vector<16xi1> to vector<16xi32>
    %broadcast_in_dim3A_444 = arith.constant true
    %broadcast_in_dim3A_445 = vector.broadcast %broadcast_in_dim3A_444 : i1 to vector<16xi1>
    %masked_cumsum3A_446 = tpu.scan <sum>, %convert_element_type3A_443 masked %broadcast_in_dim3A_445 : vector<16xi32>, vector<16xi1> -> vector<16xi32>
    %broadcast_in_dim3A_447 = arith.constant 320 : i32
    %broadcast_in_dim3A_448 = vector.broadcast %broadcast_in_dim3A_447 : i32 to vector<16xi32>
    %add3A_449 = arith.addi %iota3A, %broadcast_in_dim3A_448 : vector<16xi32>
    %broadcast_in_dim3A_450 = vector.broadcast %add3A_439 : i32 to vector<16xi32>
    %add3A_451 = arith.addi %masked_cumsum3A_446, %broadcast_in_dim3A_450 : vector<16xi32>
    %sub3A_452 = arith.subi %add3A_451, %broadcast_in_dim3A_36 : vector<16xi32>
    tpu.vector_store_idx %arg6[%sub3A_452], %add3A_449 masked %ne3A_442 : memref<384xi32, #tpu.memory_space<vmem>>[vector<16xi32>], vector<16xi32>, vector<16xi1>
    %reduce_sum3A_453 = arith.constant true
    %reduce_sum3A_454 = vector.broadcast %reduce_sum3A_453 : i1 to vector<16xi1>
    %reduce_sum3A_455 = tpu.scan <sum>, %convert_element_type3A_443 masked %reduce_sum3A_454 : vector<16xi32>, vector<16xi1> -> vector<16xi32>
    %reduce_sum3A_456 = vector.extract %reduce_sum3A_455[15] : i32 from vector<16xi32>
    %add3A_457 = arith.addi %add3A_439, %reduce_sum3A_456 : i32
    %get3A_458 = arith.constant 336 : index
    %get3A_459 = tpu.vector_load %arg5[%get3A_458] {strides = array<i32>} : memref<384xf32, #tpu.memory_space<vmem>>, vector<16xf32>,
    %ne3A_460 = arith.cmpf one, %get3A_459, %broadcast_in_dim3A_34 : vector<16xf32>
    %convert_element_type3A_461 = arith.extui %ne3A_460 : vector<16xi1> to vector<16xi32>
    %broadcast_in_dim3A_462 = arith.constant true
    %broadcast_in_dim3A_463 = vector.broadcast %broadcast_in_dim3A_462 : i1 to vector<16xi1>
    %masked_cumsum3A_464 = tpu.scan <sum>, %convert_element_type3A_461 masked %broadcast_in_dim3A_463 : vector<16xi32>, vector<16xi1> -> vector<16xi32>
    %broadcast_in_dim3A_465 = arith.constant 336 : i32
    %broadcast_in_dim3A_466 = vector.broadcast %broadcast_in_dim3A_465 : i32 to vector<16xi32>
    %add3A_467 = arith.addi %iota3A, %broadcast_in_dim3A_466 : vector<16xi32>
    %broadcast_in_dim3A_468 = vector.broadcast %add3A_457 : i32 to vector<16xi32>
    %add3A_469 = arith.addi %masked_cumsum3A_464, %broadcast_in_dim3A_468 : vector<16xi32>
    %sub3A_470 = arith.subi %add3A_469, %broadcast_in_dim3A_36 : vector<16xi32>
    tpu.vector_store_idx %arg6[%sub3A_470], %add3A_467 masked %ne3A_460 : memref<384xi32, #tpu.memory_space<vmem>>[vector<16xi32>], vector<16xi32>, vector<16xi1>
    %reduce_sum3A_471 = arith.constant true
    %reduce_sum3A_472 = vector.broadcast %reduce_sum3A_471 : i1 to vector<16xi1>
    %reduce_sum3A_473 = tpu.scan <sum>, %convert_element_type3A_461 masked %reduce_sum3A_472 : vector<16xi32>, vector<16xi1> -> vector<16xi32>
    %reduce_sum3A_474 = vector.extract %reduce_sum3A_473[15] : i32 from vector<16xi32>
    %add3A_475 = arith.addi %add3A_457, %reduce_sum3A_474 : i32
    %get3A_476 = arith.constant 352 : index
    %get3A_477 = tpu.vector_load %arg5[%get3A_476] {strides = array<i32>} : memref<384xf32, #tpu.memory_space<vmem>>, vector<16xf32>,
    %ne3A_478 = arith.cmpf one, %get3A_477, %broadcast_in_dim3A_34 : vector<16xf32>
    %convert_element_type3A_479 = arith.extui %ne3A_478 : vector<16xi1> to vector<16xi32>
    %broadcast_in_dim3A_480 = arith.constant true
    %broadcast_in_dim3A_481 = vector.broadcast %broadcast_in_dim3A_480 : i1 to vector<16xi1>
    %masked_cumsum3A_482 = tpu.scan <sum>, %convert_element_type3A_479 masked %broadcast_in_dim3A_481 : vector<16xi32>, vector<16xi1> -> vector<16xi32>
    %broadcast_in_dim3A_483 = arith.constant 352 : i32
    %broadcast_in_dim3A_484 = vector.broadcast %broadcast_in_dim3A_483 : i32 to vector<16xi32>
    %add3A_485 = arith.addi %iota3A, %broadcast_in_dim3A_484 : vector<16xi32>
    %broadcast_in_dim3A_486 = vector.broadcast %add3A_475 : i32 to vector<16xi32>
    %add3A_487 = arith.addi %masked_cumsum3A_482, %broadcast_in_dim3A_486 : vector<16xi32>
    %sub3A_488 = arith.subi %add3A_487, %broadcast_in_dim3A_36 : vector<16xi32>
    tpu.vector_store_idx %arg6[%sub3A_488], %add3A_485 masked %ne3A_478 : memref<384xi32, #tpu.memory_space<vmem>>[vector<16xi32>], vector<16xi32>, vector<16xi1>
    %reduce_sum3A_489 = arith.constant true
    %reduce_sum3A_490 = vector.broadcast %reduce_sum3A_489 : i1 to vector<16xi1>
    %reduce_sum3A_491 = tpu.scan <sum>, %convert_element_type3A_479 masked %reduce_sum3A_490 : vector<16xi32>, vector<16xi1> -> vector<16xi32>
    %reduce_sum3A_492 = vector.extract %reduce_sum3A_491[15] : i32 from vector<16xi32>
    %add3A_493 = arith.addi %add3A_475, %reduce_sum3A_492 : i32
    %get3A_494 = arith.constant 368 : index
    %get3A_495 = tpu.vector_load %arg5[%get3A_494] {strides = array<i32>} : memref<384xf32, #tpu.memory_space<vmem>>, vector<16xf32>,
    %ne3A_496 = arith.cmpf one, %get3A_495, %broadcast_in_dim3A_34 : vector<16xf32>
    %convert_element_type3A_497 = arith.extui %ne3A_496 : vector<16xi1> to vector<16xi32>
    %broadcast_in_dim3A_498 = arith.constant true
    %broadcast_in_dim3A_499 = vector.broadcast %broadcast_in_dim3A_498 : i1 to vector<16xi1>
    %masked_cumsum3A_500 = tpu.scan <sum>, %convert_element_type3A_497 masked %broadcast_in_dim3A_499 : vector<16xi32>, vector<16xi1> -> vector<16xi32>
    %broadcast_in_dim3A_501 = arith.constant 368 : i32
    %broadcast_in_dim3A_502 = vector.broadcast %broadcast_in_dim3A_501 : i32 to vector<16xi32>
    %add3A_503 = arith.addi %iota3A, %broadcast_in_dim3A_502 : vector<16xi32>
    %broadcast_in_dim3A_504 = vector.broadcast %add3A_493 : i32 to vector<16xi32>
    %add3A_505 = arith.addi %masked_cumsum3A_500, %broadcast_in_dim3A_504 : vector<16xi32>
    %sub3A_506 = arith.subi %add3A_505, %broadcast_in_dim3A_36 : vector<16xi32>
    tpu.vector_store_idx %arg6[%sub3A_506], %add3A_503 masked %ne3A_496 : memref<384xi32, #tpu.memory_space<vmem>>[vector<16xi32>], vector<16xi32>, vector<16xi1>
    %reduce_sum3A_507 = arith.constant true
    %reduce_sum3A_508 = vector.broadcast %reduce_sum3A_507 : i1 to vector<16xi1>
    %reduce_sum3A_509 = tpu.scan <sum>, %convert_element_type3A_497 masked %reduce_sum3A_508 : vector<16xi32>, vector<16xi1> -> vector<16xi32>
    %reduce_sum3A_510 = vector.extract %reduce_sum3A_509[15] : i32 from vector<16xi32>
    %add3A_511 = arith.addi %add3A_493, %reduce_sum3A_510 : i32
    %get3A_512 = arith.constant 0 : index
    %get3A_513 = tpu.vector_load %arg6[%get3A_512] {strides = array<i32>} : memref<384xi32, #tpu.memory_space<vmem>>, vector<16xi32>,
    %broadcast_in_dim3A_514 = arith.constant 0 : i32
    %broadcast_in_dim3A_515 = vector.broadcast %broadcast_in_dim3A_514 : i32 to vector<16xi32>
    %add3A_516 = arith.addi %iota3A, %broadcast_in_dim3A_515 : vector<16xi32>
    %eq3A = arith.cmpi eq, %get3A_513, %add3A_516 : vector<16xi32>
    %reduce_and3A = arith.constant 1.000000e+00 : f32
    %reduce_and3A_517 = arith.constant 0.000000e+00 : f32
    %reduce_and3A_518 = vector.broadcast %reduce_and3A : f32 to vector<16xf32>
    %reduce_and3A_519 = vector.broadcast %reduce_and3A_517 : f32 to vector<16xf32>
    %reduce_and3A_520 = arith.select %eq3A, %reduce_and3A_518, %reduce_and3A_519 : vector<16xi1>, vector<16xf32>
    %reduce_and3A_521 = arith.constant true
    %reduce_and3A_522 = vector.broadcast %reduce_and3A_521 : i1 to vector<16xi1>
    %reduce_and3A_523 = tpu.scan <min>, %reduce_and3A_520 masked %reduce_and3A_522 : vector<16xf32>, vector<16xi1> -> vector<16xf32>
    %reduce_and3A_524 = vector.extract %reduce_and3A_523[15] : f32 from vector<16xf32>
    %reduce_and3A_525 = arith.constant 0.000000e+00 : f32
    %reduce_and3A_526 = arith.cmpf ogt, %reduce_and3A_524, %reduce_and3A_525 : f32
    %and3A = arith.constant true
    %and3A_527 = arith.andi %and3A, %reduce_and3A_526 : i1
    %get3A_528 = arith.constant 16 : index
    %get3A_529 = tpu.vector_load %arg6[%get3A_528] {strides = array<i32>} : memref<384xi32, #tpu.memory_space<vmem>>, vector<16xi32>,
    %broadcast_in_dim3A_530 = arith.constant 16 : i32
    %broadcast_in_dim3A_531 = vector.broadcast %broadcast_in_dim3A_530 : i32 to vector<16xi32>
    %add3A_532 = arith.addi %iota3A, %broadcast_in_dim3A_531 : vector<16xi32>
    %eq3A_533 = arith.cmpi eq, %get3A_529, %add3A_532 : vector<16xi32>
    %reduce_and3A_534 = arith.constant 1.000000e+00 : f32
    %reduce_and3A_535 = arith.constant 0.000000e+00 : f32
    %reduce_and3A_536 = vector.broadcast %reduce_and3A_534 : f32 to vector<16xf32>
    %reduce_and3A_537 = vector.broadcast %reduce_and3A_535 : f32 to vector<16xf32>
    %reduce_and3A_538 = arith.select %eq3A_533, %reduce_and3A_536, %reduce_and3A_537 : vector<16xi1>, vector<16xf32>
    %reduce_and3A_539 = arith.constant true
    %reduce_and3A_540 = vector.broadcast %reduce_and3A_539 : i1 to vector<16xi1>
    %reduce_and3A_541 = tpu.scan <min>, %reduce_and3A_538 masked %reduce_and3A_540 : vector<16xf32>, vector<16xi1> -> vector<16xf32>
    %reduce_and3A_542 = vector.extract %reduce_and3A_541[15] : f32 from vector<16xf32>
    %reduce_and3A_543 = arith.constant 0.000000e+00 : f32
    %reduce_and3A_544 = arith.cmpf ogt, %reduce_and3A_542, %reduce_and3A_543 : f32
    %and3A_545 = arith.andi %and3A_527, %reduce_and3A_544 : i1
    %get3A_546 = arith.constant 32 : index
    %get3A_547 = tpu.vector_load %arg6[%get3A_546] {strides = array<i32>} : memref<384xi32, #tpu.memory_space<vmem>>, vector<16xi32>,
    %broadcast_in_dim3A_548 = arith.constant 32 : i32
    %broadcast_in_dim3A_549 = vector.broadcast %broadcast_in_dim3A_548 : i32 to vector<16xi32>
    %add3A_550 = arith.addi %iota3A, %broadcast_in_dim3A_549 : vector<16xi32>
    %eq3A_551 = arith.cmpi eq, %get3A_547, %add3A_550 : vector<16xi32>
    %reduce_and3A_552 = arith.constant 1.000000e+00 : f32
    %reduce_and3A_553 = arith.constant 0.000000e+00 : f32
    %reduce_and3A_554 = vector.broadcast %reduce_and3A_552 : f32 to vector<16xf32>
    %reduce_and3A_555 = vector.broadcast %reduce_and3A_553 : f32 to vector<16xf32>
    %reduce_and3A_556 = arith.select %eq3A_551, %reduce_and3A_554, %reduce_and3A_555 : vector<16xi1>, vector<16xf32>
    %reduce_and3A_557 = arith.constant true
    %reduce_and3A_558 = vector.broadcast %reduce_and3A_557 : i1 to vector<16xi1>
    %reduce_and3A_559 = tpu.scan <min>, %reduce_and3A_556 masked %reduce_and3A_558 : vector<16xf32>, vector<16xi1> -> vector<16xf32>
    %reduce_and3A_560 = vector.extract %reduce_and3A_559[15] : f32 from vector<16xf32>
    %reduce_and3A_561 = arith.constant 0.000000e+00 : f32
    %reduce_and3A_562 = arith.cmpf ogt, %reduce_and3A_560, %reduce_and3A_561 : f32
    %and3A_563 = arith.andi %and3A_545, %reduce_and3A_562 : i1
    %get3A_564 = arith.constant 48 : index
    %get3A_565 = tpu.vector_load %arg6[%get3A_564] {strides = array<i32>} : memref<384xi32, #tpu.memory_space<vmem>>, vector<16xi32>,
    %broadcast_in_dim3A_566 = arith.constant 48 : i32
    %broadcast_in_dim3A_567 = vector.broadcast %broadcast_in_dim3A_566 : i32 to vector<16xi32>
    %add3A_568 = arith.addi %iota3A, %broadcast_in_dim3A_567 : vector<16xi32>
    %eq3A_569 = arith.cmpi eq, %get3A_565, %add3A_568 : vector<16xi32>
    %reduce_and3A_570 = arith.constant 1.000000e+00 : f32
    %reduce_and3A_571 = arith.constant 0.000000e+00 : f32
    %reduce_and3A_572 = vector.broadcast %reduce_and3A_570 : f32 to vector<16xf32>
    %reduce_and3A_573 = vector.broadcast %reduce_and3A_571 : f32 to vector<16xf32>
    %reduce_and3A_574 = arith.select %eq3A_569, %reduce_and3A_572, %reduce_and3A_573 : vector<16xi1>, vector<16xf32>
    %reduce_and3A_575 = arith.constant true
    %reduce_and3A_576 = vector.broadcast %reduce_and3A_575 : i1 to vector<16xi1>
    %reduce_and3A_577 = tpu.scan <min>, %reduce_and3A_574 masked %reduce_and3A_576 : vector<16xf32>, vector<16xi1> -> vector<16xf32>
    %reduce_and3A_578 = vector.extract %reduce_and3A_577[15] : f32 from vector<16xf32>
    %reduce_and3A_579 = arith.constant 0.000000e+00 : f32
    %reduce_and3A_580 = arith.cmpf ogt, %reduce_and3A_578, %reduce_and3A_579 : f32
    %and3A_581 = arith.andi %and3A_563, %reduce_and3A_580 : i1
    %get3A_582 = arith.constant 64 : index
    %get3A_583 = tpu.vector_load %arg6[%get3A_582] {strides = array<i32>} : memref<384xi32, #tpu.memory_space<vmem>>, vector<16xi32>,
    %broadcast_in_dim3A_584 = arith.constant 64 : i32
    %broadcast_in_dim3A_585 = vector.broadcast %broadcast_in_dim3A_584 : i32 to vector<16xi32>
    %add3A_586 = arith.addi %iota3A, %broadcast_in_dim3A_585 : vector<16xi32>
    %eq3A_587 = arith.cmpi eq, %get3A_583, %add3A_586 : vector<16xi32>
    %reduce_and3A_588 = arith.constant 1.000000e+00 : f32
    %reduce_and3A_589 = arith.constant 0.000000e+00 : f32
    %reduce_and3A_590 = vector.broadcast %reduce_and3A_588 : f32 to vector<16xf32>
    %reduce_and3A_591 = vector.broadcast %reduce_and3A_589 : f32 to vector<16xf32>
    %reduce_and3A_592 = arith.select %eq3A_587, %reduce_and3A_590, %reduce_and3A_591 : vector<16xi1>, vector<16xf32>
    %reduce_and3A_593 = arith.constant true
    %reduce_and3A_594 = vector.broadcast %reduce_and3A_593 : i1 to vector<16xi1>
    %reduce_and3A_595 = tpu.scan <min>, %reduce_and3A_592 masked %reduce_and3A_594 : vector<16xf32>, vector<16xi1> -> vector<16xf32>
    %reduce_and3A_596 = vector.extract %reduce_and3A_595[15] : f32 from vector<16xf32>
    %reduce_and3A_597 = arith.constant 0.000000e+00 : f32
    %reduce_and3A_598 = arith.cmpf ogt, %reduce_and3A_596, %reduce_and3A_597 : f32
    %and3A_599 = arith.andi %and3A_581, %reduce_and3A_598 : i1
    %get3A_600 = arith.constant 80 : index
    %get3A_601 = tpu.vector_load %arg6[%get3A_600] {strides = array<i32>} : memref<384xi32, #tpu.memory_space<vmem>>, vector<16xi32>,
    %broadcast_in_dim3A_602 = arith.constant 80 : i32
    %broadcast_in_dim3A_603 = vector.broadcast %broadcast_in_dim3A_602 : i32 to vector<16xi32>
    %add3A_604 = arith.addi %iota3A, %broadcast_in_dim3A_603 : vector<16xi32>
    %eq3A_605 = arith.cmpi eq, %get3A_601, %add3A_604 : vector<16xi32>
    %reduce_and3A_606 = arith.constant 1.000000e+00 : f32
    %reduce_and3A_607 = arith.constant 0.000000e+00 : f32
    %reduce_and3A_608 = vector.broadcast %reduce_and3A_606 : f32 to vector<16xf32>
    %reduce_and3A_609 = vector.broadcast %reduce_and3A_607 : f32 to vector<16xf32>
    %reduce_and3A_610 = arith.select %eq3A_605, %reduce_and3A_608, %reduce_and3A_609 : vector<16xi1>, vector<16xf32>
    %reduce_and3A_611 = arith.constant true
    %reduce_and3A_612 = vector.broadcast %reduce_and3A_611 : i1 to vector<16xi1>
    %reduce_and3A_613 = tpu.scan <min>, %reduce_and3A_610 masked %reduce_and3A_612 : vector<16xf32>, vector<16xi1> -> vector<16xf32>
    %reduce_and3A_614 = vector.extract %reduce_and3A_613[15] : f32 from vector<16xf32>
    %reduce_and3A_615 = arith.constant 0.000000e+00 : f32
    %reduce_and3A_616 = arith.cmpf ogt, %reduce_and3A_614, %reduce_and3A_615 : f32
    %and3A_617 = arith.andi %and3A_599, %reduce_and3A_616 : i1
    %get3A_618 = arith.constant 96 : index
    %get3A_619 = tpu.vector_load %arg6[%get3A_618] {strides = array<i32>} : memref<384xi32, #tpu.memory_space<vmem>>, vector<16xi32>,
    %broadcast_in_dim3A_620 = arith.constant 96 : i32
    %broadcast_in_dim3A_621 = vector.broadcast %broadcast_in_dim3A_620 : i32 to vector<16xi32>
    %add3A_622 = arith.addi %iota3A, %broadcast_in_dim3A_621 : vector<16xi32>
    %eq3A_623 = arith.cmpi eq, %get3A_619, %add3A_622 : vector<16xi32>
    %reduce_and3A_624 = arith.constant 1.000000e+00 : f32
    %reduce_and3A_625 = arith.constant 0.000000e+00 : f32
    %reduce_and3A_626 = vector.broadcast %reduce_and3A_624 : f32 to vector<16xf32>
    %reduce_and3A_627 = vector.broadcast %reduce_and3A_625 : f32 to vector<16xf32>
    %reduce_and3A_628 = arith.select %eq3A_623, %reduce_and3A_626, %reduce_and3A_627 : vector<16xi1>, vector<16xf32>
    %reduce_and3A_629 = arith.constant true
    %reduce_and3A_630 = vector.broadcast %reduce_and3A_629 : i1 to vector<16xi1>
    %reduce_and3A_631 = tpu.scan <min>, %reduce_and3A_628 masked %reduce_and3A_630 : vector<16xf32>, vector<16xi1> -> vector<16xf32>
    %reduce_and3A_632 = vector.extract %reduce_and3A_631[15] : f32 from vector<16xf32>
    %reduce_and3A_633 = arith.constant 0.000000e+00 : f32
    %reduce_and3A_634 = arith.cmpf ogt, %reduce_and3A_632, %reduce_and3A_633 : f32
    %and3A_635 = arith.andi %and3A_617, %reduce_and3A_634 : i1
    %get3A_636 = arith.constant 112 : index
    %get3A_637 = tpu.vector_load %arg6[%get3A_636] {strides = array<i32>} : memref<384xi32, #tpu.memory_space<vmem>>, vector<16xi32>,
    %broadcast_in_dim3A_638 = arith.constant 112 : i32
    %broadcast_in_dim3A_639 = vector.broadcast %broadcast_in_dim3A_638 : i32 to vector<16xi32>
    %add3A_640 = arith.addi %iota3A, %broadcast_in_dim3A_639 : vector<16xi32>
    %eq3A_641 = arith.cmpi eq, %get3A_637, %add3A_640 : vector<16xi32>
    %reduce_and3A_642 = arith.constant 1.000000e+00 : f32
    %reduce_and3A_643 = arith.constant 0.000000e+00 : f32
    %reduce_and3A_644 = vector.broadcast %reduce_and3A_642 : f32 to vector<16xf32>
    %reduce_and3A_645 = vector.broadcast %reduce_and3A_643 : f32 to vector<16xf32>
    %reduce_and3A_646 = arith.select %eq3A_641, %reduce_and3A_644, %reduce_and3A_645 : vector<16xi1>, vector<16xf32>
    %reduce_and3A_647 = arith.constant true
    %reduce_and3A_648 = vector.broadcast %reduce_and3A_647 : i1 to vector<16xi1>
    %reduce_and3A_649 = tpu.scan <min>, %reduce_and3A_646 masked %reduce_and3A_648 : vector<16xf32>, vector<16xi1> -> vector<16xf32>
    %reduce_and3A_650 = vector.extract %reduce_and3A_649[15] : f32 from vector<16xf32>
    %reduce_and3A_651 = arith.constant 0.000000e+00 : f32
    %reduce_and3A_652 = arith.cmpf ogt, %reduce_and3A_650, %reduce_and3A_651 : f32
    %and3A_653 = arith.andi %and3A_635, %reduce_and3A_652 : i1
    %get3A_654 = arith.constant 128 : index
    %get3A_655 = tpu.vector_load %arg6[%get3A_654] {strides = array<i32>} : memref<384xi32, #tpu.memory_space<vmem>>, vector<16xi32>,
    %broadcast_in_dim3A_656 = arith.constant 128 : i32
    %broadcast_in_dim3A_657 = vector.broadcast %broadcast_in_dim3A_656 : i32 to vector<16xi32>
    %add3A_658 = arith.addi %iota3A, %broadcast_in_dim3A_657 : vector<16xi32>
    %eq3A_659 = arith.cmpi eq, %get3A_655, %add3A_658 : vector<16xi32>
    %reduce_and3A_660 = arith.constant 1.000000e+00 : f32
    %reduce_and3A_661 = arith.constant 0.000000e+00 : f32
    %reduce_and3A_662 = vector.broadcast %reduce_and3A_660 : f32 to vector<16xf32>
    %reduce_and3A_663 = vector.broadcast %reduce_and3A_661 : f32 to vector<16xf32>
    %reduce_and3A_664 = arith.select %eq3A_659, %reduce_and3A_662, %reduce_and3A_663 : vector<16xi1>, vector<16xf32>
    %reduce_and3A_665 = arith.constant true
    %reduce_and3A_666 = vector.broadcast %reduce_and3A_665 : i1 to vector<16xi1>
    %reduce_and3A_667 = tpu.scan <min>, %reduce_and3A_664 masked %reduce_and3A_666 : vector<16xf32>, vector<16xi1> -> vector<16xf32>
    %reduce_and3A_668 = vector.extract %reduce_and3A_667[15] : f32 from vector<16xf32>
    %reduce_and3A_669 = arith.constant 0.000000e+00 : f32
    %reduce_and3A_670 = arith.cmpf ogt, %reduce_and3A_668, %reduce_and3A_669 : f32
    %and3A_671 = arith.andi %and3A_653, %reduce_and3A_670 : i1
    %get3A_672 = arith.constant 144 : index
    %get3A_673 = tpu.vector_load %arg6[%get3A_672] {strides = array<i32>} : memref<384xi32, #tpu.memory_space<vmem>>, vector<16xi32>,
    %broadcast_in_dim3A_674 = arith.constant 144 : i32
    %broadcast_in_dim3A_675 = vector.broadcast %broadcast_in_dim3A_674 : i32 to vector<16xi32>
    %add3A_676 = arith.addi %iota3A, %broadcast_in_dim3A_675 : vector<16xi32>
    %eq3A_677 = arith.cmpi eq, %get3A_673, %add3A_676 : vector<16xi32>
    %reduce_and3A_678 = arith.constant 1.000000e+00 : f32
    %reduce_and3A_679 = arith.constant 0.000000e+00 : f32
    %reduce_and3A_680 = vector.broadcast %reduce_and3A_678 : f32 to vector<16xf32>
    %reduce_and3A_681 = vector.broadcast %reduce_and3A_679 : f32 to vector<16xf32>
    %reduce_and3A_682 = arith.select %eq3A_677, %reduce_and3A_680, %reduce_and3A_681 : vector<16xi1>, vector<16xf32>
    %reduce_and3A_683 = arith.constant true
    %reduce_and3A_684 = vector.broadcast %reduce_and3A_683 : i1 to vector<16xi1>
    %reduce_and3A_685 = tpu.scan <min>, %reduce_and3A_682 masked %reduce_and3A_684 : vector<16xf32>, vector<16xi1> -> vector<16xf32>
    %reduce_and3A_686 = vector.extract %reduce_and3A_685[15] : f32 from vector<16xf32>
    %reduce_and3A_687 = arith.constant 0.000000e+00 : f32
    %reduce_and3A_688 = arith.cmpf ogt, %reduce_and3A_686, %reduce_and3A_687 : f32
    %and3A_689 = arith.andi %and3A_671, %reduce_and3A_688 : i1
    %get3A_690 = arith.constant 160 : index
    %get3A_691 = tpu.vector_load %arg6[%get3A_690] {strides = array<i32>} : memref<384xi32, #tpu.memory_space<vmem>>, vector<16xi32>,
    %broadcast_in_dim3A_692 = arith.constant 160 : i32
    %broadcast_in_dim3A_693 = vector.broadcast %broadcast_in_dim3A_692 : i32 to vector<16xi32>
    %add3A_694 = arith.addi %iota3A, %broadcast_in_dim3A_693 : vector<16xi32>
    %eq3A_695 = arith.cmpi eq, %get3A_691, %add3A_694 : vector<16xi32>
    %reduce_and3A_696 = arith.constant 1.000000e+00 : f32
    %reduce_and3A_697 = arith.constant 0.000000e+00 : f32
    %reduce_and3A_698 = vector.broadcast %reduce_and3A_696 : f32 to vector<16xf32>
    %reduce_and3A_699 = vector.broadcast %reduce_and3A_697 : f32 to vector<16xf32>
    %reduce_and3A_700 = arith.select %eq3A_695, %reduce_and3A_698, %reduce_and3A_699 : vector<16xi1>, vector<16xf32>
    %reduce_and3A_701 = arith.constant true
    %reduce_and3A_702 = vector.broadcast %reduce_and3A_701 : i1 to vector<16xi1>
    %reduce_and3A_703 = tpu.scan <min>, %reduce_and3A_700 masked %reduce_and3A_702 : vector<16xf32>, vector<16xi1> -> vector<16xf32>
    %reduce_and3A_704 = vector.extract %reduce_and3A_703[15] : f32 from vector<16xf32>
    %reduce_and3A_705 = arith.constant 0.000000e+00 : f32
    %reduce_and3A_706 = arith.cmpf ogt, %reduce_and3A_704, %reduce_and3A_705 : f32
    %and3A_707 = arith.andi %and3A_689, %reduce_and3A_706 : i1
    %get3A_708 = arith.constant 176 : index
    %get3A_709 = tpu.vector_load %arg6[%get3A_708] {strides = array<i32>} : memref<384xi32, #tpu.memory_space<vmem>>, vector<16xi32>,
    %broadcast_in_dim3A_710 = arith.constant 176 : i32
    %broadcast_in_dim3A_711 = vector.broadcast %broadcast_in_dim3A_710 : i32 to vector<16xi32>
    %add3A_712 = arith.addi %iota3A, %broadcast_in_dim3A_711 : vector<16xi32>
    %eq3A_713 = arith.cmpi eq, %get3A_709, %add3A_712 : vector<16xi32>
    %reduce_and3A_714 = arith.constant 1.000000e+00 : f32
    %reduce_and3A_715 = arith.constant 0.000000e+00 : f32
    %reduce_and3A_716 = vector.broadcast %reduce_and3A_714 : f32 to vector<16xf32>
    %reduce_and3A_717 = vector.broadcast %reduce_and3A_715 : f32 to vector<16xf32>
    %reduce_and3A_718 = arith.select %eq3A_713, %reduce_and3A_716, %reduce_and3A_717 : vector<16xi1>, vector<16xf32>
    %reduce_and3A_719 = arith.constant true
    %reduce_and3A_720 = vector.broadcast %reduce_and3A_719 : i1 to vector<16xi1>
    %reduce_and3A_721 = tpu.scan <min>, %reduce_and3A_718 masked %reduce_and3A_720 : vector<16xf32>, vector<16xi1> -> vector<16xf32>
    %reduce_and3A_722 = vector.extract %reduce_and3A_721[15] : f32 from vector<16xf32>
    %reduce_and3A_723 = arith.constant 0.000000e+00 : f32
    %reduce_and3A_724 = arith.cmpf ogt, %reduce_and3A_722, %reduce_and3A_723 : f32
    %and3A_725 = arith.andi %and3A_707, %reduce_and3A_724 : i1
    %get3A_726 = arith.constant 192 : index
    %get3A_727 = tpu.vector_load %arg6[%get3A_726] {strides = array<i32>} : memref<384xi32, #tpu.memory_space<vmem>>, vector<16xi32>,
    %broadcast_in_dim3A_728 = arith.constant 192 : i32
    %broadcast_in_dim3A_729 = vector.broadcast %broadcast_in_dim3A_728 : i32 to vector<16xi32>
    %add3A_730 = arith.addi %iota3A, %broadcast_in_dim3A_729 : vector<16xi32>
    %eq3A_731 = arith.cmpi eq, %get3A_727, %add3A_730 : vector<16xi32>
    %reduce_and3A_732 = arith.constant 1.000000e+00 : f32
    %reduce_and3A_733 = arith.constant 0.000000e+00 : f32
    %reduce_and3A_734 = vector.broadcast %reduce_and3A_732 : f32 to vector<16xf32>
    %reduce_and3A_735 = vector.broadcast %reduce_and3A_733 : f32 to vector<16xf32>
    %reduce_and3A_736 = arith.select %eq3A_731, %reduce_and3A_734, %reduce_and3A_735 : vector<16xi1>, vector<16xf32>
    %reduce_and3A_737 = arith.constant true
    %reduce_and3A_738 = vector.broadcast %reduce_and3A_737 : i1 to vector<16xi1>
    %reduce_and3A_739 = tpu.scan <min>, %reduce_and3A_736 masked %reduce_and3A_738 : vector<16xf32>, vector<16xi1> -> vector<16xf32>
    %reduce_and3A_740 = vector.extract %reduce_and3A_739[15] : f32 from vector<16xf32>
    %reduce_and3A_741 = arith.constant 0.000000e+00 : f32
    %reduce_and3A_742 = arith.cmpf ogt, %reduce_and3A_740, %reduce_and3A_741 : f32
    %and3A_743 = arith.andi %and3A_725, %reduce_and3A_742 : i1
    %get3A_744 = arith.constant 208 : index
    %get3A_745 = tpu.vector_load %arg6[%get3A_744] {strides = array<i32>} : memref<384xi32, #tpu.memory_space<vmem>>, vector<16xi32>,
    %broadcast_in_dim3A_746 = arith.constant 208 : i32
    %broadcast_in_dim3A_747 = vector.broadcast %broadcast_in_dim3A_746 : i32 to vector<16xi32>
    %add3A_748 = arith.addi %iota3A, %broadcast_in_dim3A_747 : vector<16xi32>
    %eq3A_749 = arith.cmpi eq, %get3A_745, %add3A_748 : vector<16xi32>
    %reduce_and3A_750 = arith.constant 1.000000e+00 : f32
    %reduce_and3A_751 = arith.constant 0.000000e+00 : f32
    %reduce_and3A_752 = vector.broadcast %reduce_and3A_750 : f32 to vector<16xf32>
    %reduce_and3A_753 = vector.broadcast %reduce_and3A_751 : f32 to vector<16xf32>
    %reduce_and3A_754 = arith.select %eq3A_749, %reduce_and3A_752, %reduce_and3A_753 : vector<16xi1>, vector<16xf32>
    %reduce_and3A_755 = arith.constant true
    %reduce_and3A_756 = vector.broadcast %reduce_and3A_755 : i1 to vector<16xi1>
    %reduce_and3A_757 = tpu.scan <min>, %reduce_and3A_754 masked %reduce_and3A_756 : vector<16xf32>, vector<16xi1> -> vector<16xf32>
    %reduce_and3A_758 = vector.extract %reduce_and3A_757[15] : f32 from vector<16xf32>
    %reduce_and3A_759 = arith.constant 0.000000e+00 : f32
    %reduce_and3A_760 = arith.cmpf ogt, %reduce_and3A_758, %reduce_and3A_759 : f32
    %and3A_761 = arith.andi %and3A_743, %reduce_and3A_760 : i1
    %get3A_762 = arith.constant 224 : index
    %get3A_763 = tpu.vector_load %arg6[%get3A_762] {strides = array<i32>} : memref<384xi32, #tpu.memory_space<vmem>>, vector<16xi32>,
    %broadcast_in_dim3A_764 = arith.constant 224 : i32
    %broadcast_in_dim3A_765 = vector.broadcast %broadcast_in_dim3A_764 : i32 to vector<16xi32>
    %add3A_766 = arith.addi %iota3A, %broadcast_in_dim3A_765 : vector<16xi32>
    %eq3A_767 = arith.cmpi eq, %get3A_763, %add3A_766 : vector<16xi32>
    %reduce_and3A_768 = arith.constant 1.000000e+00 : f32
    %reduce_and3A_769 = arith.constant 0.000000e+00 : f32
    %reduce_and3A_770 = vector.broadcast %reduce_and3A_768 : f32 to vector<16xf32>
    %reduce_and3A_771 = vector.broadcast %reduce_and3A_769 : f32 to vector<16xf32>
    %reduce_and3A_772 = arith.select %eq3A_767, %reduce_and3A_770, %reduce_and3A_771 : vector<16xi1>, vector<16xf32>
    %reduce_and3A_773 = arith.constant true
    %reduce_and3A_774 = vector.broadcast %reduce_and3A_773 : i1 to vector<16xi1>
    %reduce_and3A_775 = tpu.scan <min>, %reduce_and3A_772 masked %reduce_and3A_774 : vector<16xf32>, vector<16xi1> -> vector<16xf32>
    %reduce_and3A_776 = vector.extract %reduce_and3A_775[15] : f32 from vector<16xf32>
    %reduce_and3A_777 = arith.constant 0.000000e+00 : f32
    %reduce_and3A_778 = arith.cmpf ogt, %reduce_and3A_776, %reduce_and3A_777 : f32
    %and3A_779 = arith.andi %and3A_761, %reduce_and3A_778 : i1
    %get3A_780 = arith.constant 240 : index
    %get3A_781 = tpu.vector_load %arg6[%get3A_780] {strides = array<i32>} : memref<384xi32, #tpu.memory_space<vmem>>, vector<16xi32>,
    %broadcast_in_dim3A_782 = arith.constant 240 : i32
    %broadcast_in_dim3A_783 = vector.broadcast %broadcast_in_dim3A_782 : i32 to vector<16xi32>
    %add3A_784 = arith.addi %iota3A, %broadcast_in_dim3A_783 : vector<16xi32>
    %eq3A_785 = arith.cmpi eq, %get3A_781, %add3A_784 : vector<16xi32>
    %reduce_and3A_786 = arith.constant 1.000000e+00 : f32
    %reduce_and3A_787 = arith.constant 0.000000e+00 : f32
    %reduce_and3A_788 = vector.broadcast %reduce_and3A_786 : f32 to vector<16xf32>
    %reduce_and3A_789 = vector.broadcast %reduce_and3A_787 : f32 to vector<16xf32>
    %reduce_and3A_790 = arith.select %eq3A_785, %reduce_and3A_788, %reduce_and3A_789 : vector<16xi1>, vector<16xf32>
    %reduce_and3A_791 = arith.constant true
    %reduce_and3A_792 = vector.broadcast %reduce_and3A_791 : i1 to vector<16xi1>
    %reduce_and3A_793 = tpu.scan <min>, %reduce_and3A_790 masked %reduce_and3A_792 : vector<16xf32>, vector<16xi1> -> vector<16xf32>
    %reduce_and3A_794 = vector.extract %reduce_and3A_793[15] : f32 from vector<16xf32>
    %reduce_and3A_795 = arith.constant 0.000000e+00 : f32
    %reduce_and3A_796 = arith.cmpf ogt, %reduce_and3A_794, %reduce_and3A_795 : f32
    %and3A_797 = arith.andi %and3A_779, %reduce_and3A_796 : i1
    %get3A_798 = arith.constant 256 : index
    %get3A_799 = tpu.vector_load %arg6[%get3A_798] {strides = array<i32>} : memref<384xi32, #tpu.memory_space<vmem>>, vector<16xi32>,
    %broadcast_in_dim3A_800 = arith.constant 256 : i32
    %broadcast_in_dim3A_801 = vector.broadcast %broadcast_in_dim3A_800 : i32 to vector<16xi32>
    %add3A_802 = arith.addi %iota3A, %broadcast_in_dim3A_801 : vector<16xi32>
    %eq3A_803 = arith.cmpi eq, %get3A_799, %add3A_802 : vector<16xi32>
    %reduce_and3A_804 = arith.constant 1.000000e+00 : f32
    %reduce_and3A_805 = arith.constant 0.000000e+00 : f32
    %reduce_and3A_806 = vector.broadcast %reduce_and3A_804 : f32 to vector<16xf32>
    %reduce_and3A_807 = vector.broadcast %reduce_and3A_805 : f32 to vector<16xf32>
    %reduce_and3A_808 = arith.select %eq3A_803, %reduce_and3A_806, %reduce_and3A_807 : vector<16xi1>, vector<16xf32>
    %reduce_and3A_809 = arith.constant true
    %reduce_and3A_810 = vector.broadcast %reduce_and3A_809 : i1 to vector<16xi1>
    %reduce_and3A_811 = tpu.scan <min>, %reduce_and3A_808 masked %reduce_and3A_810 : vector<16xf32>, vector<16xi1> -> vector<16xf32>
    %reduce_and3A_812 = vector.extract %reduce_and3A_811[15] : f32 from vector<16xf32>
    %reduce_and3A_813 = arith.constant 0.000000e+00 : f32
    %reduce_and3A_814 = arith.cmpf ogt, %reduce_and3A_812, %reduce_and3A_813 : f32
    %and3A_815 = arith.andi %and3A_797, %reduce_and3A_814 : i1
    %get3A_816 = arith.constant 272 : index
    %get3A_817 = tpu.vector_load %arg6[%get3A_816] {strides = array<i32>} : memref<384xi32, #tpu.memory_space<vmem>>, vector<16xi32>,
    %broadcast_in_dim3A_818 = arith.constant 272 : i32
    %broadcast_in_dim3A_819 = vector.broadcast %broadcast_in_dim3A_818 : i32 to vector<16xi32>
    %add3A_820 = arith.addi %iota3A, %broadcast_in_dim3A_819 : vector<16xi32>
    %eq3A_821 = arith.cmpi eq, %get3A_817, %add3A_820 : vector<16xi32>
    %reduce_and3A_822 = arith.constant 1.000000e+00 : f32
    %reduce_and3A_823 = arith.constant 0.000000e+00 : f32
    %reduce_and3A_824 = vector.broadcast %reduce_and3A_822 : f32 to vector<16xf32>
    %reduce_and3A_825 = vector.broadcast %reduce_and3A_823 : f32 to vector<16xf32>
    %reduce_and3A_826 = arith.select %eq3A_821, %reduce_and3A_824, %reduce_and3A_825 : vector<16xi1>, vector<16xf32>
    %reduce_and3A_827 = arith.constant true
    %reduce_and3A_828 = vector.broadcast %reduce_and3A_827 : i1 to vector<16xi1>
    %reduce_and3A_829 = tpu.scan <min>, %reduce_and3A_826 masked %reduce_and3A_828 : vector<16xf32>, vector<16xi1> -> vector<16xf32>
    %reduce_and3A_830 = vector.extract %reduce_and3A_829[15] : f32 from vector<16xf32>
    %reduce_and3A_831 = arith.constant 0.000000e+00 : f32
    %reduce_and3A_832 = arith.cmpf ogt, %reduce_and3A_830, %reduce_and3A_831 : f32
    %and3A_833 = arith.andi %and3A_815, %reduce_and3A_832 : i1
    %get3A_834 = arith.constant 288 : index
    %get3A_835 = tpu.vector_load %arg6[%get3A_834] {strides = array<i32>} : memref<384xi32, #tpu.memory_space<vmem>>, vector<16xi32>,
    %broadcast_in_dim3A_836 = arith.constant 288 : i32
    %broadcast_in_dim3A_837 = vector.broadcast %broadcast_in_dim3A_836 : i32 to vector<16xi32>
    %add3A_838 = arith.addi %iota3A, %broadcast_in_dim3A_837 : vector<16xi32>
    %eq3A_839 = arith.cmpi eq, %get3A_835, %add3A_838 : vector<16xi32>
    %reduce_and3A_840 = arith.constant 1.000000e+00 : f32
    %reduce_and3A_841 = arith.constant 0.000000e+00 : f32
    %reduce_and3A_842 = vector.broadcast %reduce_and3A_840 : f32 to vector<16xf32>
    %reduce_and3A_843 = vector.broadcast %reduce_and3A_841 : f32 to vector<16xf32>
    %reduce_and3A_844 = arith.select %eq3A_839, %reduce_and3A_842, %reduce_and3A_843 : vector<16xi1>, vector<16xf32>
    %reduce_and3A_845 = arith.constant true
    %reduce_and3A_846 = vector.broadcast %reduce_and3A_845 : i1 to vector<16xi1>
    %reduce_and3A_847 = tpu.scan <min>, %reduce_and3A_844 masked %reduce_and3A_846 : vector<16xf32>, vector<16xi1> -> vector<16xf32>
    %reduce_and3A_848 = vector.extract %reduce_and3A_847[15] : f32 from vector<16xf32>
    %reduce_and3A_849 = arith.constant 0.000000e+00 : f32
    %reduce_and3A_850 = arith.cmpf ogt, %reduce_and3A_848, %reduce_and3A_849 : f32
    %and3A_851 = arith.andi %and3A_833, %reduce_and3A_850 : i1
    %get3A_852 = arith.constant 304 : index
    %get3A_853 = tpu.vector_load %arg6[%get3A_852] {strides = array<i32>} : memref<384xi32, #tpu.memory_space<vmem>>, vector<16xi32>,
    %broadcast_in_dim3A_854 = arith.constant 304 : i32
    %broadcast_in_dim3A_855 = vector.broadcast %broadcast_in_dim3A_854 : i32 to vector<16xi32>
    %add3A_856 = arith.addi %iota3A, %broadcast_in_dim3A_855 : vector<16xi32>
    %eq3A_857 = arith.cmpi eq, %get3A_853, %add3A_856 : vector<16xi32>
    %reduce_and3A_858 = arith.constant 1.000000e+00 : f32
    %reduce_and3A_859 = arith.constant 0.000000e+00 : f32
    %reduce_and3A_860 = vector.broadcast %reduce_and3A_858 : f32 to vector<16xf32>
    %reduce_and3A_861 = vector.broadcast %reduce_and3A_859 : f32 to vector<16xf32>
    %reduce_and3A_862 = arith.select %eq3A_857, %reduce_and3A_860, %reduce_and3A_861 : vector<16xi1>, vector<16xf32>
    %reduce_and3A_863 = arith.constant true
    %reduce_and3A_864 = vector.broadcast %reduce_and3A_863 : i1 to vector<16xi1>
    %reduce_and3A_865 = tpu.scan <min>, %reduce_and3A_862 masked %reduce_and3A_864 : vector<16xf32>, vector<16xi1> -> vector<16xf32>
    %reduce_and3A_866 = vector.extract %reduce_and3A_865[15] : f32 from vector<16xf32>
    %reduce_and3A_867 = arith.constant 0.000000e+00 : f32
    %reduce_and3A_868 = arith.cmpf ogt, %reduce_and3A_866, %reduce_and3A_867 : f32
    %and3A_869 = arith.andi %and3A_851, %reduce_and3A_868 : i1
    %get3A_870 = arith.constant 320 : index
    %get3A_871 = tpu.vector_load %arg6[%get3A_870] {strides = array<i32>} : memref<384xi32, #tpu.memory_space<vmem>>, vector<16xi32>,
    %broadcast_in_dim3A_872 = arith.constant 320 : i32
    %broadcast_in_dim3A_873 = vector.broadcast %broadcast_in_dim3A_872 : i32 to vector<16xi32>
    %add3A_874 = arith.addi %iota3A, %broadcast_in_dim3A_873 : vector<16xi32>
    %eq3A_875 = arith.cmpi eq, %get3A_871, %add3A_874 : vector<16xi32>
    %reduce_and3A_876 = arith.constant 1.000000e+00 : f32
    %reduce_and3A_877 = arith.constant 0.000000e+00 : f32
    %reduce_and3A_878 = vector.broadcast %reduce_and3A_876 : f32 to vector<16xf32>
    %reduce_and3A_879 = vector.broadcast %reduce_and3A_877 : f32 to vector<16xf32>
    %reduce_and3A_880 = arith.select %eq3A_875, %reduce_and3A_878, %reduce_and3A_879 : vector<16xi1>, vector<16xf32>
    %reduce_and3A_881 = arith.constant true
    %reduce_and3A_882 = vector.broadcast %reduce_and3A_881 : i1 to vector<16xi1>
    %reduce_and3A_883 = tpu.scan <min>, %reduce_and3A_880 masked %reduce_and3A_882 : vector<16xf32>, vector<16xi1> -> vector<16xf32>
    %reduce_and3A_884 = vector.extract %reduce_and3A_883[15] : f32 from vector<16xf32>
    %reduce_and3A_885 = arith.constant 0.000000e+00 : f32
    %reduce_and3A_886 = arith.cmpf ogt, %reduce_and3A_884, %reduce_and3A_885 : f32
    %and3A_887 = arith.andi %and3A_869, %reduce_and3A_886 : i1
    %get3A_888 = arith.constant 336 : index
    %get3A_889 = tpu.vector_load %arg6[%get3A_888] {strides = array<i32>} : memref<384xi32, #tpu.memory_space<vmem>>, vector<16xi32>,
    %broadcast_in_dim3A_890 = arith.constant 336 : i32
    %broadcast_in_dim3A_891 = vector.broadcast %broadcast_in_dim3A_890 : i32 to vector<16xi32>
    %add3A_892 = arith.addi %iota3A, %broadcast_in_dim3A_891 : vector<16xi32>
    %eq3A_893 = arith.cmpi eq, %get3A_889, %add3A_892 : vector<16xi32>
    %reduce_and3A_894 = arith.constant 1.000000e+00 : f32
    %reduce_and3A_895 = arith.constant 0.000000e+00 : f32
    %reduce_and3A_896 = vector.broadcast %reduce_and3A_894 : f32 to vector<16xf32>
    %reduce_and3A_897 = vector.broadcast %reduce_and3A_895 : f32 to vector<16xf32>
    %reduce_and3A_898 = arith.select %eq3A_893, %reduce_and3A_896, %reduce_and3A_897 : vector<16xi1>, vector<16xf32>
    %reduce_and3A_899 = arith.constant true
    %reduce_and3A_900 = vector.broadcast %reduce_and3A_899 : i1 to vector<16xi1>
    %reduce_and3A_901 = tpu.scan <min>, %reduce_and3A_898 masked %reduce_and3A_900 : vector<16xf32>, vector<16xi1> -> vector<16xf32>
    %reduce_and3A_902 = vector.extract %reduce_and3A_901[15] : f32 from vector<16xf32>
    %reduce_and3A_903 = arith.constant 0.000000e+00 : f32
    %reduce_and3A_904 = arith.cmpf ogt, %reduce_and3A_902, %reduce_and3A_903 : f32
    %and3A_905 = arith.andi %and3A_887, %reduce_and3A_904 : i1
    %get3A_906 = arith.constant 352 : index
    %get3A_907 = tpu.vector_load %arg6[%get3A_906] {strides = array<i32>} : memref<384xi32, #tpu.memory_space<vmem>>, vector<16xi32>,
    %broadcast_in_dim3A_908 = arith.constant 352 : i32
    %broadcast_in_dim3A_909 = vector.broadcast %broadcast_in_dim3A_908 : i32 to vector<16xi32>
    %add3A_910 = arith.addi %iota3A, %broadcast_in_dim3A_909 : vector<16xi32>
    %eq3A_911 = arith.cmpi eq, %get3A_907, %add3A_910 : vector<16xi32>
    %reduce_and3A_912 = arith.constant 1.000000e+00 : f32
    %reduce_and3A_913 = arith.constant 0.000000e+00 : f32
    %reduce_and3A_914 = vector.broadcast %reduce_and3A_912 : f32 to vector<16xf32>
    %reduce_and3A_915 = vector.broadcast %reduce_and3A_913 : f32 to vector<16xf32>
    %reduce_and3A_916 = arith.select %eq3A_911, %reduce_and3A_914, %reduce_and3A_915 : vector<16xi1>, vector<16xf32>
    %reduce_and3A_917 = arith.constant true
    %reduce_and3A_918 = vector.broadcast %reduce_and3A_917 : i1 to vector<16xi1>
    %reduce_and3A_919 = tpu.scan <min>, %reduce_and3A_916 masked %reduce_and3A_918 : vector<16xf32>, vector<16xi1> -> vector<16xf32>
    %reduce_and3A_920 = vector.extract %reduce_and3A_919[15] : f32 from vector<16xf32>
    %reduce_and3A_921 = arith.constant 0.000000e+00 : f32
    %reduce_and3A_922 = arith.cmpf ogt, %reduce_and3A_920, %reduce_and3A_921 : f32
    %and3A_923 = arith.andi %and3A_905, %reduce_and3A_922 : i1
    %get3A_924 = arith.constant 368 : index
    %get3A_925 = tpu.vector_load %arg6[%get3A_924] {strides = array<i32>} : memref<384xi32, #tpu.memory_space<vmem>>, vector<16xi32>,
    %broadcast_in_dim3A_926 = arith.constant 368 : i32
    %broadcast_in_dim3A_927 = vector.broadcast %broadcast_in_dim3A_926 : i32 to vector<16xi32>
    %add3A_928 = arith.addi %iota3A, %broadcast_in_dim3A_927 : vector<16xi32>
    %eq3A_929 = arith.cmpi eq, %get3A_925, %add3A_928 : vector<16xi32>
    %reduce_and3A_930 = arith.constant 1.000000e+00 : f32
    %reduce_and3A_931 = arith.constant 0.000000e+00 : f32
    %reduce_and3A_932 = vector.broadcast %reduce_and3A_930 : f32 to vector<16xf32>
    %reduce_and3A_933 = vector.broadcast %reduce_and3A_931 : f32 to vector<16xf32>
    %reduce_and3A_934 = arith.select %eq3A_929, %reduce_and3A_932, %reduce_and3A_933 : vector<16xi1>, vector<16xf32>
    %reduce_and3A_935 = arith.constant true
    %reduce_and3A_936 = vector.broadcast %reduce_and3A_935 : i1 to vector<16xi1>
    %reduce_and3A_937 = tpu.scan <min>, %reduce_and3A_934 masked %reduce_and3A_936 : vector<16xf32>, vector<16xi1> -> vector<16xf32>
    %reduce_and3A_938 = vector.extract %reduce_and3A_937[15] : f32 from vector<16xf32>
    %reduce_and3A_939 = arith.constant 0.000000e+00 : f32
    %reduce_and3A_940 = arith.cmpf ogt, %reduce_and3A_938, %reduce_and3A_939 : f32
    %and3A_941 = arith.andi %and3A_923, %reduce_and3A_940 : i1
    %convert_element_type3A_942 = arith.extui %and3A_941 : i1 to i32
    %cond3A = arith.constant 0 : i32
    %cond3A_943 = arith.cmpi ne, %convert_element_type3A_942, %cond3A : i32
    scf.if %cond3A_943 {
      %add3A_952 = arith.constant 112 : i32
      %add3A_953 = arith.addi %mul3A_2, %add3A_952 : i32
      %dma_start3A_954 = arith.constant 1 : i32
      %dma_start3A_955 = arith.constant 0 : i32
      %dma_start3A_956 = arith.constant 0 : i32
      %dma_start3A_957 = tpu.memref_slice %arg7[%dma_start3A_954, %dma_start3A_955, %dma_start3A_956] : memref<3x112x384xf32, #tpu.memory_space<vmem>> -> memref<1x112x384xf32, #tpu.memory_space<vmem>>
      %dma_start3A_958 = tpu.memref_squeeze %dma_start3A_957 : memref<1x112x384xf32, #tpu.memory_space<vmem>> -> memref<112x384xf32, #tpu.memory_space<vmem>>
      %dma_start3A_959 = arith.constant 0 : i32
      %dma_start3A_960 = tpu.memref_slice %arg2[%add3A_953, %dma_start3A_959] : memref<50176x384xf32, #tpu.memory_space<hbm>> -> memref<112x384xf32, #tpu.memory_space<hbm>>
      %dma_start3A_961 = arith.constant 0 : i32
      %dma_start3A_962 = arith.constant 0 : i32
      %dma_start3A_963 = tpu.memref_slice %arg7[%dma_start3A_954, %dma_start3A_961, %dma_start3A_962] : memref<3x112x384xf32, #tpu.memory_space<vmem>> -> memref<1x112x384xf32, #tpu.memory_space<vmem>>
      %dma_start3A_964 = tpu.memref_squeeze %dma_start3A_963 : memref<1x112x384xf32, #tpu.memory_space<vmem>> -> memref<112x384xf32, #tpu.memory_space<vmem>>
      %dma_start3A_965 = arith.constant 0 : i32
      %dma_start3A_966 = tpu.memref_slice %arg2[%add3A_953, %dma_start3A_965] : memref<50176x384xf32, #tpu.memory_space<hbm>> -> memref<112x384xf32, #tpu.memory_space<hbm>>
      tpu.enqueue_dma source(%dma_start3A_966 : memref<112x384xf32, #tpu.memory_space<hbm>>) target(%dma_start3A_964 : memref<112x384xf32, #tpu.memory_space<vmem>>) target_semaphore(%arg9 : memref<!tpu.dma_semaphore, #tpu.memory_space<semaphore_mem>>)
      %add3A_967 = arith.constant 224 : i32
      %add3A_968 = arith.addi %mul3A_2, %add3A_967 : i32
      %dma_start3A_969 = arith.constant 2 : i32
      %dma_start3A_970 = arith.constant 0 : i32
      %dma_start3A_971 = arith.constant 0 : i32
      %dma_start3A_972 = tpu.memref_slice %arg7[%dma_start3A_969, %dma_start3A_970, %dma_start3A_971] : memref<3x112x384xf32, #tpu.memory_space<vmem>> -> memref<1x112x384xf32, #tpu.memory_space<vmem>>
      %dma_start3A_973 = tpu.memref_squeeze %dma_start3A_972 : memref<1x112x384xf32, #tpu.memory_space<vmem>> -> memref<112x384xf32, #tpu.memory_space<vmem>>
      %dma_start3A_974 = arith.constant 0 : i32
      %dma_start3A_975 = tpu.memref_slice %arg2[%add3A_968, %dma_start3A_974] : memref<50176x384xf32, #tpu.memory_space<hbm>> -> memref<112x384xf32, #tpu.memory_space<hbm>>
      %dma_start3A_976 = arith.constant 0 : i32
      %dma_start3A_977 = arith.constant 0 : i32
      %dma_start3A_978 = tpu.memref_slice %arg7[%dma_start3A_969, %dma_start3A_976, %dma_start3A_977] : memref<3x112x384xf32, #tpu.memory_space<vmem>> -> memref<1x112x384xf32, #tpu.memory_space<vmem>>
      %dma_start3A_979 = tpu.memref_squeeze %dma_start3A_978 : memref<1x112x384xf32, #tpu.memory_space<vmem>> -> memref<112x384xf32, #tpu.memory_space<vmem>>
      %dma_start3A_980 = arith.constant 0 : i32
      %dma_start3A_981 = tpu.memref_slice %arg2[%add3A_968, %dma_start3A_980] : memref<50176x384xf32, #tpu.memory_space<hbm>> -> memref<112x384xf32, #tpu.memory_space<hbm>>
      tpu.enqueue_dma source(%dma_start3A_981 : memref<112x384xf32, #tpu.memory_space<hbm>>) target(%dma_start3A_979 : memref<112x384xf32, #tpu.memory_space<vmem>>) target_semaphore(%arg10 : memref<!tpu.dma_semaphore, #tpu.memory_space<semaphore_mem>>)
      %add3A_982 = arith.constant 0 : i32
      %add3A_983 = arith.addi %mul3A_2, %add3A_982 : i32
      %dma_wait3A = arith.constant 0 : i32
      %dma_wait3A_984 = arith.constant 0 : i32
      %dma_wait3A_985 = arith.constant 0 : i32
      %dma_wait3A_986 = tpu.memref_slice %arg7[%dma_wait3A, %dma_wait3A_984, %dma_wait3A_985] : memref<3x112x384xf32, #tpu.memory_space<vmem>> -> memref<1x112x384xf32, #tpu.memory_space<vmem>>
      %dma_wait3A_987 = tpu.memref_squeeze %dma_wait3A_986 : memref<1x112x384xf32, #tpu.memory_space<vmem>> -> memref<112x384xf32, #tpu.memory_space<vmem>>
      %dma_wait3A_988 = arith.constant 0 : i32
      %dma_wait3A_989 = tpu.memref_slice %arg2[%add3A_983, %dma_wait3A_988] : memref<50176x384xf32, #tpu.memory_space<hbm>> -> memref<112x384xf32, #tpu.memory_space<hbm>>
      %dma_wait3A_990 = arith.constant 0 : i32
      %dma_wait3A_991 = arith.constant 0 : i32
      %dma_wait3A_992 = tpu.memref_slice %arg7[%dma_wait3A, %dma_wait3A_990, %dma_wait3A_991] : memref<3x112x384xf32, #tpu.memory_space<vmem>> -> memref<1x112x384xf32, #tpu.memory_space<vmem>>
      %dma_wait3A_993 = tpu.memref_squeeze %dma_wait3A_992 : memref<1x112x384xf32, #tpu.memory_space<vmem>> -> memref<112x384xf32, #tpu.memory_space<vmem>>
      %dma_wait3A_994 = arith.constant 0 : i32
      %dma_wait3A_995 = tpu.memref_slice %arg2[%add3A_983, %dma_wait3A_994] : memref<50176x384xf32, #tpu.memory_space<hbm>> -> memref<112x384xf32, #tpu.memory_space<hbm>>
      tpu.wait_dma2 semaphore(%arg8 : memref<!tpu.dma_semaphore, #tpu.memory_space<semaphore_mem>>) src(%dma_wait3A_995 : memref<112x384xf32, #tpu.memory_space<hbm>>) dst(%dma_wait3A_993 : memref<112x384xf32, #tpu.memory_space<vmem>>)
      %add3A_996 = arith.constant 0 : i32
      %add3A_997 = arith.addi %mul3A_2, %add3A_996 : i32
      %dma_start3A_998 = arith.constant 0 : i32
      %dma_start3A_999 = arith.constant 0 : i32
      %dma_start3A_1000 = arith.constant 0 : i32
      %dma_start3A_1001 = tpu.memref_slice %arg7[%dma_start3A_998, %dma_start3A_999, %dma_start3A_1000] : memref<3x112x384xf32, #tpu.memory_space<vmem>> -> memref<1x112x384xf32, #tpu.memory_space<vmem>>
      %dma_start3A_1002 = tpu.memref_squeeze %dma_start3A_1001 : memref<1x112x384xf32, #tpu.memory_space<vmem>> -> memref<112x384xf32, #tpu.memory_space<vmem>>
      %dma_start3A_1003 = arith.constant 0 : i32
      %dma_start3A_1004 = tpu.memref_slice %arg4[%add3A_997, %dma_start3A_1003] : memref<50176x384xf32, #tpu.memory_space<hbm>> -> memref<112x384xf32, #tpu.memory_space<hbm>>
      %dma_start3A_1005 = arith.constant 0 : i32
      %dma_start3A_1006 = tpu.memref_slice %arg4[%add3A_997, %dma_start3A_1005] : memref<50176x384xf32, #tpu.memory_space<hbm>> -> memref<112x384xf32, #tpu.memory_space<hbm>>
      %dma_start3A_1007 = arith.constant 0 : i32
      %dma_start3A_1008 = arith.constant 0 : i32
      %dma_start3A_1009 = tpu.memref_slice %arg7[%dma_start3A_998, %dma_start3A_1007, %dma_start3A_1008] : memref<3x112x384xf32, #tpu.memory_space<vmem>> -> memref<1x112x384xf32, #tpu.memory_space<vmem>>
      %dma_start3A_1010 = tpu.memref_squeeze %dma_start3A_1009 : memref<1x112x384xf32, #tpu.memory_space<vmem>> -> memref<112x384xf32, #tpu.memory_space<vmem>>
      tpu.enqueue_dma source(%dma_start3A_1010 : memref<112x384xf32, #tpu.memory_space<vmem>>) target(%dma_start3A_1006 : memref<112x384xf32, #tpu.memory_space<hbm>>) target_semaphore(%arg11 : memref<!tpu.dma_semaphore, #tpu.memory_space<semaphore_mem>>)
      %add3A_1011 = arith.constant 0 : i32
      %add3A_1012 = arith.addi %mul3A_2, %add3A_1011 : i32
      %dma_wait3A_1013 = arith.constant 1 : i32
      %dma_wait3A_1014 = arith.constant 0 : i32
      %dma_wait3A_1015 = arith.constant 0 : i32
      %dma_wait3A_1016 = tpu.memref_slice %arg7[%dma_wait3A_1013, %dma_wait3A_1014, %dma_wait3A_1015] : memref<3x112x384xf32, #tpu.memory_space<vmem>> -> memref<1x112x384xf32, #tpu.memory_space<vmem>>
      %dma_wait3A_1017 = tpu.memref_squeeze %dma_wait3A_1016 : memref<1x112x384xf32, #tpu.memory_space<vmem>> -> memref<112x384xf32, #tpu.memory_space<vmem>>
      %dma_wait3A_1018 = arith.constant 0 : i32
      %dma_wait3A_1019 = tpu.memref_slice %arg2[%add3A_1012, %dma_wait3A_1018] : memref<50176x384xf32, #tpu.memory_space<hbm>> -> memref<112x384xf32, #tpu.memory_space<hbm>>
      %dma_wait3A_1020 = arith.constant 0 : i32
      %dma_wait3A_1021 = arith.constant 0 : i32
      %dma_wait3A_1022 = tpu.memref_slice %arg7[%dma_wait3A_1013, %dma_wait3A_1020, %dma_wait3A_1021] : memref<3x112x384xf32, #tpu.memory_space<vmem>> -> memref<1x112x384xf32, #tpu.memory_space<vmem>>
      %dma_wait3A_1023 = tpu.memref_squeeze %dma_wait3A_1022 : memref<1x112x384xf32, #tpu.memory_space<vmem>> -> memref<112x384xf32, #tpu.memory_space<vmem>>
      %dma_wait3A_1024 = arith.constant 0 : i32
      %dma_wait3A_1025 = tpu.memref_slice %arg2[%add3A_1012, %dma_wait3A_1024] : memref<50176x384xf32, #tpu.memory_space<hbm>> -> memref<112x384xf32, #tpu.memory_space<hbm>>
      tpu.wait_dma2 semaphore(%arg9 : memref<!tpu.dma_semaphore, #tpu.memory_space<semaphore_mem>>) src(%dma_wait3A_1025 : memref<112x384xf32, #tpu.memory_space<hbm>>) dst(%dma_wait3A_1023 : memref<112x384xf32, #tpu.memory_space<vmem>>)
      %add3A_1026 = arith.constant 112 : i32
      %add3A_1027 = arith.addi %mul3A_2, %add3A_1026 : i32
      %dma_start3A_1028 = arith.constant 1 : i32
      %dma_start3A_1029 = arith.constant 0 : i32
      %dma_start3A_1030 = arith.constant 0 : i32
      %dma_start3A_1031 = tpu.memref_slice %arg7[%dma_start3A_1028, %dma_start3A_1029, %dma_start3A_1030] : memref<3x112x384xf32, #tpu.memory_space<vmem>> -> memref<1x112x384xf32, #tpu.memory_space<vmem>>
      %dma_start3A_1032 = tpu.memref_squeeze %dma_start3A_1031 : memref<1x112x384xf32, #tpu.memory_space<vmem>> -> memref<112x384xf32, #tpu.memory_space<vmem>>
      %dma_start3A_1033 = arith.constant 0 : i32
      %dma_start3A_1034 = tpu.memref_slice %arg4[%add3A_1027, %dma_start3A_1033] : memref<50176x384xf32, #tpu.memory_space<hbm>> -> memref<112x384xf32, #tpu.memory_space<hbm>>
      %dma_start3A_1035 = arith.constant 0 : i32
      %dma_start3A_1036 = tpu.memref_slice %arg4[%add3A_1027, %dma_start3A_1035] : memref<50176x384xf32, #tpu.memory_space<hbm>> -> memref<112x384xf32, #tpu.memory_space<hbm>>
      %dma_start3A_1037 = arith.constant 0 : i32
      %dma_start3A_1038 = arith.constant 0 : i32
      %dma_start3A_1039 = tpu.memref_slice %arg7[%dma_start3A_1028, %dma_start3A_1037, %dma_start3A_1038] : memref<3x112x384xf32, #tpu.memory_space<vmem>> -> memref<1x112x384xf32, #tpu.memory_space<vmem>>
      %dma_start3A_1040 = tpu.memref_squeeze %dma_start3A_1039 : memref<1x112x384xf32, #tpu.memory_space<vmem>> -> memref<112x384xf32, #tpu.memory_space<vmem>>
      tpu.enqueue_dma source(%dma_start3A_1040 : memref<112x384xf32, #tpu.memory_space<vmem>>) target(%dma_start3A_1036 : memref<112x384xf32, #tpu.memory_space<hbm>>) target_semaphore(%arg12 : memref<!tpu.dma_semaphore, #tpu.memory_space<semaphore_mem>>)
      %add3A_1041 = arith.constant 0 : i32
      %add3A_1042 = arith.addi %mul3A_2, %add3A_1041 : i32
      %dma_wait3A_1043 = arith.constant 2 : i32
      %dma_wait3A_1044 = arith.constant 0 : i32
      %dma_wait3A_1045 = arith.constant 0 : i32
      %dma_wait3A_1046 = tpu.memref_slice %arg7[%dma_wait3A_1043, %dma_wait3A_1044, %dma_wait3A_1045] : memref<3x112x384xf32, #tpu.memory_space<vmem>> -> memref<1x112x384xf32, #tpu.memory_space<vmem>>
      %dma_wait3A_1047 = tpu.memref_squeeze %dma_wait3A_1046 : memref<1x112x384xf32, #tpu.memory_space<vmem>> -> memref<112x384xf32, #tpu.memory_space<vmem>>
      %dma_wait3A_1048 = arith.constant 0 : i32
      %dma_wait3A_1049 = tpu.memref_slice %arg2[%add3A_1042, %dma_wait3A_1048] : memref<50176x384xf32, #tpu.memory_space<hbm>> -> memref<112x384xf32, #tpu.memory_space<hbm>>
      %dma_wait3A_1050 = arith.constant 0 : i32
      %dma_wait3A_1051 = arith.constant 0 : i32
      %dma_wait3A_1052 = tpu.memref_slice %arg7[%dma_wait3A_1043, %dma_wait3A_1050, %dma_wait3A_1051] : memref<3x112x384xf32, #tpu.memory_space<vmem>> -> memref<1x112x384xf32, #tpu.memory_space<vmem>>
      %dma_wait3A_1053 = tpu.memref_squeeze %dma_wait3A_1052 : memref<1x112x384xf32, #tpu.memory_space<vmem>> -> memref<112x384xf32, #tpu.memory_space<vmem>>
      %dma_wait3A_1054 = arith.constant 0 : i32
      %dma_wait3A_1055 = tpu.memref_slice %arg2[%add3A_1042, %dma_wait3A_1054] : memref<50176x384xf32, #tpu.memory_space<hbm>> -> memref<112x384xf32, #tpu.memory_space<hbm>>
      tpu.wait_dma2 semaphore(%arg10 : memref<!tpu.dma_semaphore, #tpu.memory_space<semaphore_mem>>) src(%dma_wait3A_1055 : memref<112x384xf32, #tpu.memory_space<hbm>>) dst(%dma_wait3A_1053 : memref<112x384xf32, #tpu.memory_space<vmem>>)
      %add3A_1056 = arith.constant 224 : i32
      %add3A_1057 = arith.addi %mul3A_2, %add3A_1056 : i32
      %dma_start3A_1058 = arith.constant 2 : i32
      %dma_start3A_1059 = arith.constant 0 : i32
      %dma_start3A_1060 = arith.constant 0 : i32
      %dma_start3A_1061 = tpu.memref_slice %arg7[%dma_start3A_1058, %dma_start3A_1059, %dma_start3A_1060] : memref<3x112x384xf32, #tpu.memory_space<vmem>> -> memref<1x112x384xf32, #tpu.memory_space<vmem>>
      %dma_start3A_1062 = tpu.memref_squeeze %dma_start3A_1061 : memref<1x112x384xf32, #tpu.memory_space<vmem>> -> memref<112x384xf32, #tpu.memory_space<vmem>>
      %dma_start3A_1063 = arith.constant 0 : i32
      %dma_start3A_1064 = tpu.memref_slice %arg4[%add3A_1057, %dma_start3A_1063] : memref<50176x384xf32, #tpu.memory_space<hbm>> -> memref<112x384xf32, #tpu.memory_space<hbm>>
      %dma_start3A_1065 = arith.constant 0 : i32
      %dma_start3A_1066 = tpu.memref_slice %arg4[%add3A_1057, %dma_start3A_1065] : memref<50176x384xf32, #tpu.memory_space<hbm>> -> memref<112x384xf32, #tpu.memory_space<hbm>>
      %dma_start3A_1067 = arith.constant 0 : i32
      %dma_start3A_1068 = arith.constant 0 : i32
      %dma_start3A_1069 = tpu.memref_slice %arg7[%dma_start3A_1058, %dma_start3A_1067, %dma_start3A_1068] : memref<3x112x384xf32, #tpu.memory_space<vmem>> -> memref<1x112x384xf32, #tpu.memory_space<vmem>>
      %dma_start3A_1070 = tpu.memref_squeeze %dma_start3A_1069 : memref<1x112x384xf32, #tpu.memory_space<vmem>> -> memref<112x384xf32, #tpu.memory_space<vmem>>
      tpu.enqueue_dma source(%dma_start3A_1070 : memref<112x384xf32, #tpu.memory_space<vmem>>) target(%dma_start3A_1066 : memref<112x384xf32, #tpu.memory_space<hbm>>) target_semaphore(%arg13 : memref<!tpu.dma_semaphore, #tpu.memory_space<semaphore_mem>>)
      %add3A_1071 = arith.constant 0 : i32
      %add3A_1072 = arith.addi %mul3A_2, %add3A_1071 : i32
      %dma_wait3A_1073 = arith.constant 0 : i32
      %dma_wait3A_1074 = arith.constant 0 : i32
      %dma_wait3A_1075 = arith.constant 0 : i32
      %dma_wait3A_1076 = tpu.memref_slice %arg7[%dma_wait3A_1073, %dma_wait3A_1074, %dma_wait3A_1075] : memref<3x112x384xf32, #tpu.memory_space<vmem>> -> memref<1x112x384xf32, #tpu.memory_space<vmem>>
      %dma_wait3A_1077 = tpu.memref_squeeze %dma_wait3A_1076 : memref<1x112x384xf32, #tpu.memory_space<vmem>> -> memref<112x384xf32, #tpu.memory_space<vmem>>
      %dma_wait3A_1078 = arith.constant 0 : i32
      %dma_wait3A_1079 = tpu.memref_slice %arg4[%add3A_1072, %dma_wait3A_1078] : memref<50176x384xf32, #tpu.memory_space<hbm>> -> memref<112x384xf32, #tpu.memory_space<hbm>>
      %dma_wait3A_1080 = arith.constant 0 : i32
      %dma_wait3A_1081 = tpu.memref_slice %arg4[%add3A_1072, %dma_wait3A_1080] : memref<50176x384xf32, #tpu.memory_space<hbm>> -> memref<112x384xf32, #tpu.memory_space<hbm>>
      %dma_wait3A_1082 = arith.constant 0 : i32
      %dma_wait3A_1083 = arith.constant 0 : i32
      %dma_wait3A_1084 = tpu.memref_slice %arg7[%dma_wait3A_1073, %dma_wait3A_1082, %dma_wait3A_1083] : memref<3x112x384xf32, #tpu.memory_space<vmem>> -> memref<1x112x384xf32, #tpu.memory_space<vmem>>
      %dma_wait3A_1085 = tpu.memref_squeeze %dma_wait3A_1084 : memref<1x112x384xf32, #tpu.memory_space<vmem>> -> memref<112x384xf32, #tpu.memory_space<vmem>>
      tpu.wait_dma2 semaphore(%arg11 : memref<!tpu.dma_semaphore, #tpu.memory_space<semaphore_mem>>) src(%dma_wait3A_1085 : memref<112x384xf32, #tpu.memory_space<vmem>>) dst(%dma_wait3A_1081 : memref<112x384xf32, #tpu.memory_space<hbm>>)
      %add3A_1086 = arith.constant 336 : i32
      %add3A_1087 = arith.addi %mul3A_2, %add3A_1086 : i32
      %dma_start3A_1088 = arith.constant 0 : i32
      %dma_start3A_1089 = arith.constant 0 : i32
      %dma_start3A_1090 = arith.constant 0 : i32
      %dma_start3A_1091 = tpu.memref_slice %arg7[%dma_start3A_1088, %dma_start3A_1089, %dma_start3A_1090] : memref<3x112x384xf32, #tpu.memory_space<vmem>> -> memref<1x112x384xf32, #tpu.memory_space<vmem>>
      %dma_start3A_1092 = tpu.memref_squeeze %dma_start3A_1091 : memref<1x112x384xf32, #tpu.memory_space<vmem>> -> memref<112x384xf32, #tpu.memory_space<vmem>>
      %dma_start3A_1093 = arith.constant 0 : i32
      %dma_start3A_1094 = tpu.memref_slice %arg2[%add3A_1087, %dma_start3A_1093] : memref<50176x384xf32, #tpu.memory_space<hbm>> -> memref<112x384xf32, #tpu.memory_space<hbm>>
      %dma_start3A_1095 = arith.constant 0 : i32
      %dma_start3A_1096 = arith.constant 0 : i32
      %dma_start3A_1097 = tpu.memref_slice %arg7[%dma_start3A_1088, %dma_start3A_1095, %dma_start3A_1096] : memref<3x112x384xf32, #tpu.memory_space<vmem>> -> memref<1x112x384xf32, #tpu.memory_space<vmem>>
      %dma_start3A_1098 = tpu.memref_squeeze %dma_start3A_1097 : memref<1x112x384xf32, #tpu.memory_space<vmem>> -> memref<112x384xf32, #tpu.memory_space<vmem>>
      %dma_start3A_1099 = arith.constant 0 : i32
      %dma_start3A_1100 = tpu.memref_slice %arg2[%add3A_1087, %dma_start3A_1099] : memref<50176x384xf32, #tpu.memory_space<hbm>> -> memref<112x384xf32, #tpu.memory_space<hbm>>
      tpu.enqueue_dma source(%dma_start3A_1100 : memref<112x384xf32, #tpu.memory_space<hbm>>) target(%dma_start3A_1098 : memref<112x384xf32, #tpu.memory_space<vmem>>) target_semaphore(%arg8 : memref<!tpu.dma_semaphore, #tpu.memory_space<semaphore_mem>>)
      %add3A_1101 = arith.constant 0 : i32
      %add3A_1102 = arith.addi %mul3A_2, %add3A_1101 : i32
      %dma_wait3A_1103 = arith.constant 0 : i32
      %dma_wait3A_1104 = arith.constant 0 : i32
      %dma_wait3A_1105 = arith.constant 0 : i32
      %dma_wait3A_1106 = tpu.memref_slice %arg7[%dma_wait3A_1103, %dma_wait3A_1104, %dma_wait3A_1105] : memref<3x112x384xf32, #tpu.memory_space<vmem>> -> memref<1x112x384xf32, #tpu.memory_space<vmem>>
      %dma_wait3A_1107 = tpu.memref_squeeze %dma_wait3A_1106 : memref<1x112x384xf32, #tpu.memory_space<vmem>> -> memref<112x384xf32, #tpu.memory_space<vmem>>
      %dma_wait3A_1108 = arith.constant 0 : i32
      %dma_wait3A_1109 = tpu.memref_slice %arg2[%add3A_1102, %dma_wait3A_1108] : memref<50176x384xf32, #tpu.memory_space<hbm>> -> memref<112x384xf32, #tpu.memory_space<hbm>>
      %dma_wait3A_1110 = arith.constant 0 : i32
      %dma_wait3A_1111 = arith.constant 0 : i32
      %dma_wait3A_1112 = tpu.memref_slice %arg7[%dma_wait3A_1103, %dma_wait3A_1110, %dma_wait3A_1111] : memref<3x112x384xf32, #tpu.memory_space<vmem>> -> memref<1x112x384xf32, #tpu.memory_space<vmem>>
      %dma_wait3A_1113 = tpu.memref_squeeze %dma_wait3A_1112 : memref<1x112x384xf32, #tpu.memory_space<vmem>> -> memref<112x384xf32, #tpu.memory_space<vmem>>
      %dma_wait3A_1114 = arith.constant 0 : i32
      %dma_wait3A_1115 = tpu.memref_slice %arg2[%add3A_1102, %dma_wait3A_1114] : memref<50176x384xf32, #tpu.memory_space<hbm>> -> memref<112x384xf32, #tpu.memory_space<hbm>>
      tpu.wait_dma2 semaphore(%arg8 : memref<!tpu.dma_semaphore, #tpu.memory_space<semaphore_mem>>) src(%dma_wait3A_1115 : memref<112x384xf32, #tpu.memory_space<hbm>>) dst(%dma_wait3A_1113 : memref<112x384xf32, #tpu.memory_space<vmem>>)
      %add3A_1116 = arith.constant 336 : i32
      %add3A_1117 = arith.addi %mul3A_2, %add3A_1116 : i32
      %dma_start3A_1118 = arith.constant 0 : i32
      %dma_start3A_1119 = arith.constant 0 : i32
      %dma_start3A_1120 = arith.constant 0 : i32
      %dma_start3A_1121 = tpu.memref_slice %arg7[%dma_start3A_1118, %dma_start3A_1119, %dma_start3A_1120] : memref<3x112x384xf32, #tpu.memory_space<vmem>> -> memref<1x112x384xf32, #tpu.memory_space<vmem>>
      %dma_start3A_1122 = tpu.memref_squeeze %dma_start3A_1121 : memref<1x112x384xf32, #tpu.memory_space<vmem>> -> memref<112x384xf32, #tpu.memory_space<vmem>>
      %dma_start3A_1123 = arith.constant 0 : i32
      %dma_start3A_1124 = tpu.memref_slice %arg4[%add3A_1117, %dma_start3A_1123] : memref<50176x384xf32, #tpu.memory_space<hbm>> -> memref<112x384xf32, #tpu.memory_space<hbm>>
      %dma_start3A_1125 = arith.constant 0 : i32
      %dma_start3A_1126 = tpu.memref_slice %arg4[%add3A_1117, %dma_start3A_1125] : memref<50176x384xf32, #tpu.memory_space<hbm>> -> memref<112x384xf32, #tpu.memory_space<hbm>>
      %dma_start3A_1127 = arith.constant 0 : i32
      %dma_start3A_1128 = arith.constant 0 : i32
      %dma_start3A_1129 = tpu.memref_slice %arg7[%dma_start3A_1118, %dma_start3A_1127, %dma_start3A_1128] : memref<3x112x384xf32, #tpu.memory_space<vmem>> -> memref<1x112x384xf32, #tpu.memory_space<vmem>>
      %dma_start3A_1130 = tpu.memref_squeeze %dma_start3A_1129 : memref<1x112x384xf32, #tpu.memory_space<vmem>> -> memref<112x384xf32, #tpu.memory_space<vmem>>
      tpu.enqueue_dma source(%dma_start3A_1130 : memref<112x384xf32, #tpu.memory_space<vmem>>) target(%dma_start3A_1126 : memref<112x384xf32, #tpu.memory_space<hbm>>) target_semaphore(%arg11 : memref<!tpu.dma_semaphore, #tpu.memory_space<semaphore_mem>>)
      %add3A_1131 = arith.constant 0 : i32
      %add3A_1132 = arith.addi %mul3A_2, %add3A_1131 : i32
      %dma_wait3A_1133 = arith.constant 1 : i32
      %dma_wait3A_1134 = arith.constant 0 : i32
      %dma_wait3A_1135 = arith.constant 0 : i32
      %dma_wait3A_1136 = tpu.memref_slice %arg7[%dma_wait3A_1133, %dma_wait3A_1134, %dma_wait3A_1135] : memref<3x112x384xf32, #tpu.memory_space<vmem>> -> memref<1x112x384xf32, #tpu.memory_space<vmem>>
      %dma_wait3A_1137 = tpu.memref_squeeze %dma_wait3A_1136 : memref<1x112x384xf32, #tpu.memory_space<vmem>> -> memref<112x384xf32, #tpu.memory_space<vmem>>
      %dma_wait3A_1138 = arith.constant 0 : i32
      %dma_wait3A_1139 = tpu.memref_slice %arg4[%add3A_1132, %dma_wait3A_1138] : memref<50176x384xf32, #tpu.memory_space<hbm>> -> memref<112x384xf32, #tpu.memory_space<hbm>>
      %dma_wait3A_1140 = arith.constant 0 : i32
      %dma_wait3A_1141 = tpu.memref_slice %arg4[%add3A_1132, %dma_wait3A_1140] : memref<50176x384xf32, #tpu.memory_space<hbm>> -> memref<112x384xf32, #tpu.memory_space<hbm>>
      %dma_wait3A_1142 = arith.constant 0 : i32
      %dma_wait3A_1143 = arith.constant 0 : i32
      %dma_wait3A_1144 = tpu.memref_slice %arg7[%dma_wait3A_1133, %dma_wait3A_1142, %dma_wait3A_1143] : memref<3x112x384xf32, #tpu.memory_space<vmem>> -> memref<1x112x384xf32, #tpu.memory_space<vmem>>
      %dma_wait3A_1145 = tpu.memref_squeeze %dma_wait3A_1144 : memref<1x112x384xf32, #tpu.memory_space<vmem>> -> memref<112x384xf32, #tpu.memory_space<vmem>>
      tpu.wait_dma2 semaphore(%arg12 : memref<!tpu.dma_semaphore, #tpu.memory_space<semaphore_mem>>) src(%dma_wait3A_1145 : memref<112x384xf32, #tpu.memory_space<vmem>>) dst(%dma_wait3A_1141 : memref<112x384xf32, #tpu.memory_space<hbm>>)
      %add3A_1146 = arith.constant 448 : i32
      %add3A_1147 = arith.addi %mul3A_2, %add3A_1146 : i32
      %dma_start3A_1148 = arith.constant 1 : i32
      %dma_start3A_1149 = arith.constant 0 : i32
      %dma_start3A_1150 = arith.constant 0 : i32
      %dma_start3A_1151 = tpu.memref_slice %arg7[%dma_start3A_1148, %dma_start3A_1149, %dma_start3A_1150] : memref<3x112x384xf32, #tpu.memory_space<vmem>> -> memref<1x112x384xf32, #tpu.memory_space<vmem>>
      %dma_start3A_1152 = tpu.memref_squeeze %dma_start3A_1151 : memref<1x112x384xf32, #tpu.memory_space<vmem>> -> memref<112x384xf32, #tpu.memory_space<vmem>>
      %dma_start3A_1153 = arith.constant 0 : i32
      %dma_start3A_1154 = tpu.memref_slice %arg2[%add3A_1147, %dma_start3A_1153] : memref<50176x384xf32, #tpu.memory_space<hbm>> -> memref<112x384xf32, #tpu.memory_space<hbm>>
      %dma_start3A_1155 = arith.constant 0 : i32
      %dma_start3A_1156 = arith.constant 0 : i32
      %dma_start3A_1157 = tpu.memref_slice %arg7[%dma_start3A_1148, %dma_start3A_1155, %dma_start3A_1156] : memref<3x112x384xf32, #tpu.memory_space<vmem>> -> memref<1x112x384xf32, #tpu.memory_space<vmem>>
      %dma_start3A_1158 = tpu.memref_squeeze %dma_start3A_1157 : memref<1x112x384xf32, #tpu.memory_space<vmem>> -> memref<112x384xf32, #tpu.memory_space<vmem>>
      %dma_start3A_1159 = arith.constant 0 : i32
      %dma_start3A_1160 = tpu.memref_slice %arg2[%add3A_1147, %dma_start3A_1159] : memref<50176x384xf32, #tpu.memory_space<hbm>> -> memref<112x384xf32, #tpu.memory_space<hbm>>
      tpu.enqueue_dma source(%dma_start3A_1160 : memref<112x384xf32, #tpu.memory_space<hbm>>) target(%dma_start3A_1158 : memref<112x384xf32, #tpu.memory_space<vmem>>) target_semaphore(%arg9 : memref<!tpu.dma_semaphore, #tpu.memory_space<semaphore_mem>>)
      %add3A_1161 = arith.constant 0 : i32
      %add3A_1162 = arith.addi %mul3A_2, %add3A_1161 : i32
      %dma_wait3A_1163 = arith.constant 1 : i32
      %dma_wait3A_1164 = arith.constant 0 : i32
      %dma_wait3A_1165 = arith.constant 0 : i32
      %dma_wait3A_1166 = tpu.memref_slice %arg7[%dma_wait3A_1163, %dma_wait3A_1164, %dma_wait3A_1165] : memref<3x112x384xf32, #tpu.memory_space<vmem>> -> memref<1x112x384xf32, #tpu.memory_space<vmem>>
      %dma_wait3A_1167 = tpu.memref_squeeze %dma_wait3A_1166 : memref<1x112x384xf32, #tpu.memory_space<vmem>> -> memref<112x384xf32, #tpu.memory_space<vmem>>
      %dma_wait3A_1168 = arith.constant 0 : i32
      %dma_wait3A_1169 = tpu.memref_slice %arg2[%add3A_1162, %dma_wait3A_1168] : memref<50176x384xf32, #tpu.memory_space<hbm>> -> memref<112x384xf32, #tpu.memory_space<hbm>>
      %dma_wait3A_1170 = arith.constant 0 : i32
      %dma_wait3A_1171 = arith.constant 0 : i32
      %dma_wait3A_1172 = tpu.memref_slice %arg7[%dma_wait3A_1163, %dma_wait3A_1170, %dma_wait3A_1171] : memref<3x112x384xf32, #tpu.memory_space<vmem>> -> memref<1x112x384xf32, #tpu.memory_space<vmem>>
      %dma_wait3A_1173 = tpu.memref_squeeze %dma_wait3A_1172 : memref<1x112x384xf32, #tpu.memory_space<vmem>> -> memref<112x384xf32, #tpu.memory_space<vmem>>
      %dma_wait3A_1174 = arith.constant 0 : i32
      %dma_wait3A_1175 = tpu.memref_slice %arg2[%add3A_1162, %dma_wait3A_1174] : memref<50176x384xf32, #tpu.memory_space<hbm>> -> memref<112x384xf32, #tpu.memory_space<hbm>>
      tpu.wait_dma2 semaphore(%arg9 : memref<!tpu.dma_semaphore, #tpu.memory_space<semaphore_mem>>) src(%dma_wait3A_1175 : memref<112x384xf32, #tpu.memory_space<hbm>>) dst(%dma_wait3A_1173 : memref<112x384xf32, #tpu.memory_space<vmem>>)
      %add3A_1176 = arith.constant 448 : i32
      %add3A_1177 = arith.addi %mul3A_2, %add3A_1176 : i32
      %dma_start3A_1178 = arith.constant 1 : i32
      %dma_start3A_1179 = arith.constant 0 : i32
      %dma_start3A_1180 = arith.constant 0 : i32
      %dma_start3A_1181 = tpu.memref_slice %arg7[%dma_start3A_1178, %dma_start3A_1179, %dma_start3A_1180] : memref<3x112x384xf32, #tpu.memory_space<vmem>> -> memref<1x112x384xf32, #tpu.memory_space<vmem>>
      %dma_start3A_1182 = tpu.memref_squeeze %dma_start3A_1181 : memref<1x112x384xf32, #tpu.memory_space<vmem>> -> memref<112x384xf32, #tpu.memory_space<vmem>>
      %dma_start3A_1183 = arith.constant 0 : i32
      %dma_start3A_1184 = tpu.memref_slice %arg4[%add3A_1177, %dma_start3A_1183] : memref<50176x384xf32, #tpu.memory_space<hbm>> -> memref<112x384xf32, #tpu.memory_space<hbm>>
      %dma_start3A_1185 = arith.constant 0 : i32
      %dma_start3A_1186 = tpu.memref_slice %arg4[%add3A_1177, %dma_start3A_1185] : memref<50176x384xf32, #tpu.memory_space<hbm>> -> memref<112x384xf32, #tpu.memory_space<hbm>>
      %dma_start3A_1187 = arith.constant 0 : i32
      %dma_start3A_1188 = arith.constant 0 : i32
      %dma_start3A_1189 = tpu.memref_slice %arg7[%dma_start3A_1178, %dma_start3A_1187, %dma_start3A_1188] : memref<3x112x384xf32, #tpu.memory_space<vmem>> -> memref<1x112x384xf32, #tpu.memory_space<vmem>>
      %dma_start3A_1190 = tpu.memref_squeeze %dma_start3A_1189 : memref<1x112x384xf32, #tpu.memory_space<vmem>> -> memref<112x384xf32, #tpu.memory_space<vmem>>
      tpu.enqueue_dma source(%dma_start3A_1190 : memref<112x384xf32, #tpu.memory_space<vmem>>) target(%dma_start3A_1186 : memref<112x384xf32, #tpu.memory_space<hbm>>) target_semaphore(%arg12 : memref<!tpu.dma_semaphore, #tpu.memory_space<semaphore_mem>>)
      %add3A_1191 = arith.constant 0 : i32
      %add3A_1192 = arith.addi %mul3A_2, %add3A_1191 : i32
      %dma_wait3A_1193 = arith.constant 2 : i32
      %dma_wait3A_1194 = arith.constant 0 : i32
      %dma_wait3A_1195 = arith.constant 0 : i32
      %dma_wait3A_1196 = tpu.memref_slice %arg7[%dma_wait3A_1193, %dma_wait3A_1194, %dma_wait3A_1195] : memref<3x112x384xf32, #tpu.memory_space<vmem>> -> memref<1x112x384xf32, #tpu.memory_space<vmem>>
      %dma_wait3A_1197 = tpu.memref_squeeze %dma_wait3A_1196 : memref<1x112x384xf32, #tpu.memory_space<vmem>> -> memref<112x384xf32, #tpu.memory_space<vmem>>
      %dma_wait3A_1198 = arith.constant 0 : i32
      %dma_wait3A_1199 = tpu.memref_slice %arg4[%add3A_1192, %dma_wait3A_1198] : memref<50176x384xf32, #tpu.memory_space<hbm>> -> memref<112x384xf32, #tpu.memory_space<hbm>>
      %dma_wait3A_1200 = arith.constant 0 : i32
      %dma_wait3A_1201 = tpu.memref_slice %arg4[%add3A_1192, %dma_wait3A_1200] : memref<50176x384xf32, #tpu.memory_space<hbm>> -> memref<112x384xf32, #tpu.memory_space<hbm>>
      %dma_wait3A_1202 = arith.constant 0 : i32
      %dma_wait3A_1203 = arith.constant 0 : i32
      %dma_wait3A_1204 = tpu.memref_slice %arg7[%dma_wait3A_1193, %dma_wait3A_1202, %dma_wait3A_1203] : memref<3x112x384xf32, #tpu.memory_space<vmem>> -> memref<1x112x384xf32, #tpu.memory_space<vmem>>
      %dma_wait3A_1205 = tpu.memref_squeeze %dma_wait3A_1204 : memref<1x112x384xf32, #tpu.memory_space<vmem>> -> memref<112x384xf32, #tpu.memory_space<vmem>>
      tpu.wait_dma2 semaphore(%arg13 : memref<!tpu.dma_semaphore, #tpu.memory_space<semaphore_mem>>) src(%dma_wait3A_1205 : memref<112x384xf32, #tpu.memory_space<vmem>>) dst(%dma_wait3A_1201 : memref<112x384xf32, #tpu.memory_space<hbm>>)
      %add3A_1206 = arith.constant 560 : i32
      %add3A_1207 = arith.addi %mul3A_2, %add3A_1206 : i32
      %dma_start3A_1208 = arith.constant 2 : i32
      %dma_start3A_1209 = arith.constant 0 : i32
      %dma_start3A_1210 = arith.constant 0 : i32
      %dma_start3A_1211 = tpu.memref_slice %arg7[%dma_start3A_1208, %dma_start3A_1209, %dma_start3A_1210] : memref<3x112x384xf32, #tpu.memory_space<vmem>> -> memref<1x112x384xf32, #tpu.memory_space<vmem>>
      %dma_start3A_1212 = tpu.memref_squeeze %dma_start3A_1211 : memref<1x112x384xf32, #tpu.memory_space<vmem>> -> memref<112x384xf32, #tpu.memory_space<vmem>>
      %dma_start3A_1213 = arith.constant 0 : i32
      %dma_start3A_1214 = tpu.memref_slice %arg2[%add3A_1207, %dma_start3A_1213] : memref<50176x384xf32, #tpu.memory_space<hbm>> -> memref<112x384xf32, #tpu.memory_space<hbm>>
      %dma_start3A_1215 = arith.constant 0 : i32
      %dma_start3A_1216 = arith.constant 0 : i32
      %dma_start3A_1217 = tpu.memref_slice %arg7[%dma_start3A_1208, %dma_start3A_1215, %dma_start3A_1216] : memref<3x112x384xf32, #tpu.memory_space<vmem>> -> memref<1x112x384xf32, #tpu.memory_space<vmem>>
      %dma_start3A_1218 = tpu.memref_squeeze %dma_start3A_1217 : memref<1x112x384xf32, #tpu.memory_space<vmem>> -> memref<112x384xf32, #tpu.memory_space<vmem>>
      %dma_start3A_1219 = arith.constant 0 : i32
      %dma_start3A_1220 = tpu.memref_slice %arg2[%add3A_1207, %dma_start3A_1219] : memref<50176x384xf32, #tpu.memory_space<hbm>> -> memref<112x384xf32, #tpu.memory_space<hbm>>
      tpu.enqueue_dma source(%dma_start3A_1220 : memref<112x384xf32, #tpu.memory_space<hbm>>) target(%dma_start3A_1218 : memref<112x384xf32, #tpu.memory_space<vmem>>) target_semaphore(%arg10 : memref<!tpu.dma_semaphore, #tpu.memory_space<semaphore_mem>>)
      %add3A_1221 = arith.constant 0 : i32
      %add3A_1222 = arith.addi %mul3A_2, %add3A_1221 : i32
      %dma_wait3A_1223 = arith.constant 2 : i32
      %dma_wait3A_1224 = arith.constant 0 : i32
      %dma_wait3A_1225 = arith.constant 0 : i32
      %dma_wait3A_1226 = tpu.memref_slice %arg7[%dma_wait3A_1223, %dma_wait3A_1224, %dma_wait3A_1225] : memref<3x112x384xf32, #tpu.memory_space<vmem>> -> memref<1x112x384xf32, #tpu.memory_space<vmem>>
      %dma_wait3A_1227 = tpu.memref_squeeze %dma_wait3A_1226 : memref<1x112x384xf32, #tpu.memory_space<vmem>> -> memref<112x384xf32, #tpu.memory_space<vmem>>
      %dma_wait3A_1228 = arith.constant 0 : i32
      %dma_wait3A_1229 = tpu.memref_slice %arg2[%add3A_1222, %dma_wait3A_1228] : memref<50176x384xf32, #tpu.memory_space<hbm>> -> memref<112x384xf32, #tpu.memory_space<hbm>>
      %dma_wait3A_1230 = arith.constant 0 : i32
      %dma_wait3A_1231 = arith.constant 0 : i32
      %dma_wait3A_1232 = tpu.memref_slice %arg7[%dma_wait3A_1223, %dma_wait3A_1230, %dma_wait3A_1231] : memref<3x112x384xf32, #tpu.memory_space<vmem>> -> memref<1x112x384xf32, #tpu.memory_space<vmem>>
      %dma_wait3A_1233 = tpu.memref_squeeze %dma_wait3A_1232 : memref<1x112x384xf32, #tpu.memory_space<vmem>> -> memref<112x384xf32, #tpu.memory_space<vmem>>
      %dma_wait3A_1234 = arith.constant 0 : i32
      %dma_wait3A_1235 = tpu.memref_slice %arg2[%add3A_1222, %dma_wait3A_1234] : memref<50176x384xf32, #tpu.memory_space<hbm>> -> memref<112x384xf32, #tpu.memory_space<hbm>>
      tpu.wait_dma2 semaphore(%arg10 : memref<!tpu.dma_semaphore, #tpu.memory_space<semaphore_mem>>) src(%dma_wait3A_1235 : memref<112x384xf32, #tpu.memory_space<hbm>>) dst(%dma_wait3A_1233 : memref<112x384xf32, #tpu.memory_space<vmem>>)
      %add3A_1236 = arith.constant 560 : i32
      %add3A_1237 = arith.addi %mul3A_2, %add3A_1236 : i32
      %dma_start3A_1238 = arith.constant 2 : i32
      %dma_start3A_1239 = arith.constant 0 : i32
      %dma_start3A_1240 = arith.constant 0 : i32
      %dma_start3A_1241 = tpu.memref_slice %arg7[%dma_start3A_1238, %dma_start3A_1239, %dma_start3A_1240] : memref<3x112x384xf32, #tpu.memory_space<vmem>> -> memref<1x112x384xf32, #tpu.memory_space<vmem>>
      %dma_start3A_1242 = tpu.memref_squeeze %dma_start3A_1241 : memref<1x112x384xf32, #tpu.memory_space<vmem>> -> memref<112x384xf32, #tpu.memory_space<vmem>>
      %dma_start3A_1243 = arith.constant 0 : i32
      %dma_start3A_1244 = tpu.memref_slice %arg4[%add3A_1237, %dma_start3A_1243] : memref<50176x384xf32, #tpu.memory_space<hbm>> -> memref<112x384xf32, #tpu.memory_space<hbm>>
      %dma_start3A_1245 = arith.constant 0 : i32
      %dma_start3A_1246 = tpu.memref_slice %arg4[%add3A_1237, %dma_start3A_1245] : memref<50176x384xf32, #tpu.memory_space<hbm>> -> memref<112x384xf32, #tpu.memory_space<hbm>>
      %dma_start3A_1247 = arith.constant 0 : i32
      %dma_start3A_1248 = arith.constant 0 : i32
      %dma_start3A_1249 = tpu.memref_slice %arg7[%dma_start3A_1238, %dma_start3A_1247, %dma_start3A_1248] : memref<3x112x384xf32, #tpu.memory_space<vmem>> -> memref<1x112x384xf32, #tpu.memory_space<vmem>>
      %dma_start3A_1250 = tpu.memref_squeeze %dma_start3A_1249 : memref<1x112x384xf32, #tpu.memory_space<vmem>> -> memref<112x384xf32, #tpu.memory_space<vmem>>
      tpu.enqueue_dma source(%dma_start3A_1250 : memref<112x384xf32, #tpu.memory_space<vmem>>) target(%dma_start3A_1246 : memref<112x384xf32, #tpu.memory_space<hbm>>) target_semaphore(%arg13 : memref<!tpu.dma_semaphore, #tpu.memory_space<semaphore_mem>>)
      %add3A_1251 = arith.constant 0 : i32
      %add3A_1252 = arith.addi %mul3A_2, %add3A_1251 : i32
      %dma_wait3A_1253 = arith.constant 0 : i32
      %dma_wait3A_1254 = arith.constant 0 : i32
      %dma_wait3A_1255 = arith.constant 0 : i32
      %dma_wait3A_1256 = tpu.memref_slice %arg7[%dma_wait3A_1253, %dma_wait3A_1254, %dma_wait3A_1255] : memref<3x112x384xf32, #tpu.memory_space<vmem>> -> memref<1x112x384xf32, #tpu.memory_space<vmem>>
      %dma_wait3A_1257 = tpu.memref_squeeze %dma_wait3A_1256 : memref<1x112x384xf32, #tpu.memory_space<vmem>> -> memref<112x384xf32, #tpu.memory_space<vmem>>
      %dma_wait3A_1258 = arith.constant 0 : i32
      %dma_wait3A_1259 = tpu.memref_slice %arg4[%add3A_1252, %dma_wait3A_1258] : memref<50176x384xf32, #tpu.memory_space<hbm>> -> memref<112x384xf32, #tpu.memory_space<hbm>>
      %dma_wait3A_1260 = arith.constant 0 : i32
      %dma_wait3A_1261 = tpu.memref_slice %arg4[%add3A_1252, %dma_wait3A_1260] : memref<50176x384xf32, #tpu.memory_space<hbm>> -> memref<112x384xf32, #tpu.memory_space<hbm>>
      %dma_wait3A_1262 = arith.constant 0 : i32
      %dma_wait3A_1263 = arith.constant 0 : i32
      %dma_wait3A_1264 = tpu.memref_slice %arg7[%dma_wait3A_1253, %dma_wait3A_1262, %dma_wait3A_1263] : memref<3x112x384xf32, #tpu.memory_space<vmem>> -> memref<1x112x384xf32, #tpu.memory_space<vmem>>
      %dma_wait3A_1265 = tpu.memref_squeeze %dma_wait3A_1264 : memref<1x112x384xf32, #tpu.memory_space<vmem>> -> memref<112x384xf32, #tpu.memory_space<vmem>>
      tpu.wait_dma2 semaphore(%arg11 : memref<!tpu.dma_semaphore, #tpu.memory_space<semaphore_mem>>) src(%dma_wait3A_1265 : memref<112x384xf32, #tpu.memory_space<vmem>>) dst(%dma_wait3A_1261 : memref<112x384xf32, #tpu.memory_space<hbm>>)
      %add3A_1266 = arith.constant 672 : i32
      %add3A_1267 = arith.addi %mul3A_2, %add3A_1266 : i32
      %dma_start3A_1268 = arith.constant 0 : i32
      %dma_start3A_1269 = arith.constant 0 : i32
      %dma_start3A_1270 = arith.constant 0 : i32
      %dma_start3A_1271 = tpu.memref_slice %arg7[%dma_start3A_1268, %dma_start3A_1269, %dma_start3A_1270] : memref<3x112x384xf32, #tpu.memory_space<vmem>> -> memref<1x112x384xf32, #tpu.memory_space<vmem>>
      %dma_start3A_1272 = tpu.memref_squeeze %dma_start3A_1271 : memref<1x112x384xf32, #tpu.memory_space<vmem>> -> memref<112x384xf32, #tpu.memory_space<vmem>>
      %dma_start3A_1273 = arith.constant 0 : i32
      %dma_start3A_1274 = tpu.memref_slice %arg2[%add3A_1267, %dma_start3A_1273] : memref<50176x384xf32, #tpu.memory_space<hbm>> -> memref<112x384xf32, #tpu.memory_space<hbm>>
      %dma_start3A_1275 = arith.constant 0 : i32
      %dma_start3A_1276 = arith.constant 0 : i32
      %dma_start3A_1277 = tpu.memref_slice %arg7[%dma_start3A_1268, %dma_start3A_1275, %dma_start3A_1276] : memref<3x112x384xf32, #tpu.memory_space<vmem>> -> memref<1x112x384xf32, #tpu.memory_space<vmem>>
      %dma_start3A_1278 = tpu.memref_squeeze %dma_start3A_1277 : memref<1x112x384xf32, #tpu.memory_space<vmem>> -> memref<112x384xf32, #tpu.memory_space<vmem>>
      %dma_start3A_1279 = arith.constant 0 : i32
      %dma_start3A_1280 = tpu.memref_slice %arg2[%add3A_1267, %dma_start3A_1279] : memref<50176x384xf32, #tpu.memory_space<hbm>> -> memref<112x384xf32, #tpu.memory_space<hbm>>
      tpu.enqueue_dma source(%dma_start3A_1280 : memref<112x384xf32, #tpu.memory_space<hbm>>) target(%dma_start3A_1278 : memref<112x384xf32, #tpu.memory_space<vmem>>) target_semaphore(%arg8 : memref<!tpu.dma_semaphore, #tpu.memory_space<semaphore_mem>>)
      %add3A_1281 = arith.constant 0 : i32
      %add3A_1282 = arith.addi %mul3A_2, %add3A_1281 : i32
      %dma_wait3A_1283 = arith.constant 0 : i32
      %dma_wait3A_1284 = arith.constant 0 : i32
      %dma_wait3A_1285 = arith.constant 0 : i32
      %dma_wait3A_1286 = tpu.memref_slice %arg7[%dma_wait3A_1283, %dma_wait3A_1284, %dma_wait3A_1285] : memref<3x112x384xf32, #tpu.memory_space<vmem>> -> memref<1x112x384xf32, #tpu.memory_space<vmem>>
      %dma_wait3A_1287 = tpu.memref_squeeze %dma_wait3A_1286 : memref<1x112x384xf32, #tpu.memory_space<vmem>> -> memref<112x384xf32, #tpu.memory_space<vmem>>
      %dma_wait3A_1288 = arith.constant 0 : i32
      %dma_wait3A_1289 = tpu.memref_slice %arg2[%add3A_1282, %dma_wait3A_1288] : memref<50176x384xf32, #tpu.memory_space<hbm>> -> memref<112x384xf32, #tpu.memory_space<hbm>>
      %dma_wait3A_1290 = arith.constant 0 : i32
      %dma_wait3A_1291 = arith.constant 0 : i32
      %dma_wait3A_1292 = tpu.memref_slice %arg7[%dma_wait3A_1283, %dma_wait3A_1290, %dma_wait3A_1291] : memref<3x112x384xf32, #tpu.memory_space<vmem>> -> memref<1x112x384xf32, #tpu.memory_space<vmem>>
      %dma_wait3A_1293 = tpu.memref_squeeze %dma_wait3A_1292 : memref<1x112x384xf32, #tpu.memory_space<vmem>> -> memref<112x384xf32, #tpu.memory_space<vmem>>
      %dma_wait3A_1294 = arith.constant 0 : i32
      %dma_wait3A_1295 = tpu.memref_slice %arg2[%add3A_1282, %dma_wait3A_1294] : memref<50176x384xf32, #tpu.memory_space<hbm>> -> memref<112x384xf32, #tpu.memory_space<hbm>>
      tpu.wait_dma2 semaphore(%arg8 : memref<!tpu.dma_semaphore, #tpu.memory_space<semaphore_mem>>) src(%dma_wait3A_1295 : memref<112x384xf32, #tpu.memory_space<hbm>>) dst(%dma_wait3A_1293 : memref<112x384xf32, #tpu.memory_space<vmem>>)
      %add3A_1296 = arith.constant 672 : i32
      %add3A_1297 = arith.addi %mul3A_2, %add3A_1296 : i32
      %dma_start3A_1298 = arith.constant 0 : i32
      %dma_start3A_1299 = arith.constant 0 : i32
      %dma_start3A_1300 = arith.constant 0 : i32
      %dma_start3A_1301 = tpu.memref_slice %arg7[%dma_start3A_1298, %dma_start3A_1299, %dma_start3A_1300] : memref<3x112x384xf32, #tpu.memory_space<vmem>> -> memref<1x112x384xf32, #tpu.memory_space<vmem>>
      %dma_start3A_1302 = tpu.memref_squeeze %dma_start3A_1301 : memref<1x112x384xf32, #tpu.memory_space<vmem>> -> memref<112x384xf32, #tpu.memory_space<vmem>>
      %dma_start3A_1303 = arith.constant 0 : i32
      %dma_start3A_1304 = tpu.memref_slice %arg4[%add3A_1297, %dma_start3A_1303] : memref<50176x384xf32, #tpu.memory_space<hbm>> -> memref<112x384xf32, #tpu.memory_space<hbm>>
      %dma_start3A_1305 = arith.constant 0 : i32
      %dma_start3A_1306 = tpu.memref_slice %arg4[%add3A_1297, %dma_start3A_1305] : memref<50176x384xf32, #tpu.memory_space<hbm>> -> memref<112x384xf32, #tpu.memory_space<hbm>>
      %dma_start3A_1307 = arith.constant 0 : i32
      %dma_start3A_1308 = arith.constant 0 : i32
      %dma_start3A_1309 = tpu.memref_slice %arg7[%dma_start3A_1298, %dma_start3A_1307, %dma_start3A_1308] : memref<3x112x384xf32, #tpu.memory_space<vmem>> -> memref<1x112x384xf32, #tpu.memory_space<vmem>>
      %dma_start3A_1310 = tpu.memref_squeeze %dma_start3A_1309 : memref<1x112x384xf32, #tpu.memory_space<vmem>> -> memref<112x384xf32, #tpu.memory_space<vmem>>
      tpu.enqueue_dma source(%dma_start3A_1310 : memref<112x384xf32, #tpu.memory_space<vmem>>) target(%dma_start3A_1306 : memref<112x384xf32, #tpu.memory_space<hbm>>) target_semaphore(%arg11 : memref<!tpu.dma_semaphore, #tpu.memory_space<semaphore_mem>>)
      %add3A_1311 = arith.constant 0 : i32
      %add3A_1312 = arith.addi %mul3A_2, %add3A_1311 : i32
      %dma_wait3A_1313 = arith.constant 1 : i32
      %dma_wait3A_1314 = arith.constant 0 : i32
      %dma_wait3A_1315 = arith.constant 0 : i32
      %dma_wait3A_1316 = tpu.memref_slice %arg7[%dma_wait3A_1313, %dma_wait3A_1314, %dma_wait3A_1315] : memref<3x112x384xf32, #tpu.memory_space<vmem>> -> memref<1x112x384xf32, #tpu.memory_space<vmem>>
      %dma_wait3A_1317 = tpu.memref_squeeze %dma_wait3A_1316 : memref<1x112x384xf32, #tpu.memory_space<vmem>> -> memref<112x384xf32, #tpu.memory_space<vmem>>
      %dma_wait3A_1318 = arith.constant 0 : i32
      %dma_wait3A_1319 = tpu.memref_slice %arg4[%add3A_1312, %dma_wait3A_1318] : memref<50176x384xf32, #tpu.memory_space<hbm>> -> memref<112x384xf32, #tpu.memory_space<hbm>>
      %dma_wait3A_1320 = arith.constant 0 : i32
      %dma_wait3A_1321 = tpu.memref_slice %arg4[%add3A_1312, %dma_wait3A_1320] : memref<50176x384xf32, #tpu.memory_space<hbm>> -> memref<112x384xf32, #tpu.memory_space<hbm>>
      %dma_wait3A_1322 = arith.constant 0 : i32
      %dma_wait3A_1323 = arith.constant 0 : i32
      %dma_wait3A_1324 = tpu.memref_slice %arg7[%dma_wait3A_1313, %dma_wait3A_1322, %dma_wait3A_1323] : memref<3x112x384xf32, #tpu.memory_space<vmem>> -> memref<1x112x384xf32, #tpu.memory_space<vmem>>
      %dma_wait3A_1325 = tpu.memref_squeeze %dma_wait3A_1324 : memref<1x112x384xf32, #tpu.memory_space<vmem>> -> memref<112x384xf32, #tpu.memory_space<vmem>>
      tpu.wait_dma2 semaphore(%arg12 : memref<!tpu.dma_semaphore, #tpu.memory_space<semaphore_mem>>) src(%dma_wait3A_1325 : memref<112x384xf32, #tpu.memory_space<vmem>>) dst(%dma_wait3A_1321 : memref<112x384xf32, #tpu.memory_space<hbm>>)
      %add3A_1326 = arith.constant 784 : i32
      %add3A_1327 = arith.addi %mul3A_2, %add3A_1326 : i32
      %dma_start3A_1328 = arith.constant 1 : i32
      %dma_start3A_1329 = arith.constant 0 : i32
      %dma_start3A_1330 = arith.constant 0 : i32
      %dma_start3A_1331 = tpu.memref_slice %arg7[%dma_start3A_1328, %dma_start3A_1329, %dma_start3A_1330] : memref<3x112x384xf32, #tpu.memory_space<vmem>> -> memref<1x112x384xf32, #tpu.memory_space<vmem>>
      %dma_start3A_1332 = tpu.memref_squeeze %dma_start3A_1331 : memref<1x112x384xf32, #tpu.memory_space<vmem>> -> memref<112x384xf32, #tpu.memory_space<vmem>>
      %dma_start3A_1333 = arith.constant 0 : i32
      %dma_start3A_1334 = tpu.memref_slice %arg2[%add3A_1327, %dma_start3A_1333] : memref<50176x384xf32, #tpu.memory_space<hbm>> -> memref<112x384xf32, #tpu.memory_space<hbm>>
      %dma_start3A_1335 = arith.constant 0 : i32
      %dma_start3A_1336 = arith.constant 0 : i32
      %dma_start3A_1337 = tpu.memref_slice %arg7[%dma_start3A_1328, %dma_start3A_1335, %dma_start3A_1336] : memref<3x112x384xf32, #tpu.memory_space<vmem>> -> memref<1x112x384xf32, #tpu.memory_space<vmem>>
      %dma_start3A_1338 = tpu.memref_squeeze %dma_start3A_1337 : memref<1x112x384xf32, #tpu.memory_space<vmem>> -> memref<112x384xf32, #tpu.memory_space<vmem>>
      %dma_start3A_1339 = arith.constant 0 : i32
      %dma_start3A_1340 = tpu.memref_slice %arg2[%add3A_1327, %dma_start3A_1339] : memref<50176x384xf32, #tpu.memory_space<hbm>> -> memref<112x384xf32, #tpu.memory_space<hbm>>
      tpu.enqueue_dma source(%dma_start3A_1340 : memref<112x384xf32, #tpu.memory_space<hbm>>) target(%dma_start3A_1338 : memref<112x384xf32, #tpu.memory_space<vmem>>) target_semaphore(%arg9 : memref<!tpu.dma_semaphore, #tpu.memory_space<semaphore_mem>>)
      %add3A_1341 = arith.constant 0 : i32
      %add3A_1342 = arith.addi %mul3A_2, %add3A_1341 : i32
      %dma_wait3A_1343 = arith.constant 1 : i32
      %dma_wait3A_1344 = arith.constant 0 : i32
      %dma_wait3A_1345 = arith.constant 0 : i32
      %dma_wait3A_1346 = tpu.memref_slice %arg7[%dma_wait3A_1343, %dma_wait3A_1344, %dma_wait3A_1345] : memref<3x112x384xf32, #tpu.memory_space<vmem>> -> memref<1x112x384xf32, #tpu.memory_space<vmem>>
      %dma_wait3A_1347 = tpu.memref_squeeze %dma_wait3A_1346 : memref<1x112x384xf32, #tpu.memory_space<vmem>> -> memref<112x384xf32, #tpu.memory_space<vmem>>
      %dma_wait3A_1348 = arith.constant 0 : i32
      %dma_wait3A_1349 = tpu.memref_slice %arg2[%add3A_1342, %dma_wait3A_1348] : memref<50176x384xf32, #tpu.memory_space<hbm>> -> memref<112x384xf32, #tpu.memory_space<hbm>>
      %dma_wait3A_1350 = arith.constant 0 : i32
      %dma_wait3A_1351 = arith.constant 0 : i32
      %dma_wait3A_1352 = tpu.memref_slice %arg7[%dma_wait3A_1343, %dma_wait3A_1350, %dma_wait3A_1351] : memref<3x112x384xf32, #tpu.memory_space<vmem>> -> memref<1x112x384xf32, #tpu.memory_space<vmem>>
      %dma_wait3A_1353 = tpu.memref_squeeze %dma_wait3A_1352 : memref<1x112x384xf32, #tpu.memory_space<vmem>> -> memref<112x384xf32, #tpu.memory_space<vmem>>
      %dma_wait3A_1354 = arith.constant 0 : i32
      %dma_wait3A_1355 = tpu.memref_slice %arg2[%add3A_1342, %dma_wait3A_1354] : memref<50176x384xf32, #tpu.memory_space<hbm>> -> memref<112x384xf32, #tpu.memory_space<hbm>>
      tpu.wait_dma2 semaphore(%arg9 : memref<!tpu.dma_semaphore, #tpu.memory_space<semaphore_mem>>) src(%dma_wait3A_1355 : memref<112x384xf32, #tpu.memory_space<hbm>>) dst(%dma_wait3A_1353 : memref<112x384xf32, #tpu.memory_space<vmem>>)
      %add3A_1356 = arith.constant 784 : i32
      %add3A_1357 = arith.addi %mul3A_2, %add3A_1356 : i32
      %dma_start3A_1358 = arith.constant 1 : i32
      %dma_start3A_1359 = arith.constant 0 : i32
      %dma_start3A_1360 = arith.constant 0 : i32
      %dma_start3A_1361 = tpu.memref_slice %arg7[%dma_start3A_1358, %dma_start3A_1359, %dma_start3A_1360] : memref<3x112x384xf32, #tpu.memory_space<vmem>> -> memref<1x112x384xf32, #tpu.memory_space<vmem>>
      %dma_start3A_1362 = tpu.memref_squeeze %dma_start3A_1361 : memref<1x112x384xf32, #tpu.memory_space<vmem>> -> memref<112x384xf32, #tpu.memory_space<vmem>>
      %dma_start3A_1363 = arith.constant 0 : i32
      %dma_start3A_1364 = tpu.memref_slice %arg4[%add3A_1357, %dma_start3A_1363] : memref<50176x384xf32, #tpu.memory_space<hbm>> -> memref<112x384xf32, #tpu.memory_space<hbm>>
      %dma_start3A_1365 = arith.constant 0 : i32
      %dma_start3A_1366 = tpu.memref_slice %arg4[%add3A_1357, %dma_start3A_1365] : memref<50176x384xf32, #tpu.memory_space<hbm>> -> memref<112x384xf32, #tpu.memory_space<hbm>>
      %dma_start3A_1367 = arith.constant 0 : i32
      %dma_start3A_1368 = arith.constant 0 : i32
      %dma_start3A_1369 = tpu.memref_slice %arg7[%dma_start3A_1358, %dma_start3A_1367, %dma_start3A_1368] : memref<3x112x384xf32, #tpu.memory_space<vmem>> -> memref<1x112x384xf32, #tpu.memory_space<vmem>>
      %dma_start3A_1370 = tpu.memref_squeeze %dma_start3A_1369 : memref<1x112x384xf32, #tpu.memory_space<vmem>> -> memref<112x384xf32, #tpu.memory_space<vmem>>
      tpu.enqueue_dma source(%dma_start3A_1370 : memref<112x384xf32, #tpu.memory_space<vmem>>) target(%dma_start3A_1366 : memref<112x384xf32, #tpu.memory_space<hbm>>) target_semaphore(%arg12 : memref<!tpu.dma_semaphore, #tpu.memory_space<semaphore_mem>>)
      %add3A_1371 = arith.constant 0 : i32
      %add3A_1372 = arith.addi %mul3A_2, %add3A_1371 : i32
      %dma_wait3A_1373 = arith.constant 2 : i32
      %dma_wait3A_1374 = arith.constant 0 : i32
      %dma_wait3A_1375 = arith.constant 0 : i32
      %dma_wait3A_1376 = tpu.memref_slice %arg7[%dma_wait3A_1373, %dma_wait3A_1374, %dma_wait3A_1375] : memref<3x112x384xf32, #tpu.memory_space<vmem>> -> memref<1x112x384xf32, #tpu.memory_space<vmem>>
      %dma_wait3A_1377 = tpu.memref_squeeze %dma_wait3A_1376 : memref<1x112x384xf32, #tpu.memory_space<vmem>> -> memref<112x384xf32, #tpu.memory_space<vmem>>
      %dma_wait3A_1378 = arith.constant 0 : i32
      %dma_wait3A_1379 = tpu.memref_slice %arg4[%add3A_1372, %dma_wait3A_1378] : memref<50176x384xf32, #tpu.memory_space<hbm>> -> memref<112x384xf32, #tpu.memory_space<hbm>>
      %dma_wait3A_1380 = arith.constant 0 : i32
      %dma_wait3A_1381 = tpu.memref_slice %arg4[%add3A_1372, %dma_wait3A_1380] : memref<50176x384xf32, #tpu.memory_space<hbm>> -> memref<112x384xf32, #tpu.memory_space<hbm>>
      %dma_wait3A_1382 = arith.constant 0 : i32
      %dma_wait3A_1383 = arith.constant 0 : i32
      %dma_wait3A_1384 = tpu.memref_slice %arg7[%dma_wait3A_1373, %dma_wait3A_1382, %dma_wait3A_1383] : memref<3x112x384xf32, #tpu.memory_space<vmem>> -> memref<1x112x384xf32, #tpu.memory_space<vmem>>
      %dma_wait3A_1385 = tpu.memref_squeeze %dma_wait3A_1384 : memref<1x112x384xf32, #tpu.memory_space<vmem>> -> memref<112x384xf32, #tpu.memory_space<vmem>>
      tpu.wait_dma2 semaphore(%arg13 : memref<!tpu.dma_semaphore, #tpu.memory_space<semaphore_mem>>) src(%dma_wait3A_1385 : memref<112x384xf32, #tpu.memory_space<vmem>>) dst(%dma_wait3A_1381 : memref<112x384xf32, #tpu.memory_space<hbm>>)
      %add3A_1386 = arith.constant 896 : i32
      %add3A_1387 = arith.addi %mul3A_2, %add3A_1386 : i32
      %dma_start3A_1388 = arith.constant 2 : i32
      %dma_start3A_1389 = arith.constant 0 : i32
      %dma_start3A_1390 = arith.constant 0 : i32
      %dma_start3A_1391 = tpu.memref_slice %arg7[%dma_start3A_1388, %dma_start3A_1389, %dma_start3A_1390] : memref<3x112x384xf32, #tpu.memory_space<vmem>> -> memref<1x112x384xf32, #tpu.memory_space<vmem>>
      %dma_start3A_1392 = tpu.memref_squeeze %dma_start3A_1391 : memref<1x112x384xf32, #tpu.memory_space<vmem>> -> memref<112x384xf32, #tpu.memory_space<vmem>>
      %dma_start3A_1393 = arith.constant 0 : i32
      %dma_start3A_1394 = tpu.memref_slice %arg2[%add3A_1387, %dma_start3A_1393] : memref<50176x384xf32, #tpu.memory_space<hbm>> -> memref<112x384xf32, #tpu.memory_space<hbm>>
      %dma_start3A_1395 = arith.constant 0 : i32
      %dma_start3A_1396 = arith.constant 0 : i32
      %dma_start3A_1397 = tpu.memref_slice %arg7[%dma_start3A_1388, %dma_start3A_1395, %dma_start3A_1396] : memref<3x112x384xf32, #tpu.memory_space<vmem>> -> memref<1x112x384xf32, #tpu.memory_space<vmem>>
      %dma_start3A_1398 = tpu.memref_squeeze %dma_start3A_1397 : memref<1x112x384xf32, #tpu.memory_space<vmem>> -> memref<112x384xf32, #tpu.memory_space<vmem>>
      %dma_start3A_1399 = arith.constant 0 : i32
      %dma_start3A_1400 = tpu.memref_slice %arg2[%add3A_1387, %dma_start3A_1399] : memref<50176x384xf32, #tpu.memory_space<hbm>> -> memref<112x384xf32, #tpu.memory_space<hbm>>
      tpu.enqueue_dma source(%dma_start3A_1400 : memref<112x384xf32, #tpu.memory_space<hbm>>) target(%dma_start3A_1398 : memref<112x384xf32, #tpu.memory_space<vmem>>) target_semaphore(%arg10 : memref<!tpu.dma_semaphore, #tpu.memory_space<semaphore_mem>>)
      %add3A_1401 = arith.constant 0 : i32
      %add3A_1402 = arith.addi %mul3A_2, %add3A_1401 : i32
      %dma_wait3A_1403 = arith.constant 2 : i32
      %dma_wait3A_1404 = arith.constant 0 : i32
      %dma_wait3A_1405 = arith.constant 0 : i32
      %dma_wait3A_1406 = tpu.memref_slice %arg7[%dma_wait3A_1403, %dma_wait3A_1404, %dma_wait3A_1405] : memref<3x112x384xf32, #tpu.memory_space<vmem>> -> memref<1x112x384xf32, #tpu.memory_space<vmem>>
      %dma_wait3A_1407 = tpu.memref_squeeze %dma_wait3A_1406 : memref<1x112x384xf32, #tpu.memory_space<vmem>> -> memref<112x384xf32, #tpu.memory_space<vmem>>
      %dma_wait3A_1408 = arith.constant 0 : i32
      %dma_wait3A_1409 = tpu.memref_slice %arg2[%add3A_1402, %dma_wait3A_1408] : memref<50176x384xf32, #tpu.memory_space<hbm>> -> memref<112x384xf32, #tpu.memory_space<hbm>>
      %dma_wait3A_1410 = arith.constant 0 : i32
      %dma_wait3A_1411 = arith.constant 0 : i32
      %dma_wait3A_1412 = tpu.memref_slice %arg7[%dma_wait3A_1403, %dma_wait3A_1410, %dma_wait3A_1411] : memref<3x112x384xf32, #tpu.memory_space<vmem>> -> memref<1x112x384xf32, #tpu.memory_space<vmem>>
      %dma_wait3A_1413 = tpu.memref_squeeze %dma_wait3A_1412 : memref<1x112x384xf32, #tpu.memory_space<vmem>> -> memref<112x384xf32, #tpu.memory_space<vmem>>
      %dma_wait3A_1414 = arith.constant 0 : i32
      %dma_wait3A_1415 = tpu.memref_slice %arg2[%add3A_1402, %dma_wait3A_1414] : memref<50176x384xf32, #tpu.memory_space<hbm>> -> memref<112x384xf32, #tpu.memory_space<hbm>>
      tpu.wait_dma2 semaphore(%arg10 : memref<!tpu.dma_semaphore, #tpu.memory_space<semaphore_mem>>) src(%dma_wait3A_1415 : memref<112x384xf32, #tpu.memory_space<hbm>>) dst(%dma_wait3A_1413 : memref<112x384xf32, #tpu.memory_space<vmem>>)
      %add3A_1416 = arith.constant 896 : i32
      %add3A_1417 = arith.addi %mul3A_2, %add3A_1416 : i32
      %dma_start3A_1418 = arith.constant 2 : i32
      %dma_start3A_1419 = arith.constant 0 : i32
      %dma_start3A_1420 = arith.constant 0 : i32
      %dma_start3A_1421 = tpu.memref_slice %arg7[%dma_start3A_1418, %dma_start3A_1419, %dma_start3A_1420] : memref<3x112x384xf32, #tpu.memory_space<vmem>> -> memref<1x112x384xf32, #tpu.memory_space<vmem>>
      %dma_start3A_1422 = tpu.memref_squeeze %dma_start3A_1421 : memref<1x112x384xf32, #tpu.memory_space<vmem>> -> memref<112x384xf32, #tpu.memory_space<vmem>>
      %dma_start3A_1423 = arith.constant 0 : i32
      %dma_start3A_1424 = tpu.memref_slice %arg4[%add3A_1417, %dma_start3A_1423] : memref<50176x384xf32, #tpu.memory_space<hbm>> -> memref<112x384xf32, #tpu.memory_space<hbm>>
      %dma_start3A_1425 = arith.constant 0 : i32
      %dma_start3A_1426 = tpu.memref_slice %arg4[%add3A_1417, %dma_start3A_1425] : memref<50176x384xf32, #tpu.memory_space<hbm>> -> memref<112x384xf32, #tpu.memory_space<hbm>>
      %dma_start3A_1427 = arith.constant 0 : i32
      %dma_start3A_1428 = arith.constant 0 : i32
      %dma_start3A_1429 = tpu.memref_slice %arg7[%dma_start3A_1418, %dma_start3A_1427, %dma_start3A_1428] : memref<3x112x384xf32, #tpu.memory_space<vmem>> -> memref<1x112x384xf32, #tpu.memory_space<vmem>>
      %dma_start3A_1430 = tpu.memref_squeeze %dma_start3A_1429 : memref<1x112x384xf32, #tpu.memory_space<vmem>> -> memref<112x384xf32, #tpu.memory_space<vmem>>
      tpu.enqueue_dma source(%dma_start3A_1430 : memref<112x384xf32, #tpu.memory_space<vmem>>) target(%dma_start3A_1426 : memref<112x384xf32, #tpu.memory_space<hbm>>) target_semaphore(%arg13 : memref<!tpu.dma_semaphore, #tpu.memory_space<semaphore_mem>>)
      %add3A_1431 = arith.constant 0 : i32
      %add3A_1432 = arith.addi %mul3A_2, %add3A_1431 : i32
      %dma_wait3A_1433 = arith.constant 0 : i32
      %dma_wait3A_1434 = arith.constant 0 : i32
      %dma_wait3A_1435 = arith.constant 0 : i32
      %dma_wait3A_1436 = tpu.memref_slice %arg7[%dma_wait3A_1433, %dma_wait3A_1434, %dma_wait3A_1435] : memref<3x112x384xf32, #tpu.memory_space<vmem>> -> memref<1x112x384xf32, #tpu.memory_space<vmem>>
      %dma_wait3A_1437 = tpu.memref_squeeze %dma_wait3A_1436 : memref<1x112x384xf32, #tpu.memory_space<vmem>> -> memref<112x384xf32, #tpu.memory_space<vmem>>
      %dma_wait3A_1438 = arith.constant 0 : i32
      %dma_wait3A_1439 = tpu.memref_slice %arg4[%add3A_1432, %dma_wait3A_1438] : memref<50176x384xf32, #tpu.memory_space<hbm>> -> memref<112x384xf32, #tpu.memory_space<hbm>>
      %dma_wait3A_1440 = arith.constant 0 : i32
      %dma_wait3A_1441 = tpu.memref_slice %arg4[%add3A_1432, %dma_wait3A_1440] : memref<50176x384xf32, #tpu.memory_space<hbm>> -> memref<112x384xf32, #tpu.memory_space<hbm>>
      %dma_wait3A_1442 = arith.constant 0 : i32
      %dma_wait3A_1443 = arith.constant 0 : i32
      %dma_wait3A_1444 = tpu.memref_slice %arg7[%dma_wait3A_1433, %dma_wait3A_1442, %dma_wait3A_1443] : memref<3x112x384xf32, #tpu.memory_space<vmem>> -> memref<1x112x384xf32, #tpu.memory_space<vmem>>
      %dma_wait3A_1445 = tpu.memref_squeeze %dma_wait3A_1444 : memref<1x112x384xf32, #tpu.memory_space<vmem>> -> memref<112x384xf32, #tpu.memory_space<vmem>>
      tpu.wait_dma2 semaphore(%arg11 : memref<!tpu.dma_semaphore, #tpu.memory_space<semaphore_mem>>) src(%dma_wait3A_1445 : memref<112x384xf32, #tpu.memory_space<vmem>>) dst(%dma_wait3A_1441 : memref<112x384xf32, #tpu.memory_space<hbm>>)
      %add3A_1446 = arith.constant 1008 : i32
      %add3A_1447 = arith.addi %mul3A_2, %add3A_1446 : i32
      %dma_start3A_1448 = arith.constant 0 : i32
      %dma_start3A_1449 = arith.constant 0 : i32
      %dma_start3A_1450 = arith.constant 0 : i32
      %dma_start3A_1451 = tpu.memref_slice %arg7[%dma_start3A_1448, %dma_start3A_1449, %dma_start3A_1450] : memref<3x112x384xf32, #tpu.memory_space<vmem>> -> memref<1x112x384xf32, #tpu.memory_space<vmem>>
      %dma_start3A_1452 = tpu.memref_squeeze %dma_start3A_1451 : memref<1x112x384xf32, #tpu.memory_space<vmem>> -> memref<112x384xf32, #tpu.memory_space<vmem>>
      %dma_start3A_1453 = arith.constant 0 : i32
      %dma_start3A_1454 = tpu.memref_slice %arg2[%add3A_1447, %dma_start3A_1453] : memref<50176x384xf32, #tpu.memory_space<hbm>> -> memref<112x384xf32, #tpu.memory_space<hbm>>
      %dma_start3A_1455 = arith.constant 0 : i32
      %dma_start3A_1456 = arith.constant 0 : i32
      %dma_start3A_1457 = tpu.memref_slice %arg7[%dma_start3A_1448, %dma_start3A_1455, %dma_start3A_1456] : memref<3x112x384xf32, #tpu.memory_space<vmem>> -> memref<1x112x384xf32, #tpu.memory_space<vmem>>
      %dma_start3A_1458 = tpu.memref_squeeze %dma_start3A_1457 : memref<1x112x384xf32, #tpu.memory_space<vmem>> -> memref<112x384xf32, #tpu.memory_space<vmem>>
      %dma_start3A_1459 = arith.constant 0 : i32
      %dma_start3A_1460 = tpu.memref_slice %arg2[%add3A_1447, %dma_start3A_1459] : memref<50176x384xf32, #tpu.memory_space<hbm>> -> memref<112x384xf32, #tpu.memory_space<hbm>>
      tpu.enqueue_dma source(%dma_start3A_1460 : memref<112x384xf32, #tpu.memory_space<hbm>>) target(%dma_start3A_1458 : memref<112x384xf32, #tpu.memory_space<vmem>>) target_semaphore(%arg8 : memref<!tpu.dma_semaphore, #tpu.memory_space<semaphore_mem>>)
      %add3A_1461 = arith.constant 0 : i32
      %add3A_1462 = arith.addi %mul3A_2, %add3A_1461 : i32
      %dma_wait3A_1463 = arith.constant 0 : i32
      %dma_wait3A_1464 = arith.constant 0 : i32
      %dma_wait3A_1465 = arith.constant 0 : i32
      %dma_wait3A_1466 = tpu.memref_slice %arg7[%dma_wait3A_1463, %dma_wait3A_1464, %dma_wait3A_1465] : memref<3x112x384xf32, #tpu.memory_space<vmem>> -> memref<1x112x384xf32, #tpu.memory_space<vmem>>
      %dma_wait3A_1467 = tpu.memref_squeeze %dma_wait3A_1466 : memref<1x112x384xf32, #tpu.memory_space<vmem>> -> memref<112x384xf32, #tpu.memory_space<vmem>>
      %dma_wait3A_1468 = arith.constant 0 : i32
      %dma_wait3A_1469 = tpu.memref_slice %arg2[%add3A_1462, %dma_wait3A_1468] : memref<50176x384xf32, #tpu.memory_space<hbm>> -> memref<112x384xf32, #tpu.memory_space<hbm>>
      %dma_wait3A_1470 = arith.constant 0 : i32
      %dma_wait3A_1471 = arith.constant 0 : i32
      %dma_wait3A_1472 = tpu.memref_slice %arg7[%dma_wait3A_1463, %dma_wait3A_1470, %dma_wait3A_1471] : memref<3x112x384xf32, #tpu.memory_space<vmem>> -> memref<1x112x384xf32, #tpu.memory_space<vmem>>
      %dma_wait3A_1473 = tpu.memref_squeeze %dma_wait3A_1472 : memref<1x112x384xf32, #tpu.memory_space<vmem>> -> memref<112x384xf32, #tpu.memory_space<vmem>>
      %dma_wait3A_1474 = arith.constant 0 : i32
      %dma_wait3A_1475 = tpu.memref_slice %arg2[%add3A_1462, %dma_wait3A_1474] : memref<50176x384xf32, #tpu.memory_space<hbm>> -> memref<112x384xf32, #tpu.memory_space<hbm>>
      tpu.wait_dma2 semaphore(%arg8 : memref<!tpu.dma_semaphore, #tpu.memory_space<semaphore_mem>>) src(%dma_wait3A_1475 : memref<112x384xf32, #tpu.memory_space<hbm>>) dst(%dma_wait3A_1473 : memref<112x384xf32, #tpu.memory_space<vmem>>)
      %add3A_1476 = arith.constant 1008 : i32
      %add3A_1477 = arith.addi %mul3A_2, %add3A_1476 : i32
      %dma_start3A_1478 = arith.constant 0 : i32
      %dma_start3A_1479 = arith.constant 0 : i32
      %dma_start3A_1480 = arith.constant 0 : i32
      %dma_start3A_1481 = tpu.memref_slice %arg7[%dma_start3A_1478, %dma_start3A_1479, %dma_start3A_1480] : memref<3x112x384xf32, #tpu.memory_space<vmem>> -> memref<1x112x384xf32, #tpu.memory_space<vmem>>
      %dma_start3A_1482 = tpu.memref_squeeze %dma_start3A_1481 : memref<1x112x384xf32, #tpu.memory_space<vmem>> -> memref<112x384xf32, #tpu.memory_space<vmem>>
      %dma_start3A_1483 = arith.constant 0 : i32
      %dma_start3A_1484 = tpu.memref_slice %arg4[%add3A_1477, %dma_start3A_1483] : memref<50176x384xf32, #tpu.memory_space<hbm>> -> memref<112x384xf32, #tpu.memory_space<hbm>>
      %dma_start3A_1485 = arith.constant 0 : i32
      %dma_start3A_1486 = tpu.memref_slice %arg4[%add3A_1477, %dma_start3A_1485] : memref<50176x384xf32, #tpu.memory_space<hbm>> -> memref<112x384xf32, #tpu.memory_space<hbm>>
      %dma_start3A_1487 = arith.constant 0 : i32
      %dma_start3A_1488 = arith.constant 0 : i32
      %dma_start3A_1489 = tpu.memref_slice %arg7[%dma_start3A_1478, %dma_start3A_1487, %dma_start3A_1488] : memref<3x112x384xf32, #tpu.memory_space<vmem>> -> memref<1x112x384xf32, #tpu.memory_space<vmem>>
      %dma_start3A_1490 = tpu.memref_squeeze %dma_start3A_1489 : memref<1x112x384xf32, #tpu.memory_space<vmem>> -> memref<112x384xf32, #tpu.memory_space<vmem>>
      tpu.enqueue_dma source(%dma_start3A_1490 : memref<112x384xf32, #tpu.memory_space<vmem>>) target(%dma_start3A_1486 : memref<112x384xf32, #tpu.memory_space<hbm>>) target_semaphore(%arg11 : memref<!tpu.dma_semaphore, #tpu.memory_space<semaphore_mem>>)
      %add3A_1491 = arith.constant 0 : i32
      %add3A_1492 = arith.addi %mul3A_2, %add3A_1491 : i32
      %dma_wait3A_1493 = arith.constant 1 : i32
      %dma_wait3A_1494 = arith.constant 0 : i32
      %dma_wait3A_1495 = arith.constant 0 : i32
      %dma_wait3A_1496 = tpu.memref_slice %arg7[%dma_wait3A_1493, %dma_wait3A_1494, %dma_wait3A_1495] : memref<3x112x384xf32, #tpu.memory_space<vmem>> -> memref<1x112x384xf32, #tpu.memory_space<vmem>>
      %dma_wait3A_1497 = tpu.memref_squeeze %dma_wait3A_1496 : memref<1x112x384xf32, #tpu.memory_space<vmem>> -> memref<112x384xf32, #tpu.memory_space<vmem>>
      %dma_wait3A_1498 = arith.constant 0 : i32
      %dma_wait3A_1499 = tpu.memref_slice %arg4[%add3A_1492, %dma_wait3A_1498] : memref<50176x384xf32, #tpu.memory_space<hbm>> -> memref<112x384xf32, #tpu.memory_space<hbm>>
      %dma_wait3A_1500 = arith.constant 0 : i32
      %dma_wait3A_1501 = tpu.memref_slice %arg4[%add3A_1492, %dma_wait3A_1500] : memref<50176x384xf32, #tpu.memory_space<hbm>> -> memref<112x384xf32, #tpu.memory_space<hbm>>
      %dma_wait3A_1502 = arith.constant 0 : i32
      %dma_wait3A_1503 = arith.constant 0 : i32
      %dma_wait3A_1504 = tpu.memref_slice %arg7[%dma_wait3A_1493, %dma_wait3A_1502, %dma_wait3A_1503] : memref<3x112x384xf32, #tpu.memory_space<vmem>> -> memref<1x112x384xf32, #tpu.memory_space<vmem>>
      %dma_wait3A_1505 = tpu.memref_squeeze %dma_wait3A_1504 : memref<1x112x384xf32, #tpu.memory_space<vmem>> -> memref<112x384xf32, #tpu.memory_space<vmem>>
      tpu.wait_dma2 semaphore(%arg12 : memref<!tpu.dma_semaphore, #tpu.memory_space<semaphore_mem>>) src(%dma_wait3A_1505 : memref<112x384xf32, #tpu.memory_space<vmem>>) dst(%dma_wait3A_1501 : memref<112x384xf32, #tpu.memory_space<hbm>>)
      %add3A_1506 = arith.constant 1120 : i32
      %add3A_1507 = arith.addi %mul3A_2, %add3A_1506 : i32
      %dma_start3A_1508 = arith.constant 1 : i32
      %dma_start3A_1509 = arith.constant 0 : i32
      %dma_start3A_1510 = arith.constant 0 : i32
      %dma_start3A_1511 = tpu.memref_slice %arg7[%dma_start3A_1508, %dma_start3A_1509, %dma_start3A_1510] : memref<3x112x384xf32, #tpu.memory_space<vmem>> -> memref<1x112x384xf32, #tpu.memory_space<vmem>>
      %dma_start3A_1512 = tpu.memref_squeeze %dma_start3A_1511 : memref<1x112x384xf32, #tpu.memory_space<vmem>> -> memref<112x384xf32, #tpu.memory_space<vmem>>
      %dma_start3A_1513 = arith.constant 0 : i32
      %dma_start3A_1514 = tpu.memref_slice %arg2[%add3A_1507, %dma_start3A_1513] : memref<50176x384xf32, #tpu.memory_space<hbm>> -> memref<112x384xf32, #tpu.memory_space<hbm>>
      %dma_start3A_1515 = arith.constant 0 : i32
      %dma_start3A_1516 = arith.constant 0 : i32
      %dma_start3A_1517 = tpu.memref_slice %arg7[%dma_start3A_1508, %dma_start3A_1515, %dma_start3A_1516] : memref<3x112x384xf32, #tpu.memory_space<vmem>> -> memref<1x112x384xf32, #tpu.memory_space<vmem>>
      %dma_start3A_1518 = tpu.memref_squeeze %dma_start3A_1517 : memref<1x112x384xf32, #tpu.memory_space<vmem>> -> memref<112x384xf32, #tpu.memory_space<vmem>>
      %dma_start3A_1519 = arith.constant 0 : i32
      %dma_start3A_1520 = tpu.memref_slice %arg2[%add3A_1507, %dma_start3A_1519] : memref<50176x384xf32, #tpu.memory_space<hbm>> -> memref<112x384xf32, #tpu.memory_space<hbm>>
      tpu.enqueue_dma source(%dma_start3A_1520 : memref<112x384xf32, #tpu.memory_space<hbm>>) target(%dma_start3A_1518 : memref<112x384xf32, #tpu.memory_space<vmem>>) target_semaphore(%arg9 : memref<!tpu.dma_semaphore, #tpu.memory_space<semaphore_mem>>)
      %add3A_1521 = arith.constant 0 : i32
      %add3A_1522 = arith.addi %mul3A_2, %add3A_1521 : i32
      %dma_wait3A_1523 = arith.constant 1 : i32
      %dma_wait3A_1524 = arith.constant 0 : i32
      %dma_wait3A_1525 = arith.constant 0 : i32
      %dma_wait3A_1526 = tpu.memref_slice %arg7[%dma_wait3A_1523, %dma_wait3A_1524, %dma_wait3A_1525] : memref<3x112x384xf32, #tpu.memory_space<vmem>> -> memref<1x112x384xf32, #tpu.memory_space<vmem>>
      %dma_wait3A_1527 = tpu.memref_squeeze %dma_wait3A_1526 : memref<1x112x384xf32, #tpu.memory_space<vmem>> -> memref<112x384xf32, #tpu.memory_space<vmem>>
      %dma_wait3A_1528 = arith.constant 0 : i32
      %dma_wait3A_1529 = tpu.memref_slice %arg2[%add3A_1522, %dma_wait3A_1528] : memref<50176x384xf32, #tpu.memory_space<hbm>> -> memref<112x384xf32, #tpu.memory_space<hbm>>
      %dma_wait3A_1530 = arith.constant 0 : i32
      %dma_wait3A_1531 = arith.constant 0 : i32
      %dma_wait3A_1532 = tpu.memref_slice %arg7[%dma_wait3A_1523, %dma_wait3A_1530, %dma_wait3A_1531] : memref<3x112x384xf32, #tpu.memory_space<vmem>> -> memref<1x112x384xf32, #tpu.memory_space<vmem>>
      %dma_wait3A_1533 = tpu.memref_squeeze %dma_wait3A_1532 : memref<1x112x384xf32, #tpu.memory_space<vmem>> -> memref<112x384xf32, #tpu.memory_space<vmem>>
      %dma_wait3A_1534 = arith.constant 0 : i32
      %dma_wait3A_1535 = tpu.memref_slice %arg2[%add3A_1522, %dma_wait3A_1534] : memref<50176x384xf32, #tpu.memory_space<hbm>> -> memref<112x384xf32, #tpu.memory_space<hbm>>
      tpu.wait_dma2 semaphore(%arg9 : memref<!tpu.dma_semaphore, #tpu.memory_space<semaphore_mem>>) src(%dma_wait3A_1535 : memref<112x384xf32, #tpu.memory_space<hbm>>) dst(%dma_wait3A_1533 : memref<112x384xf32, #tpu.memory_space<vmem>>)
      %add3A_1536 = arith.constant 1120 : i32
      %add3A_1537 = arith.addi %mul3A_2, %add3A_1536 : i32
      %dma_start3A_1538 = arith.constant 1 : i32
      %dma_start3A_1539 = arith.constant 0 : i32
      %dma_start3A_1540 = arith.constant 0 : i32
      %dma_start3A_1541 = tpu.memref_slice %arg7[%dma_start3A_1538, %dma_start3A_1539, %dma_start3A_1540] : memref<3x112x384xf32, #tpu.memory_space<vmem>> -> memref<1x112x384xf32, #tpu.memory_space<vmem>>
      %dma_start3A_1542 = tpu.memref_squeeze %dma_start3A_1541 : memref<1x112x384xf32, #tpu.memory_space<vmem>> -> memref<112x384xf32, #tpu.memory_space<vmem>>
      %dma_start3A_1543 = arith.constant 0 : i32
      %dma_start3A_1544 = tpu.memref_slice %arg4[%add3A_1537, %dma_start3A_1543] : memref<50176x384xf32, #tpu.memory_space<hbm>> -> memref<112x384xf32, #tpu.memory_space<hbm>>
      %dma_start3A_1545 = arith.constant 0 : i32
      %dma_start3A_1546 = tpu.memref_slice %arg4[%add3A_1537, %dma_start3A_1545] : memref<50176x384xf32, #tpu.memory_space<hbm>> -> memref<112x384xf32, #tpu.memory_space<hbm>>
      %dma_start3A_1547 = arith.constant 0 : i32
      %dma_start3A_1548 = arith.constant 0 : i32
      %dma_start3A_1549 = tpu.memref_slice %arg7[%dma_start3A_1538, %dma_start3A_1547, %dma_start3A_1548] : memref<3x112x384xf32, #tpu.memory_space<vmem>> -> memref<1x112x384xf32, #tpu.memory_space<vmem>>
      %dma_start3A_1550 = tpu.memref_squeeze %dma_start3A_1549 : memref<1x112x384xf32, #tpu.memory_space<vmem>> -> memref<112x384xf32, #tpu.memory_space<vmem>>
      tpu.enqueue_dma source(%dma_start3A_1550 : memref<112x384xf32, #tpu.memory_space<vmem>>) target(%dma_start3A_1546 : memref<112x384xf32, #tpu.memory_space<hbm>>) target_semaphore(%arg12 : memref<!tpu.dma_semaphore, #tpu.memory_space<semaphore_mem>>)
      %add3A_1551 = arith.constant 0 : i32
      %add3A_1552 = arith.addi %mul3A_2, %add3A_1551 : i32
      %dma_wait3A_1553 = arith.constant 2 : i32
      %dma_wait3A_1554 = arith.constant 0 : i32
      %dma_wait3A_1555 = arith.constant 0 : i32
      %dma_wait3A_1556 = tpu.memref_slice %arg7[%dma_wait3A_1553, %dma_wait3A_1554, %dma_wait3A_1555] : memref<3x112x384xf32, #tpu.memory_space<vmem>> -> memref<1x112x384xf32, #tpu.memory_space<vmem>>
      %dma_wait3A_1557 = tpu.memref_squeeze %dma_wait3A_1556 : memref<1x112x384xf32, #tpu.memory_space<vmem>> -> memref<112x384xf32, #tpu.memory_space<vmem>>
      %dma_wait3A_1558 = arith.constant 0 : i32
      %dma_wait3A_1559 = tpu.memref_slice %arg4[%add3A_1552, %dma_wait3A_1558] : memref<50176x384xf32, #tpu.memory_space<hbm>> -> memref<112x384xf32, #tpu.memory_space<hbm>>
      %dma_wait3A_1560 = arith.constant 0 : i32
      %dma_wait3A_1561 = tpu.memref_slice %arg4[%add3A_1552, %dma_wait3A_1560] : memref<50176x384xf32, #tpu.memory_space<hbm>> -> memref<112x384xf32, #tpu.memory_space<hbm>>
      %dma_wait3A_1562 = arith.constant 0 : i32
      %dma_wait3A_1563 = arith.constant 0 : i32
      %dma_wait3A_1564 = tpu.memref_slice %arg7[%dma_wait3A_1553, %dma_wait3A_1562, %dma_wait3A_1563] : memref<3x112x384xf32, #tpu.memory_space<vmem>> -> memref<1x112x384xf32, #tpu.memory_space<vmem>>
      %dma_wait3A_1565 = tpu.memref_squeeze %dma_wait3A_1564 : memref<1x112x384xf32, #tpu.memory_space<vmem>> -> memref<112x384xf32, #tpu.memory_space<vmem>>
      tpu.wait_dma2 semaphore(%arg13 : memref<!tpu.dma_semaphore, #tpu.memory_space<semaphore_mem>>) src(%dma_wait3A_1565 : memref<112x384xf32, #tpu.memory_space<vmem>>) dst(%dma_wait3A_1561 : memref<112x384xf32, #tpu.memory_space<hbm>>)
      %add3A_1566 = arith.constant 1232 : i32
      %add3A_1567 = arith.addi %mul3A_2, %add3A_1566 : i32
      %dma_start3A_1568 = arith.constant 2 : i32
      %dma_start3A_1569 = arith.constant 0 : i32
      %dma_start3A_1570 = arith.constant 0 : i32
      %dma_start3A_1571 = tpu.memref_slice %arg7[%dma_start3A_1568, %dma_start3A_1569, %dma_start3A_1570] : memref<3x112x384xf32, #tpu.memory_space<vmem>> -> memref<1x112x384xf32, #tpu.memory_space<vmem>>
      %dma_start3A_1572 = tpu.memref_squeeze %dma_start3A_1571 : memref<1x112x384xf32, #tpu.memory_space<vmem>> -> memref<112x384xf32, #tpu.memory_space<vmem>>
      %dma_start3A_1573 = arith.constant 0 : i32
      %dma_start3A_1574 = tpu.memref_slice %arg2[%add3A_1567, %dma_start3A_1573] : memref<50176x384xf32, #tpu.memory_space<hbm>> -> memref<112x384xf32, #tpu.memory_space<hbm>>
      %dma_start3A_1575 = arith.constant 0 : i32
      %dma_start3A_1576 = arith.constant 0 : i32
      %dma_start3A_1577 = tpu.memref_slice %arg7[%dma_start3A_1568, %dma_start3A_1575, %dma_start3A_1576] : memref<3x112x384xf32, #tpu.memory_space<vmem>> -> memref<1x112x384xf32, #tpu.memory_space<vmem>>
      %dma_start3A_1578 = tpu.memref_squeeze %dma_start3A_1577 : memref<1x112x384xf32, #tpu.memory_space<vmem>> -> memref<112x384xf32, #tpu.memory_space<vmem>>
      %dma_start3A_1579 = arith.constant 0 : i32
      %dma_start3A_1580 = tpu.memref_slice %arg2[%add3A_1567, %dma_start3A_1579] : memref<50176x384xf32, #tpu.memory_space<hbm>> -> memref<112x384xf32, #tpu.memory_space<hbm>>
      tpu.enqueue_dma source(%dma_start3A_1580 : memref<112x384xf32, #tpu.memory_space<hbm>>) target(%dma_start3A_1578 : memref<112x384xf32, #tpu.memory_space<vmem>>) target_semaphore(%arg10 : memref<!tpu.dma_semaphore, #tpu.memory_space<semaphore_mem>>)
      %add3A_1581 = arith.constant 0 : i32
      %add3A_1582 = arith.addi %mul3A_2, %add3A_1581 : i32
      %dma_wait3A_1583 = arith.constant 2 : i32
      %dma_wait3A_1584 = arith.constant 0 : i32
      %dma_wait3A_1585 = arith.constant 0 : i32
      %dma_wait3A_1586 = tpu.memref_slice %arg7[%dma_wait3A_1583, %dma_wait3A_1584, %dma_wait3A_1585] : memref<3x112x384xf32, #tpu.memory_space<vmem>> -> memref<1x112x384xf32, #tpu.memory_space<vmem>>
      %dma_wait3A_1587 = tpu.memref_squeeze %dma_wait3A_1586 : memref<1x112x384xf32, #tpu.memory_space<vmem>> -> memref<112x384xf32, #tpu.memory_space<vmem>>
      %dma_wait3A_1588 = arith.constant 0 : i32
      %dma_wait3A_1589 = tpu.memref_slice %arg2[%add3A_1582, %dma_wait3A_1588] : memref<50176x384xf32, #tpu.memory_space<hbm>> -> memref<112x384xf32, #tpu.memory_space<hbm>>
      %dma_wait3A_1590 = arith.constant 0 : i32
      %dma_wait3A_1591 = arith.constant 0 : i32
      %dma_wait3A_1592 = tpu.memref_slice %arg7[%dma_wait3A_1583, %dma_wait3A_1590, %dma_wait3A_1591] : memref<3x112x384xf32, #tpu.memory_space<vmem>> -> memref<1x112x384xf32, #tpu.memory_space<vmem>>
      %dma_wait3A_1593 = tpu.memref_squeeze %dma_wait3A_1592 : memref<1x112x384xf32, #tpu.memory_space<vmem>> -> memref<112x384xf32, #tpu.memory_space<vmem>>
      %dma_wait3A_1594 = arith.constant 0 : i32
      %dma_wait3A_1595 = tpu.memref_slice %arg2[%add3A_1582, %dma_wait3A_1594] : memref<50176x384xf32, #tpu.memory_space<hbm>> -> memref<112x384xf32, #tpu.memory_space<hbm>>
      tpu.wait_dma2 semaphore(%arg10 : memref<!tpu.dma_semaphore, #tpu.memory_space<semaphore_mem>>) src(%dma_wait3A_1595 : memref<112x384xf32, #tpu.memory_space<hbm>>) dst(%dma_wait3A_1593 : memref<112x384xf32, #tpu.memory_space<vmem>>)
      %add3A_1596 = arith.constant 1232 : i32
      %add3A_1597 = arith.addi %mul3A_2, %add3A_1596 : i32
      %dma_start3A_1598 = arith.constant 2 : i32
      %dma_start3A_1599 = arith.constant 0 : i32
      %dma_start3A_1600 = arith.constant 0 : i32
      %dma_start3A_1601 = tpu.memref_slice %arg7[%dma_start3A_1598, %dma_start3A_1599, %dma_start3A_1600] : memref<3x112x384xf32, #tpu.memory_space<vmem>> -> memref<1x112x384xf32, #tpu.memory_space<vmem>>
      %dma_start3A_1602 = tpu.memref_squeeze %dma_start3A_1601 : memref<1x112x384xf32, #tpu.memory_space<vmem>> -> memref<112x384xf32, #tpu.memory_space<vmem>>
      %dma_start3A_1603 = arith.constant 0 : i32
      %dma_start3A_1604 = tpu.memref_slice %arg4[%add3A_1597, %dma_start3A_1603] : memref<50176x384xf32, #tpu.memory_space<hbm>> -> memref<112x384xf32, #tpu.memory_space<hbm>>
      %dma_start3A_1605 = arith.constant 0 : i32
      %dma_start3A_1606 = tpu.memref_slice %arg4[%add3A_1597, %dma_start3A_1605] : memref<50176x384xf32, #tpu.memory_space<hbm>> -> memref<112x384xf32, #tpu.memory_space<hbm>>
      %dma_start3A_1607 = arith.constant 0 : i32
      %dma_start3A_1608 = arith.constant 0 : i32
      %dma_start3A_1609 = tpu.memref_slice %arg7[%dma_start3A_1598, %dma_start3A_1607, %dma_start3A_1608] : memref<3x112x384xf32, #tpu.memory_space<vmem>> -> memref<1x112x384xf32, #tpu.memory_space<vmem>>
      %dma_start3A_1610 = tpu.memref_squeeze %dma_start3A_1609 : memref<1x112x384xf32, #tpu.memory_space<vmem>> -> memref<112x384xf32, #tpu.memory_space<vmem>>
      tpu.enqueue_dma source(%dma_start3A_1610 : memref<112x384xf32, #tpu.memory_space<vmem>>) target(%dma_start3A_1606 : memref<112x384xf32, #tpu.memory_space<hbm>>) target_semaphore(%arg13 : memref<!tpu.dma_semaphore, #tpu.memory_space<semaphore_mem>>)
      %add3A_1611 = arith.constant 0 : i32
      %add3A_1612 = arith.addi %mul3A_2, %add3A_1611 : i32
      %dma_wait3A_1613 = arith.constant 0 : i32
      %dma_wait3A_1614 = arith.constant 0 : i32
      %dma_wait3A_1615 = arith.constant 0 : i32
      %dma_wait3A_1616 = tpu.memref_slice %arg7[%dma_wait3A_1613, %dma_wait3A_1614, %dma_wait3A_1615] : memref<3x112x384xf32, #tpu.memory_space<vmem>> -> memref<1x112x384xf32, #tpu.memory_space<vmem>>
      %dma_wait3A_1617 = tpu.memref_squeeze %dma_wait3A_1616 : memref<1x112x384xf32, #tpu.memory_space<vmem>> -> memref<112x384xf32, #tpu.memory_space<vmem>>
      %dma_wait3A_1618 = arith.constant 0 : i32
      %dma_wait3A_1619 = tpu.memref_slice %arg4[%add3A_1612, %dma_wait3A_1618] : memref<50176x384xf32, #tpu.memory_space<hbm>> -> memref<112x384xf32, #tpu.memory_space<hbm>>
      %dma_wait3A_1620 = arith.constant 0 : i32
      %dma_wait3A_1621 = tpu.memref_slice %arg4[%add3A_1612, %dma_wait3A_1620] : memref<50176x384xf32, #tpu.memory_space<hbm>> -> memref<112x384xf32, #tpu.memory_space<hbm>>
      %dma_wait3A_1622 = arith.constant 0 : i32
      %dma_wait3A_1623 = arith.constant 0 : i32
      %dma_wait3A_1624 = tpu.memref_slice %arg7[%dma_wait3A_1613, %dma_wait3A_1622, %dma_wait3A_1623] : memref<3x112x384xf32, #tpu.memory_space<vmem>> -> memref<1x112x384xf32, #tpu.memory_space<vmem>>
      %dma_wait3A_1625 = tpu.memref_squeeze %dma_wait3A_1624 : memref<1x112x384xf32, #tpu.memory_space<vmem>> -> memref<112x384xf32, #tpu.memory_space<vmem>>
      tpu.wait_dma2 semaphore(%arg11 : memref<!tpu.dma_semaphore, #tpu.memory_space<semaphore_mem>>) src(%dma_wait3A_1625 : memref<112x384xf32, #tpu.memory_space<vmem>>) dst(%dma_wait3A_1621 : memref<112x384xf32, #tpu.memory_space<hbm>>)
      %add3A_1626 = arith.constant 1344 : i32
      %add3A_1627 = arith.addi %mul3A_2, %add3A_1626 : i32
      %dma_start3A_1628 = arith.constant 0 : i32
      %dma_start3A_1629 = arith.constant 0 : i32
      %dma_start3A_1630 = arith.constant 0 : i32
      %dma_start3A_1631 = tpu.memref_slice %arg7[%dma_start3A_1628, %dma_start3A_1629, %dma_start3A_1630] : memref<3x112x384xf32, #tpu.memory_space<vmem>> -> memref<1x112x384xf32, #tpu.memory_space<vmem>>
      %dma_start3A_1632 = tpu.memref_squeeze %dma_start3A_1631 : memref<1x112x384xf32, #tpu.memory_space<vmem>> -> memref<112x384xf32, #tpu.memory_space<vmem>>
      %dma_start3A_1633 = arith.constant 0 : i32
      %dma_start3A_1634 = tpu.memref_slice %arg2[%add3A_1627, %dma_start3A_1633] : memref<50176x384xf32, #tpu.memory_space<hbm>> -> memref<112x384xf32, #tpu.memory_space<hbm>>
      %dma_start3A_1635 = arith.constant 0 : i32
      %dma_start3A_1636 = arith.constant 0 : i32
      %dma_start3A_1637 = tpu.memref_slice %arg7[%dma_start3A_1628, %dma_start3A_1635, %dma_start3A_1636] : memref<3x112x384xf32, #tpu.memory_space<vmem>> -> memref<1x112x384xf32, #tpu.memory_space<vmem>>
      %dma_start3A_1638 = tpu.memref_squeeze %dma_start3A_1637 : memref<1x112x384xf32, #tpu.memory_space<vmem>> -> memref<112x384xf32, #tpu.memory_space<vmem>>
      %dma_start3A_1639 = arith.constant 0 : i32
      %dma_start3A_1640 = tpu.memref_slice %arg2[%add3A_1627, %dma_start3A_1639] : memref<50176x384xf32, #tpu.memory_space<hbm>> -> memref<112x384xf32, #tpu.memory_space<hbm>>
      tpu.enqueue_dma source(%dma_start3A_1640 : memref<112x384xf32, #tpu.memory_space<hbm>>) target(%dma_start3A_1638 : memref<112x384xf32, #tpu.memory_space<vmem>>) target_semaphore(%arg8 : memref<!tpu.dma_semaphore, #tpu.memory_space<semaphore_mem>>)
      %add3A_1641 = arith.constant 0 : i32
      %add3A_1642 = arith.addi %mul3A_2, %add3A_1641 : i32
      %dma_wait3A_1643 = arith.constant 0 : i32
      %dma_wait3A_1644 = arith.constant 0 : i32
      %dma_wait3A_1645 = arith.constant 0 : i32
      %dma_wait3A_1646 = tpu.memref_slice %arg7[%dma_wait3A_1643, %dma_wait3A_1644, %dma_wait3A_1645] : memref<3x112x384xf32, #tpu.memory_space<vmem>> -> memref<1x112x384xf32, #tpu.memory_space<vmem>>
      %dma_wait3A_1647 = tpu.memref_squeeze %dma_wait3A_1646 : memref<1x112x384xf32, #tpu.memory_space<vmem>> -> memref<112x384xf32, #tpu.memory_space<vmem>>
      %dma_wait3A_1648 = arith.constant 0 : i32
      %dma_wait3A_1649 = tpu.memref_slice %arg2[%add3A_1642, %dma_wait3A_1648] : memref<50176x384xf32, #tpu.memory_space<hbm>> -> memref<112x384xf32, #tpu.memory_space<hbm>>
      %dma_wait3A_1650 = arith.constant 0 : i32
      %dma_wait3A_1651 = arith.constant 0 : i32
      %dma_wait3A_1652 = tpu.memref_slice %arg7[%dma_wait3A_1643, %dma_wait3A_1650, %dma_wait3A_1651] : memref<3x112x384xf32, #tpu.memory_space<vmem>> -> memref<1x112x384xf32, #tpu.memory_space<vmem>>
      %dma_wait3A_1653 = tpu.memref_squeeze %dma_wait3A_1652 : memref<1x112x384xf32, #tpu.memory_space<vmem>> -> memref<112x384xf32, #tpu.memory_space<vmem>>
      %dma_wait3A_1654 = arith.constant 0 : i32
      %dma_wait3A_1655 = tpu.memref_slice %arg2[%add3A_1642, %dma_wait3A_1654] : memref<50176x384xf32, #tpu.memory_space<hbm>> -> memref<112x384xf32, #tpu.memory_space<hbm>>
      tpu.wait_dma2 semaphore(%arg8 : memref<!tpu.dma_semaphore, #tpu.memory_space<semaphore_mem>>) src(%dma_wait3A_1655 : memref<112x384xf32, #tpu.memory_space<hbm>>) dst(%dma_wait3A_1653 : memref<112x384xf32, #tpu.memory_space<vmem>>)
      %add3A_1656 = arith.constant 1344 : i32
      %add3A_1657 = arith.addi %mul3A_2, %add3A_1656 : i32
      %dma_start3A_1658 = arith.constant 0 : i32
      %dma_start3A_1659 = arith.constant 0 : i32
      %dma_start3A_1660 = arith.constant 0 : i32
      %dma_start3A_1661 = tpu.memref_slice %arg7[%dma_start3A_1658, %dma_start3A_1659, %dma_start3A_1660] : memref<3x112x384xf32, #tpu.memory_space<vmem>> -> memref<1x112x384xf32, #tpu.memory_space<vmem>>
      %dma_start3A_1662 = tpu.memref_squeeze %dma_start3A_1661 : memref<1x112x384xf32, #tpu.memory_space<vmem>> -> memref<112x384xf32, #tpu.memory_space<vmem>>
      %dma_start3A_1663 = arith.constant 0 : i32
      %dma_start3A_1664 = tpu.memref_slice %arg4[%add3A_1657, %dma_start3A_1663] : memref<50176x384xf32, #tpu.memory_space<hbm>> -> memref<112x384xf32, #tpu.memory_space<hbm>>
      %dma_start3A_1665 = arith.constant 0 : i32
      %dma_start3A_1666 = tpu.memref_slice %arg4[%add3A_1657, %dma_start3A_1665] : memref<50176x384xf32, #tpu.memory_space<hbm>> -> memref<112x384xf32, #tpu.memory_space<hbm>>
      %dma_start3A_1667 = arith.constant 0 : i32
      %dma_start3A_1668 = arith.constant 0 : i32
      %dma_start3A_1669 = tpu.memref_slice %arg7[%dma_start3A_1658, %dma_start3A_1667, %dma_start3A_1668] : memref<3x112x384xf32, #tpu.memory_space<vmem>> -> memref<1x112x384xf32, #tpu.memory_space<vmem>>
      %dma_start3A_1670 = tpu.memref_squeeze %dma_start3A_1669 : memref<1x112x384xf32, #tpu.memory_space<vmem>> -> memref<112x384xf32, #tpu.memory_space<vmem>>
      tpu.enqueue_dma source(%dma_start3A_1670 : memref<112x384xf32, #tpu.memory_space<vmem>>) target(%dma_start3A_1666 : memref<112x384xf32, #tpu.memory_space<hbm>>) target_semaphore(%arg11 : memref<!tpu.dma_semaphore, #tpu.memory_space<semaphore_mem>>)
      %add3A_1671 = arith.constant 0 : i32
      %add3A_1672 = arith.addi %mul3A_2, %add3A_1671 : i32
      %dma_wait3A_1673 = arith.constant 1 : i32
      %dma_wait3A_1674 = arith.constant 0 : i32
      %dma_wait3A_1675 = arith.constant 0 : i32
      %dma_wait3A_1676 = tpu.memref_slice %arg7[%dma_wait3A_1673, %dma_wait3A_1674, %dma_wait3A_1675] : memref<3x112x384xf32, #tpu.memory_space<vmem>> -> memref<1x112x384xf32, #tpu.memory_space<vmem>>
      %dma_wait3A_1677 = tpu.memref_squeeze %dma_wait3A_1676 : memref<1x112x384xf32, #tpu.memory_space<vmem>> -> memref<112x384xf32, #tpu.memory_space<vmem>>
      %dma_wait3A_1678 = arith.constant 0 : i32
      %dma_wait3A_1679 = tpu.memref_slice %arg4[%add3A_1672, %dma_wait3A_1678] : memref<50176x384xf32, #tpu.memory_space<hbm>> -> memref<112x384xf32, #tpu.memory_space<hbm>>
      %dma_wait3A_1680 = arith.constant 0 : i32
      %dma_wait3A_1681 = tpu.memref_slice %arg4[%add3A_1672, %dma_wait3A_1680] : memref<50176x384xf32, #tpu.memory_space<hbm>> -> memref<112x384xf32, #tpu.memory_space<hbm>>
      %dma_wait3A_1682 = arith.constant 0 : i32
      %dma_wait3A_1683 = arith.constant 0 : i32
      %dma_wait3A_1684 = tpu.memref_slice %arg7[%dma_wait3A_1673, %dma_wait3A_1682, %dma_wait3A_1683] : memref<3x112x384xf32, #tpu.memory_space<vmem>> -> memref<1x112x384xf32, #tpu.memory_space<vmem>>
      %dma_wait3A_1685 = tpu.memref_squeeze %dma_wait3A_1684 : memref<1x112x384xf32, #tpu.memory_space<vmem>> -> memref<112x384xf32, #tpu.memory_space<vmem>>
      tpu.wait_dma2 semaphore(%arg12 : memref<!tpu.dma_semaphore, #tpu.memory_space<semaphore_mem>>) src(%dma_wait3A_1685 : memref<112x384xf32, #tpu.memory_space<vmem>>) dst(%dma_wait3A_1681 : memref<112x384xf32, #tpu.memory_space<hbm>>)
      %add3A_1686 = arith.constant 1456 : i32
      %add3A_1687 = arith.addi %mul3A_2, %add3A_1686 : i32
      %dma_start3A_1688 = arith.constant 1 : i32
      %dma_start3A_1689 = arith.constant 0 : i32
      %dma_start3A_1690 = arith.constant 0 : i32
      %dma_start3A_1691 = tpu.memref_slice %arg7[%dma_start3A_1688, %dma_start3A_1689, %dma_start3A_1690] : memref<3x112x384xf32, #tpu.memory_space<vmem>> -> memref<1x112x384xf32, #tpu.memory_space<vmem>>
      %dma_start3A_1692 = tpu.memref_squeeze %dma_start3A_1691 : memref<1x112x384xf32, #tpu.memory_space<vmem>> -> memref<112x384xf32, #tpu.memory_space<vmem>>
      %dma_start3A_1693 = arith.constant 0 : i32
      %dma_start3A_1694 = tpu.memref_slice %arg2[%add3A_1687, %dma_start3A_1693] : memref<50176x384xf32, #tpu.memory_space<hbm>> -> memref<112x384xf32, #tpu.memory_space<hbm>>
      %dma_start3A_1695 = arith.constant 0 : i32
      %dma_start3A_1696 = arith.constant 0 : i32
      %dma_start3A_1697 = tpu.memref_slice %arg7[%dma_start3A_1688, %dma_start3A_1695, %dma_start3A_1696] : memref<3x112x384xf32, #tpu.memory_space<vmem>> -> memref<1x112x384xf32, #tpu.memory_space<vmem>>
      %dma_start3A_1698 = tpu.memref_squeeze %dma_start3A_1697 : memref<1x112x384xf32, #tpu.memory_space<vmem>> -> memref<112x384xf32, #tpu.memory_space<vmem>>
      %dma_start3A_1699 = arith.constant 0 : i32
      %dma_start3A_1700 = tpu.memref_slice %arg2[%add3A_1687, %dma_start3A_1699] : memref<50176x384xf32, #tpu.memory_space<hbm>> -> memref<112x384xf32, #tpu.memory_space<hbm>>
      tpu.enqueue_dma source(%dma_start3A_1700 : memref<112x384xf32, #tpu.memory_space<hbm>>) target(%dma_start3A_1698 : memref<112x384xf32, #tpu.memory_space<vmem>>) target_semaphore(%arg9 : memref<!tpu.dma_semaphore, #tpu.memory_space<semaphore_mem>>)
      %add3A_1701 = arith.constant 0 : i32
      %add3A_1702 = arith.addi %mul3A_2, %add3A_1701 : i32
      %dma_wait3A_1703 = arith.constant 1 : i32
      %dma_wait3A_1704 = arith.constant 0 : i32
      %dma_wait3A_1705 = arith.constant 0 : i32
      %dma_wait3A_1706 = tpu.memref_slice %arg7[%dma_wait3A_1703, %dma_wait3A_1704, %dma_wait3A_1705] : memref<3x112x384xf32, #tpu.memory_space<vmem>> -> memref<1x112x384xf32, #tpu.memory_space<vmem>>
      %dma_wait3A_1707 = tpu.memref_squeeze %dma_wait3A_1706 : memref<1x112x384xf32, #tpu.memory_space<vmem>> -> memref<112x384xf32, #tpu.memory_space<vmem>>
      %dma_wait3A_1708 = arith.constant 0 : i32
      %dma_wait3A_1709 = tpu.memref_slice %arg2[%add3A_1702, %dma_wait3A_1708] : memref<50176x384xf32, #tpu.memory_space<hbm>> -> memref<112x384xf32, #tpu.memory_space<hbm>>
      %dma_wait3A_1710 = arith.constant 0 : i32
      %dma_wait3A_1711 = arith.constant 0 : i32
      %dma_wait3A_1712 = tpu.memref_slice %arg7[%dma_wait3A_1703, %dma_wait3A_1710, %dma_wait3A_1711] : memref<3x112x384xf32, #tpu.memory_space<vmem>> -> memref<1x112x384xf32, #tpu.memory_space<vmem>>
      %dma_wait3A_1713 = tpu.memref_squeeze %dma_wait3A_1712 : memref<1x112x384xf32, #tpu.memory_space<vmem>> -> memref<112x384xf32, #tpu.memory_space<vmem>>
      %dma_wait3A_1714 = arith.constant 0 : i32
      %dma_wait3A_1715 = tpu.memref_slice %arg2[%add3A_1702, %dma_wait3A_1714] : memref<50176x384xf32, #tpu.memory_space<hbm>> -> memref<112x384xf32, #tpu.memory_space<hbm>>
      tpu.wait_dma2 semaphore(%arg9 : memref<!tpu.dma_semaphore, #tpu.memory_space<semaphore_mem>>) src(%dma_wait3A_1715 : memref<112x384xf32, #tpu.memory_space<hbm>>) dst(%dma_wait3A_1713 : memref<112x384xf32, #tpu.memory_space<vmem>>)
      %add3A_1716 = arith.constant 1456 : i32
      %add3A_1717 = arith.addi %mul3A_2, %add3A_1716 : i32
      %dma_start3A_1718 = arith.constant 1 : i32
      %dma_start3A_1719 = arith.constant 0 : i32
      %dma_start3A_1720 = arith.constant 0 : i32
      %dma_start3A_1721 = tpu.memref_slice %arg7[%dma_start3A_1718, %dma_start3A_1719, %dma_start3A_1720] : memref<3x112x384xf32, #tpu.memory_space<vmem>> -> memref<1x112x384xf32, #tpu.memory_space<vmem>>
      %dma_start3A_1722 = tpu.memref_squeeze %dma_start3A_1721 : memref<1x112x384xf32, #tpu.memory_space<vmem>> -> memref<112x384xf32, #tpu.memory_space<vmem>>
      %dma_start3A_1723 = arith.constant 0 : i32
      %dma_start3A_1724 = tpu.memref_slice %arg4[%add3A_1717, %dma_start3A_1723] : memref<50176x384xf32, #tpu.memory_space<hbm>> -> memref<112x384xf32, #tpu.memory_space<hbm>>
      %dma_start3A_1725 = arith.constant 0 : i32
      %dma_start3A_1726 = tpu.memref_slice %arg4[%add3A_1717, %dma_start3A_1725] : memref<50176x384xf32, #tpu.memory_space<hbm>> -> memref<112x384xf32, #tpu.memory_space<hbm>>
      %dma_start3A_1727 = arith.constant 0 : i32
      %dma_start3A_1728 = arith.constant 0 : i32
      %dma_start3A_1729 = tpu.memref_slice %arg7[%dma_start3A_1718, %dma_start3A_1727, %dma_start3A_1728] : memref<3x112x384xf32, #tpu.memory_space<vmem>> -> memref<1x112x384xf32, #tpu.memory_space<vmem>>
      %dma_start3A_1730 = tpu.memref_squeeze %dma_start3A_1729 : memref<1x112x384xf32, #tpu.memory_space<vmem>> -> memref<112x384xf32, #tpu.memory_space<vmem>>
      tpu.enqueue_dma source(%dma_start3A_1730 : memref<112x384xf32, #tpu.memory_space<vmem>>) target(%dma_start3A_1726 : memref<112x384xf32, #tpu.memory_space<hbm>>) target_semaphore(%arg12 : memref<!tpu.dma_semaphore, #tpu.memory_space<semaphore_mem>>)
      %add3A_1731 = arith.constant 0 : i32
      %add3A_1732 = arith.addi %mul3A_2, %add3A_1731 : i32
      %dma_wait3A_1733 = arith.constant 0 : i32
      %dma_wait3A_1734 = arith.constant 0 : i32
      %dma_wait3A_1735 = arith.constant 0 : i32
      %dma_wait3A_1736 = tpu.memref_slice %arg7[%dma_wait3A_1733, %dma_wait3A_1734, %dma_wait3A_1735] : memref<3x112x384xf32, #tpu.memory_space<vmem>> -> memref<1x112x384xf32, #tpu.memory_space<vmem>>
      %dma_wait3A_1737 = tpu.memref_squeeze %dma_wait3A_1736 : memref<1x112x384xf32, #tpu.memory_space<vmem>> -> memref<112x384xf32, #tpu.memory_space<vmem>>
      %dma_wait3A_1738 = arith.constant 0 : i32
      %dma_wait3A_1739 = tpu.memref_slice %arg4[%add3A_1732, %dma_wait3A_1738] : memref<50176x384xf32, #tpu.memory_space<hbm>> -> memref<112x384xf32, #tpu.memory_space<hbm>>
      %dma_wait3A_1740 = arith.constant 0 : i32
      %dma_wait3A_1741 = tpu.memref_slice %arg4[%add3A_1732, %dma_wait3A_1740] : memref<50176x384xf32, #tpu.memory_space<hbm>> -> memref<112x384xf32, #tpu.memory_space<hbm>>
      %dma_wait3A_1742 = arith.constant 0 : i32
      %dma_wait3A_1743 = arith.constant 0 : i32
      %dma_wait3A_1744 = tpu.memref_slice %arg7[%dma_wait3A_1733, %dma_wait3A_1742, %dma_wait3A_1743] : memref<3x112x384xf32, #tpu.memory_space<vmem>> -> memref<1x112x384xf32, #tpu.memory_space<vmem>>
      %dma_wait3A_1745 = tpu.memref_squeeze %dma_wait3A_1744 : memref<1x112x384xf32, #tpu.memory_space<vmem>> -> memref<112x384xf32, #tpu.memory_space<vmem>>
      tpu.wait_dma2 semaphore(%arg11 : memref<!tpu.dma_semaphore, #tpu.memory_space<semaphore_mem>>) src(%dma_wait3A_1745 : memref<112x384xf32, #tpu.memory_space<vmem>>) dst(%dma_wait3A_1741 : memref<112x384xf32, #tpu.memory_space<hbm>>)
      %add3A_1746 = arith.constant 0 : i32
      %add3A_1747 = arith.addi %mul3A_2, %add3A_1746 : i32
      %dma_wait3A_1748 = arith.constant 1 : i32
      %dma_wait3A_1749 = arith.constant 0 : i32
      %dma_wait3A_1750 = arith.constant 0 : i32
      %dma_wait3A_1751 = tpu.memref_slice %arg7[%dma_wait3A_1748, %dma_wait3A_1749, %dma_wait3A_1750] : memref<3x112x384xf32, #tpu.memory_space<vmem>> -> memref<1x112x384xf32, #tpu.memory_space<vmem>>
      %dma_wait3A_1752 = tpu.memref_squeeze %dma_wait3A_1751 : memref<1x112x384xf32, #tpu.memory_space<vmem>> -> memref<112x384xf32, #tpu.memory_space<vmem>>
      %dma_wait3A_1753 = arith.constant 0 : i32
      %dma_wait3A_1754 = tpu.memref_slice %arg4[%add3A_1747, %dma_wait3A_1753] : memref<50176x384xf32, #tpu.memory_space<hbm>> -> memref<112x384xf32, #tpu.memory_space<hbm>>
      %dma_wait3A_1755 = arith.constant 0 : i32
      %dma_wait3A_1756 = tpu.memref_slice %arg4[%add3A_1747, %dma_wait3A_1755] : memref<50176x384xf32, #tpu.memory_space<hbm>> -> memref<112x384xf32, #tpu.memory_space<hbm>>
      %dma_wait3A_1757 = arith.constant 0 : i32
      %dma_wait3A_1758 = arith.constant 0 : i32
      %dma_wait3A_1759 = tpu.memref_slice %arg7[%dma_wait3A_1748, %dma_wait3A_1757, %dma_wait3A_1758] : memref<3x112x384xf32, #tpu.memory_space<vmem>> -> memref<1x112x384xf32, #tpu.memory_space<vmem>>
      %dma_wait3A_1760 = tpu.memref_squeeze %dma_wait3A_1759 : memref<1x112x384xf32, #tpu.memory_space<vmem>> -> memref<112x384xf32, #tpu.memory_space<vmem>>
      tpu.wait_dma2 semaphore(%arg12 : memref<!tpu.dma_semaphore, #tpu.memory_space<semaphore_mem>>) src(%dma_wait3A_1760 : memref<112x384xf32, #tpu.memory_space<vmem>>) dst(%dma_wait3A_1756 : memref<112x384xf32, #tpu.memory_space<hbm>>)
    } else {
    }
    %not3A = arith.constant true
    %not3A_944 = arith.xori %and3A_941, %not3A : i1
    %convert_element_type3A_945 = arith.extui %not3A_944 : i1 to i32
    %cond3A_946 = arith.constant 0 : i32
    %cond3A_947 = arith.constant 1 : i32
    %cond3A_948 = arith.constant 0 : i32
    %cond3A_949 = arith.constant 1 : i32
    %cond3A_950 = arith.constant 0 : i32
    %cond3A_951 = arith.cmpi ne, %convert_element_type3A_945, %cond3A_950 : i32
    scf.if %cond3A_951 {
      %get3A_952 = arith.constant 0 : index
      %get3A_953 = tpu.vector_load %arg6[%get3A_952] {strides = array<i32>} : memref<384xi32, #tpu.memory_space<vmem>>, vector<16xi32>,
      %get3A_954 = arith.constant 16 : index
      %get3A_955 = tpu.vector_load %arg6[%get3A_954] {strides = array<i32>} : memref<384xi32, #tpu.memory_space<vmem>>, vector<16xi32>,
      %get3A_956 = arith.constant 32 : index
      %get3A_957 = tpu.vector_load %arg6[%get3A_956] {strides = array<i32>} : memref<384xi32, #tpu.memory_space<vmem>>, vector<16xi32>,
      %get3A_958 = arith.constant 48 : index
      %get3A_959 = tpu.vector_load %arg6[%get3A_958] {strides = array<i32>} : memref<384xi32, #tpu.memory_space<vmem>>, vector<16xi32>,
      %get3A_960 = arith.constant 64 : index
      %get3A_961 = tpu.vector_load %arg6[%get3A_960] {strides = array<i32>} : memref<384xi32, #tpu.memory_space<vmem>>, vector<16xi32>,
      %get3A_962 = arith.constant 80 : index
      %get3A_963 = tpu.vector_load %arg6[%get3A_962] {strides = array<i32>} : memref<384xi32, #tpu.memory_space<vmem>>, vector<16xi32>,
      %get3A_964 = arith.constant 96 : index
      %get3A_965 = tpu.vector_load %arg6[%get3A_964] {strides = array<i32>} : memref<384xi32, #tpu.memory_space<vmem>>, vector<16xi32>,
      %get3A_966 = arith.constant 112 : index
      %get3A_967 = tpu.vector_load %arg6[%get3A_966] {strides = array<i32>} : memref<384xi32, #tpu.memory_space<vmem>>, vector<16xi32>,
      %get3A_968 = arith.constant 128 : index
      %get3A_969 = tpu.vector_load %arg6[%get3A_968] {strides = array<i32>} : memref<384xi32, #tpu.memory_space<vmem>>, vector<16xi32>,
      %get3A_970 = arith.constant 144 : index
      %get3A_971 = tpu.vector_load %arg6[%get3A_970] {strides = array<i32>} : memref<384xi32, #tpu.memory_space<vmem>>, vector<16xi32>,
      %get3A_972 = arith.constant 160 : index
      %get3A_973 = tpu.vector_load %arg6[%get3A_972] {strides = array<i32>} : memref<384xi32, #tpu.memory_space<vmem>>, vector<16xi32>,
      %get3A_974 = arith.constant 176 : index
      %get3A_975 = tpu.vector_load %arg6[%get3A_974] {strides = array<i32>} : memref<384xi32, #tpu.memory_space<vmem>>, vector<16xi32>,
      %get3A_976 = arith.constant 192 : index
      %get3A_977 = tpu.vector_load %arg6[%get3A_976] {strides = array<i32>} : memref<384xi32, #tpu.memory_space<vmem>>, vector<16xi32>,
      %get3A_978 = arith.constant 208 : index
      %get3A_979 = tpu.vector_load %arg6[%get3A_978] {strides = array<i32>} : memref<384xi32, #tpu.memory_space<vmem>>, vector<16xi32>,
      %get3A_980 = arith.constant 224 : index
      %get3A_981 = tpu.vector_load %arg6[%get3A_980] {strides = array<i32>} : memref<384xi32, #tpu.memory_space<vmem>>, vector<16xi32>,
      %get3A_982 = arith.constant 240 : index
      %get3A_983 = tpu.vector_load %arg6[%get3A_982] {strides = array<i32>} : memref<384xi32, #tpu.memory_space<vmem>>, vector<16xi32>,
      %get3A_984 = arith.constant 256 : index
      %get3A_985 = tpu.vector_load %arg6[%get3A_984] {strides = array<i32>} : memref<384xi32, #tpu.memory_space<vmem>>, vector<16xi32>,
      %get3A_986 = arith.constant 272 : index
      %get3A_987 = tpu.vector_load %arg6[%get3A_986] {strides = array<i32>} : memref<384xi32, #tpu.memory_space<vmem>>, vector<16xi32>,
      %get3A_988 = arith.constant 288 : index
      %get3A_989 = tpu.vector_load %arg6[%get3A_988] {strides = array<i32>} : memref<384xi32, #tpu.memory_space<vmem>>, vector<16xi32>,
      %get3A_990 = arith.constant 304 : index
      %get3A_991 = tpu.vector_load %arg6[%get3A_990] {strides = array<i32>} : memref<384xi32, #tpu.memory_space<vmem>>, vector<16xi32>,
      %get3A_992 = arith.constant 320 : index
      %get3A_993 = tpu.vector_load %arg6[%get3A_992] {strides = array<i32>} : memref<384xi32, #tpu.memory_space<vmem>>, vector<16xi32>,
      %get3A_994 = arith.constant 336 : index
      %get3A_995 = tpu.vector_load %arg6[%get3A_994] {strides = array<i32>} : memref<384xi32, #tpu.memory_space<vmem>>, vector<16xi32>,
      %get3A_996 = arith.constant 352 : index
      %get3A_997 = tpu.vector_load %arg6[%get3A_996] {strides = array<i32>} : memref<384xi32, #tpu.memory_space<vmem>>, vector<16xi32>,
      %get3A_998 = arith.constant 368 : index
      %get3A_999 = tpu.vector_load %arg6[%get3A_998] {strides = array<i32>} : memref<384xi32, #tpu.memory_space<vmem>>, vector<16xi32>,
      %scan3A = arith.constant 0 : i32
      %scan3A_1000 = arith.constant 14 : i32
      %scan3A_1001 = arith.addi %scan3A, %scan3A_1000 : i32
      %scan3A_1002 = arith.constant 1 : i32
      scf.for %scan3A_1031 = %scan3A to %scan3A_1001 step %scan3A_1002  : i32 {
        %mul3A_1032 = arith.constant 2 : i32
        %mul3A_1033 = arith.muli %mul3A_1032, %scan3A_1031 : i32
        %add3A_1034 = arith.constant 0 : i32
        %add3A_1035 = arith.addi %mul3A_1033, %add3A_1034 : i32
        %eq3A_1036 = arith.constant 0 : i32
        %eq3A_1037 = arith.cmpi eq, %scan3A_1031, %eq3A_1036 : i32
        %convert_element_type3A_1038 = arith.extui %eq3A_1037 : i1 to i32
        %cond3A_1039 = arith.constant 0 : i32
        %cond3A_1040 = arith.cmpi ne, %convert_element_type3A_1038, %cond3A_1039 : i32
        scf.if %cond3A_1040 {
          %add3A_1113 = arith.constant 0 : i32
          %add3A_1114 = arith.addi %mul3A_2, %add3A_1113 : i32
          %dma_wait3A_1115 = arith.constant 0 : i32
          %dma_wait3A_1116 = arith.constant 0 : i32
          %dma_wait3A_1117 = arith.constant 0 : i32
          %dma_wait3A_1118 = tpu.memref_slice %arg7[%dma_wait3A_1115, %dma_wait3A_1116, %dma_wait3A_1117] : memref<3x112x384xf32, #tpu.memory_space<vmem>> -> memref<1x112x384xf32, #tpu.memory_space<vmem>>
          %dma_wait3A_1119 = tpu.memref_squeeze %dma_wait3A_1118 : memref<1x112x384xf32, #tpu.memory_space<vmem>> -> memref<112x384xf32, #tpu.memory_space<vmem>>
          %dma_wait3A_1120 = arith.constant 0 : i32
          %dma_wait3A_1121 = tpu.memref_slice %arg2[%add3A_1114, %dma_wait3A_1120] : memref<50176x384xf32, #tpu.memory_space<hbm>> -> memref<112x384xf32, #tpu.memory_space<hbm>>
          %dma_wait3A_1122 = arith.constant 0 : i32
          %dma_wait3A_1123 = arith.constant 0 : i32
          %dma_wait3A_1124 = tpu.memref_slice %arg7[%dma_wait3A_1115, %dma_wait3A_1122, %dma_wait3A_1123] : memref<3x112x384xf32, #tpu.memory_space<vmem>> -> memref<1x112x384xf32, #tpu.memory_space<vmem>>
          %dma_wait3A_1125 = tpu.memref_squeeze %dma_wait3A_1124 : memref<1x112x384xf32, #tpu.memory_space<vmem>> -> memref<112x384xf32, #tpu.memory_space<vmem>>
          %dma_wait3A_1126 = arith.constant 0 : i32
          %dma_wait3A_1127 = tpu.memref_slice %arg2[%add3A_1114, %dma_wait3A_1126] : memref<50176x384xf32, #tpu.memory_space<hbm>> -> memref<112x384xf32, #tpu.memory_space<hbm>>
          tpu.wait_dma2 semaphore(%arg8 : memref<!tpu.dma_semaphore, #tpu.memory_space<semaphore_mem>>) src(%dma_wait3A_1127 : memref<112x384xf32, #tpu.memory_space<hbm>>) dst(%dma_wait3A_1125 : memref<112x384xf32, #tpu.memory_space<vmem>>)
        } else {
        }
        %gt3A = arith.constant 0 : i32
        %gt3A_1041 = arith.cmpi sgt, %scan3A_1031, %gt3A : i32
        %convert_element_type3A_1042 = arith.extui %gt3A_1041 : i1 to i32
        %cond3A_1043 = arith.constant 0 : i32
        %cond3A_1044 = arith.cmpi ne, %convert_element_type3A_1042, %cond3A_1043 : i32
        scf.if %cond3A_1044 {
          %add3A_1113 = arith.constant 0 : i32
          %add3A_1114 = arith.addi %mul3A_2, %add3A_1113 : i32
          %dma_wait3A_1115 = arith.constant 0 : i32
          %dma_wait3A_1116 = arith.constant 0 : i32
          %dma_wait3A_1117 = tpu.memref_slice %arg7[%cond3A_946, %dma_wait3A_1115, %dma_wait3A_1116] : memref<3x112x384xf32, #tpu.memory_space<vmem>> -> memref<1x56x384xf32, #tpu.memory_space<vmem>>
          %dma_wait3A_1118 = tpu.memref_squeeze %dma_wait3A_1117 : memref<1x56x384xf32, #tpu.memory_space<vmem>> -> memref<56x384xf32, #tpu.memory_space<vmem>>
          %dma_wait3A_1119 = arith.constant 0 : i32
          %dma_wait3A_1120 = tpu.memref_slice %arg2[%add3A_1114, %dma_wait3A_1119] : memref<50176x384xf32, #tpu.memory_space<hbm>> -> memref<56x384xf32, #tpu.memory_space<hbm>>
          %dma_wait3A_1121 = arith.constant 0 : i32
          %dma_wait3A_1122 = arith.constant 0 : i32
          %dma_wait3A_1123 = tpu.memref_slice %arg7[%cond3A_946, %dma_wait3A_1121, %dma_wait3A_1122] : memref<3x112x384xf32, #tpu.memory_space<vmem>> -> memref<1x56x384xf32, #tpu.memory_space<vmem>>
          %dma_wait3A_1124 = tpu.memref_squeeze %dma_wait3A_1123 : memref<1x56x384xf32, #tpu.memory_space<vmem>> -> memref<56x384xf32, #tpu.memory_space<vmem>>
          %dma_wait3A_1125 = arith.constant 0 : i32
          %dma_wait3A_1126 = tpu.memref_slice %arg2[%add3A_1114, %dma_wait3A_1125] : memref<50176x384xf32, #tpu.memory_space<hbm>> -> memref<56x384xf32, #tpu.memory_space<hbm>>
          tpu.wait_dma2 semaphore(%arg8 : memref<!tpu.dma_semaphore, #tpu.memory_space<semaphore_mem>>) src(%dma_wait3A_1126 : memref<56x384xf32, #tpu.memory_space<hbm>>) dst(%dma_wait3A_1124 : memref<56x384xf32, #tpu.memory_space<vmem>>)
        } else {
        }
        %gt3A_1045 = arith.constant 0 : i32
        %gt3A_1046 = arith.cmpi sgt, %scan3A_1031, %gt3A_1045 : i32
        %convert_element_type3A_1047 = arith.extui %gt3A_1046 : i1 to i32
        %cond3A_1048 = arith.constant 0 : i32
        %cond3A_1049 = arith.cmpi ne, %convert_element_type3A_1047, %cond3A_1048 : i32
        scf.if %cond3A_1049 {
          %add3A_1113 = arith.constant 0 : i32
          %add3A_1114 = arith.addi %mul3A_2, %add3A_1113 : i32
          %dma_wait3A_1115 = arith.constant 0 : i32
          %dma_wait3A_1116 = arith.constant 0 : i32
          %dma_wait3A_1117 = tpu.memref_slice %arg7[%cond3A_947, %dma_wait3A_1115, %dma_wait3A_1116] : memref<3x112x384xf32, #tpu.memory_space<vmem>> -> memref<1x56x384xf32, #tpu.memory_space<vmem>>
          %dma_wait3A_1118 = tpu.memref_squeeze %dma_wait3A_1117 : memref<1x56x384xf32, #tpu.memory_space<vmem>> -> memref<56x384xf32, #tpu.memory_space<vmem>>
          %dma_wait3A_1119 = arith.constant 0 : i32
          %dma_wait3A_1120 = tpu.memref_slice %arg4[%add3A_1114, %dma_wait3A_1119] : memref<50176x384xf32, #tpu.memory_space<hbm>> -> memref<56x384xf32, #tpu.memory_space<hbm>>
          %dma_wait3A_1121 = arith.constant 0 : i32
          %dma_wait3A_1122 = tpu.memref_slice %arg4[%add3A_1114, %dma_wait3A_1121] : memref<50176x384xf32, #tpu.memory_space<hbm>> -> memref<56x384xf32, #tpu.memory_space<hbm>>
          %dma_wait3A_1123 = arith.constant 0 : i32
          %dma_wait3A_1124 = arith.constant 0 : i32
          %dma_wait3A_1125 = tpu.memref_slice %arg7[%cond3A_947, %dma_wait3A_1123, %dma_wait3A_1124] : memref<3x112x384xf32, #tpu.memory_space<vmem>> -> memref<1x56x384xf32, #tpu.memory_space<vmem>>
          %dma_wait3A_1126 = tpu.memref_squeeze %dma_wait3A_1125 : memref<1x56x384xf32, #tpu.memory_space<vmem>> -> memref<56x384xf32, #tpu.memory_space<vmem>>
          tpu.wait_dma2 semaphore(%arg11 : memref<!tpu.dma_semaphore, #tpu.memory_space<semaphore_mem>>) src(%dma_wait3A_1126 : memref<56x384xf32, #tpu.memory_space<vmem>>) dst(%dma_wait3A_1122 : memref<56x384xf32, #tpu.memory_space<hbm>>)
        } else {
        }
        %scan3A_1050 = arith.constant 0 : i32
        %scan3A_1051 = arith.constant 56 : i32
        %scan3A_1052 = arith.addi %scan3A_1050, %scan3A_1051 : i32
        %scan3A_1053 = arith.constant 1 : i32
        scf.for %scan3A_1113 = %scan3A_1050 to %scan3A_1052 step %scan3A_1053  : i32 {
          %broadcast_in_dim3A_1114 = vector.broadcast %scan3A_1113 : i32 to vector<16xi32>
          %gather3A = arith.constant 0 : i32
          %gather3A_1115 = arith.constant 0 : i32
          %gather3A_1116 = tpu.memref_slice %arg7[%cond3A_946, %gather3A, %gather3A_1115] : memref<3x112x384xf32, #tpu.memory_space<vmem>> -> memref<1x56x384xf32, #tpu.memory_space<vmem>>
          %gather3A_1117 = tpu.memref_squeeze %gather3A_1116 : memref<1x56x384xf32, #tpu.memory_space<vmem>> -> memref<56x384xf32, #tpu.memory_space<vmem>>
          %gather3A_1118 = tpu.vector_load_idx %gather3A_1117[%broadcast_in_dim3A_1114, %get3A_953] : memref<56x384xf32, #tpu.memory_space<vmem>>[vector<16xi32>, vector<16xi32>], vector<16xf32>,
          %swap3A_1119 = arith.constant 0 : i32
          %swap3A_1120 = arith.constant 0 : i32
          %swap3A_1121 = tpu.memref_slice %arg7[%cond3A_947, %swap3A_1119, %swap3A_1120] : memref<3x112x384xf32, #tpu.memory_space<vmem>> -> memref<1x56x384xf32, #tpu.memory_space<vmem>>
          %swap3A_1122 = tpu.memref_squeeze %swap3A_1121 : memref<1x56x384xf32, #tpu.memory_space<vmem>> -> memref<56x384xf32, #tpu.memory_space<vmem>>
          %swap3A_1123 = arith.index_cast %scan3A_1113 : i32 to index
          %swap3A_1124 = arith.constant 0 : index
          %swap3A_1125 = tpu.vector_load %swap3A_1122[%swap3A_1123, %swap3A_1124] {strides = array<i32>} : memref<56x384xf32, #tpu.memory_space<vmem>>, vector<16xf32>,
          tpu.vector_store %swap3A_1122[%swap3A_1123, %swap3A_1124], %gather3A_1118 {strides = array<i32>} : memref<56x384xf32, #tpu.memory_space<vmem>>, vector<16xf32>,
          %gather3A_1126 = arith.constant 0 : i32
          %gather3A_1127 = arith.constant 0 : i32
          %gather3A_1128 = tpu.memref_slice %arg7[%cond3A_946, %gather3A_1126, %gather3A_1127] : memref<3x112x384xf32, #tpu.memory_space<vmem>> -> memref<1x56x384xf32, #tpu.memory_space<vmem>>
          %gather3A_1129 = tpu.memref_squeeze %gather3A_1128 : memref<1x56x384xf32, #tpu.memory_space<vmem>> -> memref<56x384xf32, #tpu.memory_space<vmem>>
          %gather3A_1130 = tpu.vector_load_idx %gather3A_1129[%broadcast_in_dim3A_1114, %get3A_955] : memref<56x384xf32, #tpu.memory_space<vmem>>[vector<16xi32>, vector<16xi32>], vector<16xf32>,
          %swap3A_1131 = arith.constant 0 : i32
          %swap3A_1132 = arith.constant 0 : i32
          %swap3A_1133 = tpu.memref_slice %arg7[%cond3A_947, %swap3A_1131, %swap3A_1132] : memref<3x112x384xf32, #tpu.memory_space<vmem>> -> memref<1x56x384xf32, #tpu.memory_space<vmem>>
          %swap3A_1134 = tpu.memref_squeeze %swap3A_1133 : memref<1x56x384xf32, #tpu.memory_space<vmem>> -> memref<56x384xf32, #tpu.memory_space<vmem>>
          %swap3A_1135 = arith.index_cast %scan3A_1113 : i32 to index
          %swap3A_1136 = arith.constant 16 : index
          %swap3A_1137 = tpu.vector_load %swap3A_1134[%swap3A_1135, %swap3A_1136] {strides = array<i32>} : memref<56x384xf32, #tpu.memory_space<vmem>>, vector<16xf32>,
          tpu.vector_store %swap3A_1134[%swap3A_1135, %swap3A_1136], %gather3A_1130 {strides = array<i32>} : memref<56x384xf32, #tpu.memory_space<vmem>>, vector<16xf32>,
          %gather3A_1138 = arith.constant 0 : i32
          %gather3A_1139 = arith.constant 0 : i32
          %gather3A_1140 = tpu.memref_slice %arg7[%cond3A_946, %gather3A_1138, %gather3A_1139] : memref<3x112x384xf32, #tpu.memory_space<vmem>> -> memref<1x56x384xf32, #tpu.memory_space<vmem>>
          %gather3A_1141 = tpu.memref_squeeze %gather3A_1140 : memref<1x56x384xf32, #tpu.memory_space<vmem>> -> memref<56x384xf32, #tpu.memory_space<vmem>>
          %gather3A_1142 = tpu.vector_load_idx %gather3A_1141[%broadcast_in_dim3A_1114, %get3A_957] : memref<56x384xf32, #tpu.memory_space<vmem>>[vector<16xi32>, vector<16xi32>], vector<16xf32>,
          %swap3A_1143 = arith.constant 0 : i32
          %swap3A_1144 = arith.constant 0 : i32
          %swap3A_1145 = tpu.memref_slice %arg7[%cond3A_947, %swap3A_1143, %swap3A_1144] : memref<3x112x384xf32, #tpu.memory_space<vmem>> -> memref<1x56x384xf32, #tpu.memory_space<vmem>>
          %swap3A_1146 = tpu.memref_squeeze %swap3A_1145 : memref<1x56x384xf32, #tpu.memory_space<vmem>> -> memref<56x384xf32, #tpu.memory_space<vmem>>
          %swap3A_1147 = arith.index_cast %scan3A_1113 : i32 to index
          %swap3A_1148 = arith.constant 32 : index
          %swap3A_1149 = tpu.vector_load %swap3A_1146[%swap3A_1147, %swap3A_1148] {strides = array<i32>} : memref<56x384xf32, #tpu.memory_space<vmem>>, vector<16xf32>,
          tpu.vector_store %swap3A_1146[%swap3A_1147, %swap3A_1148], %gather3A_1142 {strides = array<i32>} : memref<56x384xf32, #tpu.memory_space<vmem>>, vector<16xf32>,
          %gather3A_1150 = arith.constant 0 : i32
          %gather3A_1151 = arith.constant 0 : i32
          %gather3A_1152 = tpu.memref_slice %arg7[%cond3A_946, %gather3A_1150, %gather3A_1151] : memref<3x112x384xf32, #tpu.memory_space<vmem>> -> memref<1x56x384xf32, #tpu.memory_space<vmem>>
          %gather3A_1153 = tpu.memref_squeeze %gather3A_1152 : memref<1x56x384xf32, #tpu.memory_space<vmem>> -> memref<56x384xf32, #tpu.memory_space<vmem>>
          %gather3A_1154 = tpu.vector_load_idx %gather3A_1153[%broadcast_in_dim3A_1114, %get3A_959] : memref<56x384xf32, #tpu.memory_space<vmem>>[vector<16xi32>, vector<16xi32>], vector<16xf32>,
          %swap3A_1155 = arith.constant 0 : i32
          %swap3A_1156 = arith.constant 0 : i32
          %swap3A_1157 = tpu.memref_slice %arg7[%cond3A_947, %swap3A_1155, %swap3A_1156] : memref<3x112x384xf32, #tpu.memory_space<vmem>> -> memref<1x56x384xf32, #tpu.memory_space<vmem>>
          %swap3A_1158 = tpu.memref_squeeze %swap3A_1157 : memref<1x56x384xf32, #tpu.memory_space<vmem>> -> memref<56x384xf32, #tpu.memory_space<vmem>>
          %swap3A_1159 = arith.index_cast %scan3A_1113 : i32 to index
          %swap3A_1160 = arith.constant 48 : index
          %swap3A_1161 = tpu.vector_load %swap3A_1158[%swap3A_1159, %swap3A_1160] {strides = array<i32>} : memref<56x384xf32, #tpu.memory_space<vmem>>, vector<16xf32>,
          tpu.vector_store %swap3A_1158[%swap3A_1159, %swap3A_1160], %gather3A_1154 {strides = array<i32>} : memref<56x384xf32, #tpu.memory_space<vmem>>, vector<16xf32>,
          %gather3A_1162 = arith.constant 0 : i32
          %gather3A_1163 = arith.constant 0 : i32
          %gather3A_1164 = tpu.memref_slice %arg7[%cond3A_946, %gather3A_1162, %gather3A_1163] : memref<3x112x384xf32, #tpu.memory_space<vmem>> -> memref<1x56x384xf32, #tpu.memory_space<vmem>>
          %gather3A_1165 = tpu.memref_squeeze %gather3A_1164 : memref<1x56x384xf32, #tpu.memory_space<vmem>> -> memref<56x384xf32, #tpu.memory_space<vmem>>
          %gather3A_1166 = tpu.vector_load_idx %gather3A_1165[%broadcast_in_dim3A_1114, %get3A_961] : memref<56x384xf32, #tpu.memory_space<vmem>>[vector<16xi32>, vector<16xi32>], vector<16xf32>,
          %swap3A_1167 = arith.constant 0 : i32
          %swap3A_1168 = arith.constant 0 : i32
          %swap3A_1169 = tpu.memref_slice %arg7[%cond3A_947, %swap3A_1167, %swap3A_1168] : memref<3x112x384xf32, #tpu.memory_space<vmem>> -> memref<1x56x384xf32, #tpu.memory_space<vmem>>
          %swap3A_1170 = tpu.memref_squeeze %swap3A_1169 : memref<1x56x384xf32, #tpu.memory_space<vmem>> -> memref<56x384xf32, #tpu.memory_space<vmem>>
          %swap3A_1171 = arith.index_cast %scan3A_1113 : i32 to index
          %swap3A_1172 = arith.constant 64 : index
          %swap3A_1173 = tpu.vector_load %swap3A_1170[%swap3A_1171, %swap3A_1172] {strides = array<i32>} : memref<56x384xf32, #tpu.memory_space<vmem>>, vector<16xf32>,
          tpu.vector_store %swap3A_1170[%swap3A_1171, %swap3A_1172], %gather3A_1166 {strides = array<i32>} : memref<56x384xf32, #tpu.memory_space<vmem>>, vector<16xf32>,
          %gather3A_1174 = arith.constant 0 : i32
          %gather3A_1175 = arith.constant 0 : i32
          %gather3A_1176 = tpu.memref_slice %arg7[%cond3A_946, %gather3A_1174, %gather3A_1175] : memref<3x112x384xf32, #tpu.memory_space<vmem>> -> memref<1x56x384xf32, #tpu.memory_space<vmem>>
          %gather3A_1177 = tpu.memref_squeeze %gather3A_1176 : memref<1x56x384xf32, #tpu.memory_space<vmem>> -> memref<56x384xf32, #tpu.memory_space<vmem>>
          %gather3A_1178 = tpu.vector_load_idx %gather3A_1177[%broadcast_in_dim3A_1114, %get3A_963] : memref<56x384xf32, #tpu.memory_space<vmem>>[vector<16xi32>, vector<16xi32>], vector<16xf32>,
          %swap3A_1179 = arith.constant 0 : i32
          %swap3A_1180 = arith.constant 0 : i32
          %swap3A_1181 = tpu.memref_slice %arg7[%cond3A_947, %swap3A_1179, %swap3A_1180] : memref<3x112x384xf32, #tpu.memory_space<vmem>> -> memref<1x56x384xf32, #tpu.memory_space<vmem>>
          %swap3A_1182 = tpu.memref_squeeze %swap3A_1181 : memref<1x56x384xf32, #tpu.memory_space<vmem>> -> memref<56x384xf32, #tpu.memory_space<vmem>>
          %swap3A_1183 = arith.index_cast %scan3A_1113 : i32 to index
          %swap3A_1184 = arith.constant 80 : index
          %swap3A_1185 = tpu.vector_load %swap3A_1182[%swap3A_1183, %swap3A_1184] {strides = array<i32>} : memref<56x384xf32, #tpu.memory_space<vmem>>, vector<16xf32>,
          tpu.vector_store %swap3A_1182[%swap3A_1183, %swap3A_1184], %gather3A_1178 {strides = array<i32>} : memref<56x384xf32, #tpu.memory_space<vmem>>, vector<16xf32>,
          %gather3A_1186 = arith.constant 0 : i32
          %gather3A_1187 = arith.constant 0 : i32
          %gather3A_1188 = tpu.memref_slice %arg7[%cond3A_946, %gather3A_1186, %gather3A_1187] : memref<3x112x384xf32, #tpu.memory_space<vmem>> -> memref<1x56x384xf32, #tpu.memory_space<vmem>>
          %gather3A_1189 = tpu.memref_squeeze %gather3A_1188 : memref<1x56x384xf32, #tpu.memory_space<vmem>> -> memref<56x384xf32, #tpu.memory_space<vmem>>
          %gather3A_1190 = tpu.vector_load_idx %gather3A_1189[%broadcast_in_dim3A_1114, %get3A_965] : memref<56x384xf32, #tpu.memory_space<vmem>>[vector<16xi32>, vector<16xi32>], vector<16xf32>,
          %swap3A_1191 = arith.constant 0 : i32
          %swap3A_1192 = arith.constant 0 : i32
          %swap3A_1193 = tpu.memref_slice %arg7[%cond3A_947, %swap3A_1191, %swap3A_1192] : memref<3x112x384xf32, #tpu.memory_space<vmem>> -> memref<1x56x384xf32, #tpu.memory_space<vmem>>
          %swap3A_1194 = tpu.memref_squeeze %swap3A_1193 : memref<1x56x384xf32, #tpu.memory_space<vmem>> -> memref<56x384xf32, #tpu.memory_space<vmem>>
          %swap3A_1195 = arith.index_cast %scan3A_1113 : i32 to index
          %swap3A_1196 = arith.constant 96 : index
          %swap3A_1197 = tpu.vector_load %swap3A_1194[%swap3A_1195, %swap3A_1196] {strides = array<i32>} : memref<56x384xf32, #tpu.memory_space<vmem>>, vector<16xf32>,
          tpu.vector_store %swap3A_1194[%swap3A_1195, %swap3A_1196], %gather3A_1190 {strides = array<i32>} : memref<56x384xf32, #tpu.memory_space<vmem>>, vector<16xf32>,
          %gather3A_1198 = arith.constant 0 : i32
          %gather3A_1199 = arith.constant 0 : i32
          %gather3A_1200 = tpu.memref_slice %arg7[%cond3A_946, %gather3A_1198, %gather3A_1199] : memref<3x112x384xf32, #tpu.memory_space<vmem>> -> memref<1x56x384xf32, #tpu.memory_space<vmem>>
          %gather3A_1201 = tpu.memref_squeeze %gather3A_1200 : memref<1x56x384xf32, #tpu.memory_space<vmem>> -> memref<56x384xf32, #tpu.memory_space<vmem>>
          %gather3A_1202 = tpu.vector_load_idx %gather3A_1201[%broadcast_in_dim3A_1114, %get3A_967] : memref<56x384xf32, #tpu.memory_space<vmem>>[vector<16xi32>, vector<16xi32>], vector<16xf32>,
          %swap3A_1203 = arith.constant 0 : i32
          %swap3A_1204 = arith.constant 0 : i32
          %swap3A_1205 = tpu.memref_slice %arg7[%cond3A_947, %swap3A_1203, %swap3A_1204] : memref<3x112x384xf32, #tpu.memory_space<vmem>> -> memref<1x56x384xf32, #tpu.memory_space<vmem>>
          %swap3A_1206 = tpu.memref_squeeze %swap3A_1205 : memref<1x56x384xf32, #tpu.memory_space<vmem>> -> memref<56x384xf32, #tpu.memory_space<vmem>>
          %swap3A_1207 = arith.index_cast %scan3A_1113 : i32 to index
          %swap3A_1208 = arith.constant 112 : index
          %swap3A_1209 = tpu.vector_load %swap3A_1206[%swap3A_1207, %swap3A_1208] {strides = array<i32>} : memref<56x384xf32, #tpu.memory_space<vmem>>, vector<16xf32>,
          tpu.vector_store %swap3A_1206[%swap3A_1207, %swap3A_1208], %gather3A_1202 {strides = array<i32>} : memref<56x384xf32, #tpu.memory_space<vmem>>, vector<16xf32>,
          %gather3A_1210 = arith.constant 0 : i32
          %gather3A_1211 = arith.constant 0 : i32
          %gather3A_1212 = tpu.memref_slice %arg7[%cond3A_946, %gather3A_1210, %gather3A_1211] : memref<3x112x384xf32, #tpu.memory_space<vmem>> -> memref<1x56x384xf32, #tpu.memory_space<vmem>>
          %gather3A_1213 = tpu.memref_squeeze %gather3A_1212 : memref<1x56x384xf32, #tpu.memory_space<vmem>> -> memref<56x384xf32, #tpu.memory_space<vmem>>
          %gather3A_1214 = tpu.vector_load_idx %gather3A_1213[%broadcast_in_dim3A_1114, %get3A_969] : memref<56x384xf32, #tpu.memory_space<vmem>>[vector<16xi32>, vector<16xi32>], vector<16xf32>,
          %swap3A_1215 = arith.constant 0 : i32
          %swap3A_1216 = arith.constant 0 : i32
          %swap3A_1217 = tpu.memref_slice %arg7[%cond3A_947, %swap3A_1215, %swap3A_1216] : memref<3x112x384xf32, #tpu.memory_space<vmem>> -> memref<1x56x384xf32, #tpu.memory_space<vmem>>
          %swap3A_1218 = tpu.memref_squeeze %swap3A_1217 : memref<1x56x384xf32, #tpu.memory_space<vmem>> -> memref<56x384xf32, #tpu.memory_space<vmem>>
          %swap3A_1219 = arith.index_cast %scan3A_1113 : i32 to index
          %swap3A_1220 = arith.constant 128 : index
          %swap3A_1221 = tpu.vector_load %swap3A_1218[%swap3A_1219, %swap3A_1220] {strides = array<i32>} : memref<56x384xf32, #tpu.memory_space<vmem>>, vector<16xf32>,
          tpu.vector_store %swap3A_1218[%swap3A_1219, %swap3A_1220], %gather3A_1214 {strides = array<i32>} : memref<56x384xf32, #tpu.memory_space<vmem>>, vector<16xf32>,
          %gather3A_1222 = arith.constant 0 : i32
          %gather3A_1223 = arith.constant 0 : i32
          %gather3A_1224 = tpu.memref_slice %arg7[%cond3A_946, %gather3A_1222, %gather3A_1223] : memref<3x112x384xf32, #tpu.memory_space<vmem>> -> memref<1x56x384xf32, #tpu.memory_space<vmem>>
          %gather3A_1225 = tpu.memref_squeeze %gather3A_1224 : memref<1x56x384xf32, #tpu.memory_space<vmem>> -> memref<56x384xf32, #tpu.memory_space<vmem>>
          %gather3A_1226 = tpu.vector_load_idx %gather3A_1225[%broadcast_in_dim3A_1114, %get3A_971] : memref<56x384xf32, #tpu.memory_space<vmem>>[vector<16xi32>, vector<16xi32>], vector<16xf32>,
          %swap3A_1227 = arith.constant 0 : i32
          %swap3A_1228 = arith.constant 0 : i32
          %swap3A_1229 = tpu.memref_slice %arg7[%cond3A_947, %swap3A_1227, %swap3A_1228] : memref<3x112x384xf32, #tpu.memory_space<vmem>> -> memref<1x56x384xf32, #tpu.memory_space<vmem>>
          %swap3A_1230 = tpu.memref_squeeze %swap3A_1229 : memref<1x56x384xf32, #tpu.memory_space<vmem>> -> memref<56x384xf32, #tpu.memory_space<vmem>>
          %swap3A_1231 = arith.index_cast %scan3A_1113 : i32 to index
          %swap3A_1232 = arith.constant 144 : index
          %swap3A_1233 = tpu.vector_load %swap3A_1230[%swap3A_1231, %swap3A_1232] {strides = array<i32>} : memref<56x384xf32, #tpu.memory_space<vmem>>, vector<16xf32>,
          tpu.vector_store %swap3A_1230[%swap3A_1231, %swap3A_1232], %gather3A_1226 {strides = array<i32>} : memref<56x384xf32, #tpu.memory_space<vmem>>, vector<16xf32>,
          %gather3A_1234 = arith.constant 0 : i32
          %gather3A_1235 = arith.constant 0 : i32
          %gather3A_1236 = tpu.memref_slice %arg7[%cond3A_946, %gather3A_1234, %gather3A_1235] : memref<3x112x384xf32, #tpu.memory_space<vmem>> -> memref<1x56x384xf32, #tpu.memory_space<vmem>>
          %gather3A_1237 = tpu.memref_squeeze %gather3A_1236 : memref<1x56x384xf32, #tpu.memory_space<vmem>> -> memref<56x384xf32, #tpu.memory_space<vmem>>
          %gather3A_1238 = tpu.vector_load_idx %gather3A_1237[%broadcast_in_dim3A_1114, %get3A_973] : memref<56x384xf32, #tpu.memory_space<vmem>>[vector<16xi32>, vector<16xi32>], vector<16xf32>,
          %swap3A_1239 = arith.constant 0 : i32
          %swap3A_1240 = arith.constant 0 : i32
          %swap3A_1241 = tpu.memref_slice %arg7[%cond3A_947, %swap3A_1239, %swap3A_1240] : memref<3x112x384xf32, #tpu.memory_space<vmem>> -> memref<1x56x384xf32, #tpu.memory_space<vmem>>
          %swap3A_1242 = tpu.memref_squeeze %swap3A_1241 : memref<1x56x384xf32, #tpu.memory_space<vmem>> -> memref<56x384xf32, #tpu.memory_space<vmem>>
          %swap3A_1243 = arith.index_cast %scan3A_1113 : i32 to index
          %swap3A_1244 = arith.constant 160 : index
          %swap3A_1245 = tpu.vector_load %swap3A_1242[%swap3A_1243, %swap3A_1244] {strides = array<i32>} : memref<56x384xf32, #tpu.memory_space<vmem>>, vector<16xf32>,
          tpu.vector_store %swap3A_1242[%swap3A_1243, %swap3A_1244], %gather3A_1238 {strides = array<i32>} : memref<56x384xf32, #tpu.memory_space<vmem>>, vector<16xf32>,
          %gather3A_1246 = arith.constant 0 : i32
          %gather3A_1247 = arith.constant 0 : i32
          %gather3A_1248 = tpu.memref_slice %arg7[%cond3A_946, %gather3A_1246, %gather3A_1247] : memref<3x112x384xf32, #tpu.memory_space<vmem>> -> memref<1x56x384xf32, #tpu.memory_space<vmem>>
          %gather3A_1249 = tpu.memref_squeeze %gather3A_1248 : memref<1x56x384xf32, #tpu.memory_space<vmem>> -> memref<56x384xf32, #tpu.memory_space<vmem>>
          %gather3A_1250 = tpu.vector_load_idx %gather3A_1249[%broadcast_in_dim3A_1114, %get3A_975] : memref<56x384xf32, #tpu.memory_space<vmem>>[vector<16xi32>, vector<16xi32>], vector<16xf32>,
          %swap3A_1251 = arith.constant 0 : i32
          %swap3A_1252 = arith.constant 0 : i32
          %swap3A_1253 = tpu.memref_slice %arg7[%cond3A_947, %swap3A_1251, %swap3A_1252] : memref<3x112x384xf32, #tpu.memory_space<vmem>> -> memref<1x56x384xf32, #tpu.memory_space<vmem>>
          %swap3A_1254 = tpu.memref_squeeze %swap3A_1253 : memref<1x56x384xf32, #tpu.memory_space<vmem>> -> memref<56x384xf32, #tpu.memory_space<vmem>>
          %swap3A_1255 = arith.index_cast %scan3A_1113 : i32 to index
          %swap3A_1256 = arith.constant 176 : index
          %swap3A_1257 = tpu.vector_load %swap3A_1254[%swap3A_1255, %swap3A_1256] {strides = array<i32>} : memref<56x384xf32, #tpu.memory_space<vmem>>, vector<16xf32>,
          tpu.vector_store %swap3A_1254[%swap3A_1255, %swap3A_1256], %gather3A_1250 {strides = array<i32>} : memref<56x384xf32, #tpu.memory_space<vmem>>, vector<16xf32>,
          %gather3A_1258 = arith.constant 0 : i32
          %gather3A_1259 = arith.constant 0 : i32
          %gather3A_1260 = tpu.memref_slice %arg7[%cond3A_946, %gather3A_1258, %gather3A_1259] : memref<3x112x384xf32, #tpu.memory_space<vmem>> -> memref<1x56x384xf32, #tpu.memory_space<vmem>>
          %gather3A_1261 = tpu.memref_squeeze %gather3A_1260 : memref<1x56x384xf32, #tpu.memory_space<vmem>> -> memref<56x384xf32, #tpu.memory_space<vmem>>
          %gather3A_1262 = tpu.vector_load_idx %gather3A_1261[%broadcast_in_dim3A_1114, %get3A_977] : memref<56x384xf32, #tpu.memory_space<vmem>>[vector<16xi32>, vector<16xi32>], vector<16xf32>,
          %swap3A_1263 = arith.constant 0 : i32
          %swap3A_1264 = arith.constant 0 : i32
          %swap3A_1265 = tpu.memref_slice %arg7[%cond3A_947, %swap3A_1263, %swap3A_1264] : memref<3x112x384xf32, #tpu.memory_space<vmem>> -> memref<1x56x384xf32, #tpu.memory_space<vmem>>
          %swap3A_1266 = tpu.memref_squeeze %swap3A_1265 : memref<1x56x384xf32, #tpu.memory_space<vmem>> -> memref<56x384xf32, #tpu.memory_space<vmem>>
          %swap3A_1267 = arith.index_cast %scan3A_1113 : i32 to index
          %swap3A_1268 = arith.constant 192 : index
          %swap3A_1269 = tpu.vector_load %swap3A_1266[%swap3A_1267, %swap3A_1268] {strides = array<i32>} : memref<56x384xf32, #tpu.memory_space<vmem>>, vector<16xf32>,
          tpu.vector_store %swap3A_1266[%swap3A_1267, %swap3A_1268], %gather3A_1262 {strides = array<i32>} : memref<56x384xf32, #tpu.memory_space<vmem>>, vector<16xf32>,
          %gather3A_1270 = arith.constant 0 : i32
          %gather3A_1271 = arith.constant 0 : i32
          %gather3A_1272 = tpu.memref_slice %arg7[%cond3A_946, %gather3A_1270, %gather3A_1271] : memref<3x112x384xf32, #tpu.memory_space<vmem>> -> memref<1x56x384xf32, #tpu.memory_space<vmem>>
          %gather3A_1273 = tpu.memref_squeeze %gather3A_1272 : memref<1x56x384xf32, #tpu.memory_space<vmem>> -> memref<56x384xf32, #tpu.memory_space<vmem>>
          %gather3A_1274 = tpu.vector_load_idx %gather3A_1273[%broadcast_in_dim3A_1114, %get3A_979] : memref<56x384xf32, #tpu.memory_space<vmem>>[vector<16xi32>, vector<16xi32>], vector<16xf32>,
          %swap3A_1275 = arith.constant 0 : i32
          %swap3A_1276 = arith.constant 0 : i32
          %swap3A_1277 = tpu.memref_slice %arg7[%cond3A_947, %swap3A_1275, %swap3A_1276] : memref<3x112x384xf32, #tpu.memory_space<vmem>> -> memref<1x56x384xf32, #tpu.memory_space<vmem>>
          %swap3A_1278 = tpu.memref_squeeze %swap3A_1277 : memref<1x56x384xf32, #tpu.memory_space<vmem>> -> memref<56x384xf32, #tpu.memory_space<vmem>>
          %swap3A_1279 = arith.index_cast %scan3A_1113 : i32 to index
          %swap3A_1280 = arith.constant 208 : index
          %swap3A_1281 = tpu.vector_load %swap3A_1278[%swap3A_1279, %swap3A_1280] {strides = array<i32>} : memref<56x384xf32, #tpu.memory_space<vmem>>, vector<16xf32>,
          tpu.vector_store %swap3A_1278[%swap3A_1279, %swap3A_1280], %gather3A_1274 {strides = array<i32>} : memref<56x384xf32, #tpu.memory_space<vmem>>, vector<16xf32>,
          %gather3A_1282 = arith.constant 0 : i32
          %gather3A_1283 = arith.constant 0 : i32
          %gather3A_1284 = tpu.memref_slice %arg7[%cond3A_946, %gather3A_1282, %gather3A_1283] : memref<3x112x384xf32, #tpu.memory_space<vmem>> -> memref<1x56x384xf32, #tpu.memory_space<vmem>>
          %gather3A_1285 = tpu.memref_squeeze %gather3A_1284 : memref<1x56x384xf32, #tpu.memory_space<vmem>> -> memref<56x384xf32, #tpu.memory_space<vmem>>
          %gather3A_1286 = tpu.vector_load_idx %gather3A_1285[%broadcast_in_dim3A_1114, %get3A_981] : memref<56x384xf32, #tpu.memory_space<vmem>>[vector<16xi32>, vector<16xi32>], vector<16xf32>,
          %swap3A_1287 = arith.constant 0 : i32
          %swap3A_1288 = arith.constant 0 : i32
          %swap3A_1289 = tpu.memref_slice %arg7[%cond3A_947, %swap3A_1287, %swap3A_1288] : memref<3x112x384xf32, #tpu.memory_space<vmem>> -> memref<1x56x384xf32, #tpu.memory_space<vmem>>
          %swap3A_1290 = tpu.memref_squeeze %swap3A_1289 : memref<1x56x384xf32, #tpu.memory_space<vmem>> -> memref<56x384xf32, #tpu.memory_space<vmem>>
          %swap3A_1291 = arith.index_cast %scan3A_1113 : i32 to index
          %swap3A_1292 = arith.constant 224 : index
          %swap3A_1293 = tpu.vector_load %swap3A_1290[%swap3A_1291, %swap3A_1292] {strides = array<i32>} : memref<56x384xf32, #tpu.memory_space<vmem>>, vector<16xf32>,
          tpu.vector_store %swap3A_1290[%swap3A_1291, %swap3A_1292], %gather3A_1286 {strides = array<i32>} : memref<56x384xf32, #tpu.memory_space<vmem>>, vector<16xf32>,
          %gather3A_1294 = arith.constant 0 : i32
          %gather3A_1295 = arith.constant 0 : i32
          %gather3A_1296 = tpu.memref_slice %arg7[%cond3A_946, %gather3A_1294, %gather3A_1295] : memref<3x112x384xf32, #tpu.memory_space<vmem>> -> memref<1x56x384xf32, #tpu.memory_space<vmem>>
          %gather3A_1297 = tpu.memref_squeeze %gather3A_1296 : memref<1x56x384xf32, #tpu.memory_space<vmem>> -> memref<56x384xf32, #tpu.memory_space<vmem>>
          %gather3A_1298 = tpu.vector_load_idx %gather3A_1297[%broadcast_in_dim3A_1114, %get3A_983] : memref<56x384xf32, #tpu.memory_space<vmem>>[vector<16xi32>, vector<16xi32>], vector<16xf32>,
          %swap3A_1299 = arith.constant 0 : i32
          %swap3A_1300 = arith.constant 0 : i32
          %swap3A_1301 = tpu.memref_slice %arg7[%cond3A_947, %swap3A_1299, %swap3A_1300] : memref<3x112x384xf32, #tpu.memory_space<vmem>> -> memref<1x56x384xf32, #tpu.memory_space<vmem>>
          %swap3A_1302 = tpu.memref_squeeze %swap3A_1301 : memref<1x56x384xf32, #tpu.memory_space<vmem>> -> memref<56x384xf32, #tpu.memory_space<vmem>>
          %swap3A_1303 = arith.index_cast %scan3A_1113 : i32 to index
          %swap3A_1304 = arith.constant 240 : index
          %swap3A_1305 = tpu.vector_load %swap3A_1302[%swap3A_1303, %swap3A_1304] {strides = array<i32>} : memref<56x384xf32, #tpu.memory_space<vmem>>, vector<16xf32>,
          tpu.vector_store %swap3A_1302[%swap3A_1303, %swap3A_1304], %gather3A_1298 {strides = array<i32>} : memref<56x384xf32, #tpu.memory_space<vmem>>, vector<16xf32>,
          %gather3A_1306 = arith.constant 0 : i32
          %gather3A_1307 = arith.constant 0 : i32
          %gather3A_1308 = tpu.memref_slice %arg7[%cond3A_946, %gather3A_1306, %gather3A_1307] : memref<3x112x384xf32, #tpu.memory_space<vmem>> -> memref<1x56x384xf32, #tpu.memory_space<vmem>>
          %gather3A_1309 = tpu.memref_squeeze %gather3A_1308 : memref<1x56x384xf32, #tpu.memory_space<vmem>> -> memref<56x384xf32, #tpu.memory_space<vmem>>
          %gather3A_1310 = tpu.vector_load_idx %gather3A_1309[%broadcast_in_dim3A_1114, %get3A_985] : memref<56x384xf32, #tpu.memory_space<vmem>>[vector<16xi32>, vector<16xi32>], vector<16xf32>,
          %swap3A_1311 = arith.constant 0 : i32
          %swap3A_1312 = arith.constant 0 : i32
          %swap3A_1313 = tpu.memref_slice %arg7[%cond3A_947, %swap3A_1311, %swap3A_1312] : memref<3x112x384xf32, #tpu.memory_space<vmem>> -> memref<1x56x384xf32, #tpu.memory_space<vmem>>
          %swap3A_1314 = tpu.memref_squeeze %swap3A_1313 : memref<1x56x384xf32, #tpu.memory_space<vmem>> -> memref<56x384xf32, #tpu.memory_space<vmem>>
          %swap3A_1315 = arith.index_cast %scan3A_1113 : i32 to index
          %swap3A_1316 = arith.constant 256 : index
          %swap3A_1317 = tpu.vector_load %swap3A_1314[%swap3A_1315, %swap3A_1316] {strides = array<i32>} : memref<56x384xf32, #tpu.memory_space<vmem>>, vector<16xf32>,
          tpu.vector_store %swap3A_1314[%swap3A_1315, %swap3A_1316], %gather3A_1310 {strides = array<i32>} : memref<56x384xf32, #tpu.memory_space<vmem>>, vector<16xf32>,
          %gather3A_1318 = arith.constant 0 : i32
          %gather3A_1319 = arith.constant 0 : i32
          %gather3A_1320 = tpu.memref_slice %arg7[%cond3A_946, %gather3A_1318, %gather3A_1319] : memref<3x112x384xf32, #tpu.memory_space<vmem>> -> memref<1x56x384xf32, #tpu.memory_space<vmem>>
          %gather3A_1321 = tpu.memref_squeeze %gather3A_1320 : memref<1x56x384xf32, #tpu.memory_space<vmem>> -> memref<56x384xf32, #tpu.memory_space<vmem>>
          %gather3A_1322 = tpu.vector_load_idx %gather3A_1321[%broadcast_in_dim3A_1114, %get3A_987] : memref<56x384xf32, #tpu.memory_space<vmem>>[vector<16xi32>, vector<16xi32>], vector<16xf32>,
          %swap3A_1323 = arith.constant 0 : i32
          %swap3A_1324 = arith.constant 0 : i32
          %swap3A_1325 = tpu.memref_slice %arg7[%cond3A_947, %swap3A_1323, %swap3A_1324] : memref<3x112x384xf32, #tpu.memory_space<vmem>> -> memref<1x56x384xf32, #tpu.memory_space<vmem>>
          %swap3A_1326 = tpu.memref_squeeze %swap3A_1325 : memref<1x56x384xf32, #tpu.memory_space<vmem>> -> memref<56x384xf32, #tpu.memory_space<vmem>>
          %swap3A_1327 = arith.index_cast %scan3A_1113 : i32 to index
          %swap3A_1328 = arith.constant 272 : index
          %swap3A_1329 = tpu.vector_load %swap3A_1326[%swap3A_1327, %swap3A_1328] {strides = array<i32>} : memref<56x384xf32, #tpu.memory_space<vmem>>, vector<16xf32>,
          tpu.vector_store %swap3A_1326[%swap3A_1327, %swap3A_1328], %gather3A_1322 {strides = array<i32>} : memref<56x384xf32, #tpu.memory_space<vmem>>, vector<16xf32>,
          %gather3A_1330 = arith.constant 0 : i32
          %gather3A_1331 = arith.constant 0 : i32
          %gather3A_1332 = tpu.memref_slice %arg7[%cond3A_946, %gather3A_1330, %gather3A_1331] : memref<3x112x384xf32, #tpu.memory_space<vmem>> -> memref<1x56x384xf32, #tpu.memory_space<vmem>>
          %gather3A_1333 = tpu.memref_squeeze %gather3A_1332 : memref<1x56x384xf32, #tpu.memory_space<vmem>> -> memref<56x384xf32, #tpu.memory_space<vmem>>
          %gather3A_1334 = tpu.vector_load_idx %gather3A_1333[%broadcast_in_dim3A_1114, %get3A_989] : memref<56x384xf32, #tpu.memory_space<vmem>>[vector<16xi32>, vector<16xi32>], vector<16xf32>,
          %swap3A_1335 = arith.constant 0 : i32
          %swap3A_1336 = arith.constant 0 : i32
          %swap3A_1337 = tpu.memref_slice %arg7[%cond3A_947, %swap3A_1335, %swap3A_1336] : memref<3x112x384xf32, #tpu.memory_space<vmem>> -> memref<1x56x384xf32, #tpu.memory_space<vmem>>
          %swap3A_1338 = tpu.memref_squeeze %swap3A_1337 : memref<1x56x384xf32, #tpu.memory_space<vmem>> -> memref<56x384xf32, #tpu.memory_space<vmem>>
          %swap3A_1339 = arith.index_cast %scan3A_1113 : i32 to index
          %swap3A_1340 = arith.constant 288 : index
          %swap3A_1341 = tpu.vector_load %swap3A_1338[%swap3A_1339, %swap3A_1340] {strides = array<i32>} : memref<56x384xf32, #tpu.memory_space<vmem>>, vector<16xf32>,
          tpu.vector_store %swap3A_1338[%swap3A_1339, %swap3A_1340], %gather3A_1334 {strides = array<i32>} : memref<56x384xf32, #tpu.memory_space<vmem>>, vector<16xf32>,
          %gather3A_1342 = arith.constant 0 : i32
          %gather3A_1343 = arith.constant 0 : i32
          %gather3A_1344 = tpu.memref_slice %arg7[%cond3A_946, %gather3A_1342, %gather3A_1343] : memref<3x112x384xf32, #tpu.memory_space<vmem>> -> memref<1x56x384xf32, #tpu.memory_space<vmem>>
          %gather3A_1345 = tpu.memref_squeeze %gather3A_1344 : memref<1x56x384xf32, #tpu.memory_space<vmem>> -> memref<56x384xf32, #tpu.memory_space<vmem>>
          %gather3A_1346 = tpu.vector_load_idx %gather3A_1345[%broadcast_in_dim3A_1114, %get3A_991] : memref<56x384xf32, #tpu.memory_space<vmem>>[vector<16xi32>, vector<16xi32>], vector<16xf32>,
          %swap3A_1347 = arith.constant 0 : i32
          %swap3A_1348 = arith.constant 0 : i32
          %swap3A_1349 = tpu.memref_slice %arg7[%cond3A_947, %swap3A_1347, %swap3A_1348] : memref<3x112x384xf32, #tpu.memory_space<vmem>> -> memref<1x56x384xf32, #tpu.memory_space<vmem>>
          %swap3A_1350 = tpu.memref_squeeze %swap3A_1349 : memref<1x56x384xf32, #tpu.memory_space<vmem>> -> memref<56x384xf32, #tpu.memory_space<vmem>>
          %swap3A_1351 = arith.index_cast %scan3A_1113 : i32 to index
          %swap3A_1352 = arith.constant 304 : index
          %swap3A_1353 = tpu.vector_load %swap3A_1350[%swap3A_1351, %swap3A_1352] {strides = array<i32>} : memref<56x384xf32, #tpu.memory_space<vmem>>, vector<16xf32>,
          tpu.vector_store %swap3A_1350[%swap3A_1351, %swap3A_1352], %gather3A_1346 {strides = array<i32>} : memref<56x384xf32, #tpu.memory_space<vmem>>, vector<16xf32>,
          %gather3A_1354 = arith.constant 0 : i32
          %gather3A_1355 = arith.constant 0 : i32
          %gather3A_1356 = tpu.memref_slice %arg7[%cond3A_946, %gather3A_1354, %gather3A_1355] : memref<3x112x384xf32, #tpu.memory_space<vmem>> -> memref<1x56x384xf32, #tpu.memory_space<vmem>>
          %gather3A_1357 = tpu.memref_squeeze %gather3A_1356 : memref<1x56x384xf32, #tpu.memory_space<vmem>> -> memref<56x384xf32, #tpu.memory_space<vmem>>
          %gather3A_1358 = tpu.vector_load_idx %gather3A_1357[%broadcast_in_dim3A_1114, %get3A_993] : memref<56x384xf32, #tpu.memory_space<vmem>>[vector<16xi32>, vector<16xi32>], vector<16xf32>,
          %swap3A_1359 = arith.constant 0 : i32
          %swap3A_1360 = arith.constant 0 : i32
          %swap3A_1361 = tpu.memref_slice %arg7[%cond3A_947, %swap3A_1359, %swap3A_1360] : memref<3x112x384xf32, #tpu.memory_space<vmem>> -> memref<1x56x384xf32, #tpu.memory_space<vmem>>
          %swap3A_1362 = tpu.memref_squeeze %swap3A_1361 : memref<1x56x384xf32, #tpu.memory_space<vmem>> -> memref<56x384xf32, #tpu.memory_space<vmem>>
          %swap3A_1363 = arith.index_cast %scan3A_1113 : i32 to index
          %swap3A_1364 = arith.constant 320 : index
          %swap3A_1365 = tpu.vector_load %swap3A_1362[%swap3A_1363, %swap3A_1364] {strides = array<i32>} : memref<56x384xf32, #tpu.memory_space<vmem>>, vector<16xf32>,
          tpu.vector_store %swap3A_1362[%swap3A_1363, %swap3A_1364], %gather3A_1358 {strides = array<i32>} : memref<56x384xf32, #tpu.memory_space<vmem>>, vector<16xf32>,
          %gather3A_1366 = arith.constant 0 : i32
          %gather3A_1367 = arith.constant 0 : i32
          %gather3A_1368 = tpu.memref_slice %arg7[%cond3A_946, %gather3A_1366, %gather3A_1367] : memref<3x112x384xf32, #tpu.memory_space<vmem>> -> memref<1x56x384xf32, #tpu.memory_space<vmem>>
          %gather3A_1369 = tpu.memref_squeeze %gather3A_1368 : memref<1x56x384xf32, #tpu.memory_space<vmem>> -> memref<56x384xf32, #tpu.memory_space<vmem>>
          %gather3A_1370 = tpu.vector_load_idx %gather3A_1369[%broadcast_in_dim3A_1114, %get3A_995] : memref<56x384xf32, #tpu.memory_space<vmem>>[vector<16xi32>, vector<16xi32>], vector<16xf32>,
          %swap3A_1371 = arith.constant 0 : i32
          %swap3A_1372 = arith.constant 0 : i32
          %swap3A_1373 = tpu.memref_slice %arg7[%cond3A_947, %swap3A_1371, %swap3A_1372] : memref<3x112x384xf32, #tpu.memory_space<vmem>> -> memref<1x56x384xf32, #tpu.memory_space<vmem>>
          %swap3A_1374 = tpu.memref_squeeze %swap3A_1373 : memref<1x56x384xf32, #tpu.memory_space<vmem>> -> memref<56x384xf32, #tpu.memory_space<vmem>>
          %swap3A_1375 = arith.index_cast %scan3A_1113 : i32 to index
          %swap3A_1376 = arith.constant 336 : index
          %swap3A_1377 = tpu.vector_load %swap3A_1374[%swap3A_1375, %swap3A_1376] {strides = array<i32>} : memref<56x384xf32, #tpu.memory_space<vmem>>, vector<16xf32>,
          tpu.vector_store %swap3A_1374[%swap3A_1375, %swap3A_1376], %gather3A_1370 {strides = array<i32>} : memref<56x384xf32, #tpu.memory_space<vmem>>, vector<16xf32>,
          %gather3A_1378 = arith.constant 0 : i32
          %gather3A_1379 = arith.constant 0 : i32
          %gather3A_1380 = tpu.memref_slice %arg7[%cond3A_946, %gather3A_1378, %gather3A_1379] : memref<3x112x384xf32, #tpu.memory_space<vmem>> -> memref<1x56x384xf32, #tpu.memory_space<vmem>>
          %gather3A_1381 = tpu.memref_squeeze %gather3A_1380 : memref<1x56x384xf32, #tpu.memory_space<vmem>> -> memref<56x384xf32, #tpu.memory_space<vmem>>
          %gather3A_1382 = tpu.vector_load_idx %gather3A_1381[%broadcast_in_dim3A_1114, %get3A_997] : memref<56x384xf32, #tpu.memory_space<vmem>>[vector<16xi32>, vector<16xi32>], vector<16xf32>,
          %swap3A_1383 = arith.constant 0 : i32
          %swap3A_1384 = arith.constant 0 : i32
          %swap3A_1385 = tpu.memref_slice %arg7[%cond3A_947, %swap3A_1383, %swap3A_1384] : memref<3x112x384xf32, #tpu.memory_space<vmem>> -> memref<1x56x384xf32, #tpu.memory_space<vmem>>
          %swap3A_1386 = tpu.memref_squeeze %swap3A_1385 : memref<1x56x384xf32, #tpu.memory_space<vmem>> -> memref<56x384xf32, #tpu.memory_space<vmem>>
          %swap3A_1387 = arith.index_cast %scan3A_1113 : i32 to index
          %swap3A_1388 = arith.constant 352 : index
          %swap3A_1389 = tpu.vector_load %swap3A_1386[%swap3A_1387, %swap3A_1388] {strides = array<i32>} : memref<56x384xf32, #tpu.memory_space<vmem>>, vector<16xf32>,
          tpu.vector_store %swap3A_1386[%swap3A_1387, %swap3A_1388], %gather3A_1382 {strides = array<i32>} : memref<56x384xf32, #tpu.memory_space<vmem>>, vector<16xf32>,
          %gather3A_1390 = arith.constant 0 : i32
          %gather3A_1391 = arith.constant 0 : i32
          %gather3A_1392 = tpu.memref_slice %arg7[%cond3A_946, %gather3A_1390, %gather3A_1391] : memref<3x112x384xf32, #tpu.memory_space<vmem>> -> memref<1x56x384xf32, #tpu.memory_space<vmem>>
          %gather3A_1393 = tpu.memref_squeeze %gather3A_1392 : memref<1x56x384xf32, #tpu.memory_space<vmem>> -> memref<56x384xf32, #tpu.memory_space<vmem>>
          %gather3A_1394 = tpu.vector_load_idx %gather3A_1393[%broadcast_in_dim3A_1114, %get3A_999] : memref<56x384xf32, #tpu.memory_space<vmem>>[vector<16xi32>, vector<16xi32>], vector<16xf32>,
          %swap3A_1395 = arith.constant 0 : i32
          %swap3A_1396 = arith.constant 0 : i32
          %swap3A_1397 = tpu.memref_slice %arg7[%cond3A_947, %swap3A_1395, %swap3A_1396] : memref<3x112x384xf32, #tpu.memory_space<vmem>> -> memref<1x56x384xf32, #tpu.memory_space<vmem>>
          %swap3A_1398 = tpu.memref_squeeze %swap3A_1397 : memref<1x56x384xf32, #tpu.memory_space<vmem>> -> memref<56x384xf32, #tpu.memory_space<vmem>>
          %swap3A_1399 = arith.index_cast %scan3A_1113 : i32 to index
          %swap3A_1400 = arith.constant 368 : index
          %swap3A_1401 = tpu.vector_load %swap3A_1398[%swap3A_1399, %swap3A_1400] {strides = array<i32>} : memref<56x384xf32, #tpu.memory_space<vmem>>, vector<16xf32>,
          tpu.vector_store %swap3A_1398[%swap3A_1399, %swap3A_1400], %gather3A_1394 {strides = array<i32>} : memref<56x384xf32, #tpu.memory_space<vmem>>, vector<16xf32>,
        }
        %scan3A_1054 = arith.constant 56 : i32
        %mul3A_1055 = arith.constant 56 : i32
        %mul3A_1056 = arith.muli %add3A_1035, %mul3A_1055 : i32
        %add3A_1057 = arith.addi %mul3A_2, %mul3A_1056 : i32
        %dma_start3A_1058 = arith.constant 0 : i32
        %dma_start3A_1059 = arith.constant 0 : i32
        %dma_start3A_1060 = tpu.memref_slice %arg7[%cond3A_947, %dma_start3A_1058, %dma_start3A_1059] : memref<3x112x384xf32, #tpu.memory_space<vmem>> -> memref<1x56x384xf32, #tpu.memory_space<vmem>>
        %dma_start3A_1061 = tpu.memref_squeeze %dma_start3A_1060 : memref<1x56x384xf32, #tpu.memory_space<vmem>> -> memref<56x384xf32, #tpu.memory_space<vmem>>
        %dma_start3A_1062 = arith.constant 0 : i32
        %dma_start3A_1063 = tpu.memref_slice %arg4[%add3A_1057, %dma_start3A_1062] : memref<50176x384xf32, #tpu.memory_space<hbm>> -> memref<56x384xf32, #tpu.memory_space<hbm>>
        %dma_start3A_1064 = arith.constant 0 : i32
        %dma_start3A_1065 = tpu.memref_slice %arg4[%add3A_1057, %dma_start3A_1064] : memref<50176x384xf32, #tpu.memory_space<hbm>> -> memref<56x384xf32, #tpu.memory_space<hbm>>
        %dma_start3A_1066 = arith.constant 0 : i32
        %dma_start3A_1067 = arith.constant 0 : i32
        %dma_start3A_1068 = tpu.memref_slice %arg7[%cond3A_947, %dma_start3A_1066, %dma_start3A_1067] : memref<3x112x384xf32, #tpu.memory_space<vmem>> -> memref<1x56x384xf32, #tpu.memory_space<vmem>>
        %dma_start3A_1069 = tpu.memref_squeeze %dma_start3A_1068 : memref<1x56x384xf32, #tpu.memory_space<vmem>> -> memref<56x384xf32, #tpu.memory_space<vmem>>
        tpu.enqueue_dma source(%dma_start3A_1069 : memref<56x384xf32, #tpu.memory_space<vmem>>) target(%dma_start3A_1065 : memref<56x384xf32, #tpu.memory_space<hbm>>) target_semaphore(%arg11 : memref<!tpu.dma_semaphore, #tpu.memory_space<semaphore_mem>>)
        %lt3A = arith.constant 13 : i32
        %lt3A_1070 = arith.cmpi slt, %scan3A_1031, %lt3A : i32
        %convert_element_type3A_1071 = arith.extui %lt3A_1070 : i1 to i32
        %cond3A_1072 = arith.constant 0 : i32
        %cond3A_1073 = arith.cmpi ne, %convert_element_type3A_1071, %cond3A_1072 : i32
        scf.if %cond3A_1073 {
          %add3A_1113 = arith.constant 2 : i32
          %add3A_1114 = arith.addi %add3A_1035, %add3A_1113 : i32
          %mul3A_1115 = arith.constant 56 : i32
          %mul3A_1116 = arith.muli %add3A_1114, %mul3A_1115 : i32
          %add3A_1117 = arith.addi %mul3A_2, %mul3A_1116 : i32
          %dma_start3A_1118 = arith.constant 0 : i32
          %dma_start3A_1119 = arith.constant 0 : i32
          %dma_start3A_1120 = tpu.memref_slice %arg7[%cond3A_946, %dma_start3A_1118, %dma_start3A_1119] : memref<3x112x384xf32, #tpu.memory_space<vmem>> -> memref<1x56x384xf32, #tpu.memory_space<vmem>>
          %dma_start3A_1121 = tpu.memref_squeeze %dma_start3A_1120 : memref<1x56x384xf32, #tpu.memory_space<vmem>> -> memref<56x384xf32, #tpu.memory_space<vmem>>
          %dma_start3A_1122 = arith.constant 0 : i32
          %dma_start3A_1123 = tpu.memref_slice %arg2[%add3A_1117, %dma_start3A_1122] : memref<50176x384xf32, #tpu.memory_space<hbm>> -> memref<56x384xf32, #tpu.memory_space<hbm>>
          %dma_start3A_1124 = arith.constant 0 : i32
          %dma_start3A_1125 = arith.constant 0 : i32
          %dma_start3A_1126 = tpu.memref_slice %arg7[%cond3A_946, %dma_start3A_1124, %dma_start3A_1125] : memref<3x112x384xf32, #tpu.memory_space<vmem>> -> memref<1x56x384xf32, #tpu.memory_space<vmem>>
          %dma_start3A_1127 = tpu.memref_squeeze %dma_start3A_1126 : memref<1x56x384xf32, #tpu.memory_space<vmem>> -> memref<56x384xf32, #tpu.memory_space<vmem>>
          %dma_start3A_1128 = arith.constant 0 : i32
          %dma_start3A_1129 = tpu.memref_slice %arg2[%add3A_1117, %dma_start3A_1128] : memref<50176x384xf32, #tpu.memory_space<hbm>> -> memref<56x384xf32, #tpu.memory_space<hbm>>
          tpu.enqueue_dma source(%dma_start3A_1129 : memref<56x384xf32, #tpu.memory_space<hbm>>) target(%dma_start3A_1127 : memref<56x384xf32, #tpu.memory_space<vmem>>) target_semaphore(%arg8 : memref<!tpu.dma_semaphore, #tpu.memory_space<semaphore_mem>>)
        } else {
        }
        %mul3A_1074 = arith.constant 2 : i32
        %mul3A_1075 = arith.muli %mul3A_1074, %scan3A_1031 : i32
        %add3A_1076 = arith.constant 1 : i32
        %add3A_1077 = arith.addi %mul3A_1075, %add3A_1076 : i32
        %gt3A_1078 = arith.constant 0 : i32
        %gt3A_1079 = arith.cmpi sgt, %scan3A_1031, %gt3A_1078 : i32
        %convert_element_type3A_1080 = arith.extui %gt3A_1079 : i1 to i32
        %cond3A_1081 = arith.constant 0 : i32
        %cond3A_1082 = arith.cmpi ne, %convert_element_type3A_1080, %cond3A_1081 : i32
        scf.if %cond3A_1082 {
          %add3A_1113 = arith.constant 0 : i32
          %add3A_1114 = arith.addi %mul3A_2, %add3A_1113 : i32
          %dma_wait3A_1115 = arith.constant 56 : i32
          %dma_wait3A_1116 = arith.constant 0 : i32
          %dma_wait3A_1117 = tpu.memref_slice %arg7[%cond3A_948, %dma_wait3A_1115, %dma_wait3A_1116] : memref<3x112x384xf32, #tpu.memory_space<vmem>> -> memref<1x56x384xf32, #tpu.memory_space<vmem>>
          %dma_wait3A_1118 = tpu.memref_squeeze %dma_wait3A_1117 : memref<1x56x384xf32, #tpu.memory_space<vmem>> -> memref<56x384xf32, #tpu.memory_space<vmem>>
          %dma_wait3A_1119 = arith.constant 0 : i32
          %dma_wait3A_1120 = tpu.memref_slice %arg2[%add3A_1114, %dma_wait3A_1119] : memref<50176x384xf32, #tpu.memory_space<hbm>> -> memref<56x384xf32, #tpu.memory_space<hbm>>
          %dma_wait3A_1121 = arith.constant 56 : i32
          %dma_wait3A_1122 = arith.constant 0 : i32
          %dma_wait3A_1123 = tpu.memref_slice %arg7[%cond3A_948, %dma_wait3A_1121, %dma_wait3A_1122] : memref<3x112x384xf32, #tpu.memory_space<vmem>> -> memref<1x56x384xf32, #tpu.memory_space<vmem>>
          %dma_wait3A_1124 = tpu.memref_squeeze %dma_wait3A_1123 : memref<1x56x384xf32, #tpu.memory_space<vmem>> -> memref<56x384xf32, #tpu.memory_space<vmem>>
          %dma_wait3A_1125 = arith.constant 0 : i32
          %dma_wait3A_1126 = tpu.memref_slice %arg2[%add3A_1114, %dma_wait3A_1125] : memref<50176x384xf32, #tpu.memory_space<hbm>> -> memref<56x384xf32, #tpu.memory_space<hbm>>
          tpu.wait_dma2 semaphore(%arg9 : memref<!tpu.dma_semaphore, #tpu.memory_space<semaphore_mem>>) src(%dma_wait3A_1126 : memref<56x384xf32, #tpu.memory_space<hbm>>) dst(%dma_wait3A_1124 : memref<56x384xf32, #tpu.memory_space<vmem>>)
        } else {
        }
        %gt3A_1083 = arith.constant 0 : i32
        %gt3A_1084 = arith.cmpi sgt, %scan3A_1031, %gt3A_1083 : i32
        %convert_element_type3A_1085 = arith.extui %gt3A_1084 : i1 to i32
        %cond3A_1086 = arith.constant 0 : i32
        %cond3A_1087 = arith.cmpi ne, %convert_element_type3A_1085, %cond3A_1086 : i32
        scf.if %cond3A_1087 {
          %add3A_1113 = arith.constant 0 : i32
          %add3A_1114 = arith.addi %mul3A_2, %add3A_1113 : i32
          %dma_wait3A_1115 = arith.constant 56 : i32
          %dma_wait3A_1116 = arith.constant 0 : i32
          %dma_wait3A_1117 = tpu.memref_slice %arg7[%cond3A_949, %dma_wait3A_1115, %dma_wait3A_1116] : memref<3x112x384xf32, #tpu.memory_space<vmem>> -> memref<1x56x384xf32, #tpu.memory_space<vmem>>
          %dma_wait3A_1118 = tpu.memref_squeeze %dma_wait3A_1117 : memref<1x56x384xf32, #tpu.memory_space<vmem>> -> memref<56x384xf32, #tpu.memory_space<vmem>>
          %dma_wait3A_1119 = arith.constant 0 : i32
          %dma_wait3A_1120 = tpu.memref_slice %arg4[%add3A_1114, %dma_wait3A_1119] : memref<50176x384xf32, #tpu.memory_space<hbm>> -> memref<56x384xf32, #tpu.memory_space<hbm>>
          %dma_wait3A_1121 = arith.constant 0 : i32
          %dma_wait3A_1122 = tpu.memref_slice %arg4[%add3A_1114, %dma_wait3A_1121] : memref<50176x384xf32, #tpu.memory_space<hbm>> -> memref<56x384xf32, #tpu.memory_space<hbm>>
          %dma_wait3A_1123 = arith.constant 56 : i32
          %dma_wait3A_1124 = arith.constant 0 : i32
          %dma_wait3A_1125 = tpu.memref_slice %arg7[%cond3A_949, %dma_wait3A_1123, %dma_wait3A_1124] : memref<3x112x384xf32, #tpu.memory_space<vmem>> -> memref<1x56x384xf32, #tpu.memory_space<vmem>>
          %dma_wait3A_1126 = tpu.memref_squeeze %dma_wait3A_1125 : memref<1x56x384xf32, #tpu.memory_space<vmem>> -> memref<56x384xf32, #tpu.memory_space<vmem>>
          tpu.wait_dma2 semaphore(%arg12 : memref<!tpu.dma_semaphore, #tpu.memory_space<semaphore_mem>>) src(%dma_wait3A_1126 : memref<56x384xf32, #tpu.memory_space<vmem>>) dst(%dma_wait3A_1122 : memref<56x384xf32, #tpu.memory_space<hbm>>)
        } else {
        }
        %scan3A_1088 = arith.constant 0 : i32
        %scan3A_1089 = arith.constant 56 : i32
        %scan3A_1090 = arith.addi %scan3A_1088, %scan3A_1089 : i32
        %scan3A_1091 = arith.constant 1 : i32
        scf.for %scan3A_1113 = %scan3A_1088 to %scan3A_1090 step %scan3A_1091  : i32 {
          %broadcast_in_dim3A_1114 = vector.broadcast %scan3A_1113 : i32 to vector<16xi32>
          %gather3A = arith.constant 56 : i32
          %gather3A_1115 = arith.constant 0 : i32
          %gather3A_1116 = tpu.memref_slice %arg7[%cond3A_948, %gather3A, %gather3A_1115] : memref<3x112x384xf32, #tpu.memory_space<vmem>> -> memref<1x56x384xf32, #tpu.memory_space<vmem>>
          %gather3A_1117 = tpu.memref_squeeze %gather3A_1116 : memref<1x56x384xf32, #tpu.memory_space<vmem>> -> memref<56x384xf32, #tpu.memory_space<vmem>>
          %gather3A_1118 = tpu.vector_load_idx %gather3A_1117[%broadcast_in_dim3A_1114, %get3A_953] : memref<56x384xf32, #tpu.memory_space<vmem>>[vector<16xi32>, vector<16xi32>], vector<16xf32>,
          %swap3A_1119 = arith.constant 56 : i32
          %swap3A_1120 = arith.constant 0 : i32
          %swap3A_1121 = tpu.memref_slice %arg7[%cond3A_949, %swap3A_1119, %swap3A_1120] : memref<3x112x384xf32, #tpu.memory_space<vmem>> -> memref<1x56x384xf32, #tpu.memory_space<vmem>>
          %swap3A_1122 = tpu.memref_squeeze %swap3A_1121 : memref<1x56x384xf32, #tpu.memory_space<vmem>> -> memref<56x384xf32, #tpu.memory_space<vmem>>
          %swap3A_1123 = arith.index_cast %scan3A_1113 : i32 to index
          %swap3A_1124 = arith.constant 0 : index
          %swap3A_1125 = tpu.vector_load %swap3A_1122[%swap3A_1123, %swap3A_1124] {strides = array<i32>} : memref<56x384xf32, #tpu.memory_space<vmem>>, vector<16xf32>,
          tpu.vector_store %swap3A_1122[%swap3A_1123, %swap3A_1124], %gather3A_1118 {strides = array<i32>} : memref<56x384xf32, #tpu.memory_space<vmem>>, vector<16xf32>,
          %gather3A_1126 = arith.constant 56 : i32
          %gather3A_1127 = arith.constant 0 : i32
          %gather3A_1128 = tpu.memref_slice %arg7[%cond3A_948, %gather3A_1126, %gather3A_1127] : memref<3x112x384xf32, #tpu.memory_space<vmem>> -> memref<1x56x384xf32, #tpu.memory_space<vmem>>
          %gather3A_1129 = tpu.memref_squeeze %gather3A_1128 : memref<1x56x384xf32, #tpu.memory_space<vmem>> -> memref<56x384xf32, #tpu.memory_space<vmem>>
          %gather3A_1130 = tpu.vector_load_idx %gather3A_1129[%broadcast_in_dim3A_1114, %get3A_955] : memref<56x384xf32, #tpu.memory_space<vmem>>[vector<16xi32>, vector<16xi32>], vector<16xf32>,
          %swap3A_1131 = arith.constant 56 : i32
          %swap3A_1132 = arith.constant 0 : i32
          %swap3A_1133 = tpu.memref_slice %arg7[%cond3A_949, %swap3A_1131, %swap3A_1132] : memref<3x112x384xf32, #tpu.memory_space<vmem>> -> memref<1x56x384xf32, #tpu.memory_space<vmem>>
          %swap3A_1134 = tpu.memref_squeeze %swap3A_1133 : memref<1x56x384xf32, #tpu.memory_space<vmem>> -> memref<56x384xf32, #tpu.memory_space<vmem>>
          %swap3A_1135 = arith.index_cast %scan3A_1113 : i32 to index
          %swap3A_1136 = arith.constant 16 : index
          %swap3A_1137 = tpu.vector_load %swap3A_1134[%swap3A_1135, %swap3A_1136] {strides = array<i32>} : memref<56x384xf32, #tpu.memory_space<vmem>>, vector<16xf32>,
          tpu.vector_store %swap3A_1134[%swap3A_1135, %swap3A_1136], %gather3A_1130 {strides = array<i32>} : memref<56x384xf32, #tpu.memory_space<vmem>>, vector<16xf32>,
          %gather3A_1138 = arith.constant 56 : i32
          %gather3A_1139 = arith.constant 0 : i32
          %gather3A_1140 = tpu.memref_slice %arg7[%cond3A_948, %gather3A_1138, %gather3A_1139] : memref<3x112x384xf32, #tpu.memory_space<vmem>> -> memref<1x56x384xf32, #tpu.memory_space<vmem>>
          %gather3A_1141 = tpu.memref_squeeze %gather3A_1140 : memref<1x56x384xf32, #tpu.memory_space<vmem>> -> memref<56x384xf32, #tpu.memory_space<vmem>>
          %gather3A_1142 = tpu.vector_load_idx %gather3A_1141[%broadcast_in_dim3A_1114, %get3A_957] : memref<56x384xf32, #tpu.memory_space<vmem>>[vector<16xi32>, vector<16xi32>], vector<16xf32>,
          %swap3A_1143 = arith.constant 56 : i32
          %swap3A_1144 = arith.constant 0 : i32
          %swap3A_1145 = tpu.memref_slice %arg7[%cond3A_949, %swap3A_1143, %swap3A_1144] : memref<3x112x384xf32, #tpu.memory_space<vmem>> -> memref<1x56x384xf32, #tpu.memory_space<vmem>>
          %swap3A_1146 = tpu.memref_squeeze %swap3A_1145 : memref<1x56x384xf32, #tpu.memory_space<vmem>> -> memref<56x384xf32, #tpu.memory_space<vmem>>
          %swap3A_1147 = arith.index_cast %scan3A_1113 : i32 to index
          %swap3A_1148 = arith.constant 32 : index
          %swap3A_1149 = tpu.vector_load %swap3A_1146[%swap3A_1147, %swap3A_1148] {strides = array<i32>} : memref<56x384xf32, #tpu.memory_space<vmem>>, vector<16xf32>,
          tpu.vector_store %swap3A_1146[%swap3A_1147, %swap3A_1148], %gather3A_1142 {strides = array<i32>} : memref<56x384xf32, #tpu.memory_space<vmem>>, vector<16xf32>,
          %gather3A_1150 = arith.constant 56 : i32
          %gather3A_1151 = arith.constant 0 : i32
          %gather3A_1152 = tpu.memref_slice %arg7[%cond3A_948, %gather3A_1150, %gather3A_1151] : memref<3x112x384xf32, #tpu.memory_space<vmem>> -> memref<1x56x384xf32, #tpu.memory_space<vmem>>
          %gather3A_1153 = tpu.memref_squeeze %gather3A_1152 : memref<1x56x384xf32, #tpu.memory_space<vmem>> -> memref<56x384xf32, #tpu.memory_space<vmem>>
          %gather3A_1154 = tpu.vector_load_idx %gather3A_1153[%broadcast_in_dim3A_1114, %get3A_959] : memref<56x384xf32, #tpu.memory_space<vmem>>[vector<16xi32>, vector<16xi32>], vector<16xf32>,
          %swap3A_1155 = arith.constant 56 : i32
          %swap3A_1156 = arith.constant 0 : i32
          %swap3A_1157 = tpu.memref_slice %arg7[%cond3A_949, %swap3A_1155, %swap3A_1156] : memref<3x112x384xf32, #tpu.memory_space<vmem>> -> memref<1x56x384xf32, #tpu.memory_space<vmem>>
          %swap3A_1158 = tpu.memref_squeeze %swap3A_1157 : memref<1x56x384xf32, #tpu.memory_space<vmem>> -> memref<56x384xf32, #tpu.memory_space<vmem>>
          %swap3A_1159 = arith.index_cast %scan3A_1113 : i32 to index
          %swap3A_1160 = arith.constant 48 : index
          %swap3A_1161 = tpu.vector_load %swap3A_1158[%swap3A_1159, %swap3A_1160] {strides = array<i32>} : memref<56x384xf32, #tpu.memory_space<vmem>>, vector<16xf32>,
          tpu.vector_store %swap3A_1158[%swap3A_1159, %swap3A_1160], %gather3A_1154 {strides = array<i32>} : memref<56x384xf32, #tpu.memory_space<vmem>>, vector<16xf32>,
          %gather3A_1162 = arith.constant 56 : i32
          %gather3A_1163 = arith.constant 0 : i32
          %gather3A_1164 = tpu.memref_slice %arg7[%cond3A_948, %gather3A_1162, %gather3A_1163] : memref<3x112x384xf32, #tpu.memory_space<vmem>> -> memref<1x56x384xf32, #tpu.memory_space<vmem>>
          %gather3A_1165 = tpu.memref_squeeze %gather3A_1164 : memref<1x56x384xf32, #tpu.memory_space<vmem>> -> memref<56x384xf32, #tpu.memory_space<vmem>>
          %gather3A_1166 = tpu.vector_load_idx %gather3A_1165[%broadcast_in_dim3A_1114, %get3A_961] : memref<56x384xf32, #tpu.memory_space<vmem>>[vector<16xi32>, vector<16xi32>], vector<16xf32>,
          %swap3A_1167 = arith.constant 56 : i32
          %swap3A_1168 = arith.constant 0 : i32
          %swap3A_1169 = tpu.memref_slice %arg7[%cond3A_949, %swap3A_1167, %swap3A_1168] : memref<3x112x384xf32, #tpu.memory_space<vmem>> -> memref<1x56x384xf32, #tpu.memory_space<vmem>>
          %swap3A_1170 = tpu.memref_squeeze %swap3A_1169 : memref<1x56x384xf32, #tpu.memory_space<vmem>> -> memref<56x384xf32, #tpu.memory_space<vmem>>
          %swap3A_1171 = arith.index_cast %scan3A_1113 : i32 to index
          %swap3A_1172 = arith.constant 64 : index
          %swap3A_1173 = tpu.vector_load %swap3A_1170[%swap3A_1171, %swap3A_1172] {strides = array<i32>} : memref<56x384xf32, #tpu.memory_space<vmem>>, vector<16xf32>,
          tpu.vector_store %swap3A_1170[%swap3A_1171, %swap3A_1172], %gather3A_1166 {strides = array<i32>} : memref<56x384xf32, #tpu.memory_space<vmem>>, vector<16xf32>,
          %gather3A_1174 = arith.constant 56 : i32
          %gather3A_1175 = arith.constant 0 : i32
          %gather3A_1176 = tpu.memref_slice %arg7[%cond3A_948, %gather3A_1174, %gather3A_1175] : memref<3x112x384xf32, #tpu.memory_space<vmem>> -> memref<1x56x384xf32, #tpu.memory_space<vmem>>
          %gather3A_1177 = tpu.memref_squeeze %gather3A_1176 : memref<1x56x384xf32, #tpu.memory_space<vmem>> -> memref<56x384xf32, #tpu.memory_space<vmem>>
          %gather3A_1178 = tpu.vector_load_idx %gather3A_1177[%broadcast_in_dim3A_1114, %get3A_963] : memref<56x384xf32, #tpu.memory_space<vmem>>[vector<16xi32>, vector<16xi32>], vector<16xf32>,
          %swap3A_1179 = arith.constant 56 : i32
          %swap3A_1180 = arith.constant 0 : i32
          %swap3A_1181 = tpu.memref_slice %arg7[%cond3A_949, %swap3A_1179, %swap3A_1180] : memref<3x112x384xf32, #tpu.memory_space<vmem>> -> memref<1x56x384xf32, #tpu.memory_space<vmem>>
          %swap3A_1182 = tpu.memref_squeeze %swap3A_1181 : memref<1x56x384xf32, #tpu.memory_space<vmem>> -> memref<56x384xf32, #tpu.memory_space<vmem>>
          %swap3A_1183 = arith.index_cast %scan3A_1113 : i32 to index
          %swap3A_1184 = arith.constant 80 : index
          %swap3A_1185 = tpu.vector_load %swap3A_1182[%swap3A_1183, %swap3A_1184] {strides = array<i32>} : memref<56x384xf32, #tpu.memory_space<vmem>>, vector<16xf32>,
          tpu.vector_store %swap3A_1182[%swap3A_1183, %swap3A_1184], %gather3A_1178 {strides = array<i32>} : memref<56x384xf32, #tpu.memory_space<vmem>>, vector<16xf32>,
          %gather3A_1186 = arith.constant 56 : i32
          %gather3A_1187 = arith.constant 0 : i32
          %gather3A_1188 = tpu.memref_slice %arg7[%cond3A_948, %gather3A_1186, %gather3A_1187] : memref<3x112x384xf32, #tpu.memory_space<vmem>> -> memref<1x56x384xf32, #tpu.memory_space<vmem>>
          %gather3A_1189 = tpu.memref_squeeze %gather3A_1188 : memref<1x56x384xf32, #tpu.memory_space<vmem>> -> memref<56x384xf32, #tpu.memory_space<vmem>>
          %gather3A_1190 = tpu.vector_load_idx %gather3A_1189[%broadcast_in_dim3A_1114, %get3A_965] : memref<56x384xf32, #tpu.memory_space<vmem>>[vector<16xi32>, vector<16xi32>], vector<16xf32>,
          %swap3A_1191 = arith.constant 56 : i32
          %swap3A_1192 = arith.constant 0 : i32
          %swap3A_1193 = tpu.memref_slice %arg7[%cond3A_949, %swap3A_1191, %swap3A_1192] : memref<3x112x384xf32, #tpu.memory_space<vmem>> -> memref<1x56x384xf32, #tpu.memory_space<vmem>>
          %swap3A_1194 = tpu.memref_squeeze %swap3A_1193 : memref<1x56x384xf32, #tpu.memory_space<vmem>> -> memref<56x384xf32, #tpu.memory_space<vmem>>
          %swap3A_1195 = arith.index_cast %scan3A_1113 : i32 to index
          %swap3A_1196 = arith.constant 96 : index
          %swap3A_1197 = tpu.vector_load %swap3A_1194[%swap3A_1195, %swap3A_1196] {strides = array<i32>} : memref<56x384xf32, #tpu.memory_space<vmem>>, vector<16xf32>,
          tpu.vector_store %swap3A_1194[%swap3A_1195, %swap3A_1196], %gather3A_1190 {strides = array<i32>} : memref<56x384xf32, #tpu.memory_space<vmem>>, vector<16xf32>,
          %gather3A_1198 = arith.constant 56 : i32
          %gather3A_1199 = arith.constant 0 : i32
          %gather3A_1200 = tpu.memref_slice %arg7[%cond3A_948, %gather3A_1198, %gather3A_1199] : memref<3x112x384xf32, #tpu.memory_space<vmem>> -> memref<1x56x384xf32, #tpu.memory_space<vmem>>
          %gather3A_1201 = tpu.memref_squeeze %gather3A_1200 : memref<1x56x384xf32, #tpu.memory_space<vmem>> -> memref<56x384xf32, #tpu.memory_space<vmem>>
          %gather3A_1202 = tpu.vector_load_idx %gather3A_1201[%broadcast_in_dim3A_1114, %get3A_967] : memref<56x384xf32, #tpu.memory_space<vmem>>[vector<16xi32>, vector<16xi32>], vector<16xf32>,
          %swap3A_1203 = arith.constant 56 : i32
          %swap3A_1204 = arith.constant 0 : i32
          %swap3A_1205 = tpu.memref_slice %arg7[%cond3A_949, %swap3A_1203, %swap3A_1204] : memref<3x112x384xf32, #tpu.memory_space<vmem>> -> memref<1x56x384xf32, #tpu.memory_space<vmem>>
          %swap3A_1206 = tpu.memref_squeeze %swap3A_1205 : memref<1x56x384xf32, #tpu.memory_space<vmem>> -> memref<56x384xf32, #tpu.memory_space<vmem>>
          %swap3A_1207 = arith.index_cast %scan3A_1113 : i32 to index
          %swap3A_1208 = arith.constant 112 : index
          %swap3A_1209 = tpu.vector_load %swap3A_1206[%swap3A_1207, %swap3A_1208] {strides = array<i32>} : memref<56x384xf32, #tpu.memory_space<vmem>>, vector<16xf32>,
          tpu.vector_store %swap3A_1206[%swap3A_1207, %swap3A_1208], %gather3A_1202 {strides = array<i32>} : memref<56x384xf32, #tpu.memory_space<vmem>>, vector<16xf32>,
          %gather3A_1210 = arith.constant 56 : i32
          %gather3A_1211 = arith.constant 0 : i32
          %gather3A_1212 = tpu.memref_slice %arg7[%cond3A_948, %gather3A_1210, %gather3A_1211] : memref<3x112x384xf32, #tpu.memory_space<vmem>> -> memref<1x56x384xf32, #tpu.memory_space<vmem>>
          %gather3A_1213 = tpu.memref_squeeze %gather3A_1212 : memref<1x56x384xf32, #tpu.memory_space<vmem>> -> memref<56x384xf32, #tpu.memory_space<vmem>>
          %gather3A_1214 = tpu.vector_load_idx %gather3A_1213[%broadcast_in_dim3A_1114, %get3A_969] : memref<56x384xf32, #tpu.memory_space<vmem>>[vector<16xi32>, vector<16xi32>], vector<16xf32>,
          %swap3A_1215 = arith.constant 56 : i32
          %swap3A_1216 = arith.constant 0 : i32
          %swap3A_1217 = tpu.memref_slice %arg7[%cond3A_949, %swap3A_1215, %swap3A_1216] : memref<3x112x384xf32, #tpu.memory_space<vmem>> -> memref<1x56x384xf32, #tpu.memory_space<vmem>>
          %swap3A_1218 = tpu.memref_squeeze %swap3A_1217 : memref<1x56x384xf32, #tpu.memory_space<vmem>> -> memref<56x384xf32, #tpu.memory_space<vmem>>
          %swap3A_1219 = arith.index_cast %scan3A_1113 : i32 to index
          %swap3A_1220 = arith.constant 128 : index
          %swap3A_1221 = tpu.vector_load %swap3A_1218[%swap3A_1219, %swap3A_1220] {strides = array<i32>} : memref<56x384xf32, #tpu.memory_space<vmem>>, vector<16xf32>,
          tpu.vector_store %swap3A_1218[%swap3A_1219, %swap3A_1220], %gather3A_1214 {strides = array<i32>} : memref<56x384xf32, #tpu.memory_space<vmem>>, vector<16xf32>,
          %gather3A_1222 = arith.constant 56 : i32
          %gather3A_1223 = arith.constant 0 : i32
          %gather3A_1224 = tpu.memref_slice %arg7[%cond3A_948, %gather3A_1222, %gather3A_1223] : memref<3x112x384xf32, #tpu.memory_space<vmem>> -> memref<1x56x384xf32, #tpu.memory_space<vmem>>
          %gather3A_1225 = tpu.memref_squeeze %gather3A_1224 : memref<1x56x384xf32, #tpu.memory_space<vmem>> -> memref<56x384xf32, #tpu.memory_space<vmem>>
          %gather3A_1226 = tpu.vector_load_idx %gather3A_1225[%broadcast_in_dim3A_1114, %get3A_971] : memref<56x384xf32, #tpu.memory_space<vmem>>[vector<16xi32>, vector<16xi32>], vector<16xf32>,
          %swap3A_1227 = arith.constant 56 : i32
          %swap3A_1228 = arith.constant 0 : i32
          %swap3A_1229 = tpu.memref_slice %arg7[%cond3A_949, %swap3A_1227, %swap3A_1228] : memref<3x112x384xf32, #tpu.memory_space<vmem>> -> memref<1x56x384xf32, #tpu.memory_space<vmem>>
          %swap3A_1230 = tpu.memref_squeeze %swap3A_1229 : memref<1x56x384xf32, #tpu.memory_space<vmem>> -> memref<56x384xf32, #tpu.memory_space<vmem>>
          %swap3A_1231 = arith.index_cast %scan3A_1113 : i32 to index
          %swap3A_1232 = arith.constant 144 : index
          %swap3A_1233 = tpu.vector_load %swap3A_1230[%swap3A_1231, %swap3A_1232] {strides = array<i32>} : memref<56x384xf32, #tpu.memory_space<vmem>>, vector<16xf32>,
          tpu.vector_store %swap3A_1230[%swap3A_1231, %swap3A_1232], %gather3A_1226 {strides = array<i32>} : memref<56x384xf32, #tpu.memory_space<vmem>>, vector<16xf32>,
          %gather3A_1234 = arith.constant 56 : i32
          %gather3A_1235 = arith.constant 0 : i32
          %gather3A_1236 = tpu.memref_slice %arg7[%cond3A_948, %gather3A_1234, %gather3A_1235] : memref<3x112x384xf32, #tpu.memory_space<vmem>> -> memref<1x56x384xf32, #tpu.memory_space<vmem>>
          %gather3A_1237 = tpu.memref_squeeze %gather3A_1236 : memref<1x56x384xf32, #tpu.memory_space<vmem>> -> memref<56x384xf32, #tpu.memory_space<vmem>>
          %gather3A_1238 = tpu.vector_load_idx %gather3A_1237[%broadcast_in_dim3A_1114, %get3A_973] : memref<56x384xf32, #tpu.memory_space<vmem>>[vector<16xi32>, vector<16xi32>], vector<16xf32>,
          %swap3A_1239 = arith.constant 56 : i32
          %swap3A_1240 = arith.constant 0 : i32
          %swap3A_1241 = tpu.memref_slice %arg7[%cond3A_949, %swap3A_1239, %swap3A_1240] : memref<3x112x384xf32, #tpu.memory_space<vmem>> -> memref<1x56x384xf32, #tpu.memory_space<vmem>>
          %swap3A_1242 = tpu.memref_squeeze %swap3A_1241 : memref<1x56x384xf32, #tpu.memory_space<vmem>> -> memref<56x384xf32, #tpu.memory_space<vmem>>
          %swap3A_1243 = arith.index_cast %scan3A_1113 : i32 to index
          %swap3A_1244 = arith.constant 160 : index
          %swap3A_1245 = tpu.vector_load %swap3A_1242[%swap3A_1243, %swap3A_1244] {strides = array<i32>} : memref<56x384xf32, #tpu.memory_space<vmem>>, vector<16xf32>,
          tpu.vector_store %swap3A_1242[%swap3A_1243, %swap3A_1244], %gather3A_1238 {strides = array<i32>} : memref<56x384xf32, #tpu.memory_space<vmem>>, vector<16xf32>,
          %gather3A_1246 = arith.constant 56 : i32
          %gather3A_1247 = arith.constant 0 : i32
          %gather3A_1248 = tpu.memref_slice %arg7[%cond3A_948, %gather3A_1246, %gather3A_1247] : memref<3x112x384xf32, #tpu.memory_space<vmem>> -> memref<1x56x384xf32, #tpu.memory_space<vmem>>
          %gather3A_1249 = tpu.memref_squeeze %gather3A_1248 : memref<1x56x384xf32, #tpu.memory_space<vmem>> -> memref<56x384xf32, #tpu.memory_space<vmem>>
          %gather3A_1250 = tpu.vector_load_idx %gather3A_1249[%broadcast_in_dim3A_1114, %get3A_975] : memref<56x384xf32, #tpu.memory_space<vmem>>[vector<16xi32>, vector<16xi32>], vector<16xf32>,
          %swap3A_1251 = arith.constant 56 : i32
          %swap3A_1252 = arith.constant 0 : i32
          %swap3A_1253 = tpu.memref_slice %arg7[%cond3A_949, %swap3A_1251, %swap3A_1252] : memref<3x112x384xf32, #tpu.memory_space<vmem>> -> memref<1x56x384xf32, #tpu.memory_space<vmem>>
          %swap3A_1254 = tpu.memref_squeeze %swap3A_1253 : memref<1x56x384xf32, #tpu.memory_space<vmem>> -> memref<56x384xf32, #tpu.memory_space<vmem>>
          %swap3A_1255 = arith.index_cast %scan3A_1113 : i32 to index
          %swap3A_1256 = arith.constant 176 : index
          %swap3A_1257 = tpu.vector_load %swap3A_1254[%swap3A_1255, %swap3A_1256] {strides = array<i32>} : memref<56x384xf32, #tpu.memory_space<vmem>>, vector<16xf32>,
          tpu.vector_store %swap3A_1254[%swap3A_1255, %swap3A_1256], %gather3A_1250 {strides = array<i32>} : memref<56x384xf32, #tpu.memory_space<vmem>>, vector<16xf32>,
          %gather3A_1258 = arith.constant 56 : i32
          %gather3A_1259 = arith.constant 0 : i32
          %gather3A_1260 = tpu.memref_slice %arg7[%cond3A_948, %gather3A_1258, %gather3A_1259] : memref<3x112x384xf32, #tpu.memory_space<vmem>> -> memref<1x56x384xf32, #tpu.memory_space<vmem>>
          %gather3A_1261 = tpu.memref_squeeze %gather3A_1260 : memref<1x56x384xf32, #tpu.memory_space<vmem>> -> memref<56x384xf32, #tpu.memory_space<vmem>>
          %gather3A_1262 = tpu.vector_load_idx %gather3A_1261[%broadcast_in_dim3A_1114, %get3A_977] : memref<56x384xf32, #tpu.memory_space<vmem>>[vector<16xi32>, vector<16xi32>], vector<16xf32>,
          %swap3A_1263 = arith.constant 56 : i32
          %swap3A_1264 = arith.constant 0 : i32
          %swap3A_1265 = tpu.memref_slice %arg7[%cond3A_949, %swap3A_1263, %swap3A_1264] : memref<3x112x384xf32, #tpu.memory_space<vmem>> -> memref<1x56x384xf32, #tpu.memory_space<vmem>>
          %swap3A_1266 = tpu.memref_squeeze %swap3A_1265 : memref<1x56x384xf32, #tpu.memory_space<vmem>> -> memref<56x384xf32, #tpu.memory_space<vmem>>
          %swap3A_1267 = arith.index_cast %scan3A_1113 : i32 to index
          %swap3A_1268 = arith.constant 192 : index
          %swap3A_1269 = tpu.vector_load %swap3A_1266[%swap3A_1267, %swap3A_1268] {strides = array<i32>} : memref<56x384xf32, #tpu.memory_space<vmem>>, vector<16xf32>,
          tpu.vector_store %swap3A_1266[%swap3A_1267, %swap3A_1268], %gather3A_1262 {strides = array<i32>} : memref<56x384xf32, #tpu.memory_space<vmem>>, vector<16xf32>,
          %gather3A_1270 = arith.constant 56 : i32
          %gather3A_1271 = arith.constant 0 : i32
          %gather3A_1272 = tpu.memref_slice %arg7[%cond3A_948, %gather3A_1270, %gather3A_1271] : memref<3x112x384xf32, #tpu.memory_space<vmem>> -> memref<1x56x384xf32, #tpu.memory_space<vmem>>
          %gather3A_1273 = tpu.memref_squeeze %gather3A_1272 : memref<1x56x384xf32, #tpu.memory_space<vmem>> -> memref<56x384xf32, #tpu.memory_space<vmem>>
          %gather3A_1274 = tpu.vector_load_idx %gather3A_1273[%broadcast_in_dim3A_1114, %get3A_979] : memref<56x384xf32, #tpu.memory_space<vmem>>[vector<16xi32>, vector<16xi32>], vector<16xf32>,
          %swap3A_1275 = arith.constant 56 : i32
          %swap3A_1276 = arith.constant 0 : i32
          %swap3A_1277 = tpu.memref_slice %arg7[%cond3A_949, %swap3A_1275, %swap3A_1276] : memref<3x112x384xf32, #tpu.memory_space<vmem>> -> memref<1x56x384xf32, #tpu.memory_space<vmem>>
          %swap3A_1278 = tpu.memref_squeeze %swap3A_1277 : memref<1x56x384xf32, #tpu.memory_space<vmem>> -> memref<56x384xf32, #tpu.memory_space<vmem>>
          %swap3A_1279 = arith.index_cast %scan3A_1113 : i32 to index
          %swap3A_1280 = arith.constant 208 : index
          %swap3A_1281 = tpu.vector_load %swap3A_1278[%swap3A_1279, %swap3A_1280] {strides = array<i32>} : memref<56x384xf32, #tpu.memory_space<vmem>>, vector<16xf32>,
          tpu.vector_store %swap3A_1278[%swap3A_1279, %swap3A_1280], %gather3A_1274 {strides = array<i32>} : memref<56x384xf32, #tpu.memory_space<vmem>>, vector<16xf32>,
          %gather3A_1282 = arith.constant 56 : i32
          %gather3A_1283 = arith.constant 0 : i32
          %gather3A_1284 = tpu.memref_slice %arg7[%cond3A_948, %gather3A_1282, %gather3A_1283] : memref<3x112x384xf32, #tpu.memory_space<vmem>> -> memref<1x56x384xf32, #tpu.memory_space<vmem>>
          %gather3A_1285 = tpu.memref_squeeze %gather3A_1284 : memref<1x56x384xf32, #tpu.memory_space<vmem>> -> memref<56x384xf32, #tpu.memory_space<vmem>>
          %gather3A_1286 = tpu.vector_load_idx %gather3A_1285[%broadcast_in_dim3A_1114, %get3A_981] : memref<56x384xf32, #tpu.memory_space<vmem>>[vector<16xi32>, vector<16xi32>], vector<16xf32>,
          %swap3A_1287 = arith.constant 56 : i32
          %swap3A_1288 = arith.constant 0 : i32
          %swap3A_1289 = tpu.memref_slice %arg7[%cond3A_949, %swap3A_1287, %swap3A_1288] : memref<3x112x384xf32, #tpu.memory_space<vmem>> -> memref<1x56x384xf32, #tpu.memory_space<vmem>>
          %swap3A_1290 = tpu.memref_squeeze %swap3A_1289 : memref<1x56x384xf32, #tpu.memory_space<vmem>> -> memref<56x384xf32, #tpu.memory_space<vmem>>
          %swap3A_1291 = arith.index_cast %scan3A_1113 : i32 to index
          %swap3A_1292 = arith.constant 224 : index
          %swap3A_1293 = tpu.vector_load %swap3A_1290[%swap3A_1291, %swap3A_1292] {strides = array<i32>} : memref<56x384xf32, #tpu.memory_space<vmem>>, vector<16xf32>,
          tpu.vector_store %swap3A_1290[%swap3A_1291, %swap3A_1292], %gather3A_1286 {strides = array<i32>} : memref<56x384xf32, #tpu.memory_space<vmem>>, vector<16xf32>,
          %gather3A_1294 = arith.constant 56 : i32
          %gather3A_1295 = arith.constant 0 : i32
          %gather3A_1296 = tpu.memref_slice %arg7[%cond3A_948, %gather3A_1294, %gather3A_1295] : memref<3x112x384xf32, #tpu.memory_space<vmem>> -> memref<1x56x384xf32, #tpu.memory_space<vmem>>
          %gather3A_1297 = tpu.memref_squeeze %gather3A_1296 : memref<1x56x384xf32, #tpu.memory_space<vmem>> -> memref<56x384xf32, #tpu.memory_space<vmem>>
          %gather3A_1298 = tpu.vector_load_idx %gather3A_1297[%broadcast_in_dim3A_1114, %get3A_983] : memref<56x384xf32, #tpu.memory_space<vmem>>[vector<16xi32>, vector<16xi32>], vector<16xf32>,
          %swap3A_1299 = arith.constant 56 : i32
          %swap3A_1300 = arith.constant 0 : i32
          %swap3A_1301 = tpu.memref_slice %arg7[%cond3A_949, %swap3A_1299, %swap3A_1300] : memref<3x112x384xf32, #tpu.memory_space<vmem>> -> memref<1x56x384xf32, #tpu.memory_space<vmem>>
          %swap3A_1302 = tpu.memref_squeeze %swap3A_1301 : memref<1x56x384xf32, #tpu.memory_space<vmem>> -> memref<56x384xf32, #tpu.memory_space<vmem>>
          %swap3A_1303 = arith.index_cast %scan3A_1113 : i32 to index
          %swap3A_1304 = arith.constant 240 : index
          %swap3A_1305 = tpu.vector_load %swap3A_1302[%swap3A_1303, %swap3A_1304] {strides = array<i32>} : memref<56x384xf32, #tpu.memory_space<vmem>>, vector<16xf32>,
          tpu.vector_store %swap3A_1302[%swap3A_1303, %swap3A_1304], %gather3A_1298 {strides = array<i32>} : memref<56x384xf32, #tpu.memory_space<vmem>>, vector<16xf32>,
          %gather3A_1306 = arith.constant 56 : i32
          %gather3A_1307 = arith.constant 0 : i32
          %gather3A_1308 = tpu.memref_slice %arg7[%cond3A_948, %gather3A_1306, %gather3A_1307] : memref<3x112x384xf32, #tpu.memory_space<vmem>> -> memref<1x56x384xf32, #tpu.memory_space<vmem>>
          %gather3A_1309 = tpu.memref_squeeze %gather3A_1308 : memref<1x56x384xf32, #tpu.memory_space<vmem>> -> memref<56x384xf32, #tpu.memory_space<vmem>>
          %gather3A_1310 = tpu.vector_load_idx %gather3A_1309[%broadcast_in_dim3A_1114, %get3A_985] : memref<56x384xf32, #tpu.memory_space<vmem>>[vector<16xi32>, vector<16xi32>], vector<16xf32>,
          %swap3A_1311 = arith.constant 56 : i32
          %swap3A_1312 = arith.constant 0 : i32
          %swap3A_1313 = tpu.memref_slice %arg7[%cond3A_949, %swap3A_1311, %swap3A_1312] : memref<3x112x384xf32, #tpu.memory_space<vmem>> -> memref<1x56x384xf32, #tpu.memory_space<vmem>>
          %swap3A_1314 = tpu.memref_squeeze %swap3A_1313 : memref<1x56x384xf32, #tpu.memory_space<vmem>> -> memref<56x384xf32, #tpu.memory_space<vmem>>
          %swap3A_1315 = arith.index_cast %scan3A_1113 : i32 to index
          %swap3A_1316 = arith.constant 256 : index
          %swap3A_1317 = tpu.vector_load %swap3A_1314[%swap3A_1315, %swap3A_1316] {strides = array<i32>} : memref<56x384xf32, #tpu.memory_space<vmem>>, vector<16xf32>,
          tpu.vector_store %swap3A_1314[%swap3A_1315, %swap3A_1316], %gather3A_1310 {strides = array<i32>} : memref<56x384xf32, #tpu.memory_space<vmem>>, vector<16xf32>,
          %gather3A_1318 = arith.constant 56 : i32
          %gather3A_1319 = arith.constant 0 : i32
          %gather3A_1320 = tpu.memref_slice %arg7[%cond3A_948, %gather3A_1318, %gather3A_1319] : memref<3x112x384xf32, #tpu.memory_space<vmem>> -> memref<1x56x384xf32, #tpu.memory_space<vmem>>
          %gather3A_1321 = tpu.memref_squeeze %gather3A_1320 : memref<1x56x384xf32, #tpu.memory_space<vmem>> -> memref<56x384xf32, #tpu.memory_space<vmem>>
          %gather3A_1322 = tpu.vector_load_idx %gather3A_1321[%broadcast_in_dim3A_1114, %get3A_987] : memref<56x384xf32, #tpu.memory_space<vmem>>[vector<16xi32>, vector<16xi32>], vector<16xf32>,
          %swap3A_1323 = arith.constant 56 : i32
          %swap3A_1324 = arith.constant 0 : i32
          %swap3A_1325 = tpu.memref_slice %arg7[%cond3A_949, %swap3A_1323, %swap3A_1324] : memref<3x112x384xf32, #tpu.memory_space<vmem>> -> memref<1x56x384xf32, #tpu.memory_space<vmem>>
          %swap3A_1326 = tpu.memref_squeeze %swap3A_1325 : memref<1x56x384xf32, #tpu.memory_space<vmem>> -> memref<56x384xf32, #tpu.memory_space<vmem>>
          %swap3A_1327 = arith.index_cast %scan3A_1113 : i32 to index
          %swap3A_1328 = arith.constant 272 : index
          %swap3A_1329 = tpu.vector_load %swap3A_1326[%swap3A_1327, %swap3A_1328] {strides = array<i32>} : memref<56x384xf32, #tpu.memory_space<vmem>>, vector<16xf32>,
          tpu.vector_store %swap3A_1326[%swap3A_1327, %swap3A_1328], %gather3A_1322 {strides = array<i32>} : memref<56x384xf32, #tpu.memory_space<vmem>>, vector<16xf32>,
          %gather3A_1330 = arith.constant 56 : i32
          %gather3A_1331 = arith.constant 0 : i32
          %gather3A_1332 = tpu.memref_slice %arg7[%cond3A_948, %gather3A_1330, %gather3A_1331] : memref<3x112x384xf32, #tpu.memory_space<vmem>> -> memref<1x56x384xf32, #tpu.memory_space<vmem>>
          %gather3A_1333 = tpu.memref_squeeze %gather3A_1332 : memref<1x56x384xf32, #tpu.memory_space<vmem>> -> memref<56x384xf32, #tpu.memory_space<vmem>>
          %gather3A_1334 = tpu.vector_load_idx %gather3A_1333[%broadcast_in_dim3A_1114, %get3A_989] : memref<56x384xf32, #tpu.memory_space<vmem>>[vector<16xi32>, vector<16xi32>], vector<16xf32>,
          %swap3A_1335 = arith.constant 56 : i32
          %swap3A_1336 = arith.constant 0 : i32
          %swap3A_1337 = tpu.memref_slice %arg7[%cond3A_949, %swap3A_1335, %swap3A_1336] : memref<3x112x384xf32, #tpu.memory_space<vmem>> -> memref<1x56x384xf32, #tpu.memory_space<vmem>>
          %swap3A_1338 = tpu.memref_squeeze %swap3A_1337 : memref<1x56x384xf32, #tpu.memory_space<vmem>> -> memref<56x384xf32, #tpu.memory_space<vmem>>
          %swap3A_1339 = arith.index_cast %scan3A_1113 : i32 to index
          %swap3A_1340 = arith.constant 288 : index
          %swap3A_1341 = tpu.vector_load %swap3A_1338[%swap3A_1339, %swap3A_1340] {strides = array<i32>} : memref<56x384xf32, #tpu.memory_space<vmem>>, vector<16xf32>,
          tpu.vector_store %swap3A_1338[%swap3A_1339, %swap3A_1340], %gather3A_1334 {strides = array<i32>} : memref<56x384xf32, #tpu.memory_space<vmem>>, vector<16xf32>,
          %gather3A_1342 = arith.constant 56 : i32
          %gather3A_1343 = arith.constant 0 : i32
          %gather3A_1344 = tpu.memref_slice %arg7[%cond3A_948, %gather3A_1342, %gather3A_1343] : memref<3x112x384xf32, #tpu.memory_space<vmem>> -> memref<1x56x384xf32, #tpu.memory_space<vmem>>
          %gather3A_1345 = tpu.memref_squeeze %gather3A_1344 : memref<1x56x384xf32, #tpu.memory_space<vmem>> -> memref<56x384xf32, #tpu.memory_space<vmem>>
          %gather3A_1346 = tpu.vector_load_idx %gather3A_1345[%broadcast_in_dim3A_1114, %get3A_991] : memref<56x384xf32, #tpu.memory_space<vmem>>[vector<16xi32>, vector<16xi32>], vector<16xf32>,
          %swap3A_1347 = arith.constant 56 : i32
          %swap3A_1348 = arith.constant 0 : i32
          %swap3A_1349 = tpu.memref_slice %arg7[%cond3A_949, %swap3A_1347, %swap3A_1348] : memref<3x112x384xf32, #tpu.memory_space<vmem>> -> memref<1x56x384xf32, #tpu.memory_space<vmem>>
          %swap3A_1350 = tpu.memref_squeeze %swap3A_1349 : memref<1x56x384xf32, #tpu.memory_space<vmem>> -> memref<56x384xf32, #tpu.memory_space<vmem>>
          %swap3A_1351 = arith.index_cast %scan3A_1113 : i32 to index
          %swap3A_1352 = arith.constant 304 : index
          %swap3A_1353 = tpu.vector_load %swap3A_1350[%swap3A_1351, %swap3A_1352] {strides = array<i32>} : memref<56x384xf32, #tpu.memory_space<vmem>>, vector<16xf32>,
          tpu.vector_store %swap3A_1350[%swap3A_1351, %swap3A_1352], %gather3A_1346 {strides = array<i32>} : memref<56x384xf32, #tpu.memory_space<vmem>>, vector<16xf32>,
          %gather3A_1354 = arith.constant 56 : i32
          %gather3A_1355 = arith.constant 0 : i32
          %gather3A_1356 = tpu.memref_slice %arg7[%cond3A_948, %gather3A_1354, %gather3A_1355] : memref<3x112x384xf32, #tpu.memory_space<vmem>> -> memref<1x56x384xf32, #tpu.memory_space<vmem>>
          %gather3A_1357 = tpu.memref_squeeze %gather3A_1356 : memref<1x56x384xf32, #tpu.memory_space<vmem>> -> memref<56x384xf32, #tpu.memory_space<vmem>>
          %gather3A_1358 = tpu.vector_load_idx %gather3A_1357[%broadcast_in_dim3A_1114, %get3A_993] : memref<56x384xf32, #tpu.memory_space<vmem>>[vector<16xi32>, vector<16xi32>], vector<16xf32>,
          %swap3A_1359 = arith.constant 56 : i32
          %swap3A_1360 = arith.constant 0 : i32
          %swap3A_1361 = tpu.memref_slice %arg7[%cond3A_949, %swap3A_1359, %swap3A_1360] : memref<3x112x384xf32, #tpu.memory_space<vmem>> -> memref<1x56x384xf32, #tpu.memory_space<vmem>>
          %swap3A_1362 = tpu.memref_squeeze %swap3A_1361 : memref<1x56x384xf32, #tpu.memory_space<vmem>> -> memref<56x384xf32, #tpu.memory_space<vmem>>
          %swap3A_1363 = arith.index_cast %scan3A_1113 : i32 to index
          %swap3A_1364 = arith.constant 320 : index
          %swap3A_1365 = tpu.vector_load %swap3A_1362[%swap3A_1363, %swap3A_1364] {strides = array<i32>} : memref<56x384xf32, #tpu.memory_space<vmem>>, vector<16xf32>,
          tpu.vector_store %swap3A_1362[%swap3A_1363, %swap3A_1364], %gather3A_1358 {strides = array<i32>} : memref<56x384xf32, #tpu.memory_space<vmem>>, vector<16xf32>,
          %gather3A_1366 = arith.constant 56 : i32
          %gather3A_1367 = arith.constant 0 : i32
          %gather3A_1368 = tpu.memref_slice %arg7[%cond3A_948, %gather3A_1366, %gather3A_1367] : memref<3x112x384xf32, #tpu.memory_space<vmem>> -> memref<1x56x384xf32, #tpu.memory_space<vmem>>
          %gather3A_1369 = tpu.memref_squeeze %gather3A_1368 : memref<1x56x384xf32, #tpu.memory_space<vmem>> -> memref<56x384xf32, #tpu.memory_space<vmem>>
          %gather3A_1370 = tpu.vector_load_idx %gather3A_1369[%broadcast_in_dim3A_1114, %get3A_995] : memref<56x384xf32, #tpu.memory_space<vmem>>[vector<16xi32>, vector<16xi32>], vector<16xf32>,
          %swap3A_1371 = arith.constant 56 : i32
          %swap3A_1372 = arith.constant 0 : i32
          %swap3A_1373 = tpu.memref_slice %arg7[%cond3A_949, %swap3A_1371, %swap3A_1372] : memref<3x112x384xf32, #tpu.memory_space<vmem>> -> memref<1x56x384xf32, #tpu.memory_space<vmem>>
          %swap3A_1374 = tpu.memref_squeeze %swap3A_1373 : memref<1x56x384xf32, #tpu.memory_space<vmem>> -> memref<56x384xf32, #tpu.memory_space<vmem>>
          %swap3A_1375 = arith.index_cast %scan3A_1113 : i32 to index
          %swap3A_1376 = arith.constant 336 : index
          %swap3A_1377 = tpu.vector_load %swap3A_1374[%swap3A_1375, %swap3A_1376] {strides = array<i32>} : memref<56x384xf32, #tpu.memory_space<vmem>>, vector<16xf32>,
          tpu.vector_store %swap3A_1374[%swap3A_1375, %swap3A_1376], %gather3A_1370 {strides = array<i32>} : memref<56x384xf32, #tpu.memory_space<vmem>>, vector<16xf32>,
          %gather3A_1378 = arith.constant 56 : i32
          %gather3A_1379 = arith.constant 0 : i32
          %gather3A_1380 = tpu.memref_slice %arg7[%cond3A_948, %gather3A_1378, %gather3A_1379] : memref<3x112x384xf32, #tpu.memory_space<vmem>> -> memref<1x56x384xf32, #tpu.memory_space<vmem>>
          %gather3A_1381 = tpu.memref_squeeze %gather3A_1380 : memref<1x56x384xf32, #tpu.memory_space<vmem>> -> memref<56x384xf32, #tpu.memory_space<vmem>>
          %gather3A_1382 = tpu.vector_load_idx %gather3A_1381[%broadcast_in_dim3A_1114, %get3A_997] : memref<56x384xf32, #tpu.memory_space<vmem>>[vector<16xi32>, vector<16xi32>], vector<16xf32>,
          %swap3A_1383 = arith.constant 56 : i32
          %swap3A_1384 = arith.constant 0 : i32
          %swap3A_1385 = tpu.memref_slice %arg7[%cond3A_949, %swap3A_1383, %swap3A_1384] : memref<3x112x384xf32, #tpu.memory_space<vmem>> -> memref<1x56x384xf32, #tpu.memory_space<vmem>>
          %swap3A_1386 = tpu.memref_squeeze %swap3A_1385 : memref<1x56x384xf32, #tpu.memory_space<vmem>> -> memref<56x384xf32, #tpu.memory_space<vmem>>
          %swap3A_1387 = arith.index_cast %scan3A_1113 : i32 to index
          %swap3A_1388 = arith.constant 352 : index
          %swap3A_1389 = tpu.vector_load %swap3A_1386[%swap3A_1387, %swap3A_1388] {strides = array<i32>} : memref<56x384xf32, #tpu.memory_space<vmem>>, vector<16xf32>,
          tpu.vector_store %swap3A_1386[%swap3A_1387, %swap3A_1388], %gather3A_1382 {strides = array<i32>} : memref<56x384xf32, #tpu.memory_space<vmem>>, vector<16xf32>,
          %gather3A_1390 = arith.constant 56 : i32
          %gather3A_1391 = arith.constant 0 : i32
          %gather3A_1392 = tpu.memref_slice %arg7[%cond3A_948, %gather3A_1390, %gather3A_1391] : memref<3x112x384xf32, #tpu.memory_space<vmem>> -> memref<1x56x384xf32, #tpu.memory_space<vmem>>
          %gather3A_1393 = tpu.memref_squeeze %gather3A_1392 : memref<1x56x384xf32, #tpu.memory_space<vmem>> -> memref<56x384xf32, #tpu.memory_space<vmem>>
          %gather3A_1394 = tpu.vector_load_idx %gather3A_1393[%broadcast_in_dim3A_1114, %get3A_999] : memref<56x384xf32, #tpu.memory_space<vmem>>[vector<16xi32>, vector<16xi32>], vector<16xf32>,
          %swap3A_1395 = arith.constant 56 : i32
          %swap3A_1396 = arith.constant 0 : i32
          %swap3A_1397 = tpu.memref_slice %arg7[%cond3A_949, %swap3A_1395, %swap3A_1396] : memref<3x112x384xf32, #tpu.memory_space<vmem>> -> memref<1x56x384xf32, #tpu.memory_space<vmem>>
          %swap3A_1398 = tpu.memref_squeeze %swap3A_1397 : memref<1x56x384xf32, #tpu.memory_space<vmem>> -> memref<56x384xf32, #tpu.memory_space<vmem>>
          %swap3A_1399 = arith.index_cast %scan3A_1113 : i32 to index
          %swap3A_1400 = arith.constant 368 : index
          %swap3A_1401 = tpu.vector_load %swap3A_1398[%swap3A_1399, %swap3A_1400] {strides = array<i32>} : memref<56x384xf32, #tpu.memory_space<vmem>>, vector<16xf32>,
          tpu.vector_store %swap3A_1398[%swap3A_1399, %swap3A_1400], %gather3A_1394 {strides = array<i32>} : memref<56x384xf32, #tpu.memory_space<vmem>>, vector<16xf32>,
        }
        %scan3A_1092 = arith.constant 56 : i32
        %mul3A_1093 = arith.constant 56 : i32
        %mul3A_1094 = arith.muli %add3A_1077, %mul3A_1093 : i32
        %add3A_1095 = arith.addi %mul3A_2, %mul3A_1094 : i32
        %dma_start3A_1096 = arith.constant 56 : i32
        %dma_start3A_1097 = arith.constant 0 : i32
        %dma_start3A_1098 = tpu.memref_slice %arg7[%cond3A_949, %dma_start3A_1096, %dma_start3A_1097] : memref<3x112x384xf32, #tpu.memory_space<vmem>> -> memref<1x56x384xf32, #tpu.memory_space<vmem>>
        %dma_start3A_1099 = tpu.memref_squeeze %dma_start3A_1098 : memref<1x56x384xf32, #tpu.memory_space<vmem>> -> memref<56x384xf32, #tpu.memory_space<vmem>>
        %dma_start3A_1100 = arith.constant 0 : i32
        %dma_start3A_1101 = tpu.memref_slice %arg4[%add3A_1095, %dma_start3A_1100] : memref<50176x384xf32, #tpu.memory_space<hbm>> -> memref<56x384xf32, #tpu.memory_space<hbm>>
        %dma_start3A_1102 = arith.constant 0 : i32
        %dma_start3A_1103 = tpu.memref_slice %arg4[%add3A_1095, %dma_start3A_1102] : memref<50176x384xf32, #tpu.memory_space<hbm>> -> memref<56x384xf32, #tpu.memory_space<hbm>>
        %dma_start3A_1104 = arith.constant 56 : i32
        %dma_start3A_1105 = arith.constant 0 : i32
        %dma_start3A_1106 = tpu.memref_slice %arg7[%cond3A_949, %dma_start3A_1104, %dma_start3A_1105] : memref<3x112x384xf32, #tpu.memory_space<vmem>> -> memref<1x56x384xf32, #tpu.memory_space<vmem>>
        %dma_start3A_1107 = tpu.memref_squeeze %dma_start3A_1106 : memref<1x56x384xf32, #tpu.memory_space<vmem>> -> memref<56x384xf32, #tpu.memory_space<vmem>>
        tpu.enqueue_dma source(%dma_start3A_1107 : memref<56x384xf32, #tpu.memory_space<vmem>>) target(%dma_start3A_1103 : memref<56x384xf32, #tpu.memory_space<hbm>>) target_semaphore(%arg12 : memref<!tpu.dma_semaphore, #tpu.memory_space<semaphore_mem>>)
        %lt3A_1108 = arith.constant 13 : i32
        %lt3A_1109 = arith.cmpi slt, %scan3A_1031, %lt3A_1108 : i32
        %convert_element_type3A_1110 = arith.extui %lt3A_1109 : i1 to i32
        %cond3A_1111 = arith.constant 0 : i32
        %cond3A_1112 = arith.cmpi ne, %convert_element_type3A_1110, %cond3A_1111 : i32
        scf.if %cond3A_1112 {
          %add3A_1113 = arith.constant 2 : i32
          %add3A_1114 = arith.addi %add3A_1077, %add3A_1113 : i32
          %mul3A_1115 = arith.constant 56 : i32
          %mul3A_1116 = arith.muli %add3A_1114, %mul3A_1115 : i32
          %add3A_1117 = arith.addi %mul3A_2, %mul3A_1116 : i32
          %dma_start3A_1118 = arith.constant 56 : i32
          %dma_start3A_1119 = arith.constant 0 : i32
          %dma_start3A_1120 = tpu.memref_slice %arg7[%cond3A_948, %dma_start3A_1118, %dma_start3A_1119] : memref<3x112x384xf32, #tpu.memory_space<vmem>> -> memref<1x56x384xf32, #tpu.memory_space<vmem>>
          %dma_start3A_1121 = tpu.memref_squeeze %dma_start3A_1120 : memref<1x56x384xf32, #tpu.memory_space<vmem>> -> memref<56x384xf32, #tpu.memory_space<vmem>>
          %dma_start3A_1122 = arith.constant 0 : i32
          %dma_start3A_1123 = tpu.memref_slice %arg2[%add3A_1117, %dma_start3A_1122] : memref<50176x384xf32, #tpu.memory_space<hbm>> -> memref<56x384xf32, #tpu.memory_space<hbm>>
          %dma_start3A_1124 = arith.constant 56 : i32
          %dma_start3A_1125 = arith.constant 0 : i32
          %dma_start3A_1126 = tpu.memref_slice %arg7[%cond3A_948, %dma_start3A_1124, %dma_start3A_1125] : memref<3x112x384xf32, #tpu.memory_space<vmem>> -> memref<1x56x384xf32, #tpu.memory_space<vmem>>
          %dma_start3A_1127 = tpu.memref_squeeze %dma_start3A_1126 : memref<1x56x384xf32, #tpu.memory_space<vmem>> -> memref<56x384xf32, #tpu.memory_space<vmem>>
          %dma_start3A_1128 = arith.constant 0 : i32
          %dma_start3A_1129 = tpu.memref_slice %arg2[%add3A_1117, %dma_start3A_1128] : memref<50176x384xf32, #tpu.memory_space<hbm>> -> memref<56x384xf32, #tpu.memory_space<hbm>>
          tpu.enqueue_dma source(%dma_start3A_1129 : memref<56x384xf32, #tpu.memory_space<hbm>>) target(%dma_start3A_1127 : memref<56x384xf32, #tpu.memory_space<vmem>>) target_semaphore(%arg9 : memref<!tpu.dma_semaphore, #tpu.memory_space<semaphore_mem>>)
        } else {
        }
      }
      %scan3A_1003 = arith.constant 14 : i32
      %add3A_1004 = arith.constant 0 : i32
      %add3A_1005 = arith.addi %mul3A_2, %add3A_1004 : i32
      %dma_wait3A = arith.constant 0 : i32
      %dma_wait3A_1006 = arith.constant 0 : i32
      %dma_wait3A_1007 = tpu.memref_slice %arg7[%cond3A_947, %dma_wait3A, %dma_wait3A_1006] : memref<3x112x384xf32, #tpu.memory_space<vmem>> -> memref<1x56x384xf32, #tpu.memory_space<vmem>>
      %dma_wait3A_1008 = tpu.memref_squeeze %dma_wait3A_1007 : memref<1x56x384xf32, #tpu.memory_space<vmem>> -> memref<56x384xf32, #tpu.memory_space<vmem>>
      %dma_wait3A_1009 = arith.constant 0 : i32
      %dma_wait3A_1010 = tpu.memref_slice %arg4[%add3A_1005, %dma_wait3A_1009] : memref<50176x384xf32, #tpu.memory_space<hbm>> -> memref<56x384xf32, #tpu.memory_space<hbm>>
      %dma_wait3A_1011 = arith.constant 0 : i32
      %dma_wait3A_1012 = tpu.memref_slice %arg4[%add3A_1005, %dma_wait3A_1011] : memref<50176x384xf32, #tpu.memory_space<hbm>> -> memref<56x384xf32, #tpu.memory_space<hbm>>
      %dma_wait3A_1013 = arith.constant 0 : i32
      %dma_wait3A_1014 = arith.constant 0 : i32
      %dma_wait3A_1015 = tpu.memref_slice %arg7[%cond3A_947, %dma_wait3A_1013, %dma_wait3A_1014] : memref<3x112x384xf32, #tpu.memory_space<vmem>> -> memref<1x56x384xf32, #tpu.memory_space<vmem>>
      %dma_wait3A_1016 = tpu.memref_squeeze %dma_wait3A_1015 : memref<1x56x384xf32, #tpu.memory_space<vmem>> -> memref<56x384xf32, #tpu.memory_space<vmem>>
      tpu.wait_dma2 semaphore(%arg11 : memref<!tpu.dma_semaphore, #tpu.memory_space<semaphore_mem>>) src(%dma_wait3A_1016 : memref<56x384xf32, #tpu.memory_space<vmem>>) dst(%dma_wait3A_1012 : memref<56x384xf32, #tpu.memory_space<hbm>>)
      %add3A_1017 = arith.constant 0 : i32
      %add3A_1018 = arith.addi %mul3A_2, %add3A_1017 : i32
      %dma_wait3A_1019 = arith.constant 56 : i32
      %dma_wait3A_1020 = arith.constant 0 : i32
      %dma_wait3A_1021 = tpu.memref_slice %arg7[%cond3A_949, %dma_wait3A_1019, %dma_wait3A_1020] : memref<3x112x384xf32, #tpu.memory_space<vmem>> -> memref<1x56x384xf32, #tpu.memory_space<vmem>>
      %dma_wait3A_1022 = tpu.memref_squeeze %dma_wait3A_1021 : memref<1x56x384xf32, #tpu.memory_space<vmem>> -> memref<56x384xf32, #tpu.memory_space<vmem>>
      %dma_wait3A_1023 = arith.constant 0 : i32
      %dma_wait3A_1024 = tpu.memref_slice %arg4[%add3A_1018, %dma_wait3A_1023] : memref<50176x384xf32, #tpu.memory_space<hbm>> -> memref<56x384xf32, #tpu.memory_space<hbm>>
      %dma_wait3A_1025 = arith.constant 0 : i32
      %dma_wait3A_1026 = tpu.memref_slice %arg4[%add3A_1018, %dma_wait3A_1025] : memref<50176x384xf32, #tpu.memory_space<hbm>> -> memref<56x384xf32, #tpu.memory_space<hbm>>
      %dma_wait3A_1027 = arith.constant 56 : i32
      %dma_wait3A_1028 = arith.constant 0 : i32
      %dma_wait3A_1029 = tpu.memref_slice %arg7[%cond3A_949, %dma_wait3A_1027, %dma_wait3A_1028] : memref<3x112x384xf32, #tpu.memory_space<vmem>> -> memref<1x56x384xf32, #tpu.memory_space<vmem>>
      %dma_wait3A_1030 = tpu.memref_squeeze %dma_wait3A_1029 : memref<1x56x384xf32, #tpu.memory_space<vmem>> -> memref<56x384xf32, #tpu.memory_space<vmem>>
      tpu.wait_dma2 semaphore(%arg12 : memref<!tpu.dma_semaphore, #tpu.memory_space<semaphore_mem>>) src(%dma_wait3A_1030 : memref<56x384xf32, #tpu.memory_space<vmem>>) dst(%dma_wait3A_1026 : memref<56x384xf32, #tpu.memory_space<hbm>>)
    } else {
    }
    return
  }
}

</mosaic_0001>

<sc_bundles>
// kernel: kernel.3.cloned.1.call-start
scs
__scs_entry_jumppad:
0x0: {  	(pc) =	sbr.rel $0x88, $3  }
0x1: {  	(tag) =	ssettag $0x0;
	lr =	simm.s32 $0x1  }
0x2: {  	[smem:$0x3F9F] =	sst lr;
	_ =	strace $0xD0000000  }
0x3: {  	_ = 	snop  }
0x4: {  	_ = 	snop  }
0x5: {  	_ = 	snop  }
0x6: {  	_ = 	snop  }
0x7: {  	_ = 	snop  }
__scs_overlays_trampoline_lowered:
0x8: {  	[smem:$0x3FAE] =	sst s0  }
0x9: {  	[smem:$0x3FAF] =	sst s1  }
0xa: {  	[smem:$0x3FB0] =	sst s2  }
0xb: {  	[smem:$0x3FB1] =	sst s3  }
0xc: {  	[smem:$0x3FB2] =	sst s4  }
0xd: {  	[smem:$0x3FB3] =	sst s5  }
0xe: {  	[smem:$0x3FB4] =	sst s6  }
0xf: {  	[smem:$0x3FB5] =	sst s7  }
0x10: {  	[smem:$0x3FB6] =	sst s8  }
0x11: {  	[smem:$0x3FB7] =	sst s9;
	s0 =	simm.s32 @!p0 $0x0  }
0x12: {  	s1 =	sld [smem:$0x3F9D];
	s0 =	simm.s32 @p0 $0x1  }
0x13: {  	[smem:$0x3FB8] =	sst s0;
	s0 =	simm.s32 @!p1 $0x0  }
0x14: {  	s2 =	sld [smem:$0x3F9C];
	s0 =	simm.s32 @p1 $0x1  }
0x15: {  	[smem:$0x3FB9] =	sst s0;
	s0 =	simm.s32 @!p2 $0x0  }
0x16: {  	s3 =	sld [smem:$0x3FDB];
	s0 =	simm.s32 @p2 $0x1  }
0x17: {  	s4 =	simm.s32 $0x1BF5;
	[smem:$0x3FBB] =	sst s0  }
0x18: {  	s0 =	sld [smem:$0x3F9E];
	_ =	swait.ge [sflag:s4], $0x0  }
0x19: {  	s7 =	sld [smem:$0x3F9F]  }
0x1a: {  	s8 =	sadd.s32 $0xFFFFE003, lr  }
0x1b: {  	s9 =	sadd.s32 $0xFFFFFEF7, lr;
	s5 =	simm.s32 $0xFFFFFFFF;
	p2 =	slt.u32 s8, $0xFFFFF086  }
0x1c: {  	p1 =	slt.u32 s9, $0xF7A;
	s5 =	simm.s32 @!p2 $0x0  }
0x1d: {  	s5 =	simm.s32 @p1 $0x1;
	p0 =	seq.s32 s7, s2  }
0x1e: {  	s7 =	smul.u32 @!p0 $0xF7A, s2;
	p2 =	seq.s32 @!p0 s5, $0x0  }
0x1f: {  	s9 =	smul.u32 $0xF7A, s1;
	s8 =	simm.s32 @!p0 $0x1BF5;
	p2 =	por !p2, p0  }
0x20: {  	[sflag:s8] =	ssyncset.s32 @!p0 $0xFFFFF086;
	s6 =	sadd.s32 @!p0 s3, s7;
	s7 =	simm.s32 @!p0 $0x108  }
0x21: {  	s3 =	sadd.s32 s3, s9;
	s6 =	sadd.s32 @!p0 $0x88, s6;
	s7 =	simm.s32 @p2 $0x1082  }
0x22: {  	[simem:s7], [sflag:s8] =	dma.local @!p0 [hbm:s6], $0xF7A  }
0x23: {  	s9 =	sor.u32 $0xD0000000, s2;
	s6 =	simm.s32 $0x108;
	_ =	swait.ge @!p0 [sflag:s8], $0x0  }
0x24: {  	s3 =	sadd.s32 $0x88, s3;
	s6 =	simm.s32 @!p1 $0x1082;
	[sflag:s4] =	ssyncset.s32 $0xFFFFF086  }
0x25: {  	[simem:s6], [sflag:s4] =	dma.local [hbm:s3], $0xF7A  }
0x26: {  	[smem:$0x3F9F] =	sst s1;
	(tag) =	ssettag s2;
	_ =	strace s9  }
0x27: {  	s1 =	sld [smem:$0x3FAF]  }
0x28: {  	s2 =	sld [smem:$0x3FB0]  }
0x29: {  	s4 =	sld [smem:$0x3FB2]  }
0x2a: {  	p0 =	seq.s32 s5, $0x0;
	s5 =	sld [smem:$0x3FB3]  }
0x2b: {  	s6 =	sld [smem:$0x3FB4]  }
0x2c: {  	s7 =	sld [smem:$0x3FB5]  }
0x2d: {  	s3 =	simm.s32 $0x108;
	s8 =	sld [smem:$0x3FB6]  }
0x2e: {  	s3 =	simm.s32 @!p0 $0x1082;
	s9 =	sld [smem:$0x3FB7]  }
0x2f: {  	lr =	sadd.s32 s0, s3;
	s0 =	sld [smem:$0x3FAE]  }
0x30: {  	s3 =	sld [smem:$0x3FB1]  }
0x31: {  	[smem:$0x3FBA] =	sst s10  }
0x32: {  	s10 =	sld [smem:$0x3FB8];
	_ =	sdelay $0x3  }
0x33: {  	p0 =	seq.s32 s10, $0x1;
	s10 =	sld [smem:$0x3FBA];
	_ =	sdelay $0x3  }
0x34: {  	[smem:$0x3FBA] =	sst s10  }
0x35: {  	s10 =	sld [smem:$0x3FB9];
	_ =	sdelay $0x3  }
0x36: {  	p1 =	seq.s32 s10, $0x1;
	s10 =	sld [smem:$0x3FBA];
	_ =	sdelay $0x3  }
0x37: {  	[smem:$0x3FBA] =	sst s10  }
0x38: {  	s10 =	sld [smem:$0x3FBB]  }
0x39: {  	_ = 	snop;
	(pc) =	sbr.ind lr, $3  }
0x3a: {  	_ = 	snop  }
0x3b: {  	_ = 	snop  }
0x3c: {  	p2 =	seq.s32 s10, $0x1;
	s10 =	sld [smem:$0x3FBA]  }
0x3d: {  	_ =	shalt  }
0x3e: {  	_ =	shalt  }
0x3f: {  	_ =	shalt  }
0x40: {  	_ =	shalt  }
0x41: {  	_ =	shalt  }
0x42: {  	_ =	shalt  }
0x43: {  	_ =	shalt  }
0x44: {  	_ =	shalt  }
0x45: {  	_ =	shalt  }
0x46: {  	_ =	shalt  }
0x47: {  	_ =	shalt  }
0x48: {  	_ =	shalt  }
0x49: {  	_ =	shalt  }
0x4a: {  	_ =	shalt  }
0x4b: {  	_ =	shalt  }
0x4c: {  	_ =	shalt  }
0x4d: {  	_ =	shalt  }
0x4e: {  	_ =	shalt  }
0x4f: {  	_ =	shalt  }
0x50: {  	_ =	shalt  }
0x51: {  	_ =	shalt  }
0x52: {  	_ =	shalt  }
0x53: {  	_ =	shalt  }
0x54: {  	_ =	shalt  }
0x55: {  	_ =	shalt  }
0x56: {  	_ =	shalt  }
0x57: {  	_ =	shalt  }
0x58: {  	_ =	shalt  }
0x59: {  	_ =	shalt  }
0x5a: {  	_ =	shalt  }
0x5b: {  	_ =	shalt  }
0x5c: {  	_ =	shalt  }
0x5d: {  	_ =	shalt  }
0x5e: {  	_ =	shalt  }
0x5f: {  	_ =	shalt  }
0x60: {  	_ =	shalt  }
0x61: {  	_ =	shalt  }
0x62: {  	_ =	shalt  }
0x63: {  	_ =	shalt  }
0x64: {  	_ =	shalt  }
0x65: {  	_ =	shalt  }
0x66: {  	_ =	shalt  }
0x67: {  	_ =	shalt  }
0x68: {  	_ =	shalt  }
0x69: {  	_ =	shalt  }
0x6a: {  	_ =	shalt  }
0x6b: {  	_ =	shalt  }
0x6c: {  	_ =	shalt  }
0x6d: {  	_ =	shalt  }
0x6e: {  	_ =	shalt  }
0x6f: {  	_ =	shalt  }
0x70: {  	_ =	shalt  }
0x71: {  	_ =	shalt  }
0x72: {  	_ =	shalt  }
0x73: {  	_ =	shalt  }
0x74: {  	_ =	shalt  }
0x75: {  	_ =	shalt  }
0x76: {  	_ =	shalt  }
0x77: {  	_ =	shalt  }
0x78: {  	_ =	shalt  }
0x79: {  	_ =	shalt  }
0x7a: {  	_ =	shalt  }
0x7b: {  	_ =	shalt  }
0x7c: {  	_ =	shalt  }
0x7d: {  	_ =	shalt  }
0x7e: {  	_ =	shalt  }
0x7f: {  	_ =	shalt  }
0x80: {  	_ =	shalt  }
0x81: {  	_ =	shalt  }
0x82: {  	_ =	shalt  }
0x83: {  	_ =	shalt  }
0x84: {  	_ =	shalt  }
0x85: {  	_ =	shalt  }
0x86: {  	_ =	shalt  }
0x87: {  	_ =	shalt  }
.Lfunc_end0:
.L_simem_size_0:
called_computation_lowered:
.L_overlay_start_0:
0x88: {  	s2 =	sld [smem:$0x3FD9]  }
0x89: {  	s3 =	sld [smem:$0x3FFE];
	_ =	sdelay $0x1  }
0x8a: {  	s1 =	srdreg.scid  }
0x8b: {  	s0 =	sand.u32 $0x1, s1  }
0x8c: {  	s18 =	sshll.u32 s0, $0xA;
	s2 =	sadd.s32 s3, s2  }
0x8d: {  	s2 =	sadd.s32 s2, s18  }
0x8e: {  	[smem:$0x3FC6] =	sst s2  }
0x8f: {  	_ = 	snop  }
0x90: {  	s2 =	sld [smem:$0x3FC9]  }
0x91: {  	s19 =	sld [smem:$0x3FC8]  }
0x92: {  	s4 =	sld [smem:$0x3FD0];
	(tm) =	ssettm $0x1  }
0x93: {  	s5 =	sld [smem:$0x3FFB];
	_ =	sdelay $0x3  }
0x94: {  	_ =	strace s5  }
0x95: {  	s5 =	sld [smem:$0x3FFC];
	_ =	sdelay $0x3  }
0x96: {  	_ =	strace s5  }
0x97: {  	s5 =	sld [smem:$0x3FFD];
	_ =	sdelay $0x3  }
0x98: {  	_ =	strace s5  }
0x99: {  	_ =	strace $0x8FFFFFFF  }
0x9a: {  	s20 =	sld [smem:$0x3FDB];
	_ =	sdelay $0x1  }
0x9b: {  	s6 =	simm.s32 $_scs_section_size  }
0x9c: {  	s7 =	simm.s32 $_size__tile_overlayer_lowered;
	s8 =	simm.s32 $_tile_overlayer_lowered  }
0x9d: {  	s23 =	simm.s32 $0x1BFF;
	s22 =	sshll.u32 s8, $0x1;
	s5 =	sadd.s32 s6, s20  }
0x9e: {  	s9 =	simm.s32 $0x0;
	s21 =	sshll.u32 s7, $0x1;
	s7 =	sadd.s32 s22, s5  }
0x9f: {  	[timem:s9], [sflag:s23] =	dma.local [hbm:s7], s21  }
0xa0: {  	_ =	swait.ge [sflag:s23], s21  }
0xa1: {  	s6 =	ssub.s32 $0x0, s21;
	[sflag:s23] =	ssyncset.done $0x0  }
0xa2: {  	[sflag:s23] =	ssyncadd.s32 s6;
	_ =	sdelay $0x1  }
0xa3: {  	s24 =	simm.s32 $0x1B8B  }
0xa4: {  	_ =	swait.ge [sflag:s24], $0x1  }
0xa5: {  	[sflag:s24] =	ssyncset.done $0x0  }
0xa6: {  	s25 =	simm.s32 $0x1B8E;
	[sflag:s24] =	ssyncadd.s32 $0xFFFFFFFF  }
0xa7: {  	s26 =	simm.s32 $execute0_lowered;
	[smem:$0x3FD2] =	sst s25  }
0xa8: {  	s6 =	sshll.u32 s26, $0x1;
	_ =	strace $0x80000046;
	[dreg:$0x1] =	wrdreg $0xFFFFFFFF  }
0xa9: {  	s28 =	simm.s32 $_size_execute0_lowered;
	s5 =	sadd.s32 s5, s6;
	[dreg:$0x0] =	wrdreg $0x0  }
0xaa: {  	s6 =	sshll.u32 s28, $0x1;
	[dreg:$0x2] =	wrdreg s5  }
0xab: {  	[dreg:$0x3] =	wrdreg s6  }
0xac: {  	[dreg:$0x4] =	wrdreg $0xC0  }
0xad: {  	_ =	task [dreg:s9], $0x5FFFF  }
0xae: {  	[dreg:$0x1] =	wrdreg $0xFFFFFFFF  }
0xaf: {  	[dreg:$0x0] =	wrdreg $0x60  }
0xb0: {  	[dreg:$0x2] =	wrdreg s2  }
0xb1: {  	[dreg:$0x3] =	wrdreg s19  }
0xb2: {  	[dreg:$0x4] =	wrdreg s4  }
0xb3: {  	[dreg:$0x5] =	wrdreg $0x9  }
0xb4: {  	_ =	task.clear_ibuf [dreg:s9], $0x6FFFF;
	_ =	strace $0x90000046  }
0xb5: {  	s29 =	simm.s32 $0x9;
	_ =	strace $0x80000048  }
0xb6: {  	_ =	swait.ge [sflag:s29], $0x1  }
0xb7: {  	[sflag:s29] =	ssyncadd.s32 $0xFFFFFFFF  }
0xb8: {  	_ =	strace $0x90000048  }
0xb9: {  	_ =	sfence  }
0xba: {  	s30 =	sld [smem:$0x0];
	_ =	sdelay $0x2  }
0xbb: {  	s31 =	sshll.u32 s1, $0xD;
	s1 =	sshrl.u32 s1, $0x2  }
0xbc: {  	s3 =	sand.u32 $0x4000, s31;
	s1 =	sadd.s32 s1, s30  }
0xbd: {  	s0 =	sor.u32 s3, s0;
	s1 =	sshll.u32 s1, $0x11  }
0xbe: {  	s0 =	sor.u32 s1, s0  }
0xbf: {  	s0 =	sadd.s32 $0x8F2B, s0  }
0xc0: {  	[sflag:s0] =	ssyncadd.remote.s32 $0x1  }
0xc1: {  	_ =	sfence.sel $0xFFFF  }
0xc2: {  	[dreg:$0x0] =	wrdreg $0xFFFFFFFF;
	(pc) =	sbr.abs _section_cstart, $3  }
0xc3: {  	[dreg:$0x1] =	wrdreg $0xFFFFFFFF  }
0xc4: {  	_ =	task.clear_ibuf [dreg:s9], $0x2FFFF;
	_ =	strace $0x9FFFFFFF  }
0xc5: {  	(tm) =	ssettm $0x7FFFFFFF  }
tec
execute0_lowered:
.L_overlay_start_1:
0x0: {  	(tag) =	ssettag $0x1  }
0x1: {  	s0 =	srdreg.scid;
	s2 =	stileid.u32  }
0x2: {  	s1 =	rddreg [dreg:$0x0];
	s0 =	sand.u32 $0x1, s0;
	s2 =	sshll.u32 s2, $0x1  }
0x3: {  	s12 =	rddreg [dreg:$0x1];
	s6 =	simm.s32 $0x0;
	s2 =	sor.u32 s0, s2  }
0x4: {  	[smem:$0x7FF] =	sst s6;
	s0 =	ssub.s32 $0x2, s0;
	s5 =	smul.u32 $0x620, s2  }
0x5: {  	s4 =	rddreg [dreg:$0x2];
	_ =	strace $0x80000047;
	s10 =	sshrl.u32 s0, $0x1  }
0x6: {  	s0 =	ssub.s32 s0, s10;
	s2 =	sshrl.u32 s5, $0x3;
	s7 =	sadd.s32 $0x38, s5  }
0x7: {  	s8 =	sadd.s32 $0x70, s5;
	s2 =	smul.u32 $0x180, s2;
	s3 =	sshrl.u32 s7, $0x3  }
0x8: {  	s0 =	smax.u32 s0, $0x1;
	s9 =	sshrl.u32 s8, $0x3;
	s3 =	smul.u32 $0x180, s3  }
0x9: {  	[smem:$0x7FD] =	sst s0;
	s11 =	smul.u32 $0x180, s9;
	s17 =	sadd.s32 $0x3F00, s2  }
0xa: {  	s16 =	sadd.s32 $0x2A00, s2;
	s19 =	sadd.s32 $0x5400, s2;
	s18 =	sadd.s32 s1, s17  }
0xb: {  	s21 =	sadd.s32 $0x6900, s2;
	s10 =	sadd.s32 s4, s17;
	[dreg:$0x8] =	wrdreg s18  }
0xc: {  	s23 =	sadd.s32 $0x7E00, s2;
	s20 =	sadd.s32 s1, s19;
	[dreg:$0x9] =	wrdreg s10  }
0xd: {  	s14 =	sadd.s32 s1, s3;
	s3 =	sadd.s32 s4, s19;
	[dreg:$0xa] =	wrdreg s20  }
0xe: {  	s25 =	sadd.s32 $0x9300, s2;
	s22 =	sadd.s32 s1, s21;
	[dreg:$0xb] =	wrdreg s3  }
0xf: {  	s15 =	sadd.s32 $0xA800, s2;
	s24 =	sadd.s32 s1, s23;
	[dreg:$0xc] =	wrdreg s22  }
0x10: {  	s13 =	sadd.s32 s1, s16;
	s26 =	sadd.s32 s1, s25;
	[dreg:$0xe] =	wrdreg s24  }
0x11: {  	s31 =	sadd.s32 s4, s16;
	s16 =	sadd.s32 s1, s15;
	[dreg:$0x10] =	wrdreg s26  }
0x12: {  	s9 =	sadd.s32 s1, s11;
	[dreg:$0x12] =	wrdreg s16  }
0x13: {  	[dreg:$0x4] =	wrdreg s9  }
0x14: {  	s28 =	simm.s32 $0x6;
	s11 =	sadd.s32 s4, s11;
	[dreg:$0x5] =	wrdreg s13  }
0x15: {  	s29 =	simm.s32 $0xFF00;
	s30 =	simm.s32 $0x0;
	[dreg:$0x6] =	wrdreg s11  }
0x16: {  	s17 =	sadd.s32 $0xBD00, s2;
	s10 =	sadd.s32 s4, s21;
	[dreg:$0x7] =	wrdreg s31  }
0x17: {  	s19 =	sadd.s32 $0xD200, s2;
	s3 =	sadd.s32 s4, s23;
	[dreg:$0xd] =	wrdreg s10  }
0x18: {  	s18 =	sadd.s32 s1, s17;
	s20 =	sadd.s32 s1, s19;
	[dreg:$0xf] =	wrdreg s3  }
0x19: {  	s21 =	sadd.s32 $0xE700, s2;
	s23 =	sadd.s32 $0xFC00, s2;
	[dreg:$0x14] =	wrdreg s18  }
0x1a: {  	v5 =	vlaneseq.u32;
	s24 =	sadd.s32 s1, s2;
	s16 =	simm.s32 $0x300;
	[dreg:$0x16] =	wrdreg s20  }
0x1b: {  	v1 =	vor.u32 $0xB0, v5;
	s10 =	sadd.s32 s4, s25;
	s3 =	sadd.s32 s4, s15;
	[dreg:$0x1c] =	wrdreg s24  }
0x1c: {  	v6 =	vor.u32 $0x10, v5;
	[tilespmem:$0x1FF50] =	vst v1;
	s22 =	sadd.s32 s1, s21;
	s15 =	sadd.s32 s1, s23;
	[dreg:$0x11] =	wrdreg s10  }
0x1d: {  	v7 =	vor.u32 $0x20, v5;
	[tilespmem:$0x1FF60] =	vst v6;
	s25 =	sadd.s32 s4, s2;
	s2 =	sadd.s32 $0x11100, s2;
	[dreg:$0x13] =	wrdreg s3  }
0x1e: {  	v8 =	vor.u32 $0x30, v5;
	[tilespmem:$0x1FF70] =	vst v7;
	s18 =	simm.s32 $0x7;
	s20 =	simm.s32 $0xAB00;
	[dreg:$0x18] =	wrdreg s22  }
0x1f: {  	v9 =	vor.u32 $0x40, v5;
	[tilespmem:$0x1FF80] =	vst v8;
	s24 =	simm.s32 $0x3;
	s10 =	sadd.s32 s4, s17;
	[dreg:$0x1a] =	wrdreg s15  }
0x20: {  	v0 =	vimm.s32 $0x0;
	v10 =	vor.u32 $0x50, v5;
	[tilespmem:$0x1FF90] =	vst v9;
	s3 =	sadd.s32 s4, s19;
	[dreg:$0x1d] =	wrdreg s25;
	s26 =	sadd.s32 s1, s2  }
0x21: {  	v2 =	vimm.f32 $0.0e+00;
	v11 =	vor.u32 $0x60, v5;
	v12 =	vor.u32 $0x70, v5;
	[tilespmem:$0x1FFA0] =	vst v10;
	s2 =	sadd.s32 s4, s2;
	s15 =	sadd.s32 $0xA8, s5;
	[dreg:$0x15] =	wrdreg s10  }
.Ltmp0:
0x22: {  	v13 =	vor.u32 $0x80, v5;
	v50 =	vor.u32 $0x90, v5;
	v51 =	vor.u32 $0xA0, v5;
	[tilespmem:$0x1FFB0] =	vst v11;
	s17 =	simm.s32 $0x5700;
	[dreg:$0x17] =	wrdreg s3;
	(pc) =	sbr.rel .LBB2_1-.Ltmp0, $4  }
0x23: {  	v14 =	vor.u32 $0xC0, v5;
	v15 =	vor.u32 $0xD0, v5;
	v16 =	vor.u32 $0xE0, v5;
	[tilespmem:$0x1FFC0] =	vst v12;
	s19 =	simm.s32 $0x180;
	s22 =	simm.s32 $0x1;
	[dreg:$0x1e] =	wrdreg s26  }
0x24: {  	v17 =	vor.u32 $0xF0, v5;
	v18 =	vor.u32 $0x100, v5;
	v19 =	vor.u32 $0x110, v5;
	[tilespmem:$0x1FFD0] =	vst v13;
	s25 =	simm.s32 $0x4;
	s10 =	sadd.s32 s4, s21;
	[dreg:$0x1f] =	wrdreg s2  }
0x25: {  	v20 =	vor.u32 $0x120, v5;
	v21 =	vor.u32 $0x130, v5;
	v22 =	vor.u32 $0x140, v5;
	[tilespmem:$0x1FFE0] =	vst v50;
	s3 =	sadd.s32 s4, s23;
	s21 =	simm.s32 $0x15300;
	[dreg:$0x19] =	wrdreg s10  }
0x26: {  	v23 =	vor.u32 $0x150, v5;
	v24 =	vor.u32 $0x160, v5;
	v25 =	vor.u32 $0x170, v5;
	[tilespmem:$0x1FFF0] =	vst v51;
	s23 =	simm.s32 $0x2;
	s26 =	simm.s32 $0x5;
	[dreg:$0x1b] =	wrdreg s3  }
.LBB2_9:
0x27: {  	_ =	swait.ge [sflag:s25], $0x5400  }
0x28: {  	[sflag:s25] =	ssyncset.done $0x0  }
0x29: {  	[sflag:s25] =	ssyncadd.s32 $0xFFFFAC00  }
0x2a: {  	_ =	swait.ge [sflag:s26], $0x5400  }
0x2b: {  	v6 =	vld [tilespmem:$0x1FF60]  }
0x2c: {  	v7 =	vld [tilespmem:$0x1FF70]  }
0x2d: {  	v8 =	vld [tilespmem:$0x1FF80]  }
0x2e: {  	v9 =	vld [tilespmem:$0x1FF90]  }
0x2f: {  	s9 =	rddreg [dreg:$0x4];
	v10 =	vld [tilespmem:$0x1FFA0]  }
0x30: {  	s13 =	rddreg [dreg:$0x5];
	v11 =	vld [tilespmem:$0x1FFB0]  }
0x31: {  	s11 =	rddreg [dreg:$0x6];
	v12 =	vld [tilespmem:$0x1FFC0]  }
0x32: {  	s31 =	rddreg [dreg:$0x7];
	v13 =	vld [tilespmem:$0x1FFD0]  }
0x33: {  	s12 =	smov.u32 s10;
	[sflag:s26] =	ssyncset.done $0x0;
	s10 =	rddreg [dreg:$0x19];
	v50 =	vld [tilespmem:$0x1FFE0]  }
0x34: {  	v5 =	vlaneseq.u32;
	s3 =	rddreg [dreg:$0x1b];
	v51 =	vld [tilespmem:$0x1FFF0];
	[sflag:s26] =	ssyncadd.s32 $0xFFFFAC00  }
.LBB2_10:
0x35: {  	s0 =	sld [smem:$0x7FD];
	_ =	sdelay $0x1  }
0x36: {  	s30 =	sadd.s32 $0x1, s30  }
0x37: {  	p0 =	sne.s32 s30, s0  }
.Ltmp1:
0x38: {  	_ = 	snop;
	(pc) =	sbr.rel @!p0 .LBB2_11-.Ltmp1, $1  }
0x39: {  	_ =	sdelay $0x3  }
.LBB2_1:
0x3a: {  	s0 =	rddreg [dreg:$0x1c]  }
0x3b: {  	[tilespmem:s16], [sflag:$0x1] =	stream.linear.gather [hbm4b:s0+s6], $0x5400, $0x38;
	[tilespmem:$0x1FB00] =	vst v63  }
0x3c: {  	_ = 	snop  }
0x3d: {  	[tilespmem:s17], [sflag:$0x1] =	stream.linear.gather [hbm4b:s14+s6], $0x5400, $0x38;
	[tilespmem:$0x1FB00] =	vst v63  }
0x3e: {  	_ = 	snop  }
0x3f: {  	[tilespmem:s6], [sflag:$0x7] =	stream.linear.gather [hbm4b:s12+s6], $0x180, $0x38;
	[tilespmem:$0x1FB00] =	vst v63  }
0x40: {  	_ =	swait.ge [sflag:s18], $0x180  }
0x41: {  	[sflag:s18] =	ssyncset.done $0x0  }
0x42: {  	[sflag:s18] =	ssyncadd.s32 $0xFFFFFE80  }
0x43: {  	[tilespmem:$0x180] =	vst v0  }
0x44: {  	[tilespmem:$0x190] =	vst v0  }
0x45: {  	[tilespmem:$0x1A0] =	vst v0  }
0x46: {  	[tilespmem:$0x1B0] =	vst v0  }
0x47: {  	[tilespmem:$0x1C0] =	vst v0;
	v1 =	vld [tilespmem:$0x0]  }
0x48: {  	[tilespmem:$0x1D0] =	vst v0  }
0x49: {  	[tilespmem:$0x1E0] =	vst v0  }
0x4a: {  	[tilespmem:$0x1F0] =	vst v0  }
0x4b: {  	[tilespmem:$0x200] =	vst v0  }
0x4c: {  	[tilespmem:$0x210] =	vst v0;
	vm0 =	vlt.f32 v1, $0.0e+00;
	vm1 =	vgt.f32 v1, $0.0e+00  }
0x4d: {  	[tilespmem:$0x220] =	vst v0;
	vm0 =	vmor vm1, vm0  }
0x4e: {  	[tilespmem:$0x230] =	vst v0;
	v1 =	vsel vm0, $0x1, v0  }
0x4f: {  	[tilespmem:$0x240] =	vst v0;
	(xrf0) =	vadd.scan.msk.s32 $0xffff, v1  }
0x50: {  	[tilespmem:$0x250] =	vst v0  }
0x51: {  	[tilespmem:$0x260] =	vst v0  }
0x52: {  	[tilespmem:$0x270] =	vst v0  }
0x53: {  	[tilespmem:$0x280] =	vst v0  }
0x54: {  	[tilespmem:$0x290] =	vst v0  }
0x55: {  	[tilespmem:$0x2A0] =	vst v0;
	v1, _, _ =	vpop (xrf0)  }
0x56: {  	[tilespmem:$0x2B0] =	vst v0;
	v3 =	vadd.s32 $0xFFFFFFFF, v1  }
0x57: {  	[tilespmem:$0x2C0] =	vst v0  }
0x58: {  	[tilespmem:$0x2D0] =	vst v0  }
0x59: {  	[tilespmem:$0x2E0] =	vst v0  }
0x5a: {  	[tilespmem:$0x2F0] =	vst v0  }
0x5b: {  	[tilespmem:v3+s19+$0x0] =	vst.idx.msk vm0, v5  }
0x5c: {  	v4 =	vld [tilespmem:$0x10];
	_ =	sdelay $0x4  }
0x5d: {  	vm6 =	vlt.f32 v4, $0.0e+00;
	vm7 =	vgt.f32 v4, $0.0e+00  }
0x5e: {  	vm0 =	vmor vm7, vm6  }
0x5f: {  	v4 =	vsel vm0, $0x1, v0  }
0x60: {  	(xrf0) =	vadd.scan.msk.s32 $0xffff, v4;
	_ =	sdelay $0x4  }
0x61: {  	v3 =	vbroadcast v3, $0xF  }
0x62: {  	(v2sf) =	vpush v1, $0xF;
	v1, _, _ =	vpop (xrf0)  }
0x63: {  	v3 =	vadd.s32 v1, v3;
	(v2sf) =	vpush v1, $0xF;
	_ =	sdelay $0x4  }
0x64: {  	[tilespmem:v3+s19+$0x0] =	vst.idx.msk vm0, v6  }
0x65: {  	v1 =	vld [tilespmem:$0x20];
	_ =	sdelay $0x4  }
0x66: {  	vm8 =	vlt.f32 v1, $0.0e+00;
	vm9 =	vgt.f32 v1, $0.0e+00  }
0x67: {  	vm0 =	vmor vm9, vm8  }
0x68: {  	v1 =	vsel vm0, $0x1, v0  }
0x69: {  	s0 =	spop (v2sf);
	(xrf0) =	vadd.scan.msk.s32 $0xffff, v1  }
0x6a: {  	s2 =	spop (v2sf)  }
0x6b: {  	s0 =	sadd.s32 s0, s2  }
0x6c: {  	v1 =	vmov s0  }
0x6d: {  	v1 =	vadd.s32 $0xFFFFFFFF, v1  }
0x6e: {  	v1 =	vbroadcast v1, $0x0  }
0x6f: {  	v3, _, _ =	vpop (xrf0)  }
0x70: {  	v1 =	vadd.s32 v3, v1;
	(v2sf) =	vpush v3, $0xF;
	_ =	sdelay $0x4  }
0x71: {  	[tilespmem:v1+s19+$0x0] =	vst.idx.msk vm0, v7  }
0x72: {  	v1 =	vld [tilespmem:$0x30];
	_ =	sdelay $0x4  }
0x73: {  	vm10 =	vlt.f32 v1, $0.0e+00;
	vm11 =	vgt.f32 v1, $0.0e+00  }
0x74: {  	vm0 =	vmor vm11, vm10  }
0x75: {  	v1 =	vsel vm0, $0x1, v0  }
0x76: {  	(xrf0) =	vadd.scan.msk.s32 $0xffff, v1  }
0x77: {  	s2 =	spop (v2sf)  }
0x78: {  	s0 =	sadd.s32 s0, s2  }
0x79: {  	v1 =	vmov s0  }
0x7a: {  	v1 =	vadd.s32 $0xFFFFFFFF, v1  }
0x7b: {  	v1 =	vbroadcast v1, $0x0  }
0x7c: {  	v3, _, _ =	vpop (xrf0)  }
0x7d: {  	v1 =	vadd.s32 v3, v1;
	(v2sf) =	vpush v3, $0xF;
	_ =	sdelay $0x4  }
0x7e: {  	[tilespmem:v1+s19+$0x0] =	vst.idx.msk vm0, v8  }
0x7f: {  	v1 =	vld [tilespmem:$0x40];
	_ =	sdelay $0x4  }
0x80: {  	vm12 =	vlt.f32 v1, $0.0e+00;
	vm13 =	vgt.f32 v1, $0.0e+00  }
0x81: {  	vm0 =	vmor vm13, vm12  }
0x82: {  	v1 =	vsel vm0, $0x1, v0  }
0x83: {  	(xrf0) =	vadd.scan.msk.s32 $0xffff, v1  }
0x84: {  	s2 =	spop (v2sf)  }
0x85: {  	s0 =	sadd.s32 s0, s2  }
0x86: {  	v1 =	vmov s0  }
0x87: {  	v1 =	vadd.s32 $0xFFFFFFFF, v1  }
0x88: {  	v1 =	vbroadcast v1, $0x0  }
0x89: {  	v3, _, _ =	vpop (xrf0)  }
0x8a: {  	v1 =	vadd.s32 v3, v1;
	(v2sf) =	vpush v3, $0xF;
	_ =	sdelay $0x4  }
0x8b: {  	[tilespmem:v1+s19+$0x0] =	vst.idx.msk vm0, v9  }
0x8c: {  	v1 =	vld [tilespmem:$0x50];
	_ =	sdelay $0x4  }
0x8d: {  	vm14 =	vlt.f32 v1, $0.0e+00;
	vm15 =	vgt.f32 v1, $0.0e+00  }
0x8e: {  	vm0 =	vmor vm15, vm14  }
0x8f: {  	v1 =	vsel vm0, $0x1, v0  }
0x90: {  	(xrf0) =	vadd.scan.msk.s32 $0xffff, v1  }
0x91: {  	s2 =	spop (v2sf)  }
0x92: {  	s0 =	sadd.s32 s0, s2  }
0x93: {  	v1 =	vmov s0  }
0x94: {  	v1 =	vadd.s32 $0xFFFFFFFF, v1  }
0x95: {  	v1 =	vbroadcast v1, $0x0  }
0x96: {  	v3, _, _ =	vpop (xrf0)  }
0x97: {  	v1 =	vadd.s32 v3, v1;
	(v2sf) =	vpush v3, $0xF;
	_ =	sdelay $0x4  }
0x98: {  	[tilespmem:v1+s19+$0x0] =	vst.idx.msk vm0, v10  }
0x99: {  	v1 =	vld [tilespmem:$0x60];
	_ =	sdelay $0x4  }
0x9a: {  	vm4 =	vlt.f32 v1, $0.0e+00;
	vm5 =	vgt.f32 v1, $0.0e+00  }
0x9b: {  	vm0 =	vmor vm5, vm4  }
0x9c: {  	v1 =	vsel vm0, $0x1, v0  }
0x9d: {  	(xrf0) =	vadd.scan.msk.s32 $0xffff, v1  }
0x9e: {  	s2 =	spop (v2sf)  }
0x9f: {  	s0 =	sadd.s32 s0, s2  }
0xa0: {  	v1 =	vmov s0  }
0xa1: {  	v1 =	vadd.s32 $0xFFFFFFFF, v1  }
0xa2: {  	v1 =	vbroadcast v1, $0x0  }
0xa3: {  	v3, _, _ =	vpop (xrf0)  }
0xa4: {  	v1 =	vadd.s32 v3, v1;
	(v2sf) =	vpush v3, $0xF;
	_ =	sdelay $0x4  }
0xa5: {  	[tilespmem:v1+s19+$0x0] =	vst.idx.msk vm0, v11  }
0xa6: {  	v1 =	vld [tilespmem:$0x70];
	_ =	sdelay $0x4  }
0xa7: {  	vm6 =	vlt.f32 v1, $0.0e+00;
	vm7 =	vgt.f32 v1, $0.0e+00  }
0xa8: {  	vm0 =	vmor vm7, vm6  }
0xa9: {  	v1 =	vsel vm0, $0x1, v0  }
0xaa: {  	(xrf0) =	vadd.scan.msk.s32 $0xffff, v1  }
0xab: {  	s2 =	spop (v2sf)  }
0xac: {  	s0 =	sadd.s32 s0, s2  }
0xad: {  	v1 =	vmov s0  }
0xae: {  	v1 =	vadd.s32 $0xFFFFFFFF, v1  }
0xaf: {  	v1 =	vbroadcast v1, $0x0  }
0xb0: {  	v3, _, _ =	vpop (xrf0)  }
0xb1: {  	v1 =	vadd.s32 v3, v1;
	(v2sf) =	vpush v3, $0xF;
	_ =	sdelay $0x4  }
0xb2: {  	[tilespmem:v1+s19+$0x0] =	vst.idx.msk vm0, v12  }
0xb3: {  	v1 =	vld [tilespmem:$0x80];
	_ =	sdelay $0x4  }
0xb4: {  	vm8 =	vlt.f32 v1, $0.0e+00;
	vm9 =	vgt.f32 v1, $0.0e+00  }
0xb5: {  	vm0 =	vmor vm9, vm8  }
0xb6: {  	v1 =	vsel vm0, $0x1, v0  }
0xb7: {  	(xrf0) =	vadd.scan.msk.s32 $0xffff, v1  }
0xb8: {  	s2 =	spop (v2sf)  }
0xb9: {  	s0 =	sadd.s32 s0, s2  }
0xba: {  	v1 =	vmov s0  }
0xbb: {  	v1 =	vadd.s32 $0xFFFFFFFF, v1  }
0xbc: {  	v1 =	vbroadcast v1, $0x0  }
0xbd: {  	v3, _, _ =	vpop (xrf0)  }
0xbe: {  	v1 =	vadd.s32 v3, v1;
	(v2sf) =	vpush v3, $0xF;
	_ =	sdelay $0x4  }
0xbf: {  	[tilespmem:v1+s19+$0x0] =	vst.idx.msk vm0, v13  }
0xc0: {  	v1 =	vld [tilespmem:$0x90];
	_ =	sdelay $0x4  }
0xc1: {  	vm10 =	vlt.f32 v1, $0.0e+00;
	vm11 =	vgt.f32 v1, $0.0e+00  }
0xc2: {  	vm0 =	vmor vm11, vm10  }
0xc3: {  	v1 =	vsel vm0, $0x1, v0  }
0xc4: {  	(xrf0) =	vadd.scan.msk.s32 $0xffff, v1  }
0xc5: {  	s2 =	spop (v2sf)  }
0xc6: {  	s0 =	sadd.s32 s0, s2  }
0xc7: {  	v1 =	vmov s0  }
0xc8: {  	v1 =	vadd.s32 $0xFFFFFFFF, v1  }
0xc9: {  	v1 =	vbroadcast v1, $0x0  }
0xca: {  	v3, _, _ =	vpop (xrf0)  }
0xcb: {  	v1 =	vadd.s32 v3, v1;
	(v2sf) =	vpush v3, $0xF;
	_ =	sdelay $0x4  }
0xcc: {  	[tilespmem:v1+s19+$0x0] =	vst.idx.msk vm0, v50  }
0xcd: {  	v1 =	vld [tilespmem:$0xA0];
	_ =	sdelay $0x4  }
0xce: {  	vm12 =	vlt.f32 v1, $0.0e+00;
	vm13 =	vgt.f32 v1, $0.0e+00  }
0xcf: {  	vm0 =	vmor vm13, vm12  }
0xd0: {  	v1 =	vsel vm0, $0x1, v0  }
0xd1: {  	(xrf0) =	vadd.scan.msk.s32 $0xffff, v1  }
0xd2: {  	s2 =	spop (v2sf)  }
0xd3: {  	s0 =	sadd.s32 s0, s2  }
0xd4: {  	v1 =	vmov s0  }
0xd5: {  	v1 =	vadd.s32 $0xFFFFFFFF, v1  }
0xd6: {  	v1 =	vbroadcast v1, $0x0  }
0xd7: {  	v3, _, _ =	vpop (xrf0)  }
0xd8: {  	v1 =	vadd.s32 v3, v1;
	(v2sf) =	vpush v3, $0xF;
	_ =	sdelay $0x4  }
0xd9: {  	[tilespmem:v1+s19+$0x0] =	vst.idx.msk vm0, v51  }
0xda: {  	v1 =	vld [tilespmem:$0xB0];
	_ =	sdelay $0x4  }
0xdb: {  	vm14 =	vlt.f32 v1, $0.0e+00;
	vm15 =	vgt.f32 v1, $0.0e+00  }
0xdc: {  	vm0 =	vmor vm15, vm14  }
0xdd: {  	v1 =	vsel vm0, $0x1, v0  }
0xde: {  	(xrf0) =	vadd.scan.msk.s32 $0xffff, v1  }
0xdf: {  	s2 =	spop (v2sf)  }
0xe0: {  	s0 =	sadd.s32 s0, s2  }
0xe1: {  	v1 =	vmov s0  }
0xe2: {  	v1 =	vadd.s32 $0xFFFFFFFF, v1  }
0xe3: {  	v1 =	vbroadcast v1, $0x0  }
0xe4: {  	v3, _, _ =	vpop (xrf0)  }
0xe5: {  	v4 =	vld [tilespmem:$0x1FF50];
	v1 =	vadd.s32 v3, v1;
	(v2sf) =	vpush v3, $0xF;
	_ =	sdelay $0x4  }
0xe6: {  	[tilespmem:v1+s19+$0x0] =	vst.idx.msk vm0, v4  }
0xe7: {  	v1 =	vld [tilespmem:$0xC0];
	_ =	sdelay $0x4  }
0xe8: {  	vm4 =	vlt.f32 v1, $0.0e+00;
	vm5 =	vgt.f32 v1, $0.0e+00  }
0xe9: {  	vm0 =	vmor vm5, vm4  }
0xea: {  	v1 =	vsel vm0, $0x1, v0  }
0xeb: {  	(xrf0) =	vadd.scan.msk.s32 $0xffff, v1  }
0xec: {  	s2 =	spop (v2sf)  }
0xed: {  	s0 =	sadd.s32 s0, s2  }
0xee: {  	v1 =	vmov s0  }
0xef: {  	v1 =	vadd.s32 $0xFFFFFFFF, v1  }
0xf0: {  	v1 =	vbroadcast v1, $0x0  }
0xf1: {  	v3, _, _ =	vpop (xrf0)  }
0xf2: {  	v1 =	vadd.s32 v3, v1;
	(v2sf) =	vpush v3, $0xF;
	_ =	sdelay $0x4  }
0xf3: {  	[tilespmem:v1+s19+$0x0] =	vst.idx.msk vm0, v14  }
0xf4: {  	v1 =	vld [tilespmem:$0xD0];
	_ =	sdelay $0x4  }
0xf5: {  	vm6 =	vlt.f32 v1, $0.0e+00;
	vm7 =	vgt.f32 v1, $0.0e+00  }
0xf6: {  	vm0 =	vmor vm7, vm6  }
0xf7: {  	v1 =	vsel vm0, $0x1, v0  }
0xf8: {  	(xrf0) =	vadd.scan.msk.s32 $0xffff, v1  }
0xf9: {  	s2 =	spop (v2sf)  }
0xfa: {  	s0 =	sadd.s32 s0, s2  }
0xfb: {  	v1 =	vmov s0  }
0xfc: {  	v1 =	vadd.s32 $0xFFFFFFFF, v1  }
0xfd: {  	v1 =	vbroadcast v1, $0x0  }
0xfe: {  	v3, _, _ =	vpop (xrf0)  }
0xff: {  	v1 =	vadd.s32 v3, v1;
	(v2sf) =	vpush v3, $0xF;
	_ =	sdelay $0x4  }
0x100: {  	[tilespmem:v1+s19+$0x0] =	vst.idx.msk vm0, v15  }
0x101: {  	v1 =	vld [tilespmem:$0xE0];
	_ =	sdelay $0x4  }
0x102: {  	vm8 =	vlt.f32 v1, $0.0e+00;
	vm9 =	vgt.f32 v1, $0.0e+00  }
0x103: {  	vm0 =	vmor vm9, vm8  }
0x104: {  	v1 =	vsel vm0, $0x1, v0  }
0x105: {  	(xrf0) =	vadd.scan.msk.s32 $0xffff, v1  }
0x106: {  	s2 =	spop (v2sf)  }
0x107: {  	s0 =	sadd.s32 s0, s2  }
0x108: {  	v1 =	vmov s0  }
0x109: {  	v1 =	vadd.s32 $0xFFFFFFFF, v1  }
0x10a: {  	v1 =	vbroadcast v1, $0x0  }
0x10b: {  	v3, _, _ =	vpop (xrf0)  }
0x10c: {  	v1 =	vadd.s32 v3, v1;
	(v2sf) =	vpush v3, $0xF;
	_ =	sdelay $0x4  }
0x10d: {  	[tilespmem:v1+s19+$0x0] =	vst.idx.msk vm0, v16  }
0x10e: {  	v1 =	vld [tilespmem:$0xF0];
	_ =	sdelay $0x4  }
0x10f: {  	vm10 =	vlt.f32 v1, $0.0e+00;
	vm11 =	vgt.f32 v1, $0.0e+00  }
0x110: {  	vm0 =	vmor vm11, vm10  }
0x111: {  	v1 =	vsel vm0, $0x1, v0  }
0x112: {  	(xrf0) =	vadd.scan.msk.s32 $0xffff, v1  }
0x113: {  	s2 =	spop (v2sf)  }
0x114: {  	s0 =	sadd.s32 s0, s2  }
0x115: {  	v1 =	vmov s0  }
0x116: {  	v1 =	vadd.s32 $0xFFFFFFFF, v1  }
0x117: {  	v1 =	vbroadcast v1, $0x0  }
0x118: {  	v3, _, _ =	vpop (xrf0)  }
0x119: {  	v1 =	vadd.s32 v3, v1;
	(v2sf) =	vpush v3, $0xF;
	_ =	sdelay $0x4  }
0x11a: {  	[tilespmem:v1+s19+$0x0] =	vst.idx.msk vm0, v17  }
0x11b: {  	v1 =	vld [tilespmem:$0x100];
	_ =	sdelay $0x4  }
0x11c: {  	vm12 =	vlt.f32 v1, $0.0e+00;
	vm13 =	vgt.f32 v1, $0.0e+00  }
0x11d: {  	vm0 =	vmor vm13, vm12  }
0x11e: {  	v1 =	vsel vm0, $0x1, v0  }
0x11f: {  	(xrf0) =	vadd.scan.msk.s32 $0xffff, v1  }
0x120: {  	s2 =	spop (v2sf)  }
0x121: {  	s0 =	sadd.s32 s0, s2  }
0x122: {  	v1 =	vmov s0  }
0x123: {  	v1 =	vadd.s32 $0xFFFFFFFF, v1  }
0x124: {  	v1 =	vbroadcast v1, $0x0  }
0x125: {  	v3, _, _ =	vpop (xrf0)  }
0x126: {  	v1 =	vadd.s32 v3, v1;
	(v2sf) =	vpush v3, $0xF;
	_ =	sdelay $0x4  }
0x127: {  	[tilespmem:v1+s19+$0x0] =	vst.idx.msk vm0, v18  }
0x128: {  	v1 =	vld [tilespmem:$0x110];
	_ =	sdelay $0x4  }
0x129: {  	vm14 =	vlt.f32 v1, $0.0e+00;
	vm15 =	vgt.f32 v1, $0.0e+00  }
0x12a: {  	vm0 =	vmor vm15, vm14  }
0x12b: {  	v1 =	vsel vm0, $0x1, v0  }
0x12c: {  	(xrf0) =	vadd.scan.msk.s32 $0xffff, v1  }
0x12d: {  	s2 =	spop (v2sf)  }
0x12e: {  	s0 =	sadd.s32 s0, s2  }
0x12f: {  	v1 =	vmov s0  }
0x130: {  	v1 =	vadd.s32 $0xFFFFFFFF, v1  }
0x131: {  	v1 =	vbroadcast v1, $0x0  }
0x132: {  	v3, _, _ =	vpop (xrf0)  }
0x133: {  	v1 =	vadd.s32 v3, v1;
	(v2sf) =	vpush v3, $0xF;
	_ =	sdelay $0x4  }
0x134: {  	[tilespmem:v1+s19+$0x0] =	vst.idx.msk vm0, v19  }
0x135: {  	v1 =	vld [tilespmem:$0x120];
	_ =	sdelay $0x4  }
0x136: {  	vm4 =	vlt.f32 v1, $0.0e+00;
	vm5 =	vgt.f32 v1, $0.0e+00  }
0x137: {  	vm0 =	vmor vm5, vm4  }
0x138: {  	v1 =	vsel vm0, $0x1, v0  }
0x139: {  	(xrf0) =	vadd.scan.msk.s32 $0xffff, v1  }
0x13a: {  	s2 =	spop (v2sf)  }
0x13b: {  	s0 =	sadd.s32 s0, s2  }
0x13c: {  	v1 =	vmov s0  }
0x13d: {  	v1 =	vadd.s32 $0xFFFFFFFF, v1  }
0x13e: {  	v1 =	vbroadcast v1, $0x0  }
0x13f: {  	v3, _, _ =	vpop (xrf0)  }
0x140: {  	v1 =	vadd.s32 v3, v1;
	(v2sf) =	vpush v3, $0xF;
	_ =	sdelay $0x4  }
0x141: {  	[tilespmem:v1+s19+$0x0] =	vst.idx.msk vm0, v20  }
0x142: {  	v1 =	vld [tilespmem:$0x130];
	_ =	sdelay $0x4  }
0x143: {  	vm6 =	vlt.f32 v1, $0.0e+00;
	vm7 =	vgt.f32 v1, $0.0e+00  }
0x144: {  	vm0 =	vmor vm7, vm6  }
0x145: {  	v1 =	vsel vm0, $0x1, v0  }
0x146: {  	(xrf0) =	vadd.scan.msk.s32 $0xffff, v1  }
0x147: {  	s2 =	spop (v2sf)  }
0x148: {  	s0 =	sadd.s32 s0, s2  }
0x149: {  	v1 =	vmov s0  }
0x14a: {  	v1 =	vadd.s32 $0xFFFFFFFF, v1  }
0x14b: {  	v1 =	vbroadcast v1, $0x0  }
0x14c: {  	v3, _, _ =	vpop (xrf0)  }
0x14d: {  	v1 =	vadd.s32 v3, v1;
	(v2sf) =	vpush v3, $0xF;
	_ =	sdelay $0x4  }
0x14e: {  	[tilespmem:v1+s19+$0x0] =	vst.idx.msk vm0, v21  }
0x14f: {  	v1 =	vld [tilespmem:$0x140];
	_ =	sdelay $0x4  }
0x150: {  	vm8 =	vlt.f32 v1, $0.0e+00;
	vm9 =	vgt.f32 v1, $0.0e+00  }
0x151: {  	vm0 =	vmor vm9, vm8  }
0x152: {  	v1 =	vsel vm0, $0x1, v0  }
0x153: {  	(xrf0) =	vadd.scan.msk.s32 $0xffff, v1  }
0x154: {  	s2 =	spop (v2sf)  }
0x155: {  	s0 =	sadd.s32 s0, s2  }
0x156: {  	v1 =	vmov s0  }
0x157: {  	v1 =	vadd.s32 $0xFFFFFFFF, v1  }
0x158: {  	v1 =	vbroadcast v1, $0x0  }
0x159: {  	v3, _, _ =	vpop (xrf0)  }
0x15a: {  	v1 =	vadd.s32 v3, v1;
	(v2sf) =	vpush v3, $0xF;
	_ =	sdelay $0x4  }
0x15b: {  	[tilespmem:v1+s19+$0x0] =	vst.idx.msk vm0, v22  }
0x15c: {  	v1 =	vld [tilespmem:$0x150];
	_ =	sdelay $0x4  }
0x15d: {  	vm10 =	vlt.f32 v1, $0.0e+00;
	vm11 =	vgt.f32 v1, $0.0e+00  }
0x15e: {  	vm0 =	vmor vm11, vm10  }
0x15f: {  	v1 =	vsel vm0, $0x1, v0  }
0x160: {  	(xrf0) =	vadd.scan.msk.s32 $0xffff, v1  }
0x161: {  	s2 =	spop (v2sf)  }
0x162: {  	s0 =	sadd.s32 s0, s2  }
0x163: {  	v1 =	vmov s0  }
0x164: {  	v1 =	vadd.s32 $0xFFFFFFFF, v1  }
0x165: {  	v1 =	vbroadcast v1, $0x0  }
0x166: {  	v3, _, _ =	vpop (xrf0)  }
0x167: {  	v1 =	vadd.s32 v3, v1;
	(v2sf) =	vpush v3, $0xF;
	_ =	sdelay $0x4  }
0x168: {  	[tilespmem:v1+s19+$0x0] =	vst.idx.msk vm0, v23  }
0x169: {  	v1 =	vld [tilespmem:$0x160];
	_ =	sdelay $0x4  }
0x16a: {  	vm12 =	vlt.f32 v1, $0.0e+00;
	vm13 =	vgt.f32 v1, $0.0e+00  }
0x16b: {  	vm0 =	vmor vm13, vm12  }
0x16c: {  	v1 =	vsel vm0, $0x1, v0  }
0x16d: {  	(xrf0) =	vadd.scan.msk.s32 $0xffff, v1  }
0x16e: {  	s2 =	spop (v2sf)  }
0x16f: {  	s0 =	sadd.s32 s0, s2  }
0x170: {  	v1 =	vmov s0  }
0x171: {  	v1 =	vadd.s32 $0xFFFFFFFF, v1  }
0x172: {  	v1 =	vbroadcast v1, $0x0  }
0x173: {  	v3, _, _ =	vpop (xrf0)  }
0x174: {  	v1 =	vadd.s32 v3, v1;
	(v2sf) =	vpush v3, $0xF;
	_ =	sdelay $0x4  }
0x175: {  	[tilespmem:v1+s19+$0x0] =	vst.idx.msk vm0, v24  }
0x176: {  	v1 =	vld [tilespmem:$0x170];
	_ =	sdelay $0x4  }
0x177: {  	vm14 =	vlt.f32 v1, $0.0e+00;
	vm15 =	vgt.f32 v1, $0.0e+00  }
0x178: {  	vm0 =	vmor vm15, vm14  }
0x179: {  	v1 =	vsel vm0, $0x1, v0  }
0x17a: {  	(xrf0) =	vadd.scan.msk.s32 $0xffff, v1  }
0x17b: {  	s2 =	spop (v2sf)  }
0x17c: {  	s0 =	sadd.s32 s0, s2  }
0x17d: {  	v1 =	vmov s0  }
0x17e: {  	v1 =	vadd.s32 $0xFFFFFFFF, v1  }
0x17f: {  	v1 =	vbroadcast v1, $0x0  }
0x180: {  	v3, _, _ =	vpop (xrf0)  }
0x181: {  	v1 =	vadd.s32 v3, v1;
	_ =	sdelay $0x4  }
0x182: {  	[tilespmem:v1+s19+$0x0] =	vst.idx.msk vm0, v25  }
0x183: {  	v27 =	vld [tilespmem:$0x180];
	_ =	sdelay $0x1  }
0x184: {  	v26 =	vld [tilespmem:$0x190];
	_ =	sdelay $0x1  }
0x185: {  	v28 =	vld [tilespmem:$0x1A0]  }
0x186: {  	vm4 =	veq.s32 v27, v5  }
0x187: {  	v1 =	vsel vm4, $0x3F800000, v2  }
0x188: {  	vm5 =	veq.s32 v26, v6;
	(xrf0) =	vmin.scan.msk.f32 $0xffff, v1  }
0x189: {  	v29 =	vld [tilespmem:$0x1B0];
	v1 =	vsel vm5, $0x3F800000, v2  }
0x18a: {  	vm6 =	veq.s32 v28, v7;
	(xrf0) =	vmin.scan.msk.f32 $0xffff, v1  }
0x18b: {  	v1 =	vsel vm6, $0x3F800000, v2  }
0x18c: {  	v30 =	vld [tilespmem:$0x1C0]  }
0x18d: {  	(xrf0) =	vmin.scan.msk.f32 $0xffff, v1  }
0x18e: {  	vm7 =	veq.s32 v29, v8;
	v1, _, _ =	vpop (xrf0)  }
0x18f: {  	v31 =	vld [tilespmem:$0x1D0];
	(v2sf) =	vpush v1, $0xF;
	v1 =	vsel vm7, $0x3F800000, v2  }
0x190: {  	v3, _, _ =	vpop (xrf0);
	(xrf0) =	vmin.scan.msk.f32 $0xffff, v1  }
0x191: {  	vm8 =	veq.s32 v30, v9;
	(v2sf) =	vpush v3, $0xF  }
0x192: {  	v32 =	vld [tilespmem:$0x1E0];
	v1 =	vsel vm8, $0x3F800000, v2  }
0x193: {  	v3, _, _ =	vpop (xrf0);
	(xrf0) =	vmin.scan.msk.f32 $0xffff, v1  }
0x194: {  	vm9 =	veq.s32 v31, v10;
	(v2sf) =	vpush v3, $0xF  }
0x195: {  	v33 =	vld [tilespmem:$0x1F0];
	v1 =	vsel vm9, $0x3F800000, v2  }
0x196: {  	v3, _, _ =	vpop (xrf0);
	(xrf0) =	vmin.scan.msk.f32 $0xffff, v1  }
0x197: {  	vm10 =	veq.s32 v32, v11;
	(v2sf) =	vpush v3, $0xF  }
0x198: {  	v34 =	vld [tilespmem:$0x200];
	v1 =	vsel vm10, $0x3F800000, v2  }
0x199: {  	v3, _, _ =	vpop (xrf0);
	(xrf0) =	vmin.scan.msk.f32 $0xffff, v1  }
0x19a: {  	vm11 =	veq.s32 v33, v12;
	(v2sf) =	vpush v3, $0xF  }
0x19b: {  	v35 =	vld [tilespmem:$0x210];
	v1 =	vsel vm11, $0x3F800000, v2  }
0x19c: {  	v3, _, _ =	vpop (xrf0);
	(xrf0) =	vmin.scan.msk.f32 $0xffff, v1  }
0x19d: {  	vm12 =	veq.s32 v34, v13;
	(v2sf) =	vpush v3, $0xF  }
0x19e: {  	v36 =	vld [tilespmem:$0x220];
	v1 =	vsel vm12, $0x3F800000, v2;
	s2 =	spop (v2sf)  }
0x19f: {  	v3, _, _ =	vpop (xrf0);
	(xrf0) =	vmin.scan.msk.f32 $0xffff, v1;
	p0 =	sgt.f32 s2, $0.0e+00  }
0x1a0: {  	vm13 =	veq.s32 v35, v50;
	(v2sf) =	vpush v3, $0xF;
	s0 =	spop (v2sf)  }
0x1a1: {  	v37 =	vld [tilespmem:$0x230];
	v1 =	vsel vm13, $0x3F800000, v2;
	p1 =	sgt.f32 @p0 s0, $0.0e+00  }
0x1a2: {  	v3, _, _ =	vpop (xrf0);
	(xrf0) =	vmin.scan.msk.f32 $0xffff, v1  }
0x1a3: {  	vm14 =	veq.s32 v36, v51;
	s0 =	spop (v2sf);
	(v2sf) =	vpush v3, $0xF;
	p0 =	por !p0, !p1  }
0x1a4: {  	v38 =	vld [tilespmem:$0x240];
	v1 =	vsel vm14, $0x3F800000, v2;
	p1 =	sgt.f32 @!p0 s0, $0.0e+00  }
0x1a5: {  	v3, _, _ =	vpop (xrf0);
	(xrf0) =	vmin.scan.msk.f32 $0xffff, v1  }
0x1a6: {  	vm15 =	veq.s32 v37, v4;
	(v2sf) =	vpush v3, $0xF;
	s0 =	spop (v2sf);
	p0 =	por p0, !p1  }
0x1a7: {  	v39 =	vld [tilespmem:$0x250];
	v1 =	vsel vm15, $0x3F800000, v2;
	p1 =	sgt.f32 @!p0 s0, $0.0e+00  }
0x1a8: {  	v3, _, _ =	vpop (xrf0);
	(xrf0) =	vmin.scan.msk.f32 $0xffff, v1  }
0x1a9: {  	vm4 =	veq.s32 v38, v14;
	s0 =	spop (v2sf);
	(v2sf) =	vpush v3, $0xF;
	p0 =	por p0, !p1  }
0x1aa: {  	v40 =	vld [tilespmem:$0x260];
	v1 =	vsel vm4, $0x3F800000, v2;
	p1 =	sgt.f32 @!p0 s0, $0.0e+00  }
0x1ab: {  	v3, _, _ =	vpop (xrf0);
	(xrf0) =	vmin.scan.msk.f32 $0xffff, v1  }
0x1ac: {  	vm5 =	veq.s32 v39, v15;
	(v2sf) =	vpush v3, $0xF;
	s0 =	spop (v2sf);
	p0 =	por p0, !p1  }
0x1ad: {  	v41 =	vld [tilespmem:$0x270];
	v1 =	vsel vm5, $0x3F800000, v2;
	p1 =	sgt.f32 @!p0 s0, $0.0e+00  }
0x1ae: {  	v3, _, _ =	vpop (xrf0);
	(xrf0) =	vmin.scan.msk.f32 $0xffff, v1  }
0x1af: {  	vm6 =	veq.s32 v40, v16;
	s0 =	spop (v2sf);
	(v2sf) =	vpush v3, $0xF;
	p0 =	por p0, !p1  }
0x1b0: {  	v42 =	vld [tilespmem:$0x280];
	v1 =	vsel vm6, $0x3F800000, v2;
	p1 =	sgt.f32 @!p0 s0, $0.0e+00  }
0x1b1: {  	v3, _, _ =	vpop (xrf0);
	(xrf0) =	vmin.scan.msk.f32 $0xffff, v1  }
0x1b2: {  	vm7 =	veq.s32 v41, v17;
	s0 =	spop (v2sf);
	(v2sf) =	vpush v3, $0xF;
	p0 =	por p0, !p1  }
0x1b3: {  	v43 =	vld [tilespmem:$0x290];
	v1 =	vsel vm7, $0x3F800000, v2;
	p1 =	sgt.f32 @!p0 s0, $0.0e+00  }
0x1b4: {  	v3, _, _ =	vpop (xrf0);
	(xrf0) =	vmin.scan.msk.f32 $0xffff, v1  }
0x1b5: {  	vm8 =	veq.s32 v42, v18;
	s0 =	spop (v2sf);
	(v2sf) =	vpush v3, $0xF;
	p0 =	por p0, !p1  }
0x1b6: {  	v44 =	vld [tilespmem:$0x2A0];
	v1 =	vsel vm8, $0x3F800000, v2;
	p1 =	sgt.f32 @!p0 s0, $0.0e+00  }
0x1b7: {  	v3, _, _ =	vpop (xrf0);
	(xrf0) =	vmin.scan.msk.f32 $0xffff, v1  }
0x1b8: {  	vm9 =	veq.s32 v43, v19;
	s0 =	spop (v2sf);
	(v2sf) =	vpush v3, $0xF;
	p0 =	por p0, !p1  }
0x1b9: {  	v45 =	vld [tilespmem:$0x2B0];
	v1 =	vsel vm9, $0x3F800000, v2;
	p1 =	sgt.f32 @!p0 s0, $0.0e+00  }
0x1ba: {  	v3, _, _ =	vpop (xrf0);
	(xrf0) =	vmin.scan.msk.f32 $0xffff, v1  }
0x1bb: {  	vm10 =	veq.s32 v44, v20;
	s0 =	spop (v2sf);
	(v2sf) =	vpush v3, $0xF;
	p0 =	por p0, !p1  }
0x1bc: {  	v46 =	vld [tilespmem:$0x2C0];
	v1 =	vsel vm10, $0x3F800000, v2;
	p1 =	sgt.f32 @!p0 s0, $0.0e+00  }
0x1bd: {  	v3, _, _ =	vpop (xrf0);
	(xrf0) =	vmin.scan.msk.f32 $0xffff, v1  }
0x1be: {  	vm11 =	veq.s32 v45, v21;
	s0 =	spop (v2sf);
	(v2sf) =	vpush v3, $0xF;
	p0 =	por p0, !p1  }
0x1bf: {  	v47 =	vld [tilespmem:$0x2D0];
	v1 =	vsel vm11, $0x3F800000, v2;
	p1 =	sgt.f32 @!p0 s0, $0.0e+00  }
0x1c0: {  	v3, _, _ =	vpop (xrf0);
	(xrf0) =	vmin.scan.msk.f32 $0xffff, v1  }
0x1c1: {  	vm12 =	veq.s32 v46, v22;
	s0 =	spop (v2sf);
	(v2sf) =	vpush v3, $0xF;
	p0 =	por p0, !p1  }
0x1c2: {  	v48 =	vld [tilespmem:$0x2E0];
	v1 =	vsel vm12, $0x3F800000, v2;
	p1 =	sgt.f32 @!p0 s0, $0.0e+00  }
0x1c3: {  	v3, _, _ =	vpop (xrf0);
	(xrf0) =	vmin.scan.msk.f32 $0xffff, v1  }
0x1c4: {  	vm13 =	veq.s32 v47, v23;
	s0 =	spop (v2sf);
	(v2sf) =	vpush v3, $0xF;
	p0 =	por p0, !p1  }
0x1c5: {  	v49 =	vld [tilespmem:$0x2F0];
	v1 =	vsel vm13, $0x3F800000, v2;
	p1 =	sgt.f32 @!p0 s0, $0.0e+00  }
0x1c6: {  	v3, _, _ =	vpop (xrf0);
	(xrf0) =	vmin.scan.msk.f32 $0xffff, v1  }
0x1c7: {  	vm14 =	veq.s32 v48, v24;
	s0 =	spop (v2sf);
	(v2sf) =	vpush v3, $0xF;
	p0 =	por p0, !p1  }
0x1c8: {  	v1 =	vsel vm14, $0x3F800000, v2;
	p1 =	sgt.f32 @!p0 s0, $0.0e+00  }
0x1c9: {  	v3, _, _ =	vpop (xrf0);
	(xrf0) =	vmin.scan.msk.f32 $0xffff, v1  }
0x1ca: {  	vm15 =	veq.s32 v49, v25;
	s0 =	spop (v2sf);
	(v2sf) =	vpush v3, $0xF;
	p0 =	por p0, !p1  }
0x1cb: {  	v1 =	vsel vm15, $0x3F800000, v2;
	p1 =	sgt.f32 @!p0 s0, $0.0e+00  }
0x1cc: {  	v3, _, _ =	vpop (xrf0);
	(xrf0) =	vmin.scan.msk.f32 $0xffff, v1  }
0x1cd: {  	s0 =	spop (v2sf);
	(v2sf) =	vpush v3, $0xF;
	p0 =	por p0, !p1  }
0x1ce: {  	p1 =	sgt.f32 @!p0 s0, $0.0e+00  }
0x1cf: {  	v1, _, _ =	vpop (xrf0)  }
0x1d0: {  	s0 =	spop (v2sf);
	(v2sf) =	vpush v1, $0xF;
	p0 =	por p0, !p1  }
0x1d1: {  	p1 =	sgt.f32 @!p0 s0, $0.0e+00  }
0x1d2: {  	v1, _, _ =	vpop (xrf0)  }
0x1d3: {  	s0 =	spop (v2sf);
	(v2sf) =	vpush v1, $0xF;
	p0 =	por p0, !p1  }
0x1d4: {  	p1 =	sgt.f32 @!p0 s0, $0.0e+00;
	_ =	sdelay $0x1  }
0x1d5: {  	s0 =	spop (v2sf);
	p0 =	por p0, !p1  }
0x1d6: {  	p1 =	sgt.f32 @!p0 s0, $0.0e+00;
	_ =	sdelay $0x1  }
0x1d7: {  	s0 =	spop (v2sf);
	p0 =	por p0, !p1  }
0x1d8: {  	p1 =	sgt.f32 @!p0 s0, $0.0e+00;
	_ =	sdelay $0x1  }
0x1d9: {  	s0 =	spop (v2sf);
	p0 =	por p0, !p1  }
0x1da: {  	p1 =	sgt.f32 @!p0 s0, $0.0e+00;
	_ =	sdelay $0x1  }
0x1db: {  	s0 =	spop (v2sf);
	p0 =	por p0, !p1  }
0x1dc: {  	p1 =	sgt.f32 @!p0 s0, $0.0e+00;
	_ =	sdelay $0x1  }
0x1dd: {  	s0 =	spop (v2sf);
	p0 =	por p0, !p1  }
0x1de: {  	p1 =	sgt.f32 @!p0 s0, $0.0e+00;
	_ =	sdelay $0x1  }
0x1df: {  	p0 =	por p0, !p1  }
.Ltmp2:
0x1e0: {  	_ = 	snop;
	(pc) =	sbr.rel @p0 .LBB2_2-.Ltmp2, $1  }
0x1e1: {  	_ =	sdelay $0x3  }
0x1e2: {  	[tilespmem:s20], [sflag:$0x2] =	stream.linear.gather [hbm4b:s9+s6], $0xA800, $0x38;
	[tilespmem:$0x1FB00] =	vst v63  }
0x1e3: {  	_ = 	snop  }
0x1e4: {  	[tilespmem:s21], [sflag:$0x3] =	stream.linear.gather [hbm4b:s13+s6], $0xA800, $0x38;
	[tilespmem:$0x1FB00] =	vst v63  }
0x1e5: {  	_ =	swait.ge [sflag:s22], $0xA800  }
0x1e6: {  	[sflag:s22] =	ssyncset.done $0x0  }
0x1e7: {  	s0 =	rddreg [dreg:$0x1d];
	[sflag:s22] =	ssyncadd.s32 $0xFFFF5800  }
0x1e8: {  	[hbm4b:s0+s6] =	stream.linear.scatter [tilespmem:s16], [sflag:$0x4], $0xA800, $0x38;
	[tilespmem:$0x1FB00] =	vst v63  }
0x1e9: {  	_ =	swait.ge [sflag:s23], $0xA800  }
0x1ea: {  	[sflag:s23] =	ssyncset.done $0x0  }
0x1eb: {  	[sflag:s23] =	ssyncadd.s32 $0xFFFF5800  }
0x1ec: {  	[hbm4b:s11+s6] =	stream.linear.scatter [tilespmem:s20], [sflag:$0x5], $0xA800, $0x38;
	[tilespmem:$0x1FB00] =	vst v63  }
0x1ed: {  	_ =	swait.ge [sflag:s24], $0xA800  }
0x1ee: {  	[sflag:s24] =	ssyncset.done $0x0  }
0x1ef: {  	[sflag:s24] =	ssyncadd.s32 $0xFFFF5800  }
0x1f0: {  	[hbm4b:s31+s6] =	stream.linear.scatter [tilespmem:s21], [sflag:$0x6], $0xA800, $0x38;
	[tilespmem:$0x1FB00] =	vst v63  }
0x1f1: {  	_ =	swait.ge [sflag:s25], $0xA800  }
0x1f2: {  	[sflag:s25] =	ssyncset.done $0x0  }
0x1f3: {  	s2 =	rddreg [dreg:$0x8];
	[sflag:s25] =	ssyncadd.s32 $0xFFFF5800  }
0x1f4: {  	[tilespmem:s16], [sflag:$0x1] =	stream.linear.gather [hbm4b:s2+s6], $0xA800, $0x38;
	[tilespmem:$0x1FB00] =	vst v63  }
0x1f5: {  	_ =	swait.ge [sflag:s22], $0xA800  }
0x1f6: {  	[sflag:s22] =	ssyncset.done $0x0  }
0x1f7: {  	s2 =	rddreg [dreg:$0x9];
	[sflag:s22] =	ssyncadd.s32 $0xFFFF5800  }
0x1f8: {  	[hbm4b:s2+s6] =	stream.linear.scatter [tilespmem:s16], [sflag:$0x4], $0xA800, $0x38;
	[tilespmem:$0x1FB00] =	vst v63  }
0x1f9: {  	_ =	swait.ge [sflag:s26], $0xA800  }
0x1fa: {  	[sflag:s26] =	ssyncset.done $0x0  }
0x1fb: {  	s2 =	rddreg [dreg:$0xa];
	[sflag:s26] =	ssyncadd.s32 $0xFFFF5800  }
0x1fc: {  	[tilespmem:s20], [sflag:$0x2] =	stream.linear.gather [hbm4b:s2+s6], $0xA800, $0x38;
	[tilespmem:$0x1FB00] =	vst v63  }
0x1fd: {  	_ =	swait.ge [sflag:s23], $0xA800  }
0x1fe: {  	[sflag:s23] =	ssyncset.done $0x0  }
0x1ff: {  	s2 =	rddreg [dreg:$0xb];
	[sflag:s23] =	ssyncadd.s32 $0xFFFF5800  }
0x200: {  	[hbm4b:s2+s6] =	stream.linear.scatter [tilespmem:s20], [sflag:$0x5], $0xA800, $0x38;
	[tilespmem:$0x1FB00] =	vst v63  }
0x201: {  	_ =	swait.ge [sflag:s28], $0xA800  }
0x202: {  	[sflag:s28] =	ssyncset.done $0x0  }
0x203: {  	s2 =	rddreg [dreg:$0xc];
	[sflag:s28] =	ssyncadd.s32 $0xFFFF5800  }
0x204: {  	[tilespmem:s21], [sflag:$0x3] =	stream.linear.gather [hbm4b:s2+s6], $0xA800, $0x38;
	[tilespmem:$0x1FB00] =	vst v63  }
0x205: {  	_ =	swait.ge [sflag:s24], $0xA800  }
0x206: {  	[sflag:s24] =	ssyncset.done $0x0  }
0x207: {  	s2 =	rddreg [dreg:$0xd];
	[sflag:s24] =	ssyncadd.s32 $0xFFFF5800  }
0x208: {  	[hbm4b:s2+s6] =	stream.linear.scatter [tilespmem:s21], [sflag:$0x6], $0xA800, $0x38;
	[tilespmem:$0x1FB00] =	vst v63  }
0x209: {  	_ =	swait.ge [sflag:s25], $0xA800  }
0x20a: {  	[sflag:s25] =	ssyncset.done $0x0  }
0x20b: {  	s2 =	rddreg [dreg:$0xe];
	[sflag:s25] =	ssyncadd.s32 $0xFFFF5800  }
0x20c: {  	[tilespmem:s16], [sflag:$0x1] =	stream.linear.gather [hbm4b:s2+s6], $0xA800, $0x38;
	[tilespmem:$0x1FB00] =	vst v63  }
0x20d: {  	_ =	swait.ge [sflag:s22], $0xA800  }
0x20e: {  	[sflag:s22] =	ssyncset.done $0x0  }
0x20f: {  	s2 =	rddreg [dreg:$0xf];
	[sflag:s22] =	ssyncadd.s32 $0xFFFF5800  }
0x210: {  	[hbm4b:s2+s6] =	stream.linear.scatter [tilespmem:s16], [sflag:$0x4], $0xA800, $0x38;
	[tilespmem:$0x1FB00] =	vst v63  }
0x211: {  	_ =	swait.ge [sflag:s26], $0xA800  }
0x212: {  	[sflag:s26] =	ssyncset.done $0x0  }
0x213: {  	s2 =	rddreg [dreg:$0x10];
	[sflag:s26] =	ssyncadd.s32 $0xFFFF5800  }
0x214: {  	[tilespmem:s20], [sflag:$0x2] =	stream.linear.gather [hbm4b:s2+s6], $0xA800, $0x38;
	[tilespmem:$0x1FB00] =	vst v63  }
0x215: {  	_ =	swait.ge [sflag:s23], $0xA800  }
0x216: {  	[sflag:s23] =	ssyncset.done $0x0  }
0x217: {  	s2 =	rddreg [dreg:$0x11];
	[sflag:s23] =	ssyncadd.s32 $0xFFFF5800  }
0x218: {  	[hbm4b:s2+s6] =	stream.linear.scatter [tilespmem:s20], [sflag:$0x5], $0xA800, $0x38;
	[tilespmem:$0x1FB00] =	vst v63  }
0x219: {  	_ =	swait.ge [sflag:s28], $0xA800  }
0x21a: {  	[sflag:s28] =	ssyncset.done $0x0  }
0x21b: {  	s2 =	rddreg [dreg:$0x12];
	[sflag:s28] =	ssyncadd.s32 $0xFFFF5800  }
0x21c: {  	[tilespmem:s21], [sflag:$0x3] =	stream.linear.gather [hbm4b:s2+s6], $0xA800, $0x38;
	[tilespmem:$0x1FB00] =	vst v63  }
0x21d: {  	_ =	swait.ge [sflag:s24], $0xA800  }
0x21e: {  	[sflag:s24] =	ssyncset.done $0x0  }
0x21f: {  	s2 =	rddreg [dreg:$0x13];
	[sflag:s24] =	ssyncadd.s32 $0xFFFF5800  }
0x220: {  	[hbm4b:s2+s6] =	stream.linear.scatter [tilespmem:s21], [sflag:$0x6], $0xA800, $0x38;
	[tilespmem:$0x1FB00] =	vst v63  }
0x221: {  	_ =	swait.ge [sflag:s25], $0xA800  }
0x222: {  	[sflag:s25] =	ssyncset.done $0x0  }
0x223: {  	s2 =	rddreg [dreg:$0x14];
	[sflag:s25] =	ssyncadd.s32 $0xFFFF5800  }
0x224: {  	[tilespmem:s16], [sflag:$0x1] =	stream.linear.gather [hbm4b:s2+s6], $0xA800, $0x38;
	[tilespmem:$0x1FB00] =	vst v63  }
0x225: {  	_ =	swait.ge [sflag:s22], $0xA800  }
0x226: {  	[sflag:s22] =	ssyncset.done $0x0  }
0x227: {  	s2 =	rddreg [dreg:$0x15];
	[sflag:s22] =	ssyncadd.s32 $0xFFFF5800  }
0x228: {  	[hbm4b:s2+s6] =	stream.linear.scatter [tilespmem:s16], [sflag:$0x4], $0xA800, $0x38;
	[tilespmem:$0x1FB00] =	vst v63  }
0x229: {  	_ =	swait.ge [sflag:s26], $0xA800  }
0x22a: {  	[sflag:s26] =	ssyncset.done $0x0  }
0x22b: {  	s2 =	rddreg [dreg:$0x16];
	[sflag:s26] =	ssyncadd.s32 $0xFFFF5800  }
0x22c: {  	[tilespmem:s20], [sflag:$0x2] =	stream.linear.gather [hbm4b:s2+s6], $0xA800, $0x38;
	[tilespmem:$0x1FB00] =	vst v63  }
0x22d: {  	_ =	swait.ge [sflag:s23], $0xA800  }
0x22e: {  	[sflag:s23] =	ssyncset.done $0x0  }
0x22f: {  	s2 =	rddreg [dreg:$0x17];
	[sflag:s23] =	ssyncadd.s32 $0xFFFF5800  }
0x230: {  	[hbm4b:s2+s6] =	stream.linear.scatter [tilespmem:s20], [sflag:$0x5], $0xA800, $0x38;
	[tilespmem:$0x1FB00] =	vst v63  }
0x231: {  	_ =	swait.ge [sflag:s28], $0xA800  }
0x232: {  	[sflag:s28] =	ssyncset.done $0x0  }
0x233: {  	s2 =	rddreg [dreg:$0x18];
	[sflag:s28] =	ssyncadd.s32 $0xFFFF5800  }
0x234: {  	[tilespmem:s21], [sflag:$0x3] =	stream.linear.gather [hbm4b:s2+s6], $0xA800, $0x38;
	[tilespmem:$0x1FB00] =	vst v63  }
0x235: {  	_ =	swait.ge [sflag:s24], $0xA800  }
0x236: {  	[sflag:s24] =	ssyncset.done $0x0  }
0x237: {  	[sflag:s24] =	ssyncadd.s32 $0xFFFF5800  }
0x238: {  	[hbm4b:s10+s6] =	stream.linear.scatter [tilespmem:s21], [sflag:$0x6], $0xA800, $0x38;
	[tilespmem:$0x1FB00] =	vst v63  }
0x239: {  	_ =	swait.ge [sflag:s25], $0xA800  }
0x23a: {  	[sflag:s25] =	ssyncset.done $0x0  }
0x23b: {  	s2 =	rddreg [dreg:$0x1a];
	[sflag:s25] =	ssyncadd.s32 $0xFFFF5800  }
0x23c: {  	[tilespmem:s16], [sflag:$0x1] =	stream.linear.gather [hbm4b:s2+s6], $0xA800, $0x38;
	[tilespmem:$0x1FB00] =	vst v63  }
0x23d: {  	_ =	swait.ge [sflag:s22], $0xA800  }
0x23e: {  	[sflag:s22] =	ssyncset.done $0x0  }
0x23f: {  	[sflag:s22] =	ssyncadd.s32 $0xFFFF5800  }
0x240: {  	[hbm4b:s3+s6] =	stream.linear.scatter [tilespmem:s16], [sflag:$0x4], $0xA800, $0x38;
	[tilespmem:$0x1FB00] =	vst v63  }
0x241: {  	_ =	swait.ge [sflag:s26], $0xA800  }
0x242: {  	[sflag:s26] =	ssyncset.done $0x0  }
0x243: {  	s2 =	rddreg [dreg:$0x1e];
	[sflag:s26] =	ssyncadd.s32 $0xFFFF5800  }
0x244: {  	[tilespmem:s20], [sflag:$0x2] =	stream.linear.gather [hbm4b:s2+s6], $0xA800, $0x38;
	[tilespmem:$0x1FB00] =	vst v63  }
0x245: {  	_ =	swait.ge [sflag:s23], $0xA800  }
0x246: {  	[sflag:s23] =	ssyncset.done $0x0  }
0x247: {  	s2 =	rddreg [dreg:$0x1f];
	[sflag:s23] =	ssyncadd.s32 $0xFFFF5800  }
0x248: {  	[hbm4b:s2+s6] =	stream.linear.scatter [tilespmem:s20], [sflag:$0x5], $0xA800, $0x38;
	[tilespmem:$0x1FB00] =	vst v63  }
0x249: {  	_ =	swait.ge [sflag:s25], $0xA800  }
.Ltmp3:
0x24a: {  	[sflag:s25] =	ssyncset.done $0x0;
	(pc) =	sbr.rel .LBB2_10-.Ltmp3, $4  }
0x24b: {  	[sflag:s25] =	ssyncadd.s32 $0xFFFF5800  }
0x24c: {  	_ =	swait.ge [sflag:s26], $0xA800  }
0x24d: {  	[sflag:s26] =	ssyncset.done $0x0  }
0x24e: {  	[sflag:s26] =	ssyncadd.s32 $0xFFFF5800  }
.LBB2_2:
0x24f: {  	v1 =	vand.u32 $0x7F, v27;
	v3 =	vshll.u32 v27, $0x3;
	v4 =	vshll.u32 v26, $0x3  }
0x250: {  	v5 =	vand.u32 $0x7F, v26;
	v57 =	vshll.u32 v29, $0x3;
	v58 =	vand.u32 $0x7F, v30  }
0x251: {  	v59 =	vshll.u32 v30, $0x3;
	v6 =	vshll.u32 v31, $0x3;
	v7 =	vand.u32 $0x7F, v31  }
0x252: {  	v60 =	vshll.u32 v33, $0x3;
	v61 =	vand.u32 $0x7F, v33;
	v62 =	vshll.u32 v35, $0x3  }
0x253: {  	v63 =	vand.u32 $0x7F, v36;
	v9 =	vshll.u32 v36, $0x3;
	v10 =	vshll.u32 v37, $0x3  }
0x254: {  	v11 =	vand.u32 $0x7F, v37;
	v50 =	vshll.u32 v39, $0x3;
	v51 =	vand.u32 $0x7F, v39  }
0x255: {  	v52 =	vshll.u32 v41, $0x3;
	v53 =	vand.u32 $0x7F, v42;
	v54 =	vshll.u32 v42, $0x3  }
0x256: {  	v55 =	vshll.u32 v43, $0x3;
	v56 =	vand.u32 $0x7F, v43;
	v3 =	vand.u32 $0xFFFFFC00, v3  }
0x257: {  	v4 =	vand.u32 $0xFFFFFC00, v4;
	v6 =	vand.u32 $0xFFFFFC00, v6;
	v26 =	vor.u32 v1, v3  }
0x258: {  	v27 =	vor.u32 v5, v4;
	v1 =	vshll.u32 v28, $0x3;
	v3 =	vand.u32 $0x7F, v28  }
0x259: {  	v5 =	vand.u32 $0xFFFFFC00, v59;
	v31 =	vor.u32 v7, v6;
	v4 =	vand.u32 $0xFFFFFC00, v60  }
0x25a: {  	v6 =	vand.u32 $0xFFFFFC00, v10;
	v59 =	vshll.u32 v47, $0x3;
	v60 =	vand.u32 $0x7F, v48  }
0x25b: {  	v1 =	vand.u32 $0xFFFFFC00, v1;
	v30 =	vor.u32 v58, v5;
	v33 =	vor.u32 v61, v4  }
0x25c: {  	v5 =	vand.u32 $0xFFFFFC00, v9;
	v37 =	vor.u32 v11, v6;
	v4 =	vand.u32 $0xFFFFFC00, v50  }
0x25d: {  	v6 =	vand.u32 $0xFFFFFC00, v55;
	v58 =	vand.u32 $0x7F, v45;
	v61 =	vshll.u32 v48, $0x3  }
0x25e: {  	v28 =	vor.u32 v3, v1;
	v1 =	vand.u32 $0x7F, v29;
	v3 =	vand.u32 $0xFFFFFC00, v57  }
0x25f: {  	v36 =	vor.u32 v63, v5;
	v29 =	vor.u32 v1, v3;
	v3 =	vshll.u32 v32, $0x3  }
0x260: {  	v39 =	vor.u32 v51, v4;
	v1 =	vand.u32 $0x7F, v32;
	v3 =	vand.u32 $0xFFFFFC00, v3  }
0x261: {  	v5 =	vand.u32 $0xFFFFFC00, v54;
	v32 =	vor.u32 v1, v3;
	v1 =	vshll.u32 v34, $0x3  }
0x262: {  	v43 =	vor.u32 v56, v6;
	v3 =	vand.u32 $0x7F, v34;
	v1 =	vand.u32 $0xFFFFFC00, v1  }
0x263: {  	v34 =	vor.u32 v3, v1;
	v1 =	vand.u32 $0x7F, v35;
	v3 =	vand.u32 $0xFFFFFC00, v62  }
0x264: {  	v57 =	vshll.u32 v45, $0x3;
	v35 =	vor.u32 v1, v3;
	v3 =	vshll.u32 v38, $0x3  }
0x265: {  	v63 =	vand.u32 $0x7F, v49;
	v1 =	vand.u32 $0x7F, v38;
	v3 =	vand.u32 $0xFFFFFC00, v3  }
0x266: {  	v42 =	vor.u32 v53, v5;
	v38 =	vor.u32 v1, v3;
	v1 =	vshll.u32 v40, $0x3  }
0x267: {  	v4 =	vand.u32 $0xFFFFFC00, v57;
	v3 =	vand.u32 $0x7F, v40;
	v1 =	vand.u32 $0xFFFFFC00, v1  }
0x268: {  	v40 =	vor.u32 v3, v1;
	v1 =	vand.u32 $0x7F, v41;
	v3 =	vand.u32 $0xFFFFFC00, v52  }
0x269: {  	v5 =	vand.u32 $0xFFFFFC00, v61;
	v41 =	vor.u32 v1, v3;
	v3 =	vshll.u32 v44, $0x3  }
0x26a: {  	v45 =	vor.u32 v58, v4;
	v1 =	vand.u32 $0x7F, v44;
	v3 =	vand.u32 $0xFFFFFC00, v3  }
0x26b: {  	v62 =	vshll.u32 v49, $0x3;
	v44 =	vor.u32 v1, v3;
	v1 =	vshll.u32 v46, $0x3  }
0x26c: {  	v6 =	vand.u32 $0xFFFFFC00, v62;
	v3 =	vand.u32 $0x7F, v46;
	v1 =	vand.u32 $0xFFFFFC00, v1  }
0x26d: {  	v46 =	vor.u32 v3, v1;
	v1 =	vand.u32 $0x7F, v47;
	v3 =	vand.u32 $0xFFFFFC00, v59  }
0x26e: {  	s10 =	smov.u32 s12;
	s31 =	simm.s32 $0x0;
	s2 =	simm.s32 $0x0;
	v48 =	vor.u32 v60, v5;
	v49 =	vor.u32 v63, v6;
	v47 =	vor.u32 v1, v3  }
.LBB2_3:
0x26f: {  	p0 =	sne.s32 s2, $0x0  }
0x270: {  	v1 =	vmov s31;
	s0 =	simm.s32 @p0 $0x1  }
0x271: {  	v3 =	vshrl.u32 v1, $0x3;
	_ =	swait.ge @p0 [sflag:s0], $0x5400  }
0x272: {  	v3 =	vmul.u32 $0xC00, v3;
	[sflag:s0] =	ssyncset.done @p0 $0x0  }
0x273: {  	v1 =	vshll.u32 v1, $0x7;
	[sflag:s0] =	ssyncadd.s32 @p0 $0xFFFFAC00;
	s0 =	simm.s32 @p0 $0x4  }
0x274: {  	v4 =	vand.u32 $0x380, v1;
	v1 =	vadd.s32 v26, v3;
	_ =	swait.ge @p0 [sflag:s0], $0x5400  }
0x275: {  	v1 =	vor.u32 v4, v1;
	[sflag:s0] =	ssyncset.done @p0 $0x0  }
0x276: {  	[sflag:s0] =	ssyncadd.s32 @p0 $0xFFFFAC00;
	s0 =	simm.s32 @!p0 $0x1  }
0x277: {  	_ =	swait.ge @!p0 [sflag:s0], $0xA800  }
0x278: {  	[sflag:s0] =	ssyncset.done @!p0 $0x0  }
0x279: {  	[sflag:s0] =	ssyncadd.s32 @!p0 $0xFFFF5800  }
0x27a: {  	s13 =	simm.s32 $0x0;
	v5 =	vadd.s32 v27, v3;
	v1 =	vld.idx.msk [tilespmem:v1+s16+$0x0], $0xffff  }
0x27b: {  	v5 =	vor.u32 v4, v5;
	s0 =	smul.u32 $0x3000, s13;
	_ =	sdelay $0x1  }
0x27c: {  	s3 =	sand.u32 $0x380, s31;
	s0 =	sshra.s32 s0, $0x2  }
0x27d: {  	s0 =	sor.u32 s3, s0  }
0x27e: {  	[tilespmem:s0+$0xAB00] =	vst v1  }
0x27f: {  	v1 =	vld.idx.msk [tilespmem:v5+s16+$0x0], $0xffff;
	v5 =	vadd.s32 v28, v3  }
0x280: {  	v5 =	vor.u32 v4, v5;
	_ =	sdelay $0x3  }
0x281: {  	[tilespmem:s0+$0xAB10] =	vst v1  }
0x282: {  	v1 =	vld.idx.msk [tilespmem:v5+s16+$0x0], $0xffff;
	v5 =	vadd.s32 v29, v3  }
0x283: {  	v5 =	vor.u32 v4, v5;
	_ =	sdelay $0x3  }
0x284: {  	[tilespmem:s0+$0xAB20] =	vst v1  }
0x285: {  	v1 =	vld.idx.msk [tilespmem:v5+s16+$0x0], $0xffff;
	v5 =	vadd.s32 v30, v3  }
0x286: {  	v5 =	vor.u32 v4, v5;
	_ =	sdelay $0x3  }
0x287: {  	[tilespmem:s0+$0xAB30] =	vst v1  }
0x288: {  	v1 =	vld.idx.msk [tilespmem:v5+s16+$0x0], $0xffff;
	v5 =	vadd.s32 v31, v3  }
0x289: {  	v5 =	vor.u32 v4, v5;
	_ =	sdelay $0x3  }
0x28a: {  	[tilespmem:s0+$0xAB40] =	vst v1  }
0x28b: {  	v1 =	vld.idx.msk [tilespmem:v5+s16+$0x0], $0xffff;
	v5 =	vadd.s32 v32, v3  }
0x28c: {  	v5 =	vor.u32 v4, v5;
	_ =	sdelay $0x3  }
0x28d: {  	[tilespmem:s0+$0xAB50] =	vst v1  }
0x28e: {  	v1 =	vld.idx.msk [tilespmem:v5+s16+$0x0], $0xffff;
	v5 =	vadd.s32 v33, v3  }
0x28f: {  	v5 =	vor.u32 v4, v5;
	_ =	sdelay $0x3  }
0x290: {  	[tilespmem:s0+$0xAB60] =	vst v1  }
0x291: {  	v1 =	vld.idx.msk [tilespmem:v5+s16+$0x0], $0xffff;
	v5 =	vadd.s32 v34, v3  }
0x292: {  	v5 =	vor.u32 v4, v5;
	_ =	sdelay $0x3  }
0x293: {  	[tilespmem:s0+$0xAB70] =	vst v1  }
0x294: {  	v1 =	vld.idx.msk [tilespmem:v5+s16+$0x0], $0xffff;
	v5 =	vadd.s32 v35, v3  }
0x295: {  	v5 =	vor.u32 v4, v5;
	_ =	sdelay $0x3  }
0x296: {  	[tilespmem:s0+$0xAF00] =	vst v1  }
0x297: {  	v1 =	vld.idx.msk [tilespmem:v5+s16+$0x0], $0xffff;
	v5 =	vadd.s32 v36, v3  }
0x298: {  	v5 =	vor.u32 v4, v5;
	_ =	sdelay $0x3  }
0x299: {  	[tilespmem:s0+$0xAF10] =	vst v1  }
0x29a: {  	v1 =	vld.idx.msk [tilespmem:v5+s16+$0x0], $0xffff;
	v5 =	vadd.s32 v37, v3  }
0x29b: {  	v5 =	vor.u32 v4, v5;
	_ =	sdelay $0x3  }
0x29c: {  	[tilespmem:s0+$0xAF20] =	vst v1  }
0x29d: {  	v1 =	vld.idx.msk [tilespmem:v5+s16+$0x0], $0xffff;
	v5 =	vadd.s32 v38, v3  }
0x29e: {  	v5 =	vor.u32 v4, v5;
	_ =	sdelay $0x3  }
0x29f: {  	[tilespmem:s0+$0xAF30] =	vst v1  }
0x2a0: {  	v1 =	vld.idx.msk [tilespmem:v5+s16+$0x0], $0xffff;
	v5 =	vadd.s32 v39, v3  }
0x2a1: {  	v5 =	vor.u32 v4, v5;
	_ =	sdelay $0x3  }
0x2a2: {  	[tilespmem:s0+$0xAF40] =	vst v1  }
0x2a3: {  	v1 =	vld.idx.msk [tilespmem:v5+s16+$0x0], $0xffff;
	v5 =	vadd.s32 v40, v3  }
0x2a4: {  	v5 =	vor.u32 v4, v5;
	_ =	sdelay $0x3  }
0x2a5: {  	[tilespmem:s0+$0xAF50] =	vst v1  }
0x2a6: {  	v1 =	vld.idx.msk [tilespmem:v5+s16+$0x0], $0xffff;
	v5 =	vadd.s32 v41, v3  }
0x2a7: {  	v5 =	vor.u32 v4, v5;
	_ =	sdelay $0x3  }
0x2a8: {  	[tilespmem:s0+$0xAF60] =	vst v1  }
0x2a9: {  	v1 =	vld.idx.msk [tilespmem:v5+s16+$0x0], $0xffff;
	v5 =	vadd.s32 v42, v3  }
0x2aa: {  	v5 =	vor.u32 v4, v5;
	_ =	sdelay $0x3  }
0x2ab: {  	[tilespmem:s0+$0xAF70] =	vst v1  }
0x2ac: {  	v1 =	vld.idx.msk [tilespmem:v5+s16+$0x0], $0xffff;
	v5 =	vadd.s32 v43, v3  }
0x2ad: {  	v5 =	vor.u32 v4, v5;
	_ =	sdelay $0x3  }
0x2ae: {  	[tilespmem:s0+$0xB300] =	vst v1  }
0x2af: {  	v1 =	vld.idx.msk [tilespmem:v5+s16+$0x0], $0xffff;
	v5 =	vadd.s32 v44, v3  }
0x2b0: {  	v5 =	vor.u32 v4, v5;
	_ =	sdelay $0x3  }
0x2b1: {  	[tilespmem:s0+$0xB310] =	vst v1  }
0x2b2: {  	v1 =	vld.idx.msk [tilespmem:v5+s16+$0x0], $0xffff;
	v5 =	vadd.s32 v45, v3  }
0x2b3: {  	v5 =	vor.u32 v4, v5;
	_ =	sdelay $0x3  }
0x2b4: {  	[tilespmem:s0+$0xB320] =	vst v1  }
0x2b5: {  	v1 =	vld.idx.msk [tilespmem:v5+s16+$0x0], $0xffff;
	v5 =	vadd.s32 v46, v3  }
0x2b6: {  	v5 =	vor.u32 v4, v5;
	_ =	sdelay $0x3  }
0x2b7: {  	[tilespmem:s0+$0xB330] =	vst v1  }
0x2b8: {  	v1 =	vld.idx.msk [tilespmem:v5+s16+$0x0], $0xffff;
	v5 =	vadd.s32 v47, v3  }
0x2b9: {  	v5 =	vor.u32 v4, v5;
	_ =	sdelay $0x3  }
0x2ba: {  	[tilespmem:s0+$0xB340] =	vst v1  }
0x2bb: {  	v1 =	vld.idx.msk [tilespmem:v5+s16+$0x0], $0xffff;
	v5 =	vadd.s32 v48, v3  }
0x2bc: {  	v5 =	vor.u32 v4, v5;
	_ =	sdelay $0x3  }
0x2bd: {  	[tilespmem:s0+$0xB350] =	vst v1  }
0x2be: {  	v3 =	vadd.s32 v49, v3;
	v1 =	vld.idx.msk [tilespmem:v5+s16+$0x0], $0xffff  }
0x2bf: {  	v3 =	vor.u32 v4, v3  }
0x2c0: {  	s3 =	simm.s32 $0x1  }
0x2c1: {  	s12 =	simm.s32 $0x2;
	s11 =	simm.s32 $0x0;
	v4 =	vmov s3  }
.LBB2_4:
0x2c2: {  	p0 =	sne.s32 s12, $0x37;
	v5 =	vshrl.u32 v4, $0x3  }
0x2c3: {  	v50 =	vmul.u32 $0xC00, v5;
	[tilespmem:s0+$0xB360] =	vst v1  }
0x2c4: {  	v1 =	vshll.u32 v4, $0x7;
	v3 =	vld.idx.msk [tilespmem:v3+s16+$0x0], $0xffff  }
0x2c5: {  	v51 =	vand.u32 $0x380, v1;
	v1 =	vadd.s32 v26, v50  }
0x2c6: {  	v1 =	vor.u32 v51, v1;
	_ =	sdelay $0x3  }
0x2c7: {  	[tilespmem:s0+$0xB370] =	vst v3  }
0x2c8: {  	v1 =	vld.idx.msk [tilespmem:v1+s16+$0x0], $0xffff  }
0x2c9: {  	s0 =	sshrl.u32 s3, $0x3;
	v3 =	vadd.s32 v27, v50;
	s3 =	smov.u32 s12  }
0x2ca: {  	s0 =	smul.u32 $0x3000, s0;
	v3 =	vor.u32 v51, v3  }
0x2cb: {  	s11 =	sadd.s32 $0x80, s11  }
0x2cc: {  	s13 =	sand.u32 $0x380, s11;
	s0 =	sshra.s32 s0, $0x2  }
0x2cd: {  	s0 =	sor.u32 s13, s0  }
0x2ce: {  	[tilespmem:s0+$0xAB00] =	vst v1  }
0x2cf: {  	v1 =	vld.idx.msk [tilespmem:v3+s16+$0x0], $0xffff  }
0x2d0: {  	v3 =	vadd.s32 v28, v50  }
0x2d1: {  	v3 =	vor.u32 v51, v3;
	_ =	sdelay $0x3  }
0x2d2: {  	[tilespmem:s0+$0xAB10] =	vst v1  }
0x2d3: {  	v1 =	vld.idx.msk [tilespmem:v3+s16+$0x0], $0xffff  }
0x2d4: {  	v3 =	vadd.s32 v29, v50  }
0x2d5: {  	v3 =	vor.u32 v51, v3;
	_ =	sdelay $0x3  }
0x2d6: {  	[tilespmem:s0+$0xAB20] =	vst v1  }
0x2d7: {  	v1 =	vld.idx.msk [tilespmem:v3+s16+$0x0], $0xffff  }
0x2d8: {  	v3 =	vadd.s32 v30, v50  }
0x2d9: {  	v3 =	vor.u32 v51, v3;
	_ =	sdelay $0x3  }
0x2da: {  	[tilespmem:s0+$0xAB30] =	vst v1  }
0x2db: {  	v1 =	vld.idx.msk [tilespmem:v3+s16+$0x0], $0xffff  }
0x2dc: {  	v3 =	vadd.s32 v31, v50  }
0x2dd: {  	v3 =	vor.u32 v51, v3;
	_ =	sdelay $0x3  }
0x2de: {  	[tilespmem:s0+$0xAB40] =	vst v1  }
0x2df: {  	v1 =	vld.idx.msk [tilespmem:v3+s16+$0x0], $0xffff  }
0x2e0: {  	v3 =	vadd.s32 v32, v50  }
0x2e1: {  	v3 =	vor.u32 v51, v3;
	_ =	sdelay $0x3  }
0x2e2: {  	[tilespmem:s0+$0xAB50] =	vst v1  }
0x2e3: {  	v1 =	vld.idx.msk [tilespmem:v3+s16+$0x0], $0xffff  }
0x2e4: {  	v3 =	vadd.s32 v33, v50  }
0x2e5: {  	v3 =	vor.u32 v51, v3;
	_ =	sdelay $0x3  }
0x2e6: {  	[tilespmem:s0+$0xAB60] =	vst v1  }
0x2e7: {  	v1 =	vld.idx.msk [tilespmem:v3+s16+$0x0], $0xffff  }
0x2e8: {  	v3 =	vadd.s32 v34, v50  }
0x2e9: {  	v3 =	vor.u32 v51, v3;
	_ =	sdelay $0x3  }
0x2ea: {  	[tilespmem:s0+$0xAB70] =	vst v1  }
0x2eb: {  	v1 =	vld.idx.msk [tilespmem:v3+s16+$0x0], $0xffff  }
0x2ec: {  	v3 =	vadd.s32 v35, v50  }
0x2ed: {  	v3 =	vor.u32 v51, v3;
	_ =	sdelay $0x3  }
0x2ee: {  	[tilespmem:s0+$0xAF00] =	vst v1  }
0x2ef: {  	v1 =	vld.idx.msk [tilespmem:v3+s16+$0x0], $0xffff  }
0x2f0: {  	v3 =	vadd.s32 v36, v50  }
0x2f1: {  	v3 =	vor.u32 v51, v3;
	_ =	sdelay $0x3  }
0x2f2: {  	[tilespmem:s0+$0xAF10] =	vst v1  }
0x2f3: {  	v1 =	vld.idx.msk [tilespmem:v3+s16+$0x0], $0xffff  }
0x2f4: {  	v3 =	vadd.s32 v37, v50  }
0x2f5: {  	v3 =	vor.u32 v51, v3;
	_ =	sdelay $0x3  }
0x2f6: {  	[tilespmem:s0+$0xAF20] =	vst v1  }
0x2f7: {  	v1 =	vld.idx.msk [tilespmem:v3+s16+$0x0], $0xffff  }
0x2f8: {  	v3 =	vadd.s32 v38, v50  }
0x2f9: {  	v3 =	vor.u32 v51, v3;
	_ =	sdelay $0x3  }
0x2fa: {  	[tilespmem:s0+$0xAF30] =	vst v1  }
0x2fb: {  	v1 =	vld.idx.msk [tilespmem:v3+s16+$0x0], $0xffff  }
0x2fc: {  	v3 =	vadd.s32 v39, v50  }
0x2fd: {  	v3 =	vor.u32 v51, v3;
	_ =	sdelay $0x3  }
0x2fe: {  	[tilespmem:s0+$0xAF40] =	vst v1  }
0x2ff: {  	v1 =	vld.idx.msk [tilespmem:v3+s16+$0x0], $0xffff  }
0x300: {  	v3 =	vadd.s32 v40, v50  }
0x301: {  	v3 =	vor.u32 v51, v3;
	_ =	sdelay $0x3  }
0x302: {  	[tilespmem:s0+$0xAF50] =	vst v1  }
0x303: {  	v1 =	vld.idx.msk [tilespmem:v3+s16+$0x0], $0xffff  }
0x304: {  	v3 =	vadd.s32 v41, v50  }
0x305: {  	v3 =	vor.u32 v51, v3;
	_ =	sdelay $0x3  }
0x306: {  	[tilespmem:s0+$0xAF60] =	vst v1  }
0x307: {  	v1 =	vld.idx.msk [tilespmem:v3+s16+$0x0], $0xffff  }
0x308: {  	v3 =	vadd.s32 v42, v50  }
0x309: {  	v3 =	vor.u32 v51, v3;
	_ =	sdelay $0x3  }
0x30a: {  	[tilespmem:s0+$0xAF70] =	vst v1  }
0x30b: {  	v1 =	vld.idx.msk [tilespmem:v3+s16+$0x0], $0xffff  }
0x30c: {  	v3 =	vadd.s32 v43, v50  }
0x30d: {  	v3 =	vor.u32 v51, v3;
	_ =	sdelay $0x3  }
0x30e: {  	[tilespmem:s0+$0xB300] =	vst v1  }
0x30f: {  	v1 =	vld.idx.msk [tilespmem:v3+s16+$0x0], $0xffff  }
0x310: {  	v3 =	vadd.s32 v44, v50  }
0x311: {  	v3 =	vor.u32 v51, v3;
	_ =	sdelay $0x3  }
0x312: {  	[tilespmem:s0+$0xB310] =	vst v1  }
0x313: {  	v1 =	vld.idx.msk [tilespmem:v3+s16+$0x0], $0xffff  }
0x314: {  	v3 =	vadd.s32 v45, v50  }
0x315: {  	v3 =	vor.u32 v51, v3;
	_ =	sdelay $0x3  }
0x316: {  	[tilespmem:s0+$0xB320] =	vst v1  }
0x317: {  	v1 =	vld.idx.msk [tilespmem:v3+s16+$0x0], $0xffff  }
0x318: {  	v3 =	vadd.s32 v46, v50  }
0x319: {  	v3 =	vor.u32 v51, v3;
	_ =	sdelay $0x3  }
0x31a: {  	[tilespmem:s0+$0xB330] =	vst v1  }
0x31b: {  	v1 =	vld.idx.msk [tilespmem:v3+s16+$0x0], $0xffff  }
0x31c: {  	v3 =	vadd.s32 v47, v50  }
0x31d: {  	v3 =	vor.u32 v51, v3;
	_ =	sdelay $0x3  }
0x31e: {  	[tilespmem:s0+$0xB340] =	vst v1  }
0x31f: {  	v1 =	vld.idx.msk [tilespmem:v3+s16+$0x0], $0xffff  }
0x320: {  	v3 =	vadd.s32 v48, v50  }
0x321: {  	v3 =	vor.u32 v51, v3;
	_ =	sdelay $0x3  }
0x322: {  	[tilespmem:s0+$0xB350] =	vst v1  }
.Ltmp4:
0x323: {  	v1 =	vld.idx.msk [tilespmem:v3+s16+$0x0], $0xffff;
	(pc) =	sbr.rel @p0 .LBB2_4-.Ltmp4, $3  }
0x324: {  	v3 =	vadd.s32 v49, v50  }
0x325: {  	v3 =	vor.u32 v51, v3;
	_ =	sdelay $0x1  }
0x326: {  	s12 =	sadd.s32 $0x1, s12;
	v4 =	vmov s3  }
0x327: {  	_ = 	snop  }
0x328: {  	v5 =	vshrl.u32 v4, $0x3  }
0x329: {  	v5 =	vmul.u32 $0xC00, v5  }
0x32a: {  	[tilespmem:s0+$0xB360] =	vst v1;
	v1 =	vshll.u32 v4, $0x7  }
0x32b: {  	v3 =	vld.idx.msk [tilespmem:v3+s16+$0x0], $0xffff;
	v1 =	vand.u32 $0x380, v1;
	v4 =	vadd.s32 v26, v5  }
0x32c: {  	v4 =	vor.u32 v1, v4;
	_ =	sdelay $0x3  }
0x32d: {  	[tilespmem:s0+$0xB370] =	vst v3  }
0x32e: {  	s12 =	sshrl.u32 s3, $0x3;
	v3 =	vld.idx.msk [tilespmem:v4+s16+$0x0], $0xffff;
	v4 =	vadd.s32 v27, v5  }
0x32f: {  	s0 =	smul.u32 $0x3000, s12;
	v4 =	vor.u32 v1, v4  }
0x330: {  	s13 =	sadd.s32 $0x80, s11  }
0x331: {  	s3 =	sand.u32 $0x380, s13;
	s0 =	sshra.s32 s0, $0x2  }
0x332: {  	s3 =	sor.u32 s3, s0  }
0x333: {  	[tilespmem:s3+$0xAB00] =	vst v3  }
0x334: {  	v3 =	vld.idx.msk [tilespmem:v4+s16+$0x0], $0xffff;
	v4 =	vadd.s32 v28, v5  }
0x335: {  	v4 =	vor.u32 v1, v4;
	_ =	sdelay $0x3  }
0x336: {  	[tilespmem:s3+$0xAB10] =	vst v3  }
0x337: {  	v3 =	vld.idx.msk [tilespmem:v4+s16+$0x0], $0xffff;
	v4 =	vadd.s32 v29, v5  }
0x338: {  	v4 =	vor.u32 v1, v4;
	_ =	sdelay $0x3  }
0x339: {  	[tilespmem:s3+$0xAB20] =	vst v3  }
0x33a: {  	v3 =	vld.idx.msk [tilespmem:v4+s16+$0x0], $0xffff;
	v4 =	vadd.s32 v30, v5  }
0x33b: {  	v4 =	vor.u32 v1, v4;
	_ =	sdelay $0x3  }
0x33c: {  	[tilespmem:s3+$0xAB30] =	vst v3  }
0x33d: {  	v3 =	vld.idx.msk [tilespmem:v4+s16+$0x0], $0xffff;
	v4 =	vadd.s32 v31, v5  }
0x33e: {  	v4 =	vor.u32 v1, v4;
	_ =	sdelay $0x3  }
0x33f: {  	[tilespmem:s3+$0xAB40] =	vst v3  }
0x340: {  	v3 =	vld.idx.msk [tilespmem:v4+s16+$0x0], $0xffff;
	v4 =	vadd.s32 v32, v5  }
0x341: {  	v4 =	vor.u32 v1, v4;
	_ =	sdelay $0x3  }
0x342: {  	[tilespmem:s3+$0xAB50] =	vst v3  }
0x343: {  	v3 =	vld.idx.msk [tilespmem:v4+s16+$0x0], $0xffff;
	v4 =	vadd.s32 v33, v5  }
0x344: {  	v4 =	vor.u32 v1, v4;
	_ =	sdelay $0x3  }
0x345: {  	[tilespmem:s3+$0xAB60] =	vst v3  }
0x346: {  	v3 =	vld.idx.msk [tilespmem:v4+s16+$0x0], $0xffff;
	v4 =	vadd.s32 v34, v5  }
0x347: {  	v4 =	vor.u32 v1, v4;
	_ =	sdelay $0x3  }
0x348: {  	[tilespmem:s3+$0xAB70] =	vst v3  }
0x349: {  	v3 =	vld.idx.msk [tilespmem:v4+s16+$0x0], $0xffff;
	v4 =	vadd.s32 v35, v5  }
0x34a: {  	v4 =	vor.u32 v1, v4;
	_ =	sdelay $0x3  }
0x34b: {  	[tilespmem:s3+$0xAF00] =	vst v3  }
0x34c: {  	v3 =	vld.idx.msk [tilespmem:v4+s16+$0x0], $0xffff;
	v4 =	vadd.s32 v36, v5  }
0x34d: {  	v4 =	vor.u32 v1, v4;
	_ =	sdelay $0x3  }
0x34e: {  	[tilespmem:s3+$0xAF10] =	vst v3  }
0x34f: {  	v3 =	vld.idx.msk [tilespmem:v4+s16+$0x0], $0xffff;
	v4 =	vadd.s32 v37, v5  }
0x350: {  	v4 =	vor.u32 v1, v4;
	_ =	sdelay $0x3  }
0x351: {  	[tilespmem:s3+$0xAF20] =	vst v3  }
0x352: {  	v3 =	vld.idx.msk [tilespmem:v4+s16+$0x0], $0xffff;
	v4 =	vadd.s32 v38, v5  }
0x353: {  	v4 =	vor.u32 v1, v4;
	_ =	sdelay $0x3  }
0x354: {  	[tilespmem:s3+$0xAF30] =	vst v3  }
0x355: {  	v3 =	vld.idx.msk [tilespmem:v4+s16+$0x0], $0xffff;
	v4 =	vadd.s32 v39, v5  }
0x356: {  	v4 =	vor.u32 v1, v4;
	_ =	sdelay $0x3  }
0x357: {  	[tilespmem:s3+$0xAF40] =	vst v3  }
0x358: {  	v3 =	vld.idx.msk [tilespmem:v4+s16+$0x0], $0xffff;
	v4 =	vadd.s32 v40, v5  }
0x359: {  	v4 =	vor.u32 v1, v4;
	_ =	sdelay $0x3  }
0x35a: {  	[tilespmem:s3+$0xAF50] =	vst v3  }
0x35b: {  	v3 =	vld.idx.msk [tilespmem:v4+s16+$0x0], $0xffff;
	v4 =	vadd.s32 v41, v5  }
0x35c: {  	v4 =	vor.u32 v1, v4;
	_ =	sdelay $0x3  }
0x35d: {  	[tilespmem:s3+$0xAF60] =	vst v3  }
0x35e: {  	v3 =	vld.idx.msk [tilespmem:v4+s16+$0x0], $0xffff;
	v4 =	vadd.s32 v42, v5  }
0x35f: {  	v4 =	vor.u32 v1, v4;
	_ =	sdelay $0x3  }
0x360: {  	[tilespmem:s3+$0xAF70] =	vst v3  }
0x361: {  	v3 =	vld.idx.msk [tilespmem:v4+s16+$0x0], $0xffff;
	v4 =	vadd.s32 v43, v5  }
0x362: {  	v4 =	vor.u32 v1, v4;
	_ =	sdelay $0x3  }
0x363: {  	[tilespmem:s3+$0xB300] =	vst v3  }
0x364: {  	v3 =	vld.idx.msk [tilespmem:v4+s16+$0x0], $0xffff;
	v4 =	vadd.s32 v44, v5  }
0x365: {  	v4 =	vor.u32 v1, v4;
	_ =	sdelay $0x3  }
0x366: {  	[tilespmem:s3+$0xB310] =	vst v3  }
0x367: {  	v3 =	vld.idx.msk [tilespmem:v4+s16+$0x0], $0xffff;
	v4 =	vadd.s32 v45, v5  }
0x368: {  	v4 =	vor.u32 v1, v4;
	_ =	sdelay $0x3  }
0x369: {  	[tilespmem:s3+$0xB320] =	vst v3  }
0x36a: {  	v3 =	vld.idx.msk [tilespmem:v4+s16+$0x0], $0xffff;
	v4 =	vadd.s32 v46, v5  }
0x36b: {  	v4 =	vor.u32 v1, v4;
	_ =	sdelay $0x3  }
0x36c: {  	[tilespmem:s3+$0xB330] =	vst v3  }
0x36d: {  	v3 =	vld.idx.msk [tilespmem:v4+s16+$0x0], $0xffff;
	v4 =	vadd.s32 v47, v5  }
0x36e: {  	v4 =	vor.u32 v1, v4;
	_ =	sdelay $0x3  }
0x36f: {  	[tilespmem:s3+$0xB340] =	vst v3  }
0x370: {  	v3 =	vld.idx.msk [tilespmem:v4+s16+$0x0], $0xffff;
	v4 =	vadd.s32 v48, v5  }
0x371: {  	v4 =	vor.u32 v1, v4;
	_ =	sdelay $0x3  }
0x372: {  	[tilespmem:s3+$0xB350] =	vst v3  }
0x373: {  	v3 =	vld.idx.msk [tilespmem:v4+s16+$0x0], $0xffff;
	v4 =	vadd.s32 v49, v5  }
0x374: {  	v1 =	vor.u32 v1, v4;
	_ =	sdelay $0x3  }
0x375: {  	[tilespmem:s3+$0xB360] =	vst v3  }
0x376: {  	v1 =	vld.idx.msk [tilespmem:v1+s16+$0x0], $0xffff  }
0x377: {  	s0 =	smul.u32 $0x70, s2;
	_ =	sdelay $0x1  }
0x378: {  	s9 =	sadd.s32 s5, s0  }
0x379: {  	p0 =	seq.s32 s2, $0xD;
	s11 =	sshrl.u32 s9, $0x3  }
0x37a: {  	s11 =	smul.u32 $0x180, s11;
	[tilespmem:s3+$0xB370] =	vst v1;
	s3 =	sadd.s32 @!p0 s0, s8  }
0x37b: {  	s3 =	sshrl.u32 @!p0 s3, $0x3  }
0x37c: {  	s11 =	sadd.s32 s4, s11;
	s3 =	smul.u32 @!p0 $0x180, s3  }
0x37d: {  	[hbm4b:s11+s6] =	stream.linear.scatter [tilespmem:s20], [sflag:$0x4], $0x5400, $0x38;
	[tilespmem:$0x1FB00] =	vst v63  }
0x37e: {  	s12 =	simm.s32 @!p0 $0x300;
	s11 =	simm.s32 @!p0 $0x0;
	s3 =	sadd.s32 @!p0 s1, s3  }
0x37f: {  	[tilespmem:s12], [sflag:$0x1] =	stream.linear.gather @!p0 [hbm4b:s3+s11], $0x5400, $0x38;
	[tilespmem:$0x1FB00] =	vst v63  }
0x380: {  	s3 =	simm.s32 $0x0  }
0x381: {  	v1 =	vmov s3  }
0x382: {  	v3 =	vshrl.u32 v1, $0x3  }
0x383: {  	p1 =	seq.s32 @!p0 s2, $0x0;
	v3 =	vmul.u32 $0xC00, v3  }
0x384: {  	p1 =	por p0, !p1;
	v1 =	vshll.u32 v1, $0x7  }
0x385: {  	_ =	swait.ge @p1 [sflag:s23], $0x5400;
	v1 =	vand.u32 $0x380, v1;
	v4 =	vadd.s32 v26, v3  }
0x386: {  	[sflag:s23] =	ssyncset.done @p1 $0x0;
	v4 =	vor.u32 v1, v4  }
0x387: {  	[sflag:s23] =	ssyncadd.s32 @p1 $0xFFFFAC00  }
0x388: {  	_ =	swait.ge @p1 [sflag:s26], $0x5400  }
0x389: {  	[sflag:s26] =	ssyncset.done @p1 $0x0  }
0x38a: {  	[sflag:s26] =	ssyncadd.s32 @p1 $0xFFFFAC00  }
0x38b: {  	s12 =	simm.s32 $0x0;
	v5 =	vadd.s32 v27, v3;
	v4 =	vld.idx.msk [tilespmem:v4+s17+$0x0], $0xffff  }
0x38c: {  	s11 =	smul.u32 $0x3000, s12;
	v5 =	vor.u32 v1, v5;
	_ =	sdelay $0x1  }
0x38d: {  	s13 =	sand.u32 $0x380, s3;
	s11 =	sshra.s32 s11, $0x2  }
0x38e: {  	s11 =	sor.u32 s13, s11  }
0x38f: {  	[tilespmem:s11+$0xFF00] =	vst v4  }
0x390: {  	v4 =	vadd.s32 v28, v3;
	v5 =	vld.idx.msk [tilespmem:v5+s17+$0x0], $0xffff  }
0x391: {  	v4 =	vor.u32 v1, v4;
	_ =	sdelay $0x3  }
0x392: {  	[tilespmem:s11+$0xFF10] =	vst v5  }
0x393: {  	v5 =	vadd.s32 v29, v3;
	v4 =	vld.idx.msk [tilespmem:v4+s17+$0x0], $0xffff  }
0x394: {  	v5 =	vor.u32 v1, v5;
	_ =	sdelay $0x3  }
0x395: {  	[tilespmem:s11+$0xFF20] =	vst v4  }
0x396: {  	v4 =	vadd.s32 v30, v3;
	v5 =	vld.idx.msk [tilespmem:v5+s17+$0x0], $0xffff  }
0x397: {  	v4 =	vor.u32 v1, v4;
	_ =	sdelay $0x3  }
0x398: {  	[tilespmem:s11+$0xFF30] =	vst v5  }
0x399: {  	v5 =	vadd.s32 v31, v3;
	v4 =	vld.idx.msk [tilespmem:v4+s17+$0x0], $0xffff  }
0x39a: {  	v5 =	vor.u32 v1, v5;
	_ =	sdelay $0x3  }
0x39b: {  	[tilespmem:s11+$0xFF40] =	vst v4  }
0x39c: {  	v4 =	vadd.s32 v32, v3;
	v5 =	vld.idx.msk [tilespmem:v5+s17+$0x0], $0xffff  }
0x39d: {  	v4 =	vor.u32 v1, v4;
	_ =	sdelay $0x3  }
0x39e: {  	[tilespmem:s11+$0xFF50] =	vst v5  }
0x39f: {  	v5 =	vadd.s32 v33, v3;
	v4 =	vld.idx.msk [tilespmem:v4+s17+$0x0], $0xffff  }
0x3a0: {  	v5 =	vor.u32 v1, v5;
	_ =	sdelay $0x3  }
0x3a1: {  	[tilespmem:s11+$0xFF60] =	vst v4  }
0x3a2: {  	v4 =	vadd.s32 v34, v3;
	v5 =	vld.idx.msk [tilespmem:v5+s17+$0x0], $0xffff  }
0x3a3: {  	v4 =	vor.u32 v1, v4;
	_ =	sdelay $0x3  }
0x3a4: {  	[tilespmem:s11+$0xFF70] =	vst v5  }
0x3a5: {  	v5 =	vadd.s32 v35, v3;
	v4 =	vld.idx.msk [tilespmem:v4+s17+$0x0], $0xffff  }
0x3a6: {  	v5 =	vor.u32 v1, v5;
	_ =	sdelay $0x3  }
0x3a7: {  	[tilespmem:s11+$0x10300] =	vst v4  }
0x3a8: {  	v4 =	vadd.s32 v36, v3;
	v5 =	vld.idx.msk [tilespmem:v5+s17+$0x0], $0xffff  }
0x3a9: {  	v4 =	vor.u32 v1, v4;
	_ =	sdelay $0x2  }
0x3aa: {  	s12 =	sadd.s32 $0x10300, s11  }
0x3ab: {  	[tilespmem:s12+$0x10] =	vst v5  }
0x3ac: {  	v5 =	vadd.s32 v37, v3;
	v4 =	vld.idx.msk [tilespmem:v4+s17+$0x0], $0xffff  }
0x3ad: {  	v5 =	vor.u32 v1, v5;
	_ =	sdelay $0x3  }
0x3ae: {  	[tilespmem:s12+$0x20] =	vst v4  }
0x3af: {  	v4 =	vadd.s32 v38, v3;
	v5 =	vld.idx.msk [tilespmem:v5+s17+$0x0], $0xffff  }
0x3b0: {  	v4 =	vor.u32 v1, v4;
	_ =	sdelay $0x3  }
0x3b1: {  	[tilespmem:s12+$0x30] =	vst v5  }
0x3b2: {  	v5 =	vadd.s32 v39, v3;
	v4 =	vld.idx.msk [tilespmem:v4+s17+$0x0], $0xffff  }
0x3b3: {  	v5 =	vor.u32 v1, v5;
	_ =	sdelay $0x3  }
0x3b4: {  	[tilespmem:s12+$0x40] =	vst v4  }
0x3b5: {  	v4 =	vadd.s32 v40, v3;
	v5 =	vld.idx.msk [tilespmem:v5+s17+$0x0], $0xffff  }
0x3b6: {  	v4 =	vor.u32 v1, v4;
	_ =	sdelay $0x3  }
0x3b7: {  	[tilespmem:s12+$0x50] =	vst v5  }
0x3b8: {  	v5 =	vadd.s32 v41, v3;
	v4 =	vld.idx.msk [tilespmem:v4+s17+$0x0], $0xffff  }
0x3b9: {  	v5 =	vor.u32 v1, v5;
	_ =	sdelay $0x3  }
0x3ba: {  	[tilespmem:s12+$0x60] =	vst v4  }
0x3bb: {  	v4 =	vadd.s32 v42, v3;
	v5 =	vld.idx.msk [tilespmem:v5+s17+$0x0], $0xffff  }
0x3bc: {  	v4 =	vor.u32 v1, v4;
	_ =	sdelay $0x3  }
0x3bd: {  	[tilespmem:s12+$0x70] =	vst v5  }
0x3be: {  	v5 =	vadd.s32 v43, v3;
	v4 =	vld.idx.msk [tilespmem:v4+s17+$0x0], $0xffff  }
0x3bf: {  	v5 =	vor.u32 v1, v5;
	_ =	sdelay $0x3  }
0x3c0: {  	[tilespmem:s11+$0x10700] =	vst v4  }
0x3c1: {  	v4 =	vadd.s32 v44, v3;
	v5 =	vld.idx.msk [tilespmem:v5+s17+$0x0], $0xffff  }
0x3c2: {  	v4 =	vor.u32 v1, v4;
	_ =	sdelay $0x2  }
0x3c3: {  	s13 =	sadd.s32 $0x10700, s11  }
0x3c4: {  	[tilespmem:s13+$0x10] =	vst v5  }
0x3c5: {  	v5 =	vadd.s32 v45, v3;
	v4 =	vld.idx.msk [tilespmem:v4+s17+$0x0], $0xffff  }
0x3c6: {  	v5 =	vor.u32 v1, v5;
	_ =	sdelay $0x3  }
0x3c7: {  	[tilespmem:s13+$0x20] =	vst v4  }
0x3c8: {  	v4 =	vadd.s32 v46, v3;
	v5 =	vld.idx.msk [tilespmem:v5+s17+$0x0], $0xffff  }
0x3c9: {  	v4 =	vor.u32 v1, v4;
	_ =	sdelay $0x3  }
0x3ca: {  	[tilespmem:s13+$0x30] =	vst v5  }
0x3cb: {  	v5 =	vadd.s32 v47, v3;
	v4 =	vld.idx.msk [tilespmem:v4+s17+$0x0], $0xffff  }
0x3cc: {  	v5 =	vor.u32 v1, v5;
	_ =	sdelay $0x3  }
0x3cd: {  	[tilespmem:s13+$0x40] =	vst v4  }
0x3ce: {  	v4 =	vadd.s32 v48, v3;
	v5 =	vld.idx.msk [tilespmem:v5+s17+$0x0], $0xffff  }
0x3cf: {  	v4 =	vor.u32 v1, v4;
	_ =	sdelay $0x3  }
0x3d0: {  	[tilespmem:s13+$0x50] =	vst v5  }
0x3d1: {  	s11 =	simm.s32 $0x1;
	v3 =	vadd.s32 v49, v3;
	v4 =	vld.idx.msk [tilespmem:v4+s17+$0x0], $0xffff  }
0x3d2: {  	v6 =	vmov s11;
	v1 =	vor.u32 v1, v3  }
0x3d3: {  	v5 =	vshrl.u32 v6, $0x3  }
0x3d4: {  	v53 =	vmul.u32 $0xC00, v5  }
0x3d5: {  	v3 =	vshll.u32 v6, $0x7  }
0x3d6: {  	v50 =	vand.u32 $0x380, v3;
	v3 =	vadd.s32 v26, v53;
	v5 =	vadd.s32 v27, v53;
	[tilespmem:s13+$0x60] =	vst v4  }
0x3d7: {  	v52 =	vor.u32 v50, v3;
	v51 =	vor.u32 v50, v5;
	v3 =	vadd.s32 v28, v53;
	v54 =	vld.idx.msk [tilespmem:v1+s17+$0x0], $0xffff  }
0x3d8: {  	v5 =	vadd.s32 v30, v53;
	v7 =	vor.u32 v50, v3;
	v3 =	vadd.s32 v29, v53  }
0x3d9: {  	v5 =	vor.u32 v50, v5;
	v6 =	vor.u32 v50, v3;
	v3 =	vadd.s32 v31, v53  }
0x3da: {  	s12 =	simm.s32 $0x2;
	v4 =	vor.u32 v50, v3;
	v3 =	vadd.s32 v32, v53;
	v1 =	vadd.s32 v33, v53  }
.LBB2_6:
0x3db: {  	p1 =	sne.s32 s12, $0x37  }
0x3dc: {  	v55 =	vadd.s32 v34, v53;
	v56 =	vadd.s32 v35, v53;
	v57 =	vadd.s32 v36, v53;
	[tilespmem:s13+$0x70] =	vst v54;
	s3 =	sadd.s32 $0x80, s3;
	s13 =	smov.u32 s12;
	s12 =	sadd.s32 $0x1, s12  }
0x3dd: {  	v52 =	vld.idx.msk [tilespmem:v52+s17+$0x0], $0xffff;
	v8 =	vor.u32 v50, v55;
	v9 =	vor.u32 v50, v56;
	v10 =	vor.u32 v50, v57  }
0x3de: {  	s9 =	sshrl.u32 s11, $0x3;
	v54 =	vadd.s32 v37, v53;
	v55 =	vadd.s32 v38, v53;
	v56 =	vadd.s32 v39, v53;
	s11 =	smov.u32 s13  }
0x3df: {  	s9 =	smul.u32 $0x3000, s9;
	v11 =	vor.u32 v50, v54;
	v63 =	vor.u32 v50, v55;
	v62 =	vor.u32 v50, v56  }
0x3e0: {  	v54 =	vadd.s32 v40, v53;
	v55 =	vadd.s32 v41, v53;
	v56 =	vadd.s32 v42, v53  }
0x3e1: {  	s13 =	sand.u32 $0x380, s3;
	v61 =	vor.u32 v50, v54;
	s9 =	sshra.s32 s9, $0x2;
	v60 =	vor.u32 v50, v55;
	v59 =	vor.u32 v50, v56  }
0x3e2: {  	v54 =	vadd.s32 v43, v53;
	v55 =	vadd.s32 v44, v53;
	v56 =	vadd.s32 v45, v53;
	s13 =	sor.u32 s13, s9  }
0x3e3: {  	v58 =	vor.u32 v50, v54;
	v57 =	vor.u32 v50, v55;
	v56 =	vor.u32 v50, v56;
	[tilespmem:s13+$0xFF00] =	vst v52  }
0x3e4: {  	v13 =	vadd.s32 v48, v53;
	v52 =	vadd.s32 v47, v53;
	v12 =	vld.idx.msk [tilespmem:v51+s17+$0x0], $0xffff;
	v51 =	vadd.s32 v46, v53  }
0x3e5: {  	v54 =	vor.u32 v50, v52;
	v52 =	vor.u32 v50, v13;
	v55 =	vor.u32 v50, v51  }
0x3e6: {  	v13 =	vadd.s32 v49, v53  }
0x3e7: {  	v51 =	vor.u32 v50, v13;
	_ =	sdelay $0x2  }
0x3e8: {  	[tilespmem:s13+$0xFF10] =	vst v12  }
0x3e9: {  	v7 =	vld.idx.msk [tilespmem:v7+s17+$0x0], $0xffff;
	_ =	sdelay $0x5  }
0x3ea: {  	[tilespmem:s13+$0xFF20] =	vst v7  }
0x3eb: {  	v6 =	vld.idx.msk [tilespmem:v6+s17+$0x0], $0xffff;
	_ =	sdelay $0x5  }
0x3ec: {  	[tilespmem:s13+$0xFF30] =	vst v6  }
0x3ed: {  	v5 =	vld.idx.msk [tilespmem:v5+s17+$0x0], $0xffff;
	_ =	sdelay $0x5  }
0x3ee: {  	[tilespmem:s13+$0xFF40] =	vst v5  }
0x3ef: {  	v4 =	vld.idx.msk [tilespmem:v4+s17+$0x0], $0xffff;
	_ =	sdelay $0x1  }
0x3f0: {  	v3 =	vor.u32 v50, v3;
	_ =	sdelay $0x3  }
0x3f1: {  	[tilespmem:s13+$0xFF50] =	vst v4  }
0x3f2: {  	v3 =	vld.idx.msk [tilespmem:v3+s17+$0x0], $0xffff;
	_ =	sdelay $0x1  }
0x3f3: {  	v1 =	vor.u32 v50, v1;
	_ =	sdelay $0x3  }
0x3f4: {  	[tilespmem:s13+$0xFF60] =	vst v3  }
0x3f5: {  	v1 =	vld.idx.msk [tilespmem:v1+s17+$0x0], $0xffff;
	_ =	sdelay $0x5  }
0x3f6: {  	[tilespmem:s13+$0xFF70] =	vst v1  }
0x3f7: {  	v1 =	vld.idx.msk [tilespmem:v8+s17+$0x0], $0xffff;
	_ =	sdelay $0x5  }
0x3f8: {  	[tilespmem:s13+$0x10300] =	vst v1  }
0x3f9: {  	v1 =	vld.idx.msk [tilespmem:v9+s17+$0x0], $0xffff;
	_ =	sdelay $0x4  }
0x3fa: {  	s9 =	sadd.s32 $0x10300, s13  }
0x3fb: {  	[tilespmem:s9+$0x10] =	vst v1  }
0x3fc: {  	v1 =	vld.idx.msk [tilespmem:v10+s17+$0x0], $0xffff;
	_ =	sdelay $0x5  }
0x3fd: {  	[tilespmem:s9+$0x20] =	vst v1  }
0x3fe: {  	v1 =	vld.idx.msk [tilespmem:v11+s17+$0x0], $0xffff;
	_ =	sdelay $0x5  }
0x3ff: {  	[tilespmem:s9+$0x30] =	vst v1  }
0x400: {  	v1 =	vld.idx.msk [tilespmem:v63+s17+$0x0], $0xffff;
	_ =	sdelay $0x5  }
0x401: {  	[tilespmem:s9+$0x40] =	vst v1  }
0x402: {  	v1 =	vld.idx.msk [tilespmem:v62+s17+$0x0], $0xffff;
	_ =	sdelay $0x5  }
0x403: {  	[tilespmem:s9+$0x50] =	vst v1  }
0x404: {  	v1 =	vld.idx.msk [tilespmem:v61+s17+$0x0], $0xffff;
	_ =	sdelay $0x5  }
0x405: {  	[tilespmem:s9+$0x60] =	vst v1  }
0x406: {  	v1 =	vld.idx.msk [tilespmem:v60+s17+$0x0], $0xffff;
	_ =	sdelay $0x5  }
0x407: {  	[tilespmem:s9+$0x70] =	vst v1  }
0x408: {  	v1 =	vld.idx.msk [tilespmem:v59+s17+$0x0], $0xffff;
	_ =	sdelay $0x5  }
0x409: {  	[tilespmem:s13+$0x10700] =	vst v1  }
0x40a: {  	v1 =	vld.idx.msk [tilespmem:v58+s17+$0x0], $0xffff;
	_ =	sdelay $0x4  }
0x40b: {  	s13 =	sadd.s32 $0x10700, s13  }
0x40c: {  	[tilespmem:s13+$0x10] =	vst v1  }
0x40d: {  	v1 =	vld.idx.msk [tilespmem:v57+s17+$0x0], $0xffff;
	_ =	sdelay $0x5  }
0x40e: {  	[tilespmem:s13+$0x20] =	vst v1  }
0x40f: {  	v1 =	vld.idx.msk [tilespmem:v56+s17+$0x0], $0xffff;
	_ =	sdelay $0x5  }
0x410: {  	[tilespmem:s13+$0x30] =	vst v1  }
0x411: {  	v1 =	vld.idx.msk [tilespmem:v55+s17+$0x0], $0xffff;
	_ =	sdelay $0x5  }
0x412: {  	[tilespmem:s13+$0x40] =	vst v1  }
0x413: {  	v1 =	vld.idx.msk [tilespmem:v54+s17+$0x0], $0xffff;
	_ =	sdelay $0x5  }
0x414: {  	[tilespmem:s13+$0x50] =	vst v1  }
0x415: {  	v1 =	vld.idx.msk [tilespmem:v52+s17+$0x0], $0xffff;
	_ =	sdelay $0x3  }
0x416: {  	v3 =	vmov s11  }
0x417: {  	v4 =	vshrl.u32 v3, $0x3;
	v3 =	vshll.u32 v3, $0x7  }
0x418: {  	v53 =	vmul.u32 $0xC00, v4;
	[tilespmem:s13+$0x60] =	vst v1  }
0x419: {  	v54 =	vld.idx.msk [tilespmem:v51+s17+$0x0], $0xffff  }
.Ltmp5:
0x41a: {  	v50 =	vand.u32 $0x380, v3;
	v3 =	vadd.s32 v27, v53;
	v1 =	vadd.s32 v26, v53;
	(pc) =	sbr.rel @p1 .LBB2_6-.Ltmp5, $4  }
0x41b: {  	v52 =	vor.u32 v50, v1;
	v51 =	vor.u32 v50, v3;
	v1 =	vadd.s32 v28, v53  }
0x41c: {  	v3 =	vadd.s32 v30, v53;
	v7 =	vor.u32 v50, v1;
	v1 =	vadd.s32 v29, v53  }
0x41d: {  	v5 =	vor.u32 v50, v3;
	v6 =	vor.u32 v50, v1;
	v1 =	vadd.s32 v31, v53  }
0x41e: {  	v3 =	vadd.s32 v32, v53;
	v4 =	vor.u32 v50, v1;
	v1 =	vadd.s32 v33, v53  }
0x41f: {  	_ =	sdelay $0x2  }
0x420: {  	[tilespmem:s13+$0x70] =	vst v54  }
0x421: {  	s9 =	sshrl.u32 s11, $0x3;
	v8 =	vld.idx.msk [tilespmem:v52+s17+$0x0], $0xffff  }
0x422: {  	s9 =	smul.u32 $0x3000, s9  }
0x423: {  	s3 =	sadd.s32 $0x80, s3  }
0x424: {  	s3 =	sand.u32 $0x380, s3;
	s9 =	sshra.s32 s9, $0x2  }
0x425: {  	s3 =	sor.u32 s3, s9  }
0x426: {  	[tilespmem:s3+$0xFF00] =	vst v8  }
0x427: {  	v8 =	vld.idx.msk [tilespmem:v51+s17+$0x0], $0xffff;
	_ =	sdelay $0x4  }
0x428: {  	[tilespmem:s3+$0xFF10] =	vst v8  }
0x429: {  	v7 =	vld.idx.msk [tilespmem:v7+s17+$0x0], $0xffff;
	_ =	sdelay $0x4  }
0x42a: {  	[tilespmem:s3+$0xFF20] =	vst v7  }
0x42b: {  	v6 =	vld.idx.msk [tilespmem:v6+s17+$0x0], $0xffff;
	_ =	sdelay $0x4  }
0x42c: {  	[tilespmem:s3+$0xFF30] =	vst v6  }
0x42d: {  	v5 =	vld.idx.msk [tilespmem:v5+s17+$0x0], $0xffff;
	_ =	sdelay $0x4  }
0x42e: {  	[tilespmem:s3+$0xFF40] =	vst v5  }
0x42f: {  	v4 =	vld.idx.msk [tilespmem:v4+s17+$0x0], $0xffff  }
0x430: {  	v3 =	vor.u32 v50, v3;
	_ =	sdelay $0x3  }
0x431: {  	[tilespmem:s3+$0xFF50] =	vst v4  }
0x432: {  	v3 =	vld.idx.msk [tilespmem:v3+s17+$0x0], $0xffff  }
0x433: {  	v1 =	vor.u32 v50, v1;
	_ =	sdelay $0x3  }
0x434: {  	[tilespmem:s3+$0xFF60] =	vst v3  }
0x435: {  	v3 =	vadd.s32 v34, v53;
	v1 =	vld.idx.msk [tilespmem:v1+s17+$0x0], $0xffff  }
0x436: {  	v3 =	vor.u32 v50, v3;
	_ =	sdelay $0x3  }
0x437: {  	[tilespmem:s3+$0xFF70] =	vst v1  }
0x438: {  	v1 =	vadd.s32 v35, v53;
	v3 =	vld.idx.msk [tilespmem:v3+s17+$0x0], $0xffff  }
0x439: {  	v1 =	vor.u32 v50, v1;
	_ =	sdelay $0x3  }
0x43a: {  	[tilespmem:s3+$0x10300] =	vst v3  }
0x43b: {  	v3 =	vadd.s32 v36, v53;
	v1 =	vld.idx.msk [tilespmem:v1+s17+$0x0], $0xffff  }
0x43c: {  	v3 =	vor.u32 v50, v3;
	_ =	sdelay $0x2  }
0x43d: {  	s9 =	sadd.s32 $0x10300, s3  }
0x43e: {  	[tilespmem:s9+$0x10] =	vst v1  }
0x43f: {  	v1 =	vadd.s32 v37, v53;
	v3 =	vld.idx.msk [tilespmem:v3+s17+$0x0], $0xffff  }
0x440: {  	v1 =	vor.u32 v50, v1;
	_ =	sdelay $0x3  }
0x441: {  	[tilespmem:s9+$0x20] =	vst v3  }
0x442: {  	v3 =	vadd.s32 v38, v53;
	v1 =	vld.idx.msk [tilespmem:v1+s17+$0x0], $0xffff  }
0x443: {  	v3 =	vor.u32 v50, v3;
	_ =	sdelay $0x3  }
0x444: {  	[tilespmem:s9+$0x30] =	vst v1  }
0x445: {  	v1 =	vadd.s32 v39, v53;
	v3 =	vld.idx.msk [tilespmem:v3+s17+$0x0], $0xffff  }
0x446: {  	v1 =	vor.u32 v50, v1;
	_ =	sdelay $0x3  }
0x447: {  	[tilespmem:s9+$0x40] =	vst v3  }
0x448: {  	v3 =	vadd.s32 v40, v53;
	v1 =	vld.idx.msk [tilespmem:v1+s17+$0x0], $0xffff  }
0x449: {  	v3 =	vor.u32 v50, v3;
	_ =	sdelay $0x3  }
0x44a: {  	[tilespmem:s9+$0x50] =	vst v1  }
0x44b: {  	v1 =	vadd.s32 v41, v53;
	v3 =	vld.idx.msk [tilespmem:v3+s17+$0x0], $0xffff  }
0x44c: {  	v1 =	vor.u32 v50, v1;
	_ =	sdelay $0x3  }
0x44d: {  	[tilespmem:s9+$0x60] =	vst v3  }
0x44e: {  	v3 =	vadd.s32 v42, v53;
	v1 =	vld.idx.msk [tilespmem:v1+s17+$0x0], $0xffff  }
0x44f: {  	v3 =	vor.u32 v50, v3;
	_ =	sdelay $0x3  }
0x450: {  	[tilespmem:s9+$0x70] =	vst v1  }
0x451: {  	v1 =	vadd.s32 v43, v53;
	v3 =	vld.idx.msk [tilespmem:v3+s17+$0x0], $0xffff  }
0x452: {  	v1 =	vor.u32 v50, v1;
	_ =	sdelay $0x3  }
0x453: {  	[tilespmem:s3+$0x10700] =	vst v3  }
0x454: {  	v3 =	vadd.s32 v44, v53;
	v1 =	vld.idx.msk [tilespmem:v1+s17+$0x0], $0xffff  }
0x455: {  	v3 =	vor.u32 v50, v3;
	_ =	sdelay $0x2  }
0x456: {  	s3 =	sadd.s32 $0x10700, s3  }
0x457: {  	[tilespmem:s3+$0x10] =	vst v1  }
0x458: {  	v1 =	vadd.s32 v45, v53;
	v3 =	vld.idx.msk [tilespmem:v3+s17+$0x0], $0xffff  }
0x459: {  	v1 =	vor.u32 v50, v1;
	_ =	sdelay $0x3  }
0x45a: {  	[tilespmem:s3+$0x20] =	vst v3  }
0x45b: {  	v3 =	vadd.s32 v46, v53;
	v1 =	vld.idx.msk [tilespmem:v1+s17+$0x0], $0xffff  }
0x45c: {  	v3 =	vor.u32 v50, v3;
	_ =	sdelay $0x3  }
0x45d: {  	[tilespmem:s3+$0x30] =	vst v1  }
0x45e: {  	v1 =	vadd.s32 v47, v53;
	v3 =	vld.idx.msk [tilespmem:v3+s17+$0x0], $0xffff  }
0x45f: {  	v1 =	vor.u32 v50, v1;
	_ =	sdelay $0x3  }
0x460: {  	[tilespmem:s3+$0x40] =	vst v3  }
0x461: {  	v3 =	vadd.s32 v48, v53;
	v1 =	vld.idx.msk [tilespmem:v1+s17+$0x0], $0xffff  }
0x462: {  	v3 =	vor.u32 v50, v3;
	_ =	sdelay $0x3  }
0x463: {  	[tilespmem:s3+$0x50] =	vst v1  }
0x464: {  	v1 =	vadd.s32 v49, v53;
	v3 =	vld.idx.msk [tilespmem:v3+s17+$0x0], $0xffff  }
0x465: {  	v1 =	vor.u32 v50, v1;
	_ =	sdelay $0x3  }
0x466: {  	[tilespmem:s3+$0x60] =	vst v3  }
0x467: {  	v1 =	vld.idx.msk [tilespmem:v1+s17+$0x0], $0xffff  }
0x468: {  	s12 =	sadd.s32 s0, s7  }
.Ltmp6:
0x469: {  	s9 =	sshrl.u32 s12, $0x3;
	(pc) =	sbr.rel @p0 .LBB2_9-.Ltmp6, $3  }
0x46a: {  	s9 =	smul.u32 $0x180, s9;
	_ =	sdelay $0x1  }
0x46b: {  	s13 =	sadd.s32 s4, s9;
	[tilespmem:s3+$0x70] =	vst v1  }
0x46c: {  	[hbm4b:s13+s6] =	stream.linear.scatter [tilespmem:s29], [sflag:$0x5], $0x5400, $0x38;
	[tilespmem:$0x1FB00] =	vst v63  }
0x46d: {  	s0 =	sadd.s32 s0, s15  }
.Ltmp7:
0x46e: {  	s0 =	sshrl.u32 s0, $0x3;
	(pc) =	sbr.rel .LBB2_3-.Ltmp7, $3  }
0x46f: {  	s0 =	smul.u32 $0x180, s0;
	_ =	sdelay $0x1  }
0x470: {  	s2 =	sadd.s32 $0x1, s2;
	s0 =	sadd.s32 s1, s0  }
0x471: {  	[tilespmem:s17], [sflag:$0x2] =	stream.linear.gather [hbm4b:s0+s6], $0x5400, $0x38;
	[tilespmem:$0x1FB00] =	vst v63  }
.LBB2_11:
0x472: {  	_ =	sfence.sel $0x180000  }
0x473: {  	[bflag:$0x0] =	sbarrier.arrive $0xFFFF  }
0x474: {  	_ =	strace $0x90000047  }
0x475: {  	s0 =	stileid.u32;
	[bflag:$0x2] =	sbarrier.arrive $0xFFFF  }
0x476: {  	p0 =	sne.s32 s0, $0x0;
	s0 =	rddreg [dreg:$0x3]  }
0x477: {  	s0 =	sadd.s32 @!p0 $0x100000, s0  }
0x478: {  	[sflag:s0] =	ssyncadd.tile.s32 @!p0 $0x1;
	_ =	shalt  }
.Lfunc_end2:
_tile_overlayer_lowered:
.L_overlay_start_2:
0x479: {  	(tag) =	ssettag $0x2  }
0x47a: {  	s0 =	rddreg [dreg:$0x0];
	s2 =	stileid.u32  }
0x47b: {  	s1 =	rddreg [dreg:$0x1];
	p0 =	sne.s32 s2, $0x0  }
0x47c: {  	s3 =	rddreg [dreg:$0x2];
	[bflag:$0x3] =	sbarrier.arrive $0xFFFF;
	s2 =	simm.s32 @!p0 $0x1C07  }
0x47d: {  	[timem:s3], [sflag:s2] =	dma.local @!p0 [hbm:s0], s1  }
0x47e: {  	s0 =	simm.s32 @!p0 $0x7  }
0x47f: {  	_ =	swait.ge @!p0 [sflag:s0], s1  }
0x480: {  	s1 =	ssub.s32 @!p0 $0x0, s1;
	[sflag:s0] =	ssyncset.done @!p0 $0x0  }
0x481: {  	[sflag:s0] =	ssyncadd.s32 @!p0 s1  }
0x482: {  	[bflag:$0x3] =	sbarrier.arrive $0xFFFF  }
0x483: {  	_ =	shalt  }

</sc_bundles>
